<compile_context>
chip_gen: v7x
topology: tpu7x:2x2x1
jax: 0.10.2.dev20260603
libtpu: 0.0.44.dev20260713+nightly
codegen_flags: <defaults>
</compile_context>

<pallas_src>
import jax
import jax.numpy as jnp
from jax import lax
from jax.experimental import pallas as pl
from jax.experimental.pallas import tpu as pltpu
from jax.experimental.pallas import tpu_sc as plsc

N = 10000
E = 320000
F_IN = 128
F_MID = 16

NC = 2
NS = 16
NW = NC * NS
CHUNK = 512
CPW = 20
NBUF = 4
E_PAD = NW * CPW * CHUNK
DEG_CHUNK = 512
DEG_CPW = E_PAD // (NW * DEG_CHUNK)
N_PAD = 10240
ROWS_PT = N_PAD // NS

_mesh = plsc.VectorSubcoreMesh(core_axis_name="c", subcore_axis_name="s")
_sc_params = pltpu.CompilerParams(use_tc_tiling_on_sc=False,
                                 needs_layout_passes=False)


def _rsqrt16(d):
  yi = jnp.int32(0x5F3759DF) - (plsc.bitcast(d, jnp.int32) >> 1)
  y = plsc.bitcast(yi, jnp.float32)
  for _ in range(3):
    y = y * (1.5 - 0.5 * d * y * y)
  return y


def _edge_loop(tbl_s, acc, src_v, dst_v, bufs, semg, sems):
  assert CPW % 2 == 0
  rounds = CPW // 2
  rings = [(0, 1), (2, 3)]

  def gather(j, b):
    pltpu.async_copy(tbl_s.at[src_v.at[j]], bufs[b], semg[b])

  def gwait(b):
    pltpu.make_async_copy(tbl_s.at[src_v.at[0]], bufs[b], semg[b]).wait()

  def scat(j, b):
    pltpu.async_copy(bufs[b], acc.at[dst_v.at[j]], sems[b], add=True)

  def swait(b):
    pltpu.make_async_copy(bufs[b], acc.at[dst_v.at[0]], sems[b]).wait()

  for b in range(NBUF):
    gather(b, b)
  for r in range(rounds):
    ring = rings[r % 2]
    for k in (0, 1):
      gwait(ring[k])
    for k in (0, 1):
      scat(2 * r + k, ring[k])
    if r >= 1:
      prev = rings[(r - 1) % 2]
      for k in (0, 1):
        swait(prev[k])
        if 2 * (r + 1) + k < CPW:
          gather(2 * (r + 1) + k, prev[k])
  for k in (0, 1):
    swait(rings[(rounds - 1) % 2][k])


def _sc_deg_kernel():
  def body(ones_h, dst_h, zrows_h, out_h, dst_v, ones_v, sem, acc):
    c = lax.axis_index("c")
    s = lax.axis_index("s")
    wid = s * NC + c
    a0 = pltpu.async_copy(zrows_h, acc.at[pl.ds(s * ROWS_PT, ROWS_PT)], sem)
    a1 = pltpu.async_copy(dst_h.at[wid], dst_v, sem)
    a2 = pltpu.async_copy(ones_h, ones_v, sem)
    a0.wait(); a1.wait(); a2.wait()
    plsc.subcore_barrier()

    @pl.loop(0, DEG_CPW)
    def _(j):
      pltpu.async_copy(ones_v, acc.at[dst_v.at[j]], sem, add=True)

    @pl.loop(0, DEG_CPW)
    def _(j):
      pltpu.make_async_copy(ones_v, acc.at[dst_v.at[0]], sem).wait()

    plsc.subcore_barrier()
    pltpu.sync_copy(acc.at[pl.ds(s * ROWS_PT, ROWS_PT)],
                    out_h.at[c, pl.ds(s * ROWS_PT, ROWS_PT)])

  return pl.kernel(
      body,
      out_type=jax.ShapeDtypeStruct((NC, N_PAD, F_MID), jnp.float32),
      mesh=_mesh,
      scratch_types=[
          pltpu.VMEM((DEG_CPW, DEG_CHUNK), jnp.int32),
          pltpu.VMEM((DEG_CHUNK, F_MID), jnp.float32),
          pltpu.SemaphoreType.DMA,
          pltpu.VMEM_SHARED((N_PAD, F_MID), jnp.float32),
      ],
      compiler_params=_sc_params,
  )


def _agg_scratch(extra):
  return [
      pltpu.VMEM((CPW, CHUNK), jnp.int32),
      pltpu.VMEM((CPW, CHUNK), jnp.int32),
      pltpu.VMEM((ROWS_PT, F_MID), jnp.float32),
      pltpu.VMEM((ROWS_PT, F_MID), jnp.float32),
      pltpu.VMEM((ROWS_PT, F_MID), jnp.float32),
      pltpu.VMEM((ROWS_PT, F_MID), jnp.float32),
      pltpu.VMEM_SHARED((N_PAD, F_MID), jnp.float32),
      pltpu.VMEM_SHARED((N_PAD, F_MID), jnp.float32),
  ] + extra + [pltpu.VMEM((CHUNK, F_MID), jnp.float32) for _ in range(NBUF)] \
    + [pltpu.SemaphoreType.DMA for _ in range(2 * NBUF)]


def _sc_agg1_kernel():
  def body(h1_h, degp_h, src_h, dst_h, zrows_h,
           p_h, hs_out_h, dv_out_h,
           src_v, dst_v, t0, t1, th, tdv, acc, tbl_s, *rest):
    bufs, semg, sems = rest[:NBUF], rest[NBUF:2 * NBUF], rest[2 * NBUF:]
    c = lax.axis_index("c")
    s = lax.axis_index("s")
    wid = s * NC + c
    rsl = pl.ds(s * ROWS_PT, ROWS_PT)
    a_acc = pltpu.async_copy(zrows_h, acc.at[rsl], semg[0])
    a_src = pltpu.async_copy(src_h.at[wid], src_v, semg[1])
    a_dst = pltpu.async_copy(dst_h.at[wid], dst_v, semg[2])
    a_t0 = pltpu.async_copy(degp_h.at[0, rsl], t0, semg[3])
    a_t1 = pltpu.async_copy(degp_h.at[1, rsl], t1, sems[0])
    a_th = pltpu.async_copy(h1_h.at[rsl], th, sems[1])
    a_t0.wait(); a_t1.wait(); a_th.wait()

    @plsc.parallel_loop(0, ROWS_PT, unroll=8)
    def _(i):
      dinv = _rsqrt16(t0[i, :] + t1[i, :] + 1.0)
      tdv[i, :] = dinv
      th[i, :] = dinv * th[i, :]

    a_tbl = pltpu.async_copy(th, tbl_s.at[rsl], sems[2])

    @pl.when(c == 0)
    def _():
      pltpu.async_copy(th, hs_out_h.at[rsl], sems[3])
      pltpu.async_copy(tdv, dv_out_h.at[rsl], semg[0])

    a_acc.wait(); a_src.wait(); a_dst.wait(); a_tbl.wait()

    @pl.when(c == 0)
    def _():
      pltpu.make_async_copy(th, hs_out_h.at[rsl], sems[3]).wait()
      pltpu.make_async_copy(tdv, dv_out_h.at[rsl], semg[0]).wait()

    plsc.subcore_barrier()
    _edge_loop(tbl_s, acc, src_v, dst_v, bufs, semg, sems)
    plsc.subcore_barrier()
    pltpu.sync_copy(acc.at[rsl], p_h.at[c, rsl])

  return pl.kernel(
      body,
      out_type=(jax.ShapeDtypeStruct((NC, N_PAD, F_MID), jnp.float32),
                jax.ShapeDtypeStruct((N_PAD, F_MID), jnp.float32),
                jax.ShapeDtypeStruct((N_PAD, F_MID), jnp.float32)),
      mesh=_mesh,
      scratch_types=_agg_scratch([]),
      compiler_params=_sc_params,
  )


def _sc_agg2_kernel():
  def body(p1_h, hs1_h, dv_h, b1_h, src_h, dst_h, zrows_h,
           p_h, hs_out_h,
           src_v, dst_v, t0, t1, th, tdv, acc, tbl_s, tb, *rest):
    bufs, semg, sems = rest[:NBUF], rest[NBUF:2 * NBUF], rest[2 * NBUF:]
    c = lax.axis_index("c")
    s = lax.axis_index("s")
    wid = s * NC + c
    rsl = pl.ds(s * ROWS_PT, ROWS_PT)
    a_acc = pltpu.async_copy(zrows_h, acc.at[rsl], semg[0])
    a_src = pltpu.async_copy(src_h.at[wid], src_v, semg[1])
    a_dst = pltpu.async_copy(dst_h.at[wid], dst_v, semg[2])
    a_t0 = pltpu.async_copy(p1_h.at[0, rsl], t0, semg[3])
    a_t1 = pltpu.async_copy(p1_h.at[1, rsl], t1, sems[0])
    a_th = pltpu.async_copy(hs1_h.at[rsl], th, sems[1])
    a_dv = pltpu.async_copy(dv_h.at[rsl], tdv, sems[2])
    a_tb = pltpu.async_copy(b1_h, tb, sems[3])
    a_t0.wait(); a_t1.wait(); a_th.wait(); a_dv.wait(); a_tb.wait()

    @plsc.parallel_loop(0, ROWS_PT, unroll=8)
    def _(i):
      dinv = tdv[i, :]
      z = dinv * (t0[i, :] + t1[i, :] + th[i, :]) + tb[:]
      th[i, :] = dinv * jnp.maximum(z, 0.0)

    a_tbl = pltpu.async_copy(th, tbl_s.at[rsl], sems[2])

    @pl.when(c == 0)
    def _():
      pltpu.async_copy(th, hs_out_h.at[rsl], sems[3])

    a_acc.wait(); a_src.wait(); a_dst.wait(); a_tbl.wait()

    @pl.when(c == 0)
    def _():
      pltpu.make_async_copy(th, hs_out_h.at[rsl], sems[3]).wait()

    plsc.subcore_barrier()
    _edge_loop(tbl_s, acc, src_v, dst_v, bufs, semg, sems)
    plsc.subcore_barrier()
    pltpu.sync_copy(acc.at[rsl], p_h.at[c, rsl])

  return pl.kernel(
      body,
      out_type=(jax.ShapeDtypeStruct((NC, N_PAD, F_MID), jnp.float32),
                jax.ShapeDtypeStruct((N_PAD, F_MID), jnp.float32)),
      mesh=_mesh,
      scratch_types=_agg_scratch([pltpu.VMEM((F_MID,), jnp.float32)]),
      compiler_params=_sc_params,
  )


_sc_deg = _sc_deg_kernel()
_sc_agg1 = _sc_agg1_kernel()
_sc_agg2 = _sc_agg2_kernel()

_RB = 10000
_GRID = N // _RB


def _tc_a(x, w1):
  def body(x_ref, w_ref, o_ref):
    o_ref[...] = jnp.dot(x_ref[...], w_ref[...],
                         preferred_element_type=jnp.float32)

  return pl.pallas_call(
      body,
      grid=(_GRID,),
      in_specs=[
          pl.BlockSpec((_RB, F_IN), lambda i: (i, 0)),
          pl.BlockSpec((F_IN, F_MID), lambda i: (0, 0)),
      ],
      out_specs=pl.BlockSpec((_RB, F_MID), lambda i: (i, 0)),
      out_shape=jax.ShapeDtypeStruct((N_PAD, F_MID), jnp.float32),
  )(x, w1)


def _tc_b(p, hs2, dinv, w2, b2b, wlin, blinb):
  def body(p_ref, hs_ref, dv_ref, w2_ref, b2_ref, wl_ref, bl_ref, o_ref):
    agg = dv_ref[...] * (p_ref[0] + p_ref[1] + hs_ref[...])
    h2 = jnp.dot(agg, w2_ref[...], preferred_element_type=jnp.float32)
    h2 = jnp.maximum(h2 + b2_ref[0:1, :], 0.0)
    o_ref[...] = (jnp.dot(h2, wl_ref[...], preferred_element_type=jnp.float32)
                  + bl_ref[0:1, 0:1])

  return pl.pallas_call(
      body,
      grid=(_GRID,),
      in_specs=[
          pl.BlockSpec((NC, _RB, F_MID), lambda i: (0, i, 0)),
          pl.BlockSpec((_RB, F_MID), lambda i: (i, 0)),
          pl.BlockSpec((_RB, F_MID), lambda i: (i, 0)),
          pl.BlockSpec((F_MID, F_IN), lambda i: (0, 0)),
          pl.BlockSpec((8, F_IN), lambda i: (0, 0)),
          pl.BlockSpec((F_IN, 1), lambda i: (0, 0)),
          pl.BlockSpec((8, 8), lambda i: (0, 0)),
      ],
      out_specs=pl.BlockSpec((_RB, 1), lambda i: (i, 0)),
      out_shape=jax.ShapeDtypeStruct((N, 1), jnp.float32),
  )(p, hs2, dinv, w2, b2b, wlin, blinb)


@jax.jit
def kernel(x, edge_index, W1, b1, W2, b2, Wlin, blin):
  src = edge_index[0].astype(jnp.int32)
  dst = edge_index[1].astype(jnp.int32)
  pad = E_PAD - E
  src3 = jnp.concatenate(
      [src, jnp.zeros((pad,), jnp.int32)]).reshape(NW, CPW, CHUNK)
  dst3 = jnp.concatenate(
      [dst, jnp.full((pad,), N_PAD - 1, jnp.int32)]).reshape(NW, CPW, CHUNK)
  ones_rows = jnp.ones((DEG_CHUNK, F_MID), jnp.float32)
  dst3deg = dst3.reshape(NW, DEG_CPW, DEG_CHUNK)
  zrows = jnp.zeros((ROWS_PT, F_MID), jnp.float32)
  b2b = jnp.broadcast_to(b2.reshape(1, F_IN), (8, F_IN))
  blinb = jnp.broadcast_to(blin.reshape(1, 1), (8, 8))

  h1 = _tc_a(x, W1)
  degp = _sc_deg(ones_rows, dst3deg, zrows)
  p1, hs1, dinv = _sc_agg1(h1, degp, src3, dst3, zrows)
  p2, hs2 = _sc_agg2(p1, hs1, dinv, b1, src3, dst3, zrows)
  return _tc_b(p2, hs2, dinv, W2, b2b, Wlin, blinb)

# --- scband reference (transcript-rebuilt; emitter-appended) ---
"""Pipeline reference for scband-gcn-23252952940669 (READ-ONLY COPY).

The authoritative reference and input builder live on the scoring server;
editing this copy changes nothing except your own understanding.
"""

import jax, jax.numpy as jnp
import numpy as np

N_NODES = 10000
N_EDGES = 320000


def setup_inputs(seed: int = 0) -> dict:
    key = jax.random.key(seed)
    ks = jax.random.split(key, 10)
    x = jax.random.normal(ks[0], (N_NODES, 128), dtype=jnp.float32)
    edge_index = jax.random.randint(ks[1], (2, N_EDGES), 0, N_NODES, dtype=jnp.int64)
    # GCNConv(128 -> 16)
    W1 = jax.random.normal(ks[2], (128, 16), dtype=jnp.float32) / np.sqrt(128.0)
    b1 = jnp.zeros((16,), dtype=jnp.float32)
    # GCNConv(16 -> 128)
    W2 = jax.random.normal(ks[3], (16, 128), dtype=jnp.float32) / np.sqrt(16.0)
    b2 = jnp.zeros((128,), dtype=jnp.float32)
    # Linear(128 -> 1)  (num_classes == 2 -> single logit)
    Wlin = jax.random.normal(ks[4], (128, 1), dtype=jnp.float32) / np.sqrt(128.0)
    blin = jnp.zeros((1,), dtype=jnp.float32)
    return {"x": x, "edge_index": edge_index, "W1": W1, "b1": b1,
            "W2": W2, "b2": b2, "Wlin": Wlin, "blin": blin}


def _gcn_conv(x, src, dst, norm, W, b, n_nodes):
    # PyG GCNConv: h = X W ; aggregate with symmetric normalization ; add bias
    h = x @ W
    msgs = h[src] * norm[:, None]
    out = jnp.zeros((n_nodes, h.shape[1]), dtype=h.dtype).at[dst].add(msgs)
    return out + b


def reference(x, edge_index, W1, b1, W2, b2, Wlin, blin):
    n = x.shape[0]
    # add self loops
    loop = jnp.arange(n, dtype=edge_index.dtype)
    src = jnp.concatenate([edge_index[0], loop])
    dst = jnp.concatenate([edge_index[1], loop])
    # symmetric normalization deg^{-1/2} (A + I) deg^{-1/2}
    deg = jnp.zeros((n,), dtype=jnp.float32).at[dst].add(1.0)
    dinv = jax.lax.rsqrt(deg)
    norm = dinv[src] * dinv[dst]
    h = jax.nn.relu(_gcn_conv(x, src, dst, norm, W1, b1, n))
    h = jax.nn.relu(_gcn_conv(h, src, dst, norm, W2, b2, n))
    out = h @ Wlin + blin
    return out

if __name__ == "__main__":
    import jax
    _d = setup_inputs()
    print(jax.jit(kernel)(*tuple(_d.values())))

</pallas_src>

<mosaic_0001>
#map = affine_map<(d0, d1) -> (0, 0, 0)>
#map1 = affine_map<(d0, d1) -> (0, 0)>
#map2 = affine_map<(d0, d1) -> (0)>
module attributes {stable_mosaic.version = 14 : i64} {
  func.func @body(%arg0: i32, %arg1: i32, %arg2: memref<2x10240x16xf32, #tpu.memory_space<hbm>>, %arg3: memref<10240x16xf32, #tpu.memory_space<hbm>>, %arg4: memref<10240x16xf32, #tpu.memory_space<hbm>>, %arg5: memref<16xf32, #tpu.memory_space<hbm>>, %arg6: memref<32x20x512xi32, #tpu.memory_space<hbm>>, %arg7: memref<32x20x512xi32, #tpu.memory_space<hbm>>, %arg8: memref<640x16xf32, #tpu.memory_space<hbm>>, %arg9: memref<2x10240x16xf32, #tpu.memory_space<hbm>>, %arg10: memref<10240x16xf32, #tpu.memory_space<hbm>>, %arg11: memref<20x512xi32, #tpu.memory_space<vmem>>, %arg12: memref<20x512xi32, #tpu.memory_space<vmem>>, %arg13: memref<640x16xf32, #tpu.memory_space<vmem>>, %arg14: memref<640x16xf32, #tpu.memory_space<vmem>>, %arg15: memref<640x16xf32, #tpu.memory_space<vmem>>, %arg16: memref<640x16xf32, #tpu.memory_space<vmem>>, %arg17: memref<10240x16xf32, #tpu.memory_space<vmem_shared>>, %arg18: memref<10240x16xf32, #tpu.memory_space<vmem_shared>>, %arg19: memref<16xf32, #tpu.memory_space<vmem>>, %arg20: memref<512x16xf32, #tpu.memory_space<vmem>>, %arg21: memref<512x16xf32, #tpu.memory_space<vmem>>, %arg22: memref<512x16xf32, #tpu.memory_space<vmem>>, %arg23: memref<512x16xf32, #tpu.memory_space<vmem>>, %arg24: memref<!tpu.dma_semaphore, #tpu.memory_space<semaphore_mem>>, %arg25: memref<!tpu.dma_semaphore, #tpu.memory_space<semaphore_mem>>, %arg26: memref<!tpu.dma_semaphore, #tpu.memory_space<semaphore_mem>>, %arg27: memref<!tpu.dma_semaphore, #tpu.memory_space<semaphore_mem>>, %arg28: memref<!tpu.dma_semaphore, #tpu.memory_space<semaphore_mem>>, %arg29: memref<!tpu.dma_semaphore, #tpu.memory_space<semaphore_mem>>, %arg30: memref<!tpu.dma_semaphore, #tpu.memory_space<semaphore_mem>>, %arg31: memref<!tpu.dma_semaphore, #tpu.memory_space<semaphore_mem>>) attributes {dimension_semantics = [#tpu.dimension_semantics<core_parallel>, #tpu.dimension_semantics<subcore_parallel>], iteration_bounds = array<i64: 2, 16>, scalar_prefetch = 0 : i64, scratch_operands = 21 : i64, tpu.core_type = #tpu.core_type<sc_vector_subcore>, window_params = [{transform_indices = #map}, {transform_indices = #map1}, {transform_indices = #map1}, {transform_indices = #map2}, {transform_indices = #map}, {transform_indices = #map}, {transform_indices = #map1}, {transform_indices = #map}, {transform_indices = #map1}]} {
    %mul3A = arith.constant 2 : i32
    %mul3A_0 = arith.muli %arg1, %mul3A : i32
    %add3A = arith.addi %mul3A_0, %arg0 : i32
    %mul3A_1 = arith.constant 640 : i32
    %mul3A_2 = arith.muli %arg1, %mul3A_1 : i32
    %dma_start3A = arith.constant 0 : i32
    %dma_start3A_3 = tpu.memref_slice %arg17[%mul3A_2, %dma_start3A] : memref<10240x16xf32, #tpu.memory_space<vmem_shared>> -> memref<640x16xf32, #tpu.memory_space<vmem_shared>>
    tpu.enqueue_dma source(%arg8 : memref<640x16xf32, #tpu.memory_space<hbm>>) target(%dma_start3A_3 : memref<640x16xf32, #tpu.memory_space<vmem_shared>>) target_semaphore(%arg24 : memref<!tpu.dma_semaphore, #tpu.memory_space<semaphore_mem>>)
    %dma_start3A_4 = arith.constant 0 : i32
    %dma_start3A_5 = arith.constant 0 : i32
    %dma_start3A_6 = tpu.memref_slice %arg6[%add3A, %dma_start3A_4, %dma_start3A_5] : memref<32x20x512xi32, #tpu.memory_space<hbm>> -> memref<1x20x512xi32, #tpu.memory_space<hbm>>
    %dma_start3A_7 = tpu.memref_squeeze %dma_start3A_6 : memref<1x20x512xi32, #tpu.memory_space<hbm>> -> memref<20x512xi32, #tpu.memory_space<hbm>>
    %dma_start3A_8 = arith.constant 0 : i32
    %dma_start3A_9 = arith.constant 0 : i32
    %dma_start3A_10 = tpu.memref_slice %arg6[%add3A, %dma_start3A_8, %dma_start3A_9] : memref<32x20x512xi32, #tpu.memory_space<hbm>> -> memref<1x20x512xi32, #tpu.memory_space<hbm>>
    %dma_start3A_11 = tpu.memref_squeeze %dma_start3A_10 : memref<1x20x512xi32, #tpu.memory_space<hbm>> -> memref<20x512xi32, #tpu.memory_space<hbm>>
    tpu.enqueue_dma source(%dma_start3A_11 : memref<20x512xi32, #tpu.memory_space<hbm>>) target(%arg11 : memref<20x512xi32, #tpu.memory_space<vmem>>) target_semaphore(%arg25 : memref<!tpu.dma_semaphore, #tpu.memory_space<semaphore_mem>>)
    %dma_start3A_12 = arith.constant 0 : i32
    %dma_start3A_13 = arith.constant 0 : i32
    %dma_start3A_14 = tpu.memref_slice %arg7[%add3A, %dma_start3A_12, %dma_start3A_13] : memref<32x20x512xi32, #tpu.memory_space<hbm>> -> memref<1x20x512xi32, #tpu.memory_space<hbm>>
    %dma_start3A_15 = tpu.memref_squeeze %dma_start3A_14 : memref<1x20x512xi32, #tpu.memory_space<hbm>> -> memref<20x512xi32, #tpu.memory_space<hbm>>
    %dma_start3A_16 = arith.constant 0 : i32
    %dma_start3A_17 = arith.constant 0 : i32
    %dma_start3A_18 = tpu.memref_slice %arg7[%add3A, %dma_start3A_16, %dma_start3A_17] : memref<32x20x512xi32, #tpu.memory_space<hbm>> -> memref<1x20x512xi32, #tpu.memory_space<hbm>>
    %dma_start3A_19 = tpu.memref_squeeze %dma_start3A_18 : memref<1x20x512xi32, #tpu.memory_space<hbm>> -> memref<20x512xi32, #tpu.memory_space<hbm>>
    tpu.enqueue_dma source(%dma_start3A_19 : memref<20x512xi32, #tpu.memory_space<hbm>>) target(%arg12 : memref<20x512xi32, #tpu.memory_space<vmem>>) target_semaphore(%arg26 : memref<!tpu.dma_semaphore, #tpu.memory_space<semaphore_mem>>)
    %dma_start3A_20 = arith.constant 0 : i32
    %dma_start3A_21 = arith.constant 0 : i32
    %dma_start3A_22 = tpu.memref_slice %arg2[%dma_start3A_20, %mul3A_2, %dma_start3A_21] : memref<2x10240x16xf32, #tpu.memory_space<hbm>> -> memref<1x640x16xf32, #tpu.memory_space<hbm>>
    %dma_start3A_23 = tpu.memref_squeeze %dma_start3A_22 : memref<1x640x16xf32, #tpu.memory_space<hbm>> -> memref<640x16xf32, #tpu.memory_space<hbm>>
    %dma_start3A_24 = arith.constant 0 : i32
    %dma_start3A_25 = tpu.memref_slice %arg2[%dma_start3A_20, %mul3A_2, %dma_start3A_24] : memref<2x10240x16xf32, #tpu.memory_space<hbm>> -> memref<1x640x16xf32, #tpu.memory_space<hbm>>
    %dma_start3A_26 = tpu.memref_squeeze %dma_start3A_25 : memref<1x640x16xf32, #tpu.memory_space<hbm>> -> memref<640x16xf32, #tpu.memory_space<hbm>>
    tpu.enqueue_dma source(%dma_start3A_26 : memref<640x16xf32, #tpu.memory_space<hbm>>) target(%arg13 : memref<640x16xf32, #tpu.memory_space<vmem>>) target_semaphore(%arg27 : memref<!tpu.dma_semaphore, #tpu.memory_space<semaphore_mem>>)
    %dma_start3A_27 = arith.constant 1 : i32
    %dma_start3A_28 = arith.constant 0 : i32
    %dma_start3A_29 = tpu.memref_slice %arg2[%dma_start3A_27, %mul3A_2, %dma_start3A_28] : memref<2x10240x16xf32, #tpu.memory_space<hbm>> -> memref<1x640x16xf32, #tpu.memory_space<hbm>>
    %dma_start3A_30 = tpu.memref_squeeze %dma_start3A_29 : memref<1x640x16xf32, #tpu.memory_space<hbm>> -> memref<640x16xf32, #tpu.memory_space<hbm>>
    %dma_start3A_31 = arith.constant 0 : i32
    %dma_start3A_32 = tpu.memref_slice %arg2[%dma_start3A_27, %mul3A_2, %dma_start3A_31] : memref<2x10240x16xf32, #tpu.memory_space<hbm>> -> memref<1x640x16xf32, #tpu.memory_space<hbm>>
    %dma_start3A_33 = tpu.memref_squeeze %dma_start3A_32 : memref<1x640x16xf32, #tpu.memory_space<hbm>> -> memref<640x16xf32, #tpu.memory_space<hbm>>
    tpu.enqueue_dma source(%dma_start3A_33 : memref<640x16xf32, #tpu.memory_space<hbm>>) target(%arg14 : memref<640x16xf32, #tpu.memory_space<vmem>>) target_semaphore(%arg28 : memref<!tpu.dma_semaphore, #tpu.memory_space<semaphore_mem>>)
    %dma_start3A_34 = arith.constant 0 : i32
    %dma_start3A_35 = tpu.memref_slice %arg3[%mul3A_2, %dma_start3A_34] : memref<10240x16xf32, #tpu.memory_space<hbm>> -> memref<640x16xf32, #tpu.memory_space<hbm>>
    %dma_start3A_36 = arith.constant 0 : i32
    %dma_start3A_37 = tpu.memref_slice %arg3[%mul3A_2, %dma_start3A_36] : memref<10240x16xf32, #tpu.memory_space<hbm>> -> memref<640x16xf32, #tpu.memory_space<hbm>>
    tpu.enqueue_dma source(%dma_start3A_37 : memref<640x16xf32, #tpu.memory_space<hbm>>) target(%arg15 : memref<640x16xf32, #tpu.memory_space<vmem>>) target_semaphore(%arg29 : memref<!tpu.dma_semaphore, #tpu.memory_space<semaphore_mem>>)
    %dma_start3A_38 = arith.constant 0 : i32
    %dma_start3A_39 = tpu.memref_slice %arg4[%mul3A_2, %dma_start3A_38] : memref<10240x16xf32, #tpu.memory_space<hbm>> -> memref<640x16xf32, #tpu.memory_space<hbm>>
    %dma_start3A_40 = arith.constant 0 : i32
    %dma_start3A_41 = tpu.memref_slice %arg4[%mul3A_2, %dma_start3A_40] : memref<10240x16xf32, #tpu.memory_space<hbm>> -> memref<640x16xf32, #tpu.memory_space<hbm>>
    tpu.enqueue_dma source(%dma_start3A_41 : memref<640x16xf32, #tpu.memory_space<hbm>>) target(%arg16 : memref<640x16xf32, #tpu.memory_space<vmem>>) target_semaphore(%arg30 : memref<!tpu.dma_semaphore, #tpu.memory_space<semaphore_mem>>)
    tpu.enqueue_dma source(%arg5 : memref<16xf32, #tpu.memory_space<hbm>>) target(%arg19 : memref<16xf32, #tpu.memory_space<vmem>>) target_semaphore(%arg31 : memref<!tpu.dma_semaphore, #tpu.memory_space<semaphore_mem>>)
    %dma_wait3A = arith.constant 0 : i32
    %dma_wait3A_42 = arith.constant 0 : i32
    %dma_wait3A_43 = tpu.memref_slice %arg2[%dma_wait3A, %mul3A_2, %dma_wait3A_42] : memref<2x10240x16xf32, #tpu.memory_space<hbm>> -> memref<1x640x16xf32, #tpu.memory_space<hbm>>
    %dma_wait3A_44 = tpu.memref_squeeze %dma_wait3A_43 : memref<1x640x16xf32, #tpu.memory_space<hbm>> -> memref<640x16xf32, #tpu.memory_space<hbm>>
    %dma_wait3A_45 = arith.constant 0 : i32
    %dma_wait3A_46 = tpu.memref_slice %arg2[%dma_wait3A, %mul3A_2, %dma_wait3A_45] : memref<2x10240x16xf32, #tpu.memory_space<hbm>> -> memref<1x640x16xf32, #tpu.memory_space<hbm>>
    %dma_wait3A_47 = tpu.memref_squeeze %dma_wait3A_46 : memref<1x640x16xf32, #tpu.memory_space<hbm>> -> memref<640x16xf32, #tpu.memory_space<hbm>>
    tpu.wait_dma2 semaphore(%arg27 : memref<!tpu.dma_semaphore, #tpu.memory_space<semaphore_mem>>) src(%dma_wait3A_47 : memref<640x16xf32, #tpu.memory_space<hbm>>) dst(%arg13 : memref<640x16xf32, #tpu.memory_space<vmem>>)
    %dma_wait3A_48 = arith.constant 1 : i32
    %dma_wait3A_49 = arith.constant 0 : i32
    %dma_wait3A_50 = tpu.memref_slice %arg2[%dma_wait3A_48, %mul3A_2, %dma_wait3A_49] : memref<2x10240x16xf32, #tpu.memory_space<hbm>> -> memref<1x640x16xf32, #tpu.memory_space<hbm>>
    %dma_wait3A_51 = tpu.memref_squeeze %dma_wait3A_50 : memref<1x640x16xf32, #tpu.memory_space<hbm>> -> memref<640x16xf32, #tpu.memory_space<hbm>>
    %dma_wait3A_52 = arith.constant 0 : i32
    %dma_wait3A_53 = tpu.memref_slice %arg2[%dma_wait3A_48, %mul3A_2, %dma_wait3A_52] : memref<2x10240x16xf32, #tpu.memory_space<hbm>> -> memref<1x640x16xf32, #tpu.memory_space<hbm>>
    %dma_wait3A_54 = tpu.memref_squeeze %dma_wait3A_53 : memref<1x640x16xf32, #tpu.memory_space<hbm>> -> memref<640x16xf32, #tpu.memory_space<hbm>>
    tpu.wait_dma2 semaphore(%arg28 : memref<!tpu.dma_semaphore, #tpu.memory_space<semaphore_mem>>) src(%dma_wait3A_54 : memref<640x16xf32, #tpu.memory_space<hbm>>) dst(%arg14 : memref<640x16xf32, #tpu.memory_space<vmem>>)
    %dma_wait3A_55 = arith.constant 0 : i32
    %dma_wait3A_56 = tpu.memref_slice %arg3[%mul3A_2, %dma_wait3A_55] : memref<10240x16xf32, #tpu.memory_space<hbm>> -> memref<640x16xf32, #tpu.memory_space<hbm>>
    %dma_wait3A_57 = arith.constant 0 : i32
    %dma_wait3A_58 = tpu.memref_slice %arg3[%mul3A_2, %dma_wait3A_57] : memref<10240x16xf32, #tpu.memory_space<hbm>> -> memref<640x16xf32, #tpu.memory_space<hbm>>
    tpu.wait_dma2 semaphore(%arg29 : memref<!tpu.dma_semaphore, #tpu.memory_space<semaphore_mem>>) src(%dma_wait3A_58 : memref<640x16xf32, #tpu.memory_space<hbm>>) dst(%arg15 : memref<640x16xf32, #tpu.memory_space<vmem>>)
    %dma_wait3A_59 = arith.constant 0 : i32
    %dma_wait3A_60 = tpu.memref_slice %arg4[%mul3A_2, %dma_wait3A_59] : memref<10240x16xf32, #tpu.memory_space<hbm>> -> memref<640x16xf32, #tpu.memory_space<hbm>>
    %dma_wait3A_61 = arith.constant 0 : i32
    %dma_wait3A_62 = tpu.memref_slice %arg4[%mul3A_2, %dma_wait3A_61] : memref<10240x16xf32, #tpu.memory_space<hbm>> -> memref<640x16xf32, #tpu.memory_space<hbm>>
    tpu.wait_dma2 semaphore(%arg30 : memref<!tpu.dma_semaphore, #tpu.memory_space<semaphore_mem>>) src(%dma_wait3A_62 : memref<640x16xf32, #tpu.memory_space<hbm>>) dst(%arg16 : memref<640x16xf32, #tpu.memory_space<vmem>>)
    tpu.wait_dma2 semaphore(%arg31 : memref<!tpu.dma_semaphore, #tpu.memory_space<semaphore_mem>>) src(%arg5 : memref<16xf32, #tpu.memory_space<hbm>>) dst(%arg19 : memref<16xf32, #tpu.memory_space<vmem>>)
    %parallel_loop3A = arith.constant 0 : i32
    %parallel_loop3A_63 = arith.constant 640 : i32
    %parallel_loop3A_64 = arith.constant 1 : i32
    scf.for %parallel_loop3A_659 = %parallel_loop3A to %parallel_loop3A_63 step %parallel_loop3A_64  : i32 {
      %parallel_loop3A_660 = arith.index_cast %parallel_loop3A_659 : i32 to index
      %parallel_loop3A_661 = arith.constant 0 : index
      %parallel_loop3A_662 = tpu.vector_load %arg16[%parallel_loop3A_660, %parallel_loop3A_661] {strides = array<i32>} : memref<640x16xf32, #tpu.memory_space<vmem>>, vector<16xf32>,
      %parallel_loop3A_663 = arith.index_cast %parallel_loop3A_659 : i32 to index
      %parallel_loop3A_664 = arith.constant 0 : index
      %parallel_loop3A_665 = tpu.vector_load %arg13[%parallel_loop3A_663, %parallel_loop3A_664] {strides = array<i32>} : memref<640x16xf32, #tpu.memory_space<vmem>>, vector<16xf32>,
      %parallel_loop3A_666 = arith.index_cast %parallel_loop3A_659 : i32 to index
      %parallel_loop3A_667 = arith.constant 0 : index
      %parallel_loop3A_668 = tpu.vector_load %arg14[%parallel_loop3A_666, %parallel_loop3A_667] {strides = array<i32>} : memref<640x16xf32, #tpu.memory_space<vmem>>, vector<16xf32>,
      %parallel_loop3A_669 = arith.addf %parallel_loop3A_665, %parallel_loop3A_668 : vector<16xf32>
      %parallel_loop3A_670 = arith.index_cast %parallel_loop3A_659 : i32 to index
      %parallel_loop3A_671 = arith.constant 0 : index
      %parallel_loop3A_672 = tpu.vector_load %arg15[%parallel_loop3A_670, %parallel_loop3A_671] {strides = array<i32>} : memref<640x16xf32, #tpu.memory_space<vmem>>, vector<16xf32>,
      %parallel_loop3A_673 = arith.addf %parallel_loop3A_669, %parallel_loop3A_672 : vector<16xf32>
      %parallel_loop3A_674 = arith.mulf %parallel_loop3A_662, %parallel_loop3A_673 : vector<16xf32>
      %parallel_loop3A_675 = arith.constant 0 : index
      %parallel_loop3A_676 = tpu.vector_load %arg19[%parallel_loop3A_675] {strides = array<i32>} : memref<16xf32, #tpu.memory_space<vmem>>, vector<16xf32>,
      %parallel_loop3A_677 = arith.addf %parallel_loop3A_674, %parallel_loop3A_676 : vector<16xf32>
      %parallel_loop3A_678 = arith.constant 0.000000e+00 : f32
      %parallel_loop3A_679 = vector.broadcast %parallel_loop3A_678 : f32 to vector<16xf32>
      %parallel_loop3A_680 = arith.maximumf %parallel_loop3A_677, %parallel_loop3A_679 : vector<16xf32>
      %parallel_loop3A_681 = arith.mulf %parallel_loop3A_662, %parallel_loop3A_680 : vector<16xf32>
      %parallel_loop3A_682 = arith.index_cast %parallel_loop3A_659 : i32 to index
      %parallel_loop3A_683 = arith.constant 0 : index
      %parallel_loop3A_684 = tpu.vector_load %arg15[%parallel_loop3A_682, %parallel_loop3A_683] {strides = array<i32>} : memref<640x16xf32, #tpu.memory_space<vmem>>, vector<16xf32>,
      tpu.vector_store %arg15[%parallel_loop3A_682, %parallel_loop3A_683], %parallel_loop3A_681 {strides = array<i32>} : memref<640x16xf32, #tpu.memory_space<vmem>>, vector<16xf32>,
    } {sc.loop_unroll_factor = 8 : i64, sc.parallel_access}
    %dma_start3A_65 = arith.constant 0 : i32
    %dma_start3A_66 = tpu.memref_slice %arg18[%mul3A_2, %dma_start3A_65] : memref<10240x16xf32, #tpu.memory_space<vmem_shared>> -> memref<640x16xf32, #tpu.memory_space<vmem_shared>>
    %dma_start3A_67 = arith.constant 0 : i32
    %dma_start3A_68 = tpu.memref_slice %arg18[%mul3A_2, %dma_start3A_67] : memref<10240x16xf32, #tpu.memory_space<vmem_shared>> -> memref<640x16xf32, #tpu.memory_space<vmem_shared>>
    tpu.enqueue_dma source(%arg15 : memref<640x16xf32, #tpu.memory_space<vmem>>) target(%dma_start3A_68 : memref<640x16xf32, #tpu.memory_space<vmem_shared>>) target_semaphore(%arg30 : memref<!tpu.dma_semaphore, #tpu.memory_space<semaphore_mem>>)
    %eq3A = arith.constant 0 : i32
    %eq3A_69 = arith.cmpi eq, %arg0, %eq3A : i32
    %convert_element_type3A = arith.extui %eq3A_69 : i1 to i32
    %cond3A = arith.constant 0 : i32
    %cond3A_70 = arith.cmpi ne, %convert_element_type3A, %cond3A : i32
    scf.if %cond3A_70 {
      %dma_start3A_659 = arith.constant 0 : i32
      %dma_start3A_660 = tpu.memref_slice %arg10[%mul3A_2, %dma_start3A_659] : memref<10240x16xf32, #tpu.memory_space<hbm>> -> memref<640x16xf32, #tpu.memory_space<hbm>>
      %dma_start3A_661 = arith.constant 0 : i32
      %dma_start3A_662 = tpu.memref_slice %arg10[%mul3A_2, %dma_start3A_661] : memref<10240x16xf32, #tpu.memory_space<hbm>> -> memref<640x16xf32, #tpu.memory_space<hbm>>
      tpu.enqueue_dma source(%arg15 : memref<640x16xf32, #tpu.memory_space<vmem>>) target(%dma_start3A_662 : memref<640x16xf32, #tpu.memory_space<hbm>>) target_semaphore(%arg31 : memref<!tpu.dma_semaphore, #tpu.memory_space<semaphore_mem>>)
    } else {
    }
    %dma_wait3A_71 = arith.constant 0 : i32
    %dma_wait3A_72 = tpu.memref_slice %arg17[%mul3A_2, %dma_wait3A_71] : memref<10240x16xf32, #tpu.memory_space<vmem_shared>> -> memref<640x16xf32, #tpu.memory_space<vmem_shared>>
    tpu.wait_dma2 semaphore(%arg24 : memref<!tpu.dma_semaphore, #tpu.memory_space<semaphore_mem>>) src(%arg8 : memref<640x16xf32, #tpu.memory_space<hbm>>) dst(%dma_wait3A_72 : memref<640x16xf32, #tpu.memory_space<vmem_shared>>)
    %dma_wait3A_73 = arith.constant 0 : i32
    %dma_wait3A_74 = arith.constant 0 : i32
    %dma_wait3A_75 = tpu.memref_slice %arg6[%add3A, %dma_wait3A_73, %dma_wait3A_74] : memref<32x20x512xi32, #tpu.memory_space<hbm>> -> memref<1x20x512xi32, #tpu.memory_space<hbm>>
    %dma_wait3A_76 = tpu.memref_squeeze %dma_wait3A_75 : memref<1x20x512xi32, #tpu.memory_space<hbm>> -> memref<20x512xi32, #tpu.memory_space<hbm>>
    %dma_wait3A_77 = arith.constant 0 : i32
    %dma_wait3A_78 = arith.constant 0 : i32
    %dma_wait3A_79 = tpu.memref_slice %arg6[%add3A, %dma_wait3A_77, %dma_wait3A_78] : memref<32x20x512xi32, #tpu.memory_space<hbm>> -> memref<1x20x512xi32, #tpu.memory_space<hbm>>
    %dma_wait3A_80 = tpu.memref_squeeze %dma_wait3A_79 : memref<1x20x512xi32, #tpu.memory_space<hbm>> -> memref<20x512xi32, #tpu.memory_space<hbm>>
    tpu.wait_dma2 semaphore(%arg25 : memref<!tpu.dma_semaphore, #tpu.memory_space<semaphore_mem>>) src(%dma_wait3A_80 : memref<20x512xi32, #tpu.memory_space<hbm>>) dst(%arg11 : memref<20x512xi32, #tpu.memory_space<vmem>>)
    %dma_wait3A_81 = arith.constant 0 : i32
    %dma_wait3A_82 = arith.constant 0 : i32
    %dma_wait3A_83 = tpu.memref_slice %arg7[%add3A, %dma_wait3A_81, %dma_wait3A_82] : memref<32x20x512xi32, #tpu.memory_space<hbm>> -> memref<1x20x512xi32, #tpu.memory_space<hbm>>
    %dma_wait3A_84 = tpu.memref_squeeze %dma_wait3A_83 : memref<1x20x512xi32, #tpu.memory_space<hbm>> -> memref<20x512xi32, #tpu.memory_space<hbm>>
    %dma_wait3A_85 = arith.constant 0 : i32
    %dma_wait3A_86 = arith.constant 0 : i32
    %dma_wait3A_87 = tpu.memref_slice %arg7[%add3A, %dma_wait3A_85, %dma_wait3A_86] : memref<32x20x512xi32, #tpu.memory_space<hbm>> -> memref<1x20x512xi32, #tpu.memory_space<hbm>>
    %dma_wait3A_88 = tpu.memref_squeeze %dma_wait3A_87 : memref<1x20x512xi32, #tpu.memory_space<hbm>> -> memref<20x512xi32, #tpu.memory_space<hbm>>
    tpu.wait_dma2 semaphore(%arg26 : memref<!tpu.dma_semaphore, #tpu.memory_space<semaphore_mem>>) src(%dma_wait3A_88 : memref<20x512xi32, #tpu.memory_space<hbm>>) dst(%arg12 : memref<20x512xi32, #tpu.memory_space<vmem>>)
    %dma_wait3A_89 = arith.constant 0 : i32
    %dma_wait3A_90 = tpu.memref_slice %arg18[%mul3A_2, %dma_wait3A_89] : memref<10240x16xf32, #tpu.memory_space<vmem_shared>> -> memref<640x16xf32, #tpu.memory_space<vmem_shared>>
    %dma_wait3A_91 = arith.constant 0 : i32
    %dma_wait3A_92 = tpu.memref_slice %arg18[%mul3A_2, %dma_wait3A_91] : memref<10240x16xf32, #tpu.memory_space<vmem_shared>> -> memref<640x16xf32, #tpu.memory_space<vmem_shared>>
    tpu.wait_dma2 semaphore(%arg30 : memref<!tpu.dma_semaphore, #tpu.memory_space<semaphore_mem>>) src(%arg15 : memref<640x16xf32, #tpu.memory_space<vmem>>) dst(%dma_wait3A_92 : memref<640x16xf32, #tpu.memory_space<vmem_shared>>)
    %eq3A_93 = arith.constant 0 : i32
    %eq3A_94 = arith.cmpi eq, %arg0, %eq3A_93 : i32
    %convert_element_type3A_95 = arith.extui %eq3A_94 : i1 to i32
    %cond3A_96 = arith.constant 0 : i32
    %cond3A_97 = arith.cmpi ne, %convert_element_type3A_95, %cond3A_96 : i32
    scf.if %cond3A_97 {
      %dma_wait3A_659 = arith.constant 0 : i32
      %dma_wait3A_660 = tpu.memref_slice %arg10[%mul3A_2, %dma_wait3A_659] : memref<10240x16xf32, #tpu.memory_space<hbm>> -> memref<640x16xf32, #tpu.memory_space<hbm>>
      %dma_wait3A_661 = arith.constant 0 : i32
      %dma_wait3A_662 = tpu.memref_slice %arg10[%mul3A_2, %dma_wait3A_661] : memref<10240x16xf32, #tpu.memory_space<hbm>> -> memref<640x16xf32, #tpu.memory_space<hbm>>
      tpu.wait_dma2 semaphore(%arg31 : memref<!tpu.dma_semaphore, #tpu.memory_space<semaphore_mem>>) src(%arg15 : memref<640x16xf32, #tpu.memory_space<vmem>>) dst(%dma_wait3A_662 : memref<640x16xf32, #tpu.memory_space<hbm>>)
    } else {
    }
    %barrier3A = arith.constant 0 : index
    tpu.barrier barrier_id(%barrier3A)
    %dma_start3A_98 = arith.constant 0 : i32
    %dma_start3A_99 = arith.constant 0 : i32
    %dma_start3A_100 = tpu.memref_slice %arg11[%dma_start3A_98, %dma_start3A_99] : memref<20x512xi32, #tpu.memory_space<vmem>> -> memref<1x512xi32, #tpu.memory_space<vmem>>
    %dma_start3A_101 = tpu.memref_squeeze %dma_start3A_100 : memref<1x512xi32, #tpu.memory_space<vmem>> -> memref<512xi32, #tpu.memory_space<vmem>>
    %dma_start3A_102 = arith.constant 0 : i32
    %dma_start3A_103 = arith.constant 0 : i32
    %dma_start3A_104 = tpu.memref_slice %arg18[%dma_start3A_102, %dma_start3A_103] : memref<10240x16xf32, #tpu.memory_space<vmem_shared>> -> memref<10240x16xf32, #tpu.memory_space<vmem_shared>>
    tpu.enqueue_indirect_dma source(%dma_start3A_104 : memref<10240x16xf32, #tpu.memory_space<vmem_shared>>) target(%arg20 : memref<512x16xf32, #tpu.memory_space<vmem>>) offsets(%dma_start3A_101 : memref<512xi32, #tpu.memory_space<vmem>>) semaphore(%arg24 : memref<!tpu.dma_semaphore, #tpu.memory_space<semaphore_mem>>)
    %dma_start3A_105 = arith.constant 1 : i32
    %dma_start3A_106 = arith.constant 0 : i32
    %dma_start3A_107 = tpu.memref_slice %arg11[%dma_start3A_105, %dma_start3A_106] : memref<20x512xi32, #tpu.memory_space<vmem>> -> memref<1x512xi32, #tpu.memory_space<vmem>>
    %dma_start3A_108 = tpu.memref_squeeze %dma_start3A_107 : memref<1x512xi32, #tpu.memory_space<vmem>> -> memref<512xi32, #tpu.memory_space<vmem>>
    %dma_start3A_109 = arith.constant 0 : i32
    %dma_start3A_110 = arith.constant 0 : i32
    %dma_start3A_111 = tpu.memref_slice %arg18[%dma_start3A_109, %dma_start3A_110] : memref<10240x16xf32, #tpu.memory_space<vmem_shared>> -> memref<10240x16xf32, #tpu.memory_space<vmem_shared>>
    tpu.enqueue_indirect_dma source(%dma_start3A_111 : memref<10240x16xf32, #tpu.memory_space<vmem_shared>>) target(%arg21 : memref<512x16xf32, #tpu.memory_space<vmem>>) offsets(%dma_start3A_108 : memref<512xi32, #tpu.memory_space<vmem>>) semaphore(%arg25 : memref<!tpu.dma_semaphore, #tpu.memory_space<semaphore_mem>>)
    %dma_start3A_112 = arith.constant 2 : i32
    %dma_start3A_113 = arith.constant 0 : i32
    %dma_start3A_114 = tpu.memref_slice %arg11[%dma_start3A_112, %dma_start3A_113] : memref<20x512xi32, #tpu.memory_space<vmem>> -> memref<1x512xi32, #tpu.memory_space<vmem>>
    %dma_start3A_115 = tpu.memref_squeeze %dma_start3A_114 : memref<1x512xi32, #tpu.memory_space<vmem>> -> memref<512xi32, #tpu.memory_space<vmem>>
    %dma_start3A_116 = arith.constant 0 : i32
    %dma_start3A_117 = arith.constant 0 : i32
    %dma_start3A_118 = tpu.memref_slice %arg18[%dma_start3A_116, %dma_start3A_117] : memref<10240x16xf32, #tpu.memory_space<vmem_shared>> -> memref<10240x16xf32, #tpu.memory_space<vmem_shared>>
    tpu.enqueue_indirect_dma source(%dma_start3A_118 : memref<10240x16xf32, #tpu.memory_space<vmem_shared>>) target(%arg22 : memref<512x16xf32, #tpu.memory_space<vmem>>) offsets(%dma_start3A_115 : memref<512xi32, #tpu.memory_space<vmem>>) semaphore(%arg26 : memref<!tpu.dma_semaphore, #tpu.memory_space<semaphore_mem>>)
    %dma_start3A_119 = arith.constant 3 : i32
    %dma_start3A_120 = arith.constant 0 : i32
    %dma_start3A_121 = tpu.memref_slice %arg11[%dma_start3A_119, %dma_start3A_120] : memref<20x512xi32, #tpu.memory_space<vmem>> -> memref<1x512xi32, #tpu.memory_space<vmem>>
    %dma_start3A_122 = tpu.memref_squeeze %dma_start3A_121 : memref<1x512xi32, #tpu.memory_space<vmem>> -> memref<512xi32, #tpu.memory_space<vmem>>
    %dma_start3A_123 = arith.constant 0 : i32
    %dma_start3A_124 = arith.constant 0 : i32
    %dma_start3A_125 = tpu.memref_slice %arg18[%dma_start3A_123, %dma_start3A_124] : memref<10240x16xf32, #tpu.memory_space<vmem_shared>> -> memref<10240x16xf32, #tpu.memory_space<vmem_shared>>
    tpu.enqueue_indirect_dma source(%dma_start3A_125 : memref<10240x16xf32, #tpu.memory_space<vmem_shared>>) target(%arg23 : memref<512x16xf32, #tpu.memory_space<vmem>>) offsets(%dma_start3A_122 : memref<512xi32, #tpu.memory_space<vmem>>) semaphore(%arg27 : memref<!tpu.dma_semaphore, #tpu.memory_space<semaphore_mem>>)
    %dma_wait3A_126 = arith.constant 0 : i32
    %dma_wait3A_127 = arith.constant 0 : i32
    %dma_wait3A_128 = tpu.memref_slice %arg11[%dma_wait3A_126, %dma_wait3A_127] : memref<20x512xi32, #tpu.memory_space<vmem>> -> memref<1x512xi32, #tpu.memory_space<vmem>>
    %dma_wait3A_129 = tpu.memref_squeeze %dma_wait3A_128 : memref<1x512xi32, #tpu.memory_space<vmem>> -> memref<512xi32, #tpu.memory_space<vmem>>
    %dma_wait3A_130 = arith.constant 0 : i32
    %dma_wait3A_131 = arith.constant 0 : i32
    %dma_wait3A_132 = tpu.memref_slice %arg18[%dma_wait3A_130, %dma_wait3A_131] : memref<10240x16xf32, #tpu.memory_space<vmem_shared>> -> memref<10240x16xf32, #tpu.memory_space<vmem_shared>>
    tpu.wait_indirect_dma semaphore(%arg24 : memref<!tpu.dma_semaphore, #tpu.memory_space<semaphore_mem>>) src(%dma_wait3A_132 : memref<10240x16xf32, #tpu.memory_space<vmem_shared>>) dst(%arg20 : memref<512x16xf32, #tpu.memory_space<vmem>>)
    %dma_wait3A_133 = arith.constant 0 : i32
    %dma_wait3A_134 = arith.constant 0 : i32
    %dma_wait3A_135 = tpu.memref_slice %arg11[%dma_wait3A_133, %dma_wait3A_134] : memref<20x512xi32, #tpu.memory_space<vmem>> -> memref<1x512xi32, #tpu.memory_space<vmem>>
    %dma_wait3A_136 = tpu.memref_squeeze %dma_wait3A_135 : memref<1x512xi32, #tpu.memory_space<vmem>> -> memref<512xi32, #tpu.memory_space<vmem>>
    %dma_wait3A_137 = arith.constant 0 : i32
    %dma_wait3A_138 = arith.constant 0 : i32
    %dma_wait3A_139 = tpu.memref_slice %arg18[%dma_wait3A_137, %dma_wait3A_138] : memref<10240x16xf32, #tpu.memory_space<vmem_shared>> -> memref<10240x16xf32, #tpu.memory_space<vmem_shared>>
    tpu.wait_indirect_dma semaphore(%arg25 : memref<!tpu.dma_semaphore, #tpu.memory_space<semaphore_mem>>) src(%dma_wait3A_139 : memref<10240x16xf32, #tpu.memory_space<vmem_shared>>) dst(%arg21 : memref<512x16xf32, #tpu.memory_space<vmem>>)
    %dma_start3A_140 = arith.constant 0 : i32
    %dma_start3A_141 = arith.constant 0 : i32
    %dma_start3A_142 = tpu.memref_slice %arg12[%dma_start3A_140, %dma_start3A_141] : memref<20x512xi32, #tpu.memory_space<vmem>> -> memref<1x512xi32, #tpu.memory_space<vmem>>
    %dma_start3A_143 = tpu.memref_squeeze %dma_start3A_142 : memref<1x512xi32, #tpu.memory_space<vmem>> -> memref<512xi32, #tpu.memory_space<vmem>>
    %dma_start3A_144 = arith.constant 0 : i32
    %dma_start3A_145 = arith.constant 0 : i32
    %dma_start3A_146 = tpu.memref_slice %arg17[%dma_start3A_144, %dma_start3A_145] : memref<10240x16xf32, #tpu.memory_space<vmem_shared>> -> memref<10240x16xf32, #tpu.memory_space<vmem_shared>>
    tpu.enqueue_indirect_dma source(%arg20 : memref<512x16xf32, #tpu.memory_space<vmem>>) target(%dma_start3A_146 : memref<10240x16xf32, #tpu.memory_space<vmem_shared>>) offsets(%dma_start3A_143 : memref<512xi32, #tpu.memory_space<vmem>>) semaphore(%arg28 : memref<!tpu.dma_semaphore, #tpu.memory_space<semaphore_mem>>) {add = true}
    %dma_start3A_147 = arith.constant 1 : i32
    %dma_start3A_148 = arith.constant 0 : i32
    %dma_start3A_149 = tpu.memref_slice %arg12[%dma_start3A_147, %dma_start3A_148] : memref<20x512xi32, #tpu.memory_space<vmem>> -> memref<1x512xi32, #tpu.memory_space<vmem>>
    %dma_start3A_150 = tpu.memref_squeeze %dma_start3A_149 : memref<1x512xi32, #tpu.memory_space<vmem>> -> memref<512xi32, #tpu.memory_space<vmem>>
    %dma_start3A_151 = arith.constant 0 : i32
    %dma_start3A_152 = arith.constant 0 : i32
    %dma_start3A_153 = tpu.memref_slice %arg17[%dma_start3A_151, %dma_start3A_152] : memref<10240x16xf32, #tpu.memory_space<vmem_shared>> -> memref<10240x16xf32, #tpu.memory_space<vmem_shared>>
    tpu.enqueue_indirect_dma source(%arg21 : memref<512x16xf32, #tpu.memory_space<vmem>>) target(%dma_start3A_153 : memref<10240x16xf32, #tpu.memory_space<vmem_shared>>) offsets(%dma_start3A_150 : memref<512xi32, #tpu.memory_space<vmem>>) semaphore(%arg29 : memref<!tpu.dma_semaphore, #tpu.memory_space<semaphore_mem>>) {add = true}
    %dma_wait3A_154 = arith.constant 0 : i32
    %dma_wait3A_155 = arith.constant 0 : i32
    %dma_wait3A_156 = tpu.memref_slice %arg11[%dma_wait3A_154, %dma_wait3A_155] : memref<20x512xi32, #tpu.memory_space<vmem>> -> memref<1x512xi32, #tpu.memory_space<vmem>>
    %dma_wait3A_157 = tpu.memref_squeeze %dma_wait3A_156 : memref<1x512xi32, #tpu.memory_space<vmem>> -> memref<512xi32, #tpu.memory_space<vmem>>
    %dma_wait3A_158 = arith.constant 0 : i32
    %dma_wait3A_159 = arith.constant 0 : i32
    %dma_wait3A_160 = tpu.memref_slice %arg18[%dma_wait3A_158, %dma_wait3A_159] : memref<10240x16xf32, #tpu.memory_space<vmem_shared>> -> memref<10240x16xf32, #tpu.memory_space<vmem_shared>>
    tpu.wait_indirect_dma semaphore(%arg26 : memref<!tpu.dma_semaphore, #tpu.memory_space<semaphore_mem>>) src(%dma_wait3A_160 : memref<10240x16xf32, #tpu.memory_space<vmem_shared>>) dst(%arg22 : memref<512x16xf32, #tpu.memory_space<vmem>>)
    %dma_wait3A_161 = arith.constant 0 : i32
    %dma_wait3A_162 = arith.constant 0 : i32
    %dma_wait3A_163 = tpu.memref_slice %arg11[%dma_wait3A_161, %dma_wait3A_162] : memref<20x512xi32, #tpu.memory_space<vmem>> -> memref<1x512xi32, #tpu.memory_space<vmem>>
    %dma_wait3A_164 = tpu.memref_squeeze %dma_wait3A_163 : memref<1x512xi32, #tpu.memory_space<vmem>> -> memref<512xi32, #tpu.memory_space<vmem>>
    %dma_wait3A_165 = arith.constant 0 : i32
    %dma_wait3A_166 = arith.constant 0 : i32
    %dma_wait3A_167 = tpu.memref_slice %arg18[%dma_wait3A_165, %dma_wait3A_166] : memref<10240x16xf32, #tpu.memory_space<vmem_shared>> -> memref<10240x16xf32, #tpu.memory_space<vmem_shared>>
    tpu.wait_indirect_dma semaphore(%arg27 : memref<!tpu.dma_semaphore, #tpu.memory_space<semaphore_mem>>) src(%dma_wait3A_167 : memref<10240x16xf32, #tpu.memory_space<vmem_shared>>) dst(%arg23 : memref<512x16xf32, #tpu.memory_space<vmem>>)
    %dma_start3A_168 = arith.constant 2 : i32
    %dma_start3A_169 = arith.constant 0 : i32
    %dma_start3A_170 = tpu.memref_slice %arg12[%dma_start3A_168, %dma_start3A_169] : memref<20x512xi32, #tpu.memory_space<vmem>> -> memref<1x512xi32, #tpu.memory_space<vmem>>
    %dma_start3A_171 = tpu.memref_squeeze %dma_start3A_170 : memref<1x512xi32, #tpu.memory_space<vmem>> -> memref<512xi32, #tpu.memory_space<vmem>>
    %dma_start3A_172 = arith.constant 0 : i32
    %dma_start3A_173 = arith.constant 0 : i32
    %dma_start3A_174 = tpu.memref_slice %arg17[%dma_start3A_172, %dma_start3A_173] : memref<10240x16xf32, #tpu.memory_space<vmem_shared>> -> memref<10240x16xf32, #tpu.memory_space<vmem_shared>>
    tpu.enqueue_indirect_dma source(%arg22 : memref<512x16xf32, #tpu.memory_space<vmem>>) target(%dma_start3A_174 : memref<10240x16xf32, #tpu.memory_space<vmem_shared>>) offsets(%dma_start3A_171 : memref<512xi32, #tpu.memory_space<vmem>>) semaphore(%arg30 : memref<!tpu.dma_semaphore, #tpu.memory_space<semaphore_mem>>) {add = true}
    %dma_start3A_175 = arith.constant 3 : i32
    %dma_start3A_176 = arith.constant 0 : i32
    %dma_start3A_177 = tpu.memref_slice %arg12[%dma_start3A_175, %dma_start3A_176] : memref<20x512xi32, #tpu.memory_space<vmem>> -> memref<1x512xi32, #tpu.memory_space<vmem>>
    %dma_start3A_178 = tpu.memref_squeeze %dma_start3A_177 : memref<1x512xi32, #tpu.memory_space<vmem>> -> memref<512xi32, #tpu.memory_space<vmem>>
    %dma_start3A_179 = arith.constant 0 : i32
    %dma_start3A_180 = arith.constant 0 : i32
    %dma_start3A_181 = tpu.memref_slice %arg17[%dma_start3A_179, %dma_start3A_180] : memref<10240x16xf32, #tpu.memory_space<vmem_shared>> -> memref<10240x16xf32, #tpu.memory_space<vmem_shared>>
    tpu.enqueue_indirect_dma source(%arg23 : memref<512x16xf32, #tpu.memory_space<vmem>>) target(%dma_start3A_181 : memref<10240x16xf32, #tpu.memory_space<vmem_shared>>) offsets(%dma_start3A_178 : memref<512xi32, #tpu.memory_space<vmem>>) semaphore(%arg31 : memref<!tpu.dma_semaphore, #tpu.memory_space<semaphore_mem>>) {add = true}
    %dma_wait3A_182 = arith.constant 0 : i32
    %dma_wait3A_183 = arith.constant 0 : i32
    %dma_wait3A_184 = tpu.memref_slice %arg12[%dma_wait3A_182, %dma_wait3A_183] : memref<20x512xi32, #tpu.memory_space<vmem>> -> memref<1x512xi32, #tpu.memory_space<vmem>>
    %dma_wait3A_185 = tpu.memref_squeeze %dma_wait3A_184 : memref<1x512xi32, #tpu.memory_space<vmem>> -> memref<512xi32, #tpu.memory_space<vmem>>
    %dma_wait3A_186 = arith.constant 0 : i32
    %dma_wait3A_187 = arith.constant 0 : i32
    %dma_wait3A_188 = tpu.memref_slice %arg17[%dma_wait3A_186, %dma_wait3A_187] : memref<10240x16xf32, #tpu.memory_space<vmem_shared>> -> memref<10240x16xf32, #tpu.memory_space<vmem_shared>>
    tpu.wait_indirect_dma semaphore(%arg28 : memref<!tpu.dma_semaphore, #tpu.memory_space<semaphore_mem>>) src(%arg20 : memref<512x16xf32, #tpu.memory_space<vmem>>) dst(%dma_wait3A_188 : memref<10240x16xf32, #tpu.memory_space<vmem_shared>>)
    %dma_start3A_189 = arith.constant 4 : i32
    %dma_start3A_190 = arith.constant 0 : i32
    %dma_start3A_191 = tpu.memref_slice %arg11[%dma_start3A_189, %dma_start3A_190] : memref<20x512xi32, #tpu.memory_space<vmem>> -> memref<1x512xi32, #tpu.memory_space<vmem>>
    %dma_start3A_192 = tpu.memref_squeeze %dma_start3A_191 : memref<1x512xi32, #tpu.memory_space<vmem>> -> memref<512xi32, #tpu.memory_space<vmem>>
    %dma_start3A_193 = arith.constant 0 : i32
    %dma_start3A_194 = arith.constant 0 : i32
    %dma_start3A_195 = tpu.memref_slice %arg18[%dma_start3A_193, %dma_start3A_194] : memref<10240x16xf32, #tpu.memory_space<vmem_shared>> -> memref<10240x16xf32, #tpu.memory_space<vmem_shared>>
    tpu.enqueue_indirect_dma source(%dma_start3A_195 : memref<10240x16xf32, #tpu.memory_space<vmem_shared>>) target(%arg20 : memref<512x16xf32, #tpu.memory_space<vmem>>) offsets(%dma_start3A_192 : memref<512xi32, #tpu.memory_space<vmem>>) semaphore(%arg24 : memref<!tpu.dma_semaphore, #tpu.memory_space<semaphore_mem>>)
    %dma_wait3A_196 = arith.constant 0 : i32
    %dma_wait3A_197 = arith.constant 0 : i32
    %dma_wait3A_198 = tpu.memref_slice %arg12[%dma_wait3A_196, %dma_wait3A_197] : memref<20x512xi32, #tpu.memory_space<vmem>> -> memref<1x512xi32, #tpu.memory_space<vmem>>
    %dma_wait3A_199 = tpu.memref_squeeze %dma_wait3A_198 : memref<1x512xi32, #tpu.memory_space<vmem>> -> memref<512xi32, #tpu.memory_space<vmem>>
    %dma_wait3A_200 = arith.constant 0 : i32
    %dma_wait3A_201 = arith.constant 0 : i32
    %dma_wait3A_202 = tpu.memref_slice %arg17[%dma_wait3A_200, %dma_wait3A_201] : memref<10240x16xf32, #tpu.memory_space<vmem_shared>> -> memref<10240x16xf32, #tpu.memory_space<vmem_shared>>
    tpu.wait_indirect_dma semaphore(%arg29 : memref<!tpu.dma_semaphore, #tpu.memory_space<semaphore_mem>>) src(%arg21 : memref<512x16xf32, #tpu.memory_space<vmem>>) dst(%dma_wait3A_202 : memref<10240x16xf32, #tpu.memory_space<vmem_shared>>)
    %dma_start3A_203 = arith.constant 5 : i32
    %dma_start3A_204 = arith.constant 0 : i32
    %dma_start3A_205 = tpu.memref_slice %arg11[%dma_start3A_203, %dma_start3A_204] : memref<20x512xi32, #tpu.memory_space<vmem>> -> memref<1x512xi32, #tpu.memory_space<vmem>>
    %dma_start3A_206 = tpu.memref_squeeze %dma_start3A_205 : memref<1x512xi32, #tpu.memory_space<vmem>> -> memref<512xi32, #tpu.memory_space<vmem>>
    %dma_start3A_207 = arith.constant 0 : i32
    %dma_start3A_208 = arith.constant 0 : i32
    %dma_start3A_209 = tpu.memref_slice %arg18[%dma_start3A_207, %dma_start3A_208] : memref<10240x16xf32, #tpu.memory_space<vmem_shared>> -> memref<10240x16xf32, #tpu.memory_space<vmem_shared>>
    tpu.enqueue_indirect_dma source(%dma_start3A_209 : memref<10240x16xf32, #tpu.memory_space<vmem_shared>>) target(%arg21 : memref<512x16xf32, #tpu.memory_space<vmem>>) offsets(%dma_start3A_206 : memref<512xi32, #tpu.memory_space<vmem>>) semaphore(%arg25 : memref<!tpu.dma_semaphore, #tpu.memory_space<semaphore_mem>>)
    %dma_wait3A_210 = arith.constant 0 : i32
    %dma_wait3A_211 = arith.constant 0 : i32
    %dma_wait3A_212 = tpu.memref_slice %arg11[%dma_wait3A_210, %dma_wait3A_211] : memref<20x512xi32, #tpu.memory_space<vmem>> -> memref<1x512xi32, #tpu.memory_space<vmem>>
    %dma_wait3A_213 = tpu.memref_squeeze %dma_wait3A_212 : memref<1x512xi32, #tpu.memory_space<vmem>> -> memref<512xi32, #tpu.memory_space<vmem>>
    %dma_wait3A_214 = arith.constant 0 : i32
    %dma_wait3A_215 = arith.constant 0 : i32
    %dma_wait3A_216 = tpu.memref_slice %arg18[%dma_wait3A_214, %dma_wait3A_215] : memref<10240x16xf32, #tpu.memory_space<vmem_shared>> -> memref<10240x16xf32, #tpu.memory_space<vmem_shared>>
    tpu.wait_indirect_dma semaphore(%arg24 : memref<!tpu.dma_semaphore, #tpu.memory_space<semaphore_mem>>) src(%dma_wait3A_216 : memref<10240x16xf32, #tpu.memory_space<vmem_shared>>) dst(%arg20 : memref<512x16xf32, #tpu.memory_space<vmem>>)
    %dma_wait3A_217 = arith.constant 0 : i32
    %dma_wait3A_218 = arith.constant 0 : i32
    %dma_wait3A_219 = tpu.memref_slice %arg11[%dma_wait3A_217, %dma_wait3A_218] : memref<20x512xi32, #tpu.memory_space<vmem>> -> memref<1x512xi32, #tpu.memory_space<vmem>>
    %dma_wait3A_220 = tpu.memref_squeeze %dma_wait3A_219 : memref<1x512xi32, #tpu.memory_space<vmem>> -> memref<512xi32, #tpu.memory_space<vmem>>
    %dma_wait3A_221 = arith.constant 0 : i32
    %dma_wait3A_222 = arith.constant 0 : i32
    %dma_wait3A_223 = tpu.memref_slice %arg18[%dma_wait3A_221, %dma_wait3A_222] : memref<10240x16xf32, #tpu.memory_space<vmem_shared>> -> memref<10240x16xf32, #tpu.memory_space<vmem_shared>>
    tpu.wait_indirect_dma semaphore(%arg25 : memref<!tpu.dma_semaphore, #tpu.memory_space<semaphore_mem>>) src(%dma_wait3A_223 : memref<10240x16xf32, #tpu.memory_space<vmem_shared>>) dst(%arg21 : memref<512x16xf32, #tpu.memory_space<vmem>>)
    %dma_start3A_224 = arith.constant 4 : i32
    %dma_start3A_225 = arith.constant 0 : i32
    %dma_start3A_226 = tpu.memref_slice %arg12[%dma_start3A_224, %dma_start3A_225] : memref<20x512xi32, #tpu.memory_space<vmem>> -> memref<1x512xi32, #tpu.memory_space<vmem>>
    %dma_start3A_227 = tpu.memref_squeeze %dma_start3A_226 : memref<1x512xi32, #tpu.memory_space<vmem>> -> memref<512xi32, #tpu.memory_space<vmem>>
    %dma_start3A_228 = arith.constant 0 : i32
    %dma_start3A_229 = arith.constant 0 : i32
    %dma_start3A_230 = tpu.memref_slice %arg17[%dma_start3A_228, %dma_start3A_229] : memref<10240x16xf32, #tpu.memory_space<vmem_shared>> -> memref<10240x16xf32, #tpu.memory_space<vmem_shared>>
    tpu.enqueue_indirect_dma source(%arg20 : memref<512x16xf32, #tpu.memory_space<vmem>>) target(%dma_start3A_230 : memref<10240x16xf32, #tpu.memory_space<vmem_shared>>) offsets(%dma_start3A_227 : memref<512xi32, #tpu.memory_space<vmem>>) semaphore(%arg28 : memref<!tpu.dma_semaphore, #tpu.memory_space<semaphore_mem>>) {add = true}
    %dma_start3A_231 = arith.constant 5 : i32
    %dma_start3A_232 = arith.constant 0 : i32
    %dma_start3A_233 = tpu.memref_slice %arg12[%dma_start3A_231, %dma_start3A_232] : memref<20x512xi32, #tpu.memory_space<vmem>> -> memref<1x512xi32, #tpu.memory_space<vmem>>
    %dma_start3A_234 = tpu.memref_squeeze %dma_start3A_233 : memref<1x512xi32, #tpu.memory_space<vmem>> -> memref<512xi32, #tpu.memory_space<vmem>>
    %dma_start3A_235 = arith.constant 0 : i32
    %dma_start3A_236 = arith.constant 0 : i32
    %dma_start3A_237 = tpu.memref_slice %arg17[%dma_start3A_235, %dma_start3A_236] : memref<10240x16xf32, #tpu.memory_space<vmem_shared>> -> memref<10240x16xf32, #tpu.memory_space<vmem_shared>>
    tpu.enqueue_indirect_dma source(%arg21 : memref<512x16xf32, #tpu.memory_space<vmem>>) target(%dma_start3A_237 : memref<10240x16xf32, #tpu.memory_space<vmem_shared>>) offsets(%dma_start3A_234 : memref<512xi32, #tpu.memory_space<vmem>>) semaphore(%arg29 : memref<!tpu.dma_semaphore, #tpu.memory_space<semaphore_mem>>) {add = true}
    %dma_wait3A_238 = arith.constant 0 : i32
    %dma_wait3A_239 = arith.constant 0 : i32
    %dma_wait3A_240 = tpu.memref_slice %arg12[%dma_wait3A_238, %dma_wait3A_239] : memref<20x512xi32, #tpu.memory_space<vmem>> -> memref<1x512xi32, #tpu.memory_space<vmem>>
    %dma_wait3A_241 = tpu.memref_squeeze %dma_wait3A_240 : memref<1x512xi32, #tpu.memory_space<vmem>> -> memref<512xi32, #tpu.memory_space<vmem>>
    %dma_wait3A_242 = arith.constant 0 : i32
    %dma_wait3A_243 = arith.constant 0 : i32
    %dma_wait3A_244 = tpu.memref_slice %arg17[%dma_wait3A_242, %dma_wait3A_243] : memref<10240x16xf32, #tpu.memory_space<vmem_shared>> -> memref<10240x16xf32, #tpu.memory_space<vmem_shared>>
    tpu.wait_indirect_dma semaphore(%arg30 : memref<!tpu.dma_semaphore, #tpu.memory_space<semaphore_mem>>) src(%arg22 : memref<512x16xf32, #tpu.memory_space<vmem>>) dst(%dma_wait3A_244 : memref<10240x16xf32, #tpu.memory_space<vmem_shared>>)
    %dma_start3A_245 = arith.constant 6 : i32
    %dma_start3A_246 = arith.constant 0 : i32
    %dma_start3A_247 = tpu.memref_slice %arg11[%dma_start3A_245, %dma_start3A_246] : memref<20x512xi32, #tpu.memory_space<vmem>> -> memref<1x512xi32, #tpu.memory_space<vmem>>
    %dma_start3A_248 = tpu.memref_squeeze %dma_start3A_247 : memref<1x512xi32, #tpu.memory_space<vmem>> -> memref<512xi32, #tpu.memory_space<vmem>>
    %dma_start3A_249 = arith.constant 0 : i32
    %dma_start3A_250 = arith.constant 0 : i32
    %dma_start3A_251 = tpu.memref_slice %arg18[%dma_start3A_249, %dma_start3A_250] : memref<10240x16xf32, #tpu.memory_space<vmem_shared>> -> memref<10240x16xf32, #tpu.memory_space<vmem_shared>>
    tpu.enqueue_indirect_dma source(%dma_start3A_251 : memref<10240x16xf32, #tpu.memory_space<vmem_shared>>) target(%arg22 : memref<512x16xf32, #tpu.memory_space<vmem>>) offsets(%dma_start3A_248 : memref<512xi32, #tpu.memory_space<vmem>>) semaphore(%arg26 : memref<!tpu.dma_semaphore, #tpu.memory_space<semaphore_mem>>)
    %dma_wait3A_252 = arith.constant 0 : i32
    %dma_wait3A_253 = arith.constant 0 : i32
    %dma_wait3A_254 = tpu.memref_slice %arg12[%dma_wait3A_252, %dma_wait3A_253] : memref<20x512xi32, #tpu.memory_space<vmem>> -> memref<1x512xi32, #tpu.memory_space<vmem>>
    %dma_wait3A_255 = tpu.memref_squeeze %dma_wait3A_254 : memref<1x512xi32, #tpu.memory_space<vmem>> -> memref<512xi32, #tpu.memory_space<vmem>>
    %dma_wait3A_256 = arith.constant 0 : i32
    %dma_wait3A_257 = arith.constant 0 : i32
    %dma_wait3A_258 = tpu.memref_slice %arg17[%dma_wait3A_256, %dma_wait3A_257] : memref<10240x16xf32, #tpu.memory_space<vmem_shared>> -> memref<10240x16xf32, #tpu.memory_space<vmem_shared>>
    tpu.wait_indirect_dma semaphore(%arg31 : memref<!tpu.dma_semaphore, #tpu.memory_space<semaphore_mem>>) src(%arg23 : memref<512x16xf32, #tpu.memory_space<vmem>>) dst(%dma_wait3A_258 : memref<10240x16xf32, #tpu.memory_space<vmem_shared>>)
    %dma_start3A_259 = arith.constant 7 : i32
    %dma_start3A_260 = arith.constant 0 : i32
    %dma_start3A_261 = tpu.memref_slice %arg11[%dma_start3A_259, %dma_start3A_260] : memref<20x512xi32, #tpu.memory_space<vmem>> -> memref<1x512xi32, #tpu.memory_space<vmem>>
    %dma_start3A_262 = tpu.memref_squeeze %dma_start3A_261 : memref<1x512xi32, #tpu.memory_space<vmem>> -> memref<512xi32, #tpu.memory_space<vmem>>
    %dma_start3A_263 = arith.constant 0 : i32
    %dma_start3A_264 = arith.constant 0 : i32
    %dma_start3A_265 = tpu.memref_slice %arg18[%dma_start3A_263, %dma_start3A_264] : memref<10240x16xf32, #tpu.memory_space<vmem_shared>> -> memref<10240x16xf32, #tpu.memory_space<vmem_shared>>
    tpu.enqueue_indirect_dma source(%dma_start3A_265 : memref<10240x16xf32, #tpu.memory_space<vmem_shared>>) target(%arg23 : memref<512x16xf32, #tpu.memory_space<vmem>>) offsets(%dma_start3A_262 : memref<512xi32, #tpu.memory_space<vmem>>) semaphore(%arg27 : memref<!tpu.dma_semaphore, #tpu.memory_space<semaphore_mem>>)
    %dma_wait3A_266 = arith.constant 0 : i32
    %dma_wait3A_267 = arith.constant 0 : i32
    %dma_wait3A_268 = tpu.memref_slice %arg11[%dma_wait3A_266, %dma_wait3A_267] : memref<20x512xi32, #tpu.memory_space<vmem>> -> memref<1x512xi32, #tpu.memory_space<vmem>>
    %dma_wait3A_269 = tpu.memref_squeeze %dma_wait3A_268 : memref<1x512xi32, #tpu.memory_space<vmem>> -> memref<512xi32, #tpu.memory_space<vmem>>
    %dma_wait3A_270 = arith.constant 0 : i32
    %dma_wait3A_271 = arith.constant 0 : i32
    %dma_wait3A_272 = tpu.memref_slice %arg18[%dma_wait3A_270, %dma_wait3A_271] : memref<10240x16xf32, #tpu.memory_space<vmem_shared>> -> memref<10240x16xf32, #tpu.memory_space<vmem_shared>>
    tpu.wait_indirect_dma semaphore(%arg26 : memref<!tpu.dma_semaphore, #tpu.memory_space<semaphore_mem>>) src(%dma_wait3A_272 : memref<10240x16xf32, #tpu.memory_space<vmem_shared>>) dst(%arg22 : memref<512x16xf32, #tpu.memory_space<vmem>>)
    %dma_wait3A_273 = arith.constant 0 : i32
    %dma_wait3A_274 = arith.constant 0 : i32
    %dma_wait3A_275 = tpu.memref_slice %arg11[%dma_wait3A_273, %dma_wait3A_274] : memref<20x512xi32, #tpu.memory_space<vmem>> -> memref<1x512xi32, #tpu.memory_space<vmem>>
    %dma_wait3A_276 = tpu.memref_squeeze %dma_wait3A_275 : memref<1x512xi32, #tpu.memory_space<vmem>> -> memref<512xi32, #tpu.memory_space<vmem>>
    %dma_wait3A_277 = arith.constant 0 : i32
    %dma_wait3A_278 = arith.constant 0 : i32
    %dma_wait3A_279 = tpu.memref_slice %arg18[%dma_wait3A_277, %dma_wait3A_278] : memref<10240x16xf32, #tpu.memory_space<vmem_shared>> -> memref<10240x16xf32, #tpu.memory_space<vmem_shared>>
    tpu.wait_indirect_dma semaphore(%arg27 : memref<!tpu.dma_semaphore, #tpu.memory_space<semaphore_mem>>) src(%dma_wait3A_279 : memref<10240x16xf32, #tpu.memory_space<vmem_shared>>) dst(%arg23 : memref<512x16xf32, #tpu.memory_space<vmem>>)
    %dma_start3A_280 = arith.constant 6 : i32
    %dma_start3A_281 = arith.constant 0 : i32
    %dma_start3A_282 = tpu.memref_slice %arg12[%dma_start3A_280, %dma_start3A_281] : memref<20x512xi32, #tpu.memory_space<vmem>> -> memref<1x512xi32, #tpu.memory_space<vmem>>
    %dma_start3A_283 = tpu.memref_squeeze %dma_start3A_282 : memref<1x512xi32, #tpu.memory_space<vmem>> -> memref<512xi32, #tpu.memory_space<vmem>>
    %dma_start3A_284 = arith.constant 0 : i32
    %dma_start3A_285 = arith.constant 0 : i32
    %dma_start3A_286 = tpu.memref_slice %arg17[%dma_start3A_284, %dma_start3A_285] : memref<10240x16xf32, #tpu.memory_space<vmem_shared>> -> memref<10240x16xf32, #tpu.memory_space<vmem_shared>>
    tpu.enqueue_indirect_dma source(%arg22 : memref<512x16xf32, #tpu.memory_space<vmem>>) target(%dma_start3A_286 : memref<10240x16xf32, #tpu.memory_space<vmem_shared>>) offsets(%dma_start3A_283 : memref<512xi32, #tpu.memory_space<vmem>>) semaphore(%arg30 : memref<!tpu.dma_semaphore, #tpu.memory_space<semaphore_mem>>) {add = true}
    %dma_start3A_287 = arith.constant 7 : i32
    %dma_start3A_288 = arith.constant 0 : i32
    %dma_start3A_289 = tpu.memref_slice %arg12[%dma_start3A_287, %dma_start3A_288] : memref<20x512xi32, #tpu.memory_space<vmem>> -> memref<1x512xi32, #tpu.memory_space<vmem>>
    %dma_start3A_290 = tpu.memref_squeeze %dma_start3A_289 : memref<1x512xi32, #tpu.memory_space<vmem>> -> memref<512xi32, #tpu.memory_space<vmem>>
    %dma_start3A_291 = arith.constant 0 : i32
    %dma_start3A_292 = arith.constant 0 : i32
    %dma_start3A_293 = tpu.memref_slice %arg17[%dma_start3A_291, %dma_start3A_292] : memref<10240x16xf32, #tpu.memory_space<vmem_shared>> -> memref<10240x16xf32, #tpu.memory_space<vmem_shared>>
    tpu.enqueue_indirect_dma source(%arg23 : memref<512x16xf32, #tpu.memory_space<vmem>>) target(%dma_start3A_293 : memref<10240x16xf32, #tpu.memory_space<vmem_shared>>) offsets(%dma_start3A_290 : memref<512xi32, #tpu.memory_space<vmem>>) semaphore(%arg31 : memref<!tpu.dma_semaphore, #tpu.memory_space<semaphore_mem>>) {add = true}
    %dma_wait3A_294 = arith.constant 0 : i32
    %dma_wait3A_295 = arith.constant 0 : i32
    %dma_wait3A_296 = tpu.memref_slice %arg12[%dma_wait3A_294, %dma_wait3A_295] : memref<20x512xi32, #tpu.memory_space<vmem>> -> memref<1x512xi32, #tpu.memory_space<vmem>>
    %dma_wait3A_297 = tpu.memref_squeeze %dma_wait3A_296 : memref<1x512xi32, #tpu.memory_space<vmem>> -> memref<512xi32, #tpu.memory_space<vmem>>
    %dma_wait3A_298 = arith.constant 0 : i32
    %dma_wait3A_299 = arith.constant 0 : i32
    %dma_wait3A_300 = tpu.memref_slice %arg17[%dma_wait3A_298, %dma_wait3A_299] : memref<10240x16xf32, #tpu.memory_space<vmem_shared>> -> memref<10240x16xf32, #tpu.memory_space<vmem_shared>>
    tpu.wait_indirect_dma semaphore(%arg28 : memref<!tpu.dma_semaphore, #tpu.memory_space<semaphore_mem>>) src(%arg20 : memref<512x16xf32, #tpu.memory_space<vmem>>) dst(%dma_wait3A_300 : memref<10240x16xf32, #tpu.memory_space<vmem_shared>>)
    %dma_start3A_301 = arith.constant 8 : i32
    %dma_start3A_302 = arith.constant 0 : i32
    %dma_start3A_303 = tpu.memref_slice %arg11[%dma_start3A_301, %dma_start3A_302] : memref<20x512xi32, #tpu.memory_space<vmem>> -> memref<1x512xi32, #tpu.memory_space<vmem>>
    %dma_start3A_304 = tpu.memref_squeeze %dma_start3A_303 : memref<1x512xi32, #tpu.memory_space<vmem>> -> memref<512xi32, #tpu.memory_space<vmem>>
    %dma_start3A_305 = arith.constant 0 : i32
    %dma_start3A_306 = arith.constant 0 : i32
    %dma_start3A_307 = tpu.memref_slice %arg18[%dma_start3A_305, %dma_start3A_306] : memref<10240x16xf32, #tpu.memory_space<vmem_shared>> -> memref<10240x16xf32, #tpu.memory_space<vmem_shared>>
    tpu.enqueue_indirect_dma source(%dma_start3A_307 : memref<10240x16xf32, #tpu.memory_space<vmem_shared>>) target(%arg20 : memref<512x16xf32, #tpu.memory_space<vmem>>) offsets(%dma_start3A_304 : memref<512xi32, #tpu.memory_space<vmem>>) semaphore(%arg24 : memref<!tpu.dma_semaphore, #tpu.memory_space<semaphore_mem>>)
    %dma_wait3A_308 = arith.constant 0 : i32
    %dma_wait3A_309 = arith.constant 0 : i32
    %dma_wait3A_310 = tpu.memref_slice %arg12[%dma_wait3A_308, %dma_wait3A_309] : memref<20x512xi32, #tpu.memory_space<vmem>> -> memref<1x512xi32, #tpu.memory_space<vmem>>
    %dma_wait3A_311 = tpu.memref_squeeze %dma_wait3A_310 : memref<1x512xi32, #tpu.memory_space<vmem>> -> memref<512xi32, #tpu.memory_space<vmem>>
    %dma_wait3A_312 = arith.constant 0 : i32
    %dma_wait3A_313 = arith.constant 0 : i32
    %dma_wait3A_314 = tpu.memref_slice %arg17[%dma_wait3A_312, %dma_wait3A_313] : memref<10240x16xf32, #tpu.memory_space<vmem_shared>> -> memref<10240x16xf32, #tpu.memory_space<vmem_shared>>
    tpu.wait_indirect_dma semaphore(%arg29 : memref<!tpu.dma_semaphore, #tpu.memory_space<semaphore_mem>>) src(%arg21 : memref<512x16xf32, #tpu.memory_space<vmem>>) dst(%dma_wait3A_314 : memref<10240x16xf32, #tpu.memory_space<vmem_shared>>)
    %dma_start3A_315 = arith.constant 9 : i32
    %dma_start3A_316 = arith.constant 0 : i32
    %dma_start3A_317 = tpu.memref_slice %arg11[%dma_start3A_315, %dma_start3A_316] : memref<20x512xi32, #tpu.memory_space<vmem>> -> memref<1x512xi32, #tpu.memory_space<vmem>>
    %dma_start3A_318 = tpu.memref_squeeze %dma_start3A_317 : memref<1x512xi32, #tpu.memory_space<vmem>> -> memref<512xi32, #tpu.memory_space<vmem>>
    %dma_start3A_319 = arith.constant 0 : i32
    %dma_start3A_320 = arith.constant 0 : i32
    %dma_start3A_321 = tpu.memref_slice %arg18[%dma_start3A_319, %dma_start3A_320] : memref<10240x16xf32, #tpu.memory_space<vmem_shared>> -> memref<10240x16xf32, #tpu.memory_space<vmem_shared>>
    tpu.enqueue_indirect_dma source(%dma_start3A_321 : memref<10240x16xf32, #tpu.memory_space<vmem_shared>>) target(%arg21 : memref<512x16xf32, #tpu.memory_space<vmem>>) offsets(%dma_start3A_318 : memref<512xi32, #tpu.memory_space<vmem>>) semaphore(%arg25 : memref<!tpu.dma_semaphore, #tpu.memory_space<semaphore_mem>>)
    %dma_wait3A_322 = arith.constant 0 : i32
    %dma_wait3A_323 = arith.constant 0 : i32
    %dma_wait3A_324 = tpu.memref_slice %arg11[%dma_wait3A_322, %dma_wait3A_323] : memref<20x512xi32, #tpu.memory_space<vmem>> -> memref<1x512xi32, #tpu.memory_space<vmem>>
    %dma_wait3A_325 = tpu.memref_squeeze %dma_wait3A_324 : memref<1x512xi32, #tpu.memory_space<vmem>> -> memref<512xi32, #tpu.memory_space<vmem>>
    %dma_wait3A_326 = arith.constant 0 : i32
    %dma_wait3A_327 = arith.constant 0 : i32
    %dma_wait3A_328 = tpu.memref_slice %arg18[%dma_wait3A_326, %dma_wait3A_327] : memref<10240x16xf32, #tpu.memory_space<vmem_shared>> -> memref<10240x16xf32, #tpu.memory_space<vmem_shared>>
    tpu.wait_indirect_dma semaphore(%arg24 : memref<!tpu.dma_semaphore, #tpu.memory_space<semaphore_mem>>) src(%dma_wait3A_328 : memref<10240x16xf32, #tpu.memory_space<vmem_shared>>) dst(%arg20 : memref<512x16xf32, #tpu.memory_space<vmem>>)
    %dma_wait3A_329 = arith.constant 0 : i32
    %dma_wait3A_330 = arith.constant 0 : i32
    %dma_wait3A_331 = tpu.memref_slice %arg11[%dma_wait3A_329, %dma_wait3A_330] : memref<20x512xi32, #tpu.memory_space<vmem>> -> memref<1x512xi32, #tpu.memory_space<vmem>>
    %dma_wait3A_332 = tpu.memref_squeeze %dma_wait3A_331 : memref<1x512xi32, #tpu.memory_space<vmem>> -> memref<512xi32, #tpu.memory_space<vmem>>
    %dma_wait3A_333 = arith.constant 0 : i32
    %dma_wait3A_334 = arith.constant 0 : i32
    %dma_wait3A_335 = tpu.memref_slice %arg18[%dma_wait3A_333, %dma_wait3A_334] : memref<10240x16xf32, #tpu.memory_space<vmem_shared>> -> memref<10240x16xf32, #tpu.memory_space<vmem_shared>>
    tpu.wait_indirect_dma semaphore(%arg25 : memref<!tpu.dma_semaphore, #tpu.memory_space<semaphore_mem>>) src(%dma_wait3A_335 : memref<10240x16xf32, #tpu.memory_space<vmem_shared>>) dst(%arg21 : memref<512x16xf32, #tpu.memory_space<vmem>>)
    %dma_start3A_336 = arith.constant 8 : i32
    %dma_start3A_337 = arith.constant 0 : i32
    %dma_start3A_338 = tpu.memref_slice %arg12[%dma_start3A_336, %dma_start3A_337] : memref<20x512xi32, #tpu.memory_space<vmem>> -> memref<1x512xi32, #tpu.memory_space<vmem>>
    %dma_start3A_339 = tpu.memref_squeeze %dma_start3A_338 : memref<1x512xi32, #tpu.memory_space<vmem>> -> memref<512xi32, #tpu.memory_space<vmem>>
    %dma_start3A_340 = arith.constant 0 : i32
    %dma_start3A_341 = arith.constant 0 : i32
    %dma_start3A_342 = tpu.memref_slice %arg17[%dma_start3A_340, %dma_start3A_341] : memref<10240x16xf32, #tpu.memory_space<vmem_shared>> -> memref<10240x16xf32, #tpu.memory_space<vmem_shared>>
    tpu.enqueue_indirect_dma source(%arg20 : memref<512x16xf32, #tpu.memory_space<vmem>>) target(%dma_start3A_342 : memref<10240x16xf32, #tpu.memory_space<vmem_shared>>) offsets(%dma_start3A_339 : memref<512xi32, #tpu.memory_space<vmem>>) semaphore(%arg28 : memref<!tpu.dma_semaphore, #tpu.memory_space<semaphore_mem>>) {add = true}
    %dma_start3A_343 = arith.constant 9 : i32
    %dma_start3A_344 = arith.constant 0 : i32
    %dma_start3A_345 = tpu.memref_slice %arg12[%dma_start3A_343, %dma_start3A_344] : memref<20x512xi32, #tpu.memory_space<vmem>> -> memref<1x512xi32, #tpu.memory_space<vmem>>
    %dma_start3A_346 = tpu.memref_squeeze %dma_start3A_345 : memref<1x512xi32, #tpu.memory_space<vmem>> -> memref<512xi32, #tpu.memory_space<vmem>>
    %dma_start3A_347 = arith.constant 0 : i32
    %dma_start3A_348 = arith.constant 0 : i32
    %dma_start3A_349 = tpu.memref_slice %arg17[%dma_start3A_347, %dma_start3A_348] : memref<10240x16xf32, #tpu.memory_space<vmem_shared>> -> memref<10240x16xf32, #tpu.memory_space<vmem_shared>>
    tpu.enqueue_indirect_dma source(%arg21 : memref<512x16xf32, #tpu.memory_space<vmem>>) target(%dma_start3A_349 : memref<10240x16xf32, #tpu.memory_space<vmem_shared>>) offsets(%dma_start3A_346 : memref<512xi32, #tpu.memory_space<vmem>>) semaphore(%arg29 : memref<!tpu.dma_semaphore, #tpu.memory_space<semaphore_mem>>) {add = true}
    %dma_wait3A_350 = arith.constant 0 : i32
    %dma_wait3A_351 = arith.constant 0 : i32
    %dma_wait3A_352 = tpu.memref_slice %arg12[%dma_wait3A_350, %dma_wait3A_351] : memref<20x512xi32, #tpu.memory_space<vmem>> -> memref<1x512xi32, #tpu.memory_space<vmem>>
    %dma_wait3A_353 = tpu.memref_squeeze %dma_wait3A_352 : memref<1x512xi32, #tpu.memory_space<vmem>> -> memref<512xi32, #tpu.memory_space<vmem>>
    %dma_wait3A_354 = arith.constant 0 : i32
    %dma_wait3A_355 = arith.constant 0 : i32
    %dma_wait3A_356 = tpu.memref_slice %arg17[%dma_wait3A_354, %dma_wait3A_355] : memref<10240x16xf32, #tpu.memory_space<vmem_shared>> -> memref<10240x16xf32, #tpu.memory_space<vmem_shared>>
    tpu.wait_indirect_dma semaphore(%arg30 : memref<!tpu.dma_semaphore, #tpu.memory_space<semaphore_mem>>) src(%arg22 : memref<512x16xf32, #tpu.memory_space<vmem>>) dst(%dma_wait3A_356 : memref<10240x16xf32, #tpu.memory_space<vmem_shared>>)
    %dma_start3A_357 = arith.constant 10 : i32
    %dma_start3A_358 = arith.constant 0 : i32
    %dma_start3A_359 = tpu.memref_slice %arg11[%dma_start3A_357, %dma_start3A_358] : memref<20x512xi32, #tpu.memory_space<vmem>> -> memref<1x512xi32, #tpu.memory_space<vmem>>
    %dma_start3A_360 = tpu.memref_squeeze %dma_start3A_359 : memref<1x512xi32, #tpu.memory_space<vmem>> -> memref<512xi32, #tpu.memory_space<vmem>>
    %dma_start3A_361 = arith.constant 0 : i32
    %dma_start3A_362 = arith.constant 0 : i32
    %dma_start3A_363 = tpu.memref_slice %arg18[%dma_start3A_361, %dma_start3A_362] : memref<10240x16xf32, #tpu.memory_space<vmem_shared>> -> memref<10240x16xf32, #tpu.memory_space<vmem_shared>>
    tpu.enqueue_indirect_dma source(%dma_start3A_363 : memref<10240x16xf32, #tpu.memory_space<vmem_shared>>) target(%arg22 : memref<512x16xf32, #tpu.memory_space<vmem>>) offsets(%dma_start3A_360 : memref<512xi32, #tpu.memory_space<vmem>>) semaphore(%arg26 : memref<!tpu.dma_semaphore, #tpu.memory_space<semaphore_mem>>)
    %dma_wait3A_364 = arith.constant 0 : i32
    %dma_wait3A_365 = arith.constant 0 : i32
    %dma_wait3A_366 = tpu.memref_slice %arg12[%dma_wait3A_364, %dma_wait3A_365] : memref<20x512xi32, #tpu.memory_space<vmem>> -> memref<1x512xi32, #tpu.memory_space<vmem>>
    %dma_wait3A_367 = tpu.memref_squeeze %dma_wait3A_366 : memref<1x512xi32, #tpu.memory_space<vmem>> -> memref<512xi32, #tpu.memory_space<vmem>>
    %dma_wait3A_368 = arith.constant 0 : i32
    %dma_wait3A_369 = arith.constant 0 : i32
    %dma_wait3A_370 = tpu.memref_slice %arg17[%dma_wait3A_368, %dma_wait3A_369] : memref<10240x16xf32, #tpu.memory_space<vmem_shared>> -> memref<10240x16xf32, #tpu.memory_space<vmem_shared>>
    tpu.wait_indirect_dma semaphore(%arg31 : memref<!tpu.dma_semaphore, #tpu.memory_space<semaphore_mem>>) src(%arg23 : memref<512x16xf32, #tpu.memory_space<vmem>>) dst(%dma_wait3A_370 : memref<10240x16xf32, #tpu.memory_space<vmem_shared>>)
    %dma_start3A_371 = arith.constant 11 : i32
    %dma_start3A_372 = arith.constant 0 : i32
    %dma_start3A_373 = tpu.memref_slice %arg11[%dma_start3A_371, %dma_start3A_372] : memref<20x512xi32, #tpu.memory_space<vmem>> -> memref<1x512xi32, #tpu.memory_space<vmem>>
    %dma_start3A_374 = tpu.memref_squeeze %dma_start3A_373 : memref<1x512xi32, #tpu.memory_space<vmem>> -> memref<512xi32, #tpu.memory_space<vmem>>
    %dma_start3A_375 = arith.constant 0 : i32
    %dma_start3A_376 = arith.constant 0 : i32
    %dma_start3A_377 = tpu.memref_slice %arg18[%dma_start3A_375, %dma_start3A_376] : memref<10240x16xf32, #tpu.memory_space<vmem_shared>> -> memref<10240x16xf32, #tpu.memory_space<vmem_shared>>
    tpu.enqueue_indirect_dma source(%dma_start3A_377 : memref<10240x16xf32, #tpu.memory_space<vmem_shared>>) target(%arg23 : memref<512x16xf32, #tpu.memory_space<vmem>>) offsets(%dma_start3A_374 : memref<512xi32, #tpu.memory_space<vmem>>) semaphore(%arg27 : memref<!tpu.dma_semaphore, #tpu.memory_space<semaphore_mem>>)
    %dma_wait3A_378 = arith.constant 0 : i32
    %dma_wait3A_379 = arith.constant 0 : i32
    %dma_wait3A_380 = tpu.memref_slice %arg11[%dma_wait3A_378, %dma_wait3A_379] : memref<20x512xi32, #tpu.memory_space<vmem>> -> memref<1x512xi32, #tpu.memory_space<vmem>>
    %dma_wait3A_381 = tpu.memref_squeeze %dma_wait3A_380 : memref<1x512xi32, #tpu.memory_space<vmem>> -> memref<512xi32, #tpu.memory_space<vmem>>
    %dma_wait3A_382 = arith.constant 0 : i32
    %dma_wait3A_383 = arith.constant 0 : i32
    %dma_wait3A_384 = tpu.memref_slice %arg18[%dma_wait3A_382, %dma_wait3A_383] : memref<10240x16xf32, #tpu.memory_space<vmem_shared>> -> memref<10240x16xf32, #tpu.memory_space<vmem_shared>>
    tpu.wait_indirect_dma semaphore(%arg26 : memref<!tpu.dma_semaphore, #tpu.memory_space<semaphore_mem>>) src(%dma_wait3A_384 : memref<10240x16xf32, #tpu.memory_space<vmem_shared>>) dst(%arg22 : memref<512x16xf32, #tpu.memory_space<vmem>>)
    %dma_wait3A_385 = arith.constant 0 : i32
    %dma_wait3A_386 = arith.constant 0 : i32
    %dma_wait3A_387 = tpu.memref_slice %arg11[%dma_wait3A_385, %dma_wait3A_386] : memref<20x512xi32, #tpu.memory_space<vmem>> -> memref<1x512xi32, #tpu.memory_space<vmem>>
    %dma_wait3A_388 = tpu.memref_squeeze %dma_wait3A_387 : memref<1x512xi32, #tpu.memory_space<vmem>> -> memref<512xi32, #tpu.memory_space<vmem>>
    %dma_wait3A_389 = arith.constant 0 : i32
    %dma_wait3A_390 = arith.constant 0 : i32
    %dma_wait3A_391 = tpu.memref_slice %arg18[%dma_wait3A_389, %dma_wait3A_390] : memref<10240x16xf32, #tpu.memory_space<vmem_shared>> -> memref<10240x16xf32, #tpu.memory_space<vmem_shared>>
    tpu.wait_indirect_dma semaphore(%arg27 : memref<!tpu.dma_semaphore, #tpu.memory_space<semaphore_mem>>) src(%dma_wait3A_391 : memref<10240x16xf32, #tpu.memory_space<vmem_shared>>) dst(%arg23 : memref<512x16xf32, #tpu.memory_space<vmem>>)
    %dma_start3A_392 = arith.constant 10 : i32
    %dma_start3A_393 = arith.constant 0 : i32
    %dma_start3A_394 = tpu.memref_slice %arg12[%dma_start3A_392, %dma_start3A_393] : memref<20x512xi32, #tpu.memory_space<vmem>> -> memref<1x512xi32, #tpu.memory_space<vmem>>
    %dma_start3A_395 = tpu.memref_squeeze %dma_start3A_394 : memref<1x512xi32, #tpu.memory_space<vmem>> -> memref<512xi32, #tpu.memory_space<vmem>>
    %dma_start3A_396 = arith.constant 0 : i32
    %dma_start3A_397 = arith.constant 0 : i32
    %dma_start3A_398 = tpu.memref_slice %arg17[%dma_start3A_396, %dma_start3A_397] : memref<10240x16xf32, #tpu.memory_space<vmem_shared>> -> memref<10240x16xf32, #tpu.memory_space<vmem_shared>>
    tpu.enqueue_indirect_dma source(%arg22 : memref<512x16xf32, #tpu.memory_space<vmem>>) target(%dma_start3A_398 : memref<10240x16xf32, #tpu.memory_space<vmem_shared>>) offsets(%dma_start3A_395 : memref<512xi32, #tpu.memory_space<vmem>>) semaphore(%arg30 : memref<!tpu.dma_semaphore, #tpu.memory_space<semaphore_mem>>) {add = true}
    %dma_start3A_399 = arith.constant 11 : i32
    %dma_start3A_400 = arith.constant 0 : i32
    %dma_start3A_401 = tpu.memref_slice %arg12[%dma_start3A_399, %dma_start3A_400] : memref<20x512xi32, #tpu.memory_space<vmem>> -> memref<1x512xi32, #tpu.memory_space<vmem>>
    %dma_start3A_402 = tpu.memref_squeeze %dma_start3A_401 : memref<1x512xi32, #tpu.memory_space<vmem>> -> memref<512xi32, #tpu.memory_space<vmem>>
    %dma_start3A_403 = arith.constant 0 : i32
    %dma_start3A_404 = arith.constant 0 : i32
    %dma_start3A_405 = tpu.memref_slice %arg17[%dma_start3A_403, %dma_start3A_404] : memref<10240x16xf32, #tpu.memory_space<vmem_shared>> -> memref<10240x16xf32, #tpu.memory_space<vmem_shared>>
    tpu.enqueue_indirect_dma source(%arg23 : memref<512x16xf32, #tpu.memory_space<vmem>>) target(%dma_start3A_405 : memref<10240x16xf32, #tpu.memory_space<vmem_shared>>) offsets(%dma_start3A_402 : memref<512xi32, #tpu.memory_space<vmem>>) semaphore(%arg31 : memref<!tpu.dma_semaphore, #tpu.memory_space<semaphore_mem>>) {add = true}
    %dma_wait3A_406 = arith.constant 0 : i32
    %dma_wait3A_407 = arith.constant 0 : i32
    %dma_wait3A_408 = tpu.memref_slice %arg12[%dma_wait3A_406, %dma_wait3A_407] : memref<20x512xi32, #tpu.memory_space<vmem>> -> memref<1x512xi32, #tpu.memory_space<vmem>>
    %dma_wait3A_409 = tpu.memref_squeeze %dma_wait3A_408 : memref<1x512xi32, #tpu.memory_space<vmem>> -> memref<512xi32, #tpu.memory_space<vmem>>
    %dma_wait3A_410 = arith.constant 0 : i32
    %dma_wait3A_411 = arith.constant 0 : i32
    %dma_wait3A_412 = tpu.memref_slice %arg17[%dma_wait3A_410, %dma_wait3A_411] : memref<10240x16xf32, #tpu.memory_space<vmem_shared>> -> memref<10240x16xf32, #tpu.memory_space<vmem_shared>>
    tpu.wait_indirect_dma semaphore(%arg28 : memref<!tpu.dma_semaphore, #tpu.memory_space<semaphore_mem>>) src(%arg20 : memref<512x16xf32, #tpu.memory_space<vmem>>) dst(%dma_wait3A_412 : memref<10240x16xf32, #tpu.memory_space<vmem_shared>>)
    %dma_start3A_413 = arith.constant 12 : i32
    %dma_start3A_414 = arith.constant 0 : i32
    %dma_start3A_415 = tpu.memref_slice %arg11[%dma_start3A_413, %dma_start3A_414] : memref<20x512xi32, #tpu.memory_space<vmem>> -> memref<1x512xi32, #tpu.memory_space<vmem>>
    %dma_start3A_416 = tpu.memref_squeeze %dma_start3A_415 : memref<1x512xi32, #tpu.memory_space<vmem>> -> memref<512xi32, #tpu.memory_space<vmem>>
    %dma_start3A_417 = arith.constant 0 : i32
    %dma_start3A_418 = arith.constant 0 : i32
    %dma_start3A_419 = tpu.memref_slice %arg18[%dma_start3A_417, %dma_start3A_418] : memref<10240x16xf32, #tpu.memory_space<vmem_shared>> -> memref<10240x16xf32, #tpu.memory_space<vmem_shared>>
    tpu.enqueue_indirect_dma source(%dma_start3A_419 : memref<10240x16xf32, #tpu.memory_space<vmem_shared>>) target(%arg20 : memref<512x16xf32, #tpu.memory_space<vmem>>) offsets(%dma_start3A_416 : memref<512xi32, #tpu.memory_space<vmem>>) semaphore(%arg24 : memref<!tpu.dma_semaphore, #tpu.memory_space<semaphore_mem>>)
    %dma_wait3A_420 = arith.constant 0 : i32
    %dma_wait3A_421 = arith.constant 0 : i32
    %dma_wait3A_422 = tpu.memref_slice %arg12[%dma_wait3A_420, %dma_wait3A_421] : memref<20x512xi32, #tpu.memory_space<vmem>> -> memref<1x512xi32, #tpu.memory_space<vmem>>
    %dma_wait3A_423 = tpu.memref_squeeze %dma_wait3A_422 : memref<1x512xi32, #tpu.memory_space<vmem>> -> memref<512xi32, #tpu.memory_space<vmem>>
    %dma_wait3A_424 = arith.constant 0 : i32
    %dma_wait3A_425 = arith.constant 0 : i32
    %dma_wait3A_426 = tpu.memref_slice %arg17[%dma_wait3A_424, %dma_wait3A_425] : memref<10240x16xf32, #tpu.memory_space<vmem_shared>> -> memref<10240x16xf32, #tpu.memory_space<vmem_shared>>
    tpu.wait_indirect_dma semaphore(%arg29 : memref<!tpu.dma_semaphore, #tpu.memory_space<semaphore_mem>>) src(%arg21 : memref<512x16xf32, #tpu.memory_space<vmem>>) dst(%dma_wait3A_426 : memref<10240x16xf32, #tpu.memory_space<vmem_shared>>)
    %dma_start3A_427 = arith.constant 13 : i32
    %dma_start3A_428 = arith.constant 0 : i32
    %dma_start3A_429 = tpu.memref_slice %arg11[%dma_start3A_427, %dma_start3A_428] : memref<20x512xi32, #tpu.memory_space<vmem>> -> memref<1x512xi32, #tpu.memory_space<vmem>>
    %dma_start3A_430 = tpu.memref_squeeze %dma_start3A_429 : memref<1x512xi32, #tpu.memory_space<vmem>> -> memref<512xi32, #tpu.memory_space<vmem>>
    %dma_start3A_431 = arith.constant 0 : i32
    %dma_start3A_432 = arith.constant 0 : i32
    %dma_start3A_433 = tpu.memref_slice %arg18[%dma_start3A_431, %dma_start3A_432] : memref<10240x16xf32, #tpu.memory_space<vmem_shared>> -> memref<10240x16xf32, #tpu.memory_space<vmem_shared>>
    tpu.enqueue_indirect_dma source(%dma_start3A_433 : memref<10240x16xf32, #tpu.memory_space<vmem_shared>>) target(%arg21 : memref<512x16xf32, #tpu.memory_space<vmem>>) offsets(%dma_start3A_430 : memref<512xi32, #tpu.memory_space<vmem>>) semaphore(%arg25 : memref<!tpu.dma_semaphore, #tpu.memory_space<semaphore_mem>>)
    %dma_wait3A_434 = arith.constant 0 : i32
    %dma_wait3A_435 = arith.constant 0 : i32
    %dma_wait3A_436 = tpu.memref_slice %arg11[%dma_wait3A_434, %dma_wait3A_435] : memref<20x512xi32, #tpu.memory_space<vmem>> -> memref<1x512xi32, #tpu.memory_space<vmem>>
    %dma_wait3A_437 = tpu.memref_squeeze %dma_wait3A_436 : memref<1x512xi32, #tpu.memory_space<vmem>> -> memref<512xi32, #tpu.memory_space<vmem>>
    %dma_wait3A_438 = arith.constant 0 : i32
    %dma_wait3A_439 = arith.constant 0 : i32
    %dma_wait3A_440 = tpu.memref_slice %arg18[%dma_wait3A_438, %dma_wait3A_439] : memref<10240x16xf32, #tpu.memory_space<vmem_shared>> -> memref<10240x16xf32, #tpu.memory_space<vmem_shared>>
    tpu.wait_indirect_dma semaphore(%arg24 : memref<!tpu.dma_semaphore, #tpu.memory_space<semaphore_mem>>) src(%dma_wait3A_440 : memref<10240x16xf32, #tpu.memory_space<vmem_shared>>) dst(%arg20 : memref<512x16xf32, #tpu.memory_space<vmem>>)
    %dma_wait3A_441 = arith.constant 0 : i32
    %dma_wait3A_442 = arith.constant 0 : i32
    %dma_wait3A_443 = tpu.memref_slice %arg11[%dma_wait3A_441, %dma_wait3A_442] : memref<20x512xi32, #tpu.memory_space<vmem>> -> memref<1x512xi32, #tpu.memory_space<vmem>>
    %dma_wait3A_444 = tpu.memref_squeeze %dma_wait3A_443 : memref<1x512xi32, #tpu.memory_space<vmem>> -> memref<512xi32, #tpu.memory_space<vmem>>
    %dma_wait3A_445 = arith.constant 0 : i32
    %dma_wait3A_446 = arith.constant 0 : i32
    %dma_wait3A_447 = tpu.memref_slice %arg18[%dma_wait3A_445, %dma_wait3A_446] : memref<10240x16xf32, #tpu.memory_space<vmem_shared>> -> memref<10240x16xf32, #tpu.memory_space<vmem_shared>>
    tpu.wait_indirect_dma semaphore(%arg25 : memref<!tpu.dma_semaphore, #tpu.memory_space<semaphore_mem>>) src(%dma_wait3A_447 : memref<10240x16xf32, #tpu.memory_space<vmem_shared>>) dst(%arg21 : memref<512x16xf32, #tpu.memory_space<vmem>>)
    %dma_start3A_448 = arith.constant 12 : i32
    %dma_start3A_449 = arith.constant 0 : i32
    %dma_start3A_450 = tpu.memref_slice %arg12[%dma_start3A_448, %dma_start3A_449] : memref<20x512xi32, #tpu.memory_space<vmem>> -> memref<1x512xi32, #tpu.memory_space<vmem>>
    %dma_start3A_451 = tpu.memref_squeeze %dma_start3A_450 : memref<1x512xi32, #tpu.memory_space<vmem>> -> memref<512xi32, #tpu.memory_space<vmem>>
    %dma_start3A_452 = arith.constant 0 : i32
    %dma_start3A_453 = arith.constant 0 : i32
    %dma_start3A_454 = tpu.memref_slice %arg17[%dma_start3A_452, %dma_start3A_453] : memref<10240x16xf32, #tpu.memory_space<vmem_shared>> -> memref<10240x16xf32, #tpu.memory_space<vmem_shared>>
    tpu.enqueue_indirect_dma source(%arg20 : memref<512x16xf32, #tpu.memory_space<vmem>>) target(%dma_start3A_454 : memref<10240x16xf32, #tpu.memory_space<vmem_shared>>) offsets(%dma_start3A_451 : memref<512xi32, #tpu.memory_space<vmem>>) semaphore(%arg28 : memref<!tpu.dma_semaphore, #tpu.memory_space<semaphore_mem>>) {add = true}
    %dma_start3A_455 = arith.constant 13 : i32
    %dma_start3A_456 = arith.constant 0 : i32
    %dma_start3A_457 = tpu.memref_slice %arg12[%dma_start3A_455, %dma_start3A_456] : memref<20x512xi32, #tpu.memory_space<vmem>> -> memref<1x512xi32, #tpu.memory_space<vmem>>
    %dma_start3A_458 = tpu.memref_squeeze %dma_start3A_457 : memref<1x512xi32, #tpu.memory_space<vmem>> -> memref<512xi32, #tpu.memory_space<vmem>>
    %dma_start3A_459 = arith.constant 0 : i32
    %dma_start3A_460 = arith.constant 0 : i32
    %dma_start3A_461 = tpu.memref_slice %arg17[%dma_start3A_459, %dma_start3A_460] : memref<10240x16xf32, #tpu.memory_space<vmem_shared>> -> memref<10240x16xf32, #tpu.memory_space<vmem_shared>>
    tpu.enqueue_indirect_dma source(%arg21 : memref<512x16xf32, #tpu.memory_space<vmem>>) target(%dma_start3A_461 : memref<10240x16xf32, #tpu.memory_space<vmem_shared>>) offsets(%dma_start3A_458 : memref<512xi32, #tpu.memory_space<vmem>>) semaphore(%arg29 : memref<!tpu.dma_semaphore, #tpu.memory_space<semaphore_mem>>) {add = true}
    %dma_wait3A_462 = arith.constant 0 : i32
    %dma_wait3A_463 = arith.constant 0 : i32
    %dma_wait3A_464 = tpu.memref_slice %arg12[%dma_wait3A_462, %dma_wait3A_463] : memref<20x512xi32, #tpu.memory_space<vmem>> -> memref<1x512xi32, #tpu.memory_space<vmem>>
    %dma_wait3A_465 = tpu.memref_squeeze %dma_wait3A_464 : memref<1x512xi32, #tpu.memory_space<vmem>> -> memref<512xi32, #tpu.memory_space<vmem>>
    %dma_wait3A_466 = arith.constant 0 : i32
    %dma_wait3A_467 = arith.constant 0 : i32
    %dma_wait3A_468 = tpu.memref_slice %arg17[%dma_wait3A_466, %dma_wait3A_467] : memref<10240x16xf32, #tpu.memory_space<vmem_shared>> -> memref<10240x16xf32, #tpu.memory_space<vmem_shared>>
    tpu.wait_indirect_dma semaphore(%arg30 : memref<!tpu.dma_semaphore, #tpu.memory_space<semaphore_mem>>) src(%arg22 : memref<512x16xf32, #tpu.memory_space<vmem>>) dst(%dma_wait3A_468 : memref<10240x16xf32, #tpu.memory_space<vmem_shared>>)
    %dma_start3A_469 = arith.constant 14 : i32
    %dma_start3A_470 = arith.constant 0 : i32
    %dma_start3A_471 = tpu.memref_slice %arg11[%dma_start3A_469, %dma_start3A_470] : memref<20x512xi32, #tpu.memory_space<vmem>> -> memref<1x512xi32, #tpu.memory_space<vmem>>
    %dma_start3A_472 = tpu.memref_squeeze %dma_start3A_471 : memref<1x512xi32, #tpu.memory_space<vmem>> -> memref<512xi32, #tpu.memory_space<vmem>>
    %dma_start3A_473 = arith.constant 0 : i32
    %dma_start3A_474 = arith.constant 0 : i32
    %dma_start3A_475 = tpu.memref_slice %arg18[%dma_start3A_473, %dma_start3A_474] : memref<10240x16xf32, #tpu.memory_space<vmem_shared>> -> memref<10240x16xf32, #tpu.memory_space<vmem_shared>>
    tpu.enqueue_indirect_dma source(%dma_start3A_475 : memref<10240x16xf32, #tpu.memory_space<vmem_shared>>) target(%arg22 : memref<512x16xf32, #tpu.memory_space<vmem>>) offsets(%dma_start3A_472 : memref<512xi32, #tpu.memory_space<vmem>>) semaphore(%arg26 : memref<!tpu.dma_semaphore, #tpu.memory_space<semaphore_mem>>)
    %dma_wait3A_476 = arith.constant 0 : i32
    %dma_wait3A_477 = arith.constant 0 : i32
    %dma_wait3A_478 = tpu.memref_slice %arg12[%dma_wait3A_476, %dma_wait3A_477] : memref<20x512xi32, #tpu.memory_space<vmem>> -> memref<1x512xi32, #tpu.memory_space<vmem>>
    %dma_wait3A_479 = tpu.memref_squeeze %dma_wait3A_478 : memref<1x512xi32, #tpu.memory_space<vmem>> -> memref<512xi32, #tpu.memory_space<vmem>>
    %dma_wait3A_480 = arith.constant 0 : i32
    %dma_wait3A_481 = arith.constant 0 : i32
    %dma_wait3A_482 = tpu.memref_slice %arg17[%dma_wait3A_480, %dma_wait3A_481] : memref<10240x16xf32, #tpu.memory_space<vmem_shared>> -> memref<10240x16xf32, #tpu.memory_space<vmem_shared>>
    tpu.wait_indirect_dma semaphore(%arg31 : memref<!tpu.dma_semaphore, #tpu.memory_space<semaphore_mem>>) src(%arg23 : memref<512x16xf32, #tpu.memory_space<vmem>>) dst(%dma_wait3A_482 : memref<10240x16xf32, #tpu.memory_space<vmem_shared>>)
    %dma_start3A_483 = arith.constant 15 : i32
    %dma_start3A_484 = arith.constant 0 : i32
    %dma_start3A_485 = tpu.memref_slice %arg11[%dma_start3A_483, %dma_start3A_484] : memref<20x512xi32, #tpu.memory_space<vmem>> -> memref<1x512xi32, #tpu.memory_space<vmem>>
    %dma_start3A_486 = tpu.memref_squeeze %dma_start3A_485 : memref<1x512xi32, #tpu.memory_space<vmem>> -> memref<512xi32, #tpu.memory_space<vmem>>
    %dma_start3A_487 = arith.constant 0 : i32
    %dma_start3A_488 = arith.constant 0 : i32
    %dma_start3A_489 = tpu.memref_slice %arg18[%dma_start3A_487, %dma_start3A_488] : memref<10240x16xf32, #tpu.memory_space<vmem_shared>> -> memref<10240x16xf32, #tpu.memory_space<vmem_shared>>
    tpu.enqueue_indirect_dma source(%dma_start3A_489 : memref<10240x16xf32, #tpu.memory_space<vmem_shared>>) target(%arg23 : memref<512x16xf32, #tpu.memory_space<vmem>>) offsets(%dma_start3A_486 : memref<512xi32, #tpu.memory_space<vmem>>) semaphore(%arg27 : memref<!tpu.dma_semaphore, #tpu.memory_space<semaphore_mem>>)
    %dma_wait3A_490 = arith.constant 0 : i32
    %dma_wait3A_491 = arith.constant 0 : i32
    %dma_wait3A_492 = tpu.memref_slice %arg11[%dma_wait3A_490, %dma_wait3A_491] : memref<20x512xi32, #tpu.memory_space<vmem>> -> memref<1x512xi32, #tpu.memory_space<vmem>>
    %dma_wait3A_493 = tpu.memref_squeeze %dma_wait3A_492 : memref<1x512xi32, #tpu.memory_space<vmem>> -> memref<512xi32, #tpu.memory_space<vmem>>
    %dma_wait3A_494 = arith.constant 0 : i32
    %dma_wait3A_495 = arith.constant 0 : i32
    %dma_wait3A_496 = tpu.memref_slice %arg18[%dma_wait3A_494, %dma_wait3A_495] : memref<10240x16xf32, #tpu.memory_space<vmem_shared>> -> memref<10240x16xf32, #tpu.memory_space<vmem_shared>>
    tpu.wait_indirect_dma semaphore(%arg26 : memref<!tpu.dma_semaphore, #tpu.memory_space<semaphore_mem>>) src(%dma_wait3A_496 : memref<10240x16xf32, #tpu.memory_space<vmem_shared>>) dst(%arg22 : memref<512x16xf32, #tpu.memory_space<vmem>>)
    %dma_wait3A_497 = arith.constant 0 : i32
    %dma_wait3A_498 = arith.constant 0 : i32
    %dma_wait3A_499 = tpu.memref_slice %arg11[%dma_wait3A_497, %dma_wait3A_498] : memref<20x512xi32, #tpu.memory_space<vmem>> -> memref<1x512xi32, #tpu.memory_space<vmem>>
    %dma_wait3A_500 = tpu.memref_squeeze %dma_wait3A_499 : memref<1x512xi32, #tpu.memory_space<vmem>> -> memref<512xi32, #tpu.memory_space<vmem>>
    %dma_wait3A_501 = arith.constant 0 : i32
    %dma_wait3A_502 = arith.constant 0 : i32
    %dma_wait3A_503 = tpu.memref_slice %arg18[%dma_wait3A_501, %dma_wait3A_502] : memref<10240x16xf32, #tpu.memory_space<vmem_shared>> -> memref<10240x16xf32, #tpu.memory_space<vmem_shared>>
    tpu.wait_indirect_dma semaphore(%arg27 : memref<!tpu.dma_semaphore, #tpu.memory_space<semaphore_mem>>) src(%dma_wait3A_503 : memref<10240x16xf32, #tpu.memory_space<vmem_shared>>) dst(%arg23 : memref<512x16xf32, #tpu.memory_space<vmem>>)
    %dma_start3A_504 = arith.constant 14 : i32
    %dma_start3A_505 = arith.constant 0 : i32
    %dma_start3A_506 = tpu.memref_slice %arg12[%dma_start3A_504, %dma_start3A_505] : memref<20x512xi32, #tpu.memory_space<vmem>> -> memref<1x512xi32, #tpu.memory_space<vmem>>
    %dma_start3A_507 = tpu.memref_squeeze %dma_start3A_506 : memref<1x512xi32, #tpu.memory_space<vmem>> -> memref<512xi32, #tpu.memory_space<vmem>>
    %dma_start3A_508 = arith.constant 0 : i32
    %dma_start3A_509 = arith.constant 0 : i32
    %dma_start3A_510 = tpu.memref_slice %arg17[%dma_start3A_508, %dma_start3A_509] : memref<10240x16xf32, #tpu.memory_space<vmem_shared>> -> memref<10240x16xf32, #tpu.memory_space<vmem_shared>>
    tpu.enqueue_indirect_dma source(%arg22 : memref<512x16xf32, #tpu.memory_space<vmem>>) target(%dma_start3A_510 : memref<10240x16xf32, #tpu.memory_space<vmem_shared>>) offsets(%dma_start3A_507 : memref<512xi32, #tpu.memory_space<vmem>>) semaphore(%arg30 : memref<!tpu.dma_semaphore, #tpu.memory_space<semaphore_mem>>) {add = true}
    %dma_start3A_511 = arith.constant 15 : i32
    %dma_start3A_512 = arith.constant 0 : i32
    %dma_start3A_513 = tpu.memref_slice %arg12[%dma_start3A_511, %dma_start3A_512] : memref<20x512xi32, #tpu.memory_space<vmem>> -> memref<1x512xi32, #tpu.memory_space<vmem>>
    %dma_start3A_514 = tpu.memref_squeeze %dma_start3A_513 : memref<1x512xi32, #tpu.memory_space<vmem>> -> memref<512xi32, #tpu.memory_space<vmem>>
    %dma_start3A_515 = arith.constant 0 : i32
    %dma_start3A_516 = arith.constant 0 : i32
    %dma_start3A_517 = tpu.memref_slice %arg17[%dma_start3A_515, %dma_start3A_516] : memref<10240x16xf32, #tpu.memory_space<vmem_shared>> -> memref<10240x16xf32, #tpu.memory_space<vmem_shared>>
    tpu.enqueue_indirect_dma source(%arg23 : memref<512x16xf32, #tpu.memory_space<vmem>>) target(%dma_start3A_517 : memref<10240x16xf32, #tpu.memory_space<vmem_shared>>) offsets(%dma_start3A_514 : memref<512xi32, #tpu.memory_space<vmem>>) semaphore(%arg31 : memref<!tpu.dma_semaphore, #tpu.memory_space<semaphore_mem>>) {add = true}
    %dma_wait3A_518 = arith.constant 0 : i32
    %dma_wait3A_519 = arith.constant 0 : i32
    %dma_wait3A_520 = tpu.memref_slice %arg12[%dma_wait3A_518, %dma_wait3A_519] : memref<20x512xi32, #tpu.memory_space<vmem>> -> memref<1x512xi32, #tpu.memory_space<vmem>>
    %dma_wait3A_521 = tpu.memref_squeeze %dma_wait3A_520 : memref<1x512xi32, #tpu.memory_space<vmem>> -> memref<512xi32, #tpu.memory_space<vmem>>
    %dma_wait3A_522 = arith.constant 0 : i32
    %dma_wait3A_523 = arith.constant 0 : i32
    %dma_wait3A_524 = tpu.memref_slice %arg17[%dma_wait3A_522, %dma_wait3A_523] : memref<10240x16xf32, #tpu.memory_space<vmem_shared>> -> memref<10240x16xf32, #tpu.memory_space<vmem_shared>>
    tpu.wait_indirect_dma semaphore(%arg28 : memref<!tpu.dma_semaphore, #tpu.memory_space<semaphore_mem>>) src(%arg20 : memref<512x16xf32, #tpu.memory_space<vmem>>) dst(%dma_wait3A_524 : memref<10240x16xf32, #tpu.memory_space<vmem_shared>>)
    %dma_start3A_525 = arith.constant 16 : i32
    %dma_start3A_526 = arith.constant 0 : i32
    %dma_start3A_527 = tpu.memref_slice %arg11[%dma_start3A_525, %dma_start3A_526] : memref<20x512xi32, #tpu.memory_space<vmem>> -> memref<1x512xi32, #tpu.memory_space<vmem>>
    %dma_start3A_528 = tpu.memref_squeeze %dma_start3A_527 : memref<1x512xi32, #tpu.memory_space<vmem>> -> memref<512xi32, #tpu.memory_space<vmem>>
    %dma_start3A_529 = arith.constant 0 : i32
    %dma_start3A_530 = arith.constant 0 : i32
    %dma_start3A_531 = tpu.memref_slice %arg18[%dma_start3A_529, %dma_start3A_530] : memref<10240x16xf32, #tpu.memory_space<vmem_shared>> -> memref<10240x16xf32, #tpu.memory_space<vmem_shared>>
    tpu.enqueue_indirect_dma source(%dma_start3A_531 : memref<10240x16xf32, #tpu.memory_space<vmem_shared>>) target(%arg20 : memref<512x16xf32, #tpu.memory_space<vmem>>) offsets(%dma_start3A_528 : memref<512xi32, #tpu.memory_space<vmem>>) semaphore(%arg24 : memref<!tpu.dma_semaphore, #tpu.memory_space<semaphore_mem>>)
    %dma_wait3A_532 = arith.constant 0 : i32
    %dma_wait3A_533 = arith.constant 0 : i32
    %dma_wait3A_534 = tpu.memref_slice %arg12[%dma_wait3A_532, %dma_wait3A_533] : memref<20x512xi32, #tpu.memory_space<vmem>> -> memref<1x512xi32, #tpu.memory_space<vmem>>
    %dma_wait3A_535 = tpu.memref_squeeze %dma_wait3A_534 : memref<1x512xi32, #tpu.memory_space<vmem>> -> memref<512xi32, #tpu.memory_space<vmem>>
    %dma_wait3A_536 = arith.constant 0 : i32
    %dma_wait3A_537 = arith.constant 0 : i32
    %dma_wait3A_538 = tpu.memref_slice %arg17[%dma_wait3A_536, %dma_wait3A_537] : memref<10240x16xf32, #tpu.memory_space<vmem_shared>> -> memref<10240x16xf32, #tpu.memory_space<vmem_shared>>
    tpu.wait_indirect_dma semaphore(%arg29 : memref<!tpu.dma_semaphore, #tpu.memory_space<semaphore_mem>>) src(%arg21 : memref<512x16xf32, #tpu.memory_space<vmem>>) dst(%dma_wait3A_538 : memref<10240x16xf32, #tpu.memory_space<vmem_shared>>)
    %dma_start3A_539 = arith.constant 17 : i32
    %dma_start3A_540 = arith.constant 0 : i32
    %dma_start3A_541 = tpu.memref_slice %arg11[%dma_start3A_539, %dma_start3A_540] : memref<20x512xi32, #tpu.memory_space<vmem>> -> memref<1x512xi32, #tpu.memory_space<vmem>>
    %dma_start3A_542 = tpu.memref_squeeze %dma_start3A_541 : memref<1x512xi32, #tpu.memory_space<vmem>> -> memref<512xi32, #tpu.memory_space<vmem>>
    %dma_start3A_543 = arith.constant 0 : i32
    %dma_start3A_544 = arith.constant 0 : i32
    %dma_start3A_545 = tpu.memref_slice %arg18[%dma_start3A_543, %dma_start3A_544] : memref<10240x16xf32, #tpu.memory_space<vmem_shared>> -> memref<10240x16xf32, #tpu.memory_space<vmem_shared>>
    tpu.enqueue_indirect_dma source(%dma_start3A_545 : memref<10240x16xf32, #tpu.memory_space<vmem_shared>>) target(%arg21 : memref<512x16xf32, #tpu.memory_space<vmem>>) offsets(%dma_start3A_542 : memref<512xi32, #tpu.memory_space<vmem>>) semaphore(%arg25 : memref<!tpu.dma_semaphore, #tpu.memory_space<semaphore_mem>>)
    %dma_wait3A_546 = arith.constant 0 : i32
    %dma_wait3A_547 = arith.constant 0 : i32
    %dma_wait3A_548 = tpu.memref_slice %arg11[%dma_wait3A_546, %dma_wait3A_547] : memref<20x512xi32, #tpu.memory_space<vmem>> -> memref<1x512xi32, #tpu.memory_space<vmem>>
    %dma_wait3A_549 = tpu.memref_squeeze %dma_wait3A_548 : memref<1x512xi32, #tpu.memory_space<vmem>> -> memref<512xi32, #tpu.memory_space<vmem>>
    %dma_wait3A_550 = arith.constant 0 : i32
    %dma_wait3A_551 = arith.constant 0 : i32
    %dma_wait3A_552 = tpu.memref_slice %arg18[%dma_wait3A_550, %dma_wait3A_551] : memref<10240x16xf32, #tpu.memory_space<vmem_shared>> -> memref<10240x16xf32, #tpu.memory_space<vmem_shared>>
    tpu.wait_indirect_dma semaphore(%arg24 : memref<!tpu.dma_semaphore, #tpu.memory_space<semaphore_mem>>) src(%dma_wait3A_552 : memref<10240x16xf32, #tpu.memory_space<vmem_shared>>) dst(%arg20 : memref<512x16xf32, #tpu.memory_space<vmem>>)
    %dma_wait3A_553 = arith.constant 0 : i32
    %dma_wait3A_554 = arith.constant 0 : i32
    %dma_wait3A_555 = tpu.memref_slice %arg11[%dma_wait3A_553, %dma_wait3A_554] : memref<20x512xi32, #tpu.memory_space<vmem>> -> memref<1x512xi32, #tpu.memory_space<vmem>>
    %dma_wait3A_556 = tpu.memref_squeeze %dma_wait3A_555 : memref<1x512xi32, #tpu.memory_space<vmem>> -> memref<512xi32, #tpu.memory_space<vmem>>
    %dma_wait3A_557 = arith.constant 0 : i32
    %dma_wait3A_558 = arith.constant 0 : i32
    %dma_wait3A_559 = tpu.memref_slice %arg18[%dma_wait3A_557, %dma_wait3A_558] : memref<10240x16xf32, #tpu.memory_space<vmem_shared>> -> memref<10240x16xf32, #tpu.memory_space<vmem_shared>>
    tpu.wait_indirect_dma semaphore(%arg25 : memref<!tpu.dma_semaphore, #tpu.memory_space<semaphore_mem>>) src(%dma_wait3A_559 : memref<10240x16xf32, #tpu.memory_space<vmem_shared>>) dst(%arg21 : memref<512x16xf32, #tpu.memory_space<vmem>>)
    %dma_start3A_560 = arith.constant 16 : i32
    %dma_start3A_561 = arith.constant 0 : i32
    %dma_start3A_562 = tpu.memref_slice %arg12[%dma_start3A_560, %dma_start3A_561] : memref<20x512xi32, #tpu.memory_space<vmem>> -> memref<1x512xi32, #tpu.memory_space<vmem>>
    %dma_start3A_563 = tpu.memref_squeeze %dma_start3A_562 : memref<1x512xi32, #tpu.memory_space<vmem>> -> memref<512xi32, #tpu.memory_space<vmem>>
    %dma_start3A_564 = arith.constant 0 : i32
    %dma_start3A_565 = arith.constant 0 : i32
    %dma_start3A_566 = tpu.memref_slice %arg17[%dma_start3A_564, %dma_start3A_565] : memref<10240x16xf32, #tpu.memory_space<vmem_shared>> -> memref<10240x16xf32, #tpu.memory_space<vmem_shared>>
    tpu.enqueue_indirect_dma source(%arg20 : memref<512x16xf32, #tpu.memory_space<vmem>>) target(%dma_start3A_566 : memref<10240x16xf32, #tpu.memory_space<vmem_shared>>) offsets(%dma_start3A_563 : memref<512xi32, #tpu.memory_space<vmem>>) semaphore(%arg28 : memref<!tpu.dma_semaphore, #tpu.memory_space<semaphore_mem>>) {add = true}
    %dma_start3A_567 = arith.constant 17 : i32
    %dma_start3A_568 = arith.constant 0 : i32
    %dma_start3A_569 = tpu.memref_slice %arg12[%dma_start3A_567, %dma_start3A_568] : memref<20x512xi32, #tpu.memory_space<vmem>> -> memref<1x512xi32, #tpu.memory_space<vmem>>
    %dma_start3A_570 = tpu.memref_squeeze %dma_start3A_569 : memref<1x512xi32, #tpu.memory_space<vmem>> -> memref<512xi32, #tpu.memory_space<vmem>>
    %dma_start3A_571 = arith.constant 0 : i32
    %dma_start3A_572 = arith.constant 0 : i32
    %dma_start3A_573 = tpu.memref_slice %arg17[%dma_start3A_571, %dma_start3A_572] : memref<10240x16xf32, #tpu.memory_space<vmem_shared>> -> memref<10240x16xf32, #tpu.memory_space<vmem_shared>>
    tpu.enqueue_indirect_dma source(%arg21 : memref<512x16xf32, #tpu.memory_space<vmem>>) target(%dma_start3A_573 : memref<10240x16xf32, #tpu.memory_space<vmem_shared>>) offsets(%dma_start3A_570 : memref<512xi32, #tpu.memory_space<vmem>>) semaphore(%arg29 : memref<!tpu.dma_semaphore, #tpu.memory_space<semaphore_mem>>) {add = true}
    %dma_wait3A_574 = arith.constant 0 : i32
    %dma_wait3A_575 = arith.constant 0 : i32
    %dma_wait3A_576 = tpu.memref_slice %arg12[%dma_wait3A_574, %dma_wait3A_575] : memref<20x512xi32, #tpu.memory_space<vmem>> -> memref<1x512xi32, #tpu.memory_space<vmem>>
    %dma_wait3A_577 = tpu.memref_squeeze %dma_wait3A_576 : memref<1x512xi32, #tpu.memory_space<vmem>> -> memref<512xi32, #tpu.memory_space<vmem>>
    %dma_wait3A_578 = arith.constant 0 : i32
    %dma_wait3A_579 = arith.constant 0 : i32
    %dma_wait3A_580 = tpu.memref_slice %arg17[%dma_wait3A_578, %dma_wait3A_579] : memref<10240x16xf32, #tpu.memory_space<vmem_shared>> -> memref<10240x16xf32, #tpu.memory_space<vmem_shared>>
    tpu.wait_indirect_dma semaphore(%arg30 : memref<!tpu.dma_semaphore, #tpu.memory_space<semaphore_mem>>) src(%arg22 : memref<512x16xf32, #tpu.memory_space<vmem>>) dst(%dma_wait3A_580 : memref<10240x16xf32, #tpu.memory_space<vmem_shared>>)
    %dma_start3A_581 = arith.constant 18 : i32
    %dma_start3A_582 = arith.constant 0 : i32
    %dma_start3A_583 = tpu.memref_slice %arg11[%dma_start3A_581, %dma_start3A_582] : memref<20x512xi32, #tpu.memory_space<vmem>> -> memref<1x512xi32, #tpu.memory_space<vmem>>
    %dma_start3A_584 = tpu.memref_squeeze %dma_start3A_583 : memref<1x512xi32, #tpu.memory_space<vmem>> -> memref<512xi32, #tpu.memory_space<vmem>>
    %dma_start3A_585 = arith.constant 0 : i32
    %dma_start3A_586 = arith.constant 0 : i32
    %dma_start3A_587 = tpu.memref_slice %arg18[%dma_start3A_585, %dma_start3A_586] : memref<10240x16xf32, #tpu.memory_space<vmem_shared>> -> memref<10240x16xf32, #tpu.memory_space<vmem_shared>>
    tpu.enqueue_indirect_dma source(%dma_start3A_587 : memref<10240x16xf32, #tpu.memory_space<vmem_shared>>) target(%arg22 : memref<512x16xf32, #tpu.memory_space<vmem>>) offsets(%dma_start3A_584 : memref<512xi32, #tpu.memory_space<vmem>>) semaphore(%arg26 : memref<!tpu.dma_semaphore, #tpu.memory_space<semaphore_mem>>)
    %dma_wait3A_588 = arith.constant 0 : i32
    %dma_wait3A_589 = arith.constant 0 : i32
    %dma_wait3A_590 = tpu.memref_slice %arg12[%dma_wait3A_588, %dma_wait3A_589] : memref<20x512xi32, #tpu.memory_space<vmem>> -> memref<1x512xi32, #tpu.memory_space<vmem>>
    %dma_wait3A_591 = tpu.memref_squeeze %dma_wait3A_590 : memref<1x512xi32, #tpu.memory_space<vmem>> -> memref<512xi32, #tpu.memory_space<vmem>>
    %dma_wait3A_592 = arith.constant 0 : i32
    %dma_wait3A_593 = arith.constant 0 : i32
    %dma_wait3A_594 = tpu.memref_slice %arg17[%dma_wait3A_592, %dma_wait3A_593] : memref<10240x16xf32, #tpu.memory_space<vmem_shared>> -> memref<10240x16xf32, #tpu.memory_space<vmem_shared>>
    tpu.wait_indirect_dma semaphore(%arg31 : memref<!tpu.dma_semaphore, #tpu.memory_space<semaphore_mem>>) src(%arg23 : memref<512x16xf32, #tpu.memory_space<vmem>>) dst(%dma_wait3A_594 : memref<10240x16xf32, #tpu.memory_space<vmem_shared>>)
    %dma_start3A_595 = arith.constant 19 : i32
    %dma_start3A_596 = arith.constant 0 : i32
    %dma_start3A_597 = tpu.memref_slice %arg11[%dma_start3A_595, %dma_start3A_596] : memref<20x512xi32, #tpu.memory_space<vmem>> -> memref<1x512xi32, #tpu.memory_space<vmem>>
    %dma_start3A_598 = tpu.memref_squeeze %dma_start3A_597 : memref<1x512xi32, #tpu.memory_space<vmem>> -> memref<512xi32, #tpu.memory_space<vmem>>
    %dma_start3A_599 = arith.constant 0 : i32
    %dma_start3A_600 = arith.constant 0 : i32
    %dma_start3A_601 = tpu.memref_slice %arg18[%dma_start3A_599, %dma_start3A_600] : memref<10240x16xf32, #tpu.memory_space<vmem_shared>> -> memref<10240x16xf32, #tpu.memory_space<vmem_shared>>
    tpu.enqueue_indirect_dma source(%dma_start3A_601 : memref<10240x16xf32, #tpu.memory_space<vmem_shared>>) target(%arg23 : memref<512x16xf32, #tpu.memory_space<vmem>>) offsets(%dma_start3A_598 : memref<512xi32, #tpu.memory_space<vmem>>) semaphore(%arg27 : memref<!tpu.dma_semaphore, #tpu.memory_space<semaphore_mem>>)
    %dma_wait3A_602 = arith.constant 0 : i32
    %dma_wait3A_603 = arith.constant 0 : i32
    %dma_wait3A_604 = tpu.memref_slice %arg11[%dma_wait3A_602, %dma_wait3A_603] : memref<20x512xi32, #tpu.memory_space<vmem>> -> memref<1x512xi32, #tpu.memory_space<vmem>>
    %dma_wait3A_605 = tpu.memref_squeeze %dma_wait3A_604 : memref<1x512xi32, #tpu.memory_space<vmem>> -> memref<512xi32, #tpu.memory_space<vmem>>
    %dma_wait3A_606 = arith.constant 0 : i32
    %dma_wait3A_607 = arith.constant 0 : i32
    %dma_wait3A_608 = tpu.memref_slice %arg18[%dma_wait3A_606, %dma_wait3A_607] : memref<10240x16xf32, #tpu.memory_space<vmem_shared>> -> memref<10240x16xf32, #tpu.memory_space<vmem_shared>>
    tpu.wait_indirect_dma semaphore(%arg26 : memref<!tpu.dma_semaphore, #tpu.memory_space<semaphore_mem>>) src(%dma_wait3A_608 : memref<10240x16xf32, #tpu.memory_space<vmem_shared>>) dst(%arg22 : memref<512x16xf32, #tpu.memory_space<vmem>>)
    %dma_wait3A_609 = arith.constant 0 : i32
    %dma_wait3A_610 = arith.constant 0 : i32
    %dma_wait3A_611 = tpu.memref_slice %arg11[%dma_wait3A_609, %dma_wait3A_610] : memref<20x512xi32, #tpu.memory_space<vmem>> -> memref<1x512xi32, #tpu.memory_space<vmem>>
    %dma_wait3A_612 = tpu.memref_squeeze %dma_wait3A_611 : memref<1x512xi32, #tpu.memory_space<vmem>> -> memref<512xi32, #tpu.memory_space<vmem>>
    %dma_wait3A_613 = arith.constant 0 : i32
    %dma_wait3A_614 = arith.constant 0 : i32
    %dma_wait3A_615 = tpu.memref_slice %arg18[%dma_wait3A_613, %dma_wait3A_614] : memref<10240x16xf32, #tpu.memory_space<vmem_shared>> -> memref<10240x16xf32, #tpu.memory_space<vmem_shared>>
    tpu.wait_indirect_dma semaphore(%arg27 : memref<!tpu.dma_semaphore, #tpu.memory_space<semaphore_mem>>) src(%dma_wait3A_615 : memref<10240x16xf32, #tpu.memory_space<vmem_shared>>) dst(%arg23 : memref<512x16xf32, #tpu.memory_space<vmem>>)
    %dma_start3A_616 = arith.constant 18 : i32
    %dma_start3A_617 = arith.constant 0 : i32
    %dma_start3A_618 = tpu.memref_slice %arg12[%dma_start3A_616, %dma_start3A_617] : memref<20x512xi32, #tpu.memory_space<vmem>> -> memref<1x512xi32, #tpu.memory_space<vmem>>
    %dma_start3A_619 = tpu.memref_squeeze %dma_start3A_618 : memref<1x512xi32, #tpu.memory_space<vmem>> -> memref<512xi32, #tpu.memory_space<vmem>>
    %dma_start3A_620 = arith.constant 0 : i32
    %dma_start3A_621 = arith.constant 0 : i32
    %dma_start3A_622 = tpu.memref_slice %arg17[%dma_start3A_620, %dma_start3A_621] : memref<10240x16xf32, #tpu.memory_space<vmem_shared>> -> memref<10240x16xf32, #tpu.memory_space<vmem_shared>>
    tpu.enqueue_indirect_dma source(%arg22 : memref<512x16xf32, #tpu.memory_space<vmem>>) target(%dma_start3A_622 : memref<10240x16xf32, #tpu.memory_space<vmem_shared>>) offsets(%dma_start3A_619 : memref<512xi32, #tpu.memory_space<vmem>>) semaphore(%arg30 : memref<!tpu.dma_semaphore, #tpu.memory_space<semaphore_mem>>) {add = true}
    %dma_start3A_623 = arith.constant 19 : i32
    %dma_start3A_624 = arith.constant 0 : i32
    %dma_start3A_625 = tpu.memref_slice %arg12[%dma_start3A_623, %dma_start3A_624] : memref<20x512xi32, #tpu.memory_space<vmem>> -> memref<1x512xi32, #tpu.memory_space<vmem>>
    %dma_start3A_626 = tpu.memref_squeeze %dma_start3A_625 : memref<1x512xi32, #tpu.memory_space<vmem>> -> memref<512xi32, #tpu.memory_space<vmem>>
    %dma_start3A_627 = arith.constant 0 : i32
    %dma_start3A_628 = arith.constant 0 : i32
    %dma_start3A_629 = tpu.memref_slice %arg17[%dma_start3A_627, %dma_start3A_628] : memref<10240x16xf32, #tpu.memory_space<vmem_shared>> -> memref<10240x16xf32, #tpu.memory_space<vmem_shared>>
    tpu.enqueue_indirect_dma source(%arg23 : memref<512x16xf32, #tpu.memory_space<vmem>>) target(%dma_start3A_629 : memref<10240x16xf32, #tpu.memory_space<vmem_shared>>) offsets(%dma_start3A_626 : memref<512xi32, #tpu.memory_space<vmem>>) semaphore(%arg31 : memref<!tpu.dma_semaphore, #tpu.memory_space<semaphore_mem>>) {add = true}
    %dma_wait3A_630 = arith.constant 0 : i32
    %dma_wait3A_631 = arith.constant 0 : i32
    %dma_wait3A_632 = tpu.memref_slice %arg12[%dma_wait3A_630, %dma_wait3A_631] : memref<20x512xi32, #tpu.memory_space<vmem>> -> memref<1x512xi32, #tpu.memory_space<vmem>>
    %dma_wait3A_633 = tpu.memref_squeeze %dma_wait3A_632 : memref<1x512xi32, #tpu.memory_space<vmem>> -> memref<512xi32, #tpu.memory_space<vmem>>
    %dma_wait3A_634 = arith.constant 0 : i32
    %dma_wait3A_635 = arith.constant 0 : i32
    %dma_wait3A_636 = tpu.memref_slice %arg17[%dma_wait3A_634, %dma_wait3A_635] : memref<10240x16xf32, #tpu.memory_space<vmem_shared>> -> memref<10240x16xf32, #tpu.memory_space<vmem_shared>>
    tpu.wait_indirect_dma semaphore(%arg28 : memref<!tpu.dma_semaphore, #tpu.memory_space<semaphore_mem>>) src(%arg20 : memref<512x16xf32, #tpu.memory_space<vmem>>) dst(%dma_wait3A_636 : memref<10240x16xf32, #tpu.memory_space<vmem_shared>>)
    %dma_wait3A_637 = arith.constant 0 : i32
    %dma_wait3A_638 = arith.constant 0 : i32
    %dma_wait3A_639 = tpu.memref_slice %arg12[%dma_wait3A_637, %dma_wait3A_638] : memref<20x512xi32, #tpu.memory_space<vmem>> -> memref<1x512xi32, #tpu.memory_space<vmem>>
    %dma_wait3A_640 = tpu.memref_squeeze %dma_wait3A_639 : memref<1x512xi32, #tpu.memory_space<vmem>> -> memref<512xi32, #tpu.memory_space<vmem>>
    %dma_wait3A_641 = arith.constant 0 : i32
    %dma_wait3A_642 = arith.constant 0 : i32
    %dma_wait3A_643 = tpu.memref_slice %arg17[%dma_wait3A_641, %dma_wait3A_642] : memref<10240x16xf32, #tpu.memory_space<vmem_shared>> -> memref<10240x16xf32, #tpu.memory_space<vmem_shared>>
    tpu.wait_indirect_dma semaphore(%arg29 : memref<!tpu.dma_semaphore, #tpu.memory_space<semaphore_mem>>) src(%arg21 : memref<512x16xf32, #tpu.memory_space<vmem>>) dst(%dma_wait3A_643 : memref<10240x16xf32, #tpu.memory_space<vmem_shared>>)
    %dma_wait3A_644 = arith.constant 0 : i32
    %dma_wait3A_645 = arith.constant 0 : i32
    %dma_wait3A_646 = tpu.memref_slice %arg12[%dma_wait3A_644, %dma_wait3A_645] : memref<20x512xi32, #tpu.memory_space<vmem>> -> memref<1x512xi32, #tpu.memory_space<vmem>>
    %dma_wait3A_647 = tpu.memref_squeeze %dma_wait3A_646 : memref<1x512xi32, #tpu.memory_space<vmem>> -> memref<512xi32, #tpu.memory_space<vmem>>
    %dma_wait3A_648 = arith.constant 0 : i32
    %dma_wait3A_649 = arith.constant 0 : i32
    %dma_wait3A_650 = tpu.memref_slice %arg17[%dma_wait3A_648, %dma_wait3A_649] : memref<10240x16xf32, #tpu.memory_space<vmem_shared>> -> memref<10240x16xf32, #tpu.memory_space<vmem_shared>>
    tpu.wait_indirect_dma semaphore(%arg30 : memref<!tpu.dma_semaphore, #tpu.memory_space<semaphore_mem>>) src(%arg22 : memref<512x16xf32, #tpu.memory_space<vmem>>) dst(%dma_wait3A_650 : memref<10240x16xf32, #tpu.memory_space<vmem_shared>>)
    %dma_wait3A_651 = arith.constant 0 : i32
    %dma_wait3A_652 = arith.constant 0 : i32
    %dma_wait3A_653 = tpu.memref_slice %arg12[%dma_wait3A_651, %dma_wait3A_652] : memref<20x512xi32, #tpu.memory_space<vmem>> -> memref<1x512xi32, #tpu.memory_space<vmem>>
    %dma_wait3A_654 = tpu.memref_squeeze %dma_wait3A_653 : memref<1x512xi32, #tpu.memory_space<vmem>> -> memref<512xi32, #tpu.memory_space<vmem>>
    %dma_wait3A_655 = arith.constant 0 : i32
    %dma_wait3A_656 = arith.constant 0 : i32
    %dma_wait3A_657 = tpu.memref_slice %arg17[%dma_wait3A_655, %dma_wait3A_656] : memref<10240x16xf32, #tpu.memory_space<vmem_shared>> -> memref<10240x16xf32, #tpu.memory_space<vmem_shared>>
    tpu.wait_indirect_dma semaphore(%arg31 : memref<!tpu.dma_semaphore, #tpu.memory_space<semaphore_mem>>) src(%arg23 : memref<512x16xf32, #tpu.memory_space<vmem>>) dst(%dma_wait3A_657 : memref<10240x16xf32, #tpu.memory_space<vmem_shared>>)
    %barrier3A_658 = arith.constant 0 : index
    tpu.barrier barrier_id(%barrier3A_658)
    "tpu.region"() ({
      %run_scoped3A = tpu.sem_alloc : memref<!tpu.dma_semaphore, #tpu.memory_space<semaphore_mem>>
      %dma_start3A_659 = arith.constant 0 : i32
      %dma_start3A_660 = tpu.memref_slice %arg9[%arg0, %mul3A_2, %dma_start3A_659] : memref<2x10240x16xf32, #tpu.memory_space<hbm>> -> memref<1x640x16xf32, #tpu.memory_space<hbm>>
      %dma_start3A_661 = tpu.memref_squeeze %dma_start3A_660 : memref<1x640x16xf32, #tpu.memory_space<hbm>> -> memref<640x16xf32, #tpu.memory_space<hbm>>
      %dma_start3A_662 = arith.constant 0 : i32
      %dma_start3A_663 = tpu.memref_slice %arg17[%mul3A_2, %dma_start3A_662] : memref<10240x16xf32, #tpu.memory_space<vmem_shared>> -> memref<640x16xf32, #tpu.memory_space<vmem_shared>>
      tpu.enqueue_dma source(%dma_start3A_663 : memref<640x16xf32, #tpu.memory_space<vmem_shared>>) target(%dma_start3A_661 : memref<640x16xf32, #tpu.memory_space<hbm>>) target_semaphore(%run_scoped3A : memref<!tpu.dma_semaphore, #tpu.memory_space<semaphore_mem>>)
      %dma_wait3A_664 = arith.constant 0 : i32
      %dma_wait3A_665 = tpu.memref_slice %arg9[%arg0, %mul3A_2, %dma_wait3A_664] : memref<2x10240x16xf32, #tpu.memory_space<hbm>> -> memref<1x640x16xf32, #tpu.memory_space<hbm>>
      %dma_wait3A_666 = tpu.memref_squeeze %dma_wait3A_665 : memref<1x640x16xf32, #tpu.memory_space<hbm>> -> memref<640x16xf32, #tpu.memory_space<hbm>>
      %dma_wait3A_667 = arith.constant 0 : i32
      %dma_wait3A_668 = tpu.memref_slice %arg17[%mul3A_2, %dma_wait3A_667] : memref<10240x16xf32, #tpu.memory_space<vmem_shared>> -> memref<640x16xf32, #tpu.memory_space<vmem_shared>>
      tpu.wait_dma2 semaphore(%run_scoped3A : memref<!tpu.dma_semaphore, #tpu.memory_space<semaphore_mem>>) src(%dma_wait3A_668 : memref<640x16xf32, #tpu.memory_space<vmem_shared>>) dst(%dma_wait3A_666 : memref<640x16xf32, #tpu.memory_space<hbm>>)
      tpu.yield
    }) : () -> ()
    return
  }
}

#map = affine_map<(d0, d1) -> (0, 0)>
#map1 = affine_map<(d0, d1) -> (0, 0, 0)>
module attributes {stable_mosaic.version = 14 : i64} {
  func.func @body(%arg0: i32, %arg1: i32, %arg2: memref<512x16xf32, #tpu.memory_space<hbm>>, %arg3: memref<32x20x512xi32, #tpu.memory_space<hbm>>, %arg4: memref<640x16xf32, #tpu.memory_space<hbm>>, %arg5: memref<2x10240x16xf32, #tpu.memory_space<hbm>>, %arg6: memref<20x512xi32, #tpu.memory_space<vmem>>, %arg7: memref<512x16xf32, #tpu.memory_space<vmem>>, %arg8: memref<!tpu.dma_semaphore, #tpu.memory_space<semaphore_mem>>, %arg9: memref<10240x16xf32, #tpu.memory_space<vmem_shared>>) attributes {dimension_semantics = [#tpu.dimension_semantics<core_parallel>, #tpu.dimension_semantics<subcore_parallel>], iteration_bounds = array<i64: 2, 16>, scalar_prefetch = 0 : i64, scratch_operands = 4 : i64, tpu.core_type = #tpu.core_type<sc_vector_subcore>, window_params = [{transform_indices = #map}, {transform_indices = #map1}, {transform_indices = #map}, {transform_indices = #map1}]} {
    %mul3A = arith.constant 2 : i32
    %mul3A_0 = arith.muli %arg1, %mul3A : i32
    %add3A = arith.addi %mul3A_0, %arg0 : i32
    %mul3A_1 = arith.constant 640 : i32
    %mul3A_2 = arith.muli %arg1, %mul3A_1 : i32
    %dma_start3A = arith.constant 0 : i32
    %dma_start3A_3 = tpu.memref_slice %arg9[%mul3A_2, %dma_start3A] : memref<10240x16xf32, #tpu.memory_space<vmem_shared>> -> memref<640x16xf32, #tpu.memory_space<vmem_shared>>
    tpu.enqueue_dma source(%arg4 : memref<640x16xf32, #tpu.memory_space<hbm>>) target(%dma_start3A_3 : memref<640x16xf32, #tpu.memory_space<vmem_shared>>) target_semaphore(%arg8 : memref<!tpu.dma_semaphore, #tpu.memory_space<semaphore_mem>>)
    %dma_start3A_4 = arith.constant 0 : i32
    %dma_start3A_5 = arith.constant 0 : i32
    %dma_start3A_6 = tpu.memref_slice %arg3[%add3A, %dma_start3A_4, %dma_start3A_5] : memref<32x20x512xi32, #tpu.memory_space<hbm>> -> memref<1x20x512xi32, #tpu.memory_space<hbm>>
    %dma_start3A_7 = tpu.memref_squeeze %dma_start3A_6 : memref<1x20x512xi32, #tpu.memory_space<hbm>> -> memref<20x512xi32, #tpu.memory_space<hbm>>
    %dma_start3A_8 = arith.constant 0 : i32
    %dma_start3A_9 = arith.constant 0 : i32
    %dma_start3A_10 = tpu.memref_slice %arg3[%add3A, %dma_start3A_8, %dma_start3A_9] : memref<32x20x512xi32, #tpu.memory_space<hbm>> -> memref<1x20x512xi32, #tpu.memory_space<hbm>>
    %dma_start3A_11 = tpu.memref_squeeze %dma_start3A_10 : memref<1x20x512xi32, #tpu.memory_space<hbm>> -> memref<20x512xi32, #tpu.memory_space<hbm>>
    tpu.enqueue_dma source(%dma_start3A_11 : memref<20x512xi32, #tpu.memory_space<hbm>>) target(%arg6 : memref<20x512xi32, #tpu.memory_space<vmem>>) target_semaphore(%arg8 : memref<!tpu.dma_semaphore, #tpu.memory_space<semaphore_mem>>)
    tpu.enqueue_dma source(%arg2 : memref<512x16xf32, #tpu.memory_space<hbm>>) target(%arg7 : memref<512x16xf32, #tpu.memory_space<vmem>>) target_semaphore(%arg8 : memref<!tpu.dma_semaphore, #tpu.memory_space<semaphore_mem>>)
    %dma_wait3A = arith.constant 0 : i32
    %dma_wait3A_12 = tpu.memref_slice %arg9[%mul3A_2, %dma_wait3A] : memref<10240x16xf32, #tpu.memory_space<vmem_shared>> -> memref<640x16xf32, #tpu.memory_space<vmem_shared>>
    tpu.wait_dma2 semaphore(%arg8 : memref<!tpu.dma_semaphore, #tpu.memory_space<semaphore_mem>>) src(%arg4 : memref<640x16xf32, #tpu.memory_space<hbm>>) dst(%dma_wait3A_12 : memref<640x16xf32, #tpu.memory_space<vmem_shared>>)
    %dma_wait3A_13 = arith.constant 0 : i32
    %dma_wait3A_14 = arith.constant 0 : i32
    %dma_wait3A_15 = tpu.memref_slice %arg3[%add3A, %dma_wait3A_13, %dma_wait3A_14] : memref<32x20x512xi32, #tpu.memory_space<hbm>> -> memref<1x20x512xi32, #tpu.memory_space<hbm>>
    %dma_wait3A_16 = tpu.memref_squeeze %dma_wait3A_15 : memref<1x20x512xi32, #tpu.memory_space<hbm>> -> memref<20x512xi32, #tpu.memory_space<hbm>>
    %dma_wait3A_17 = arith.constant 0 : i32
    %dma_wait3A_18 = arith.constant 0 : i32
    %dma_wait3A_19 = tpu.memref_slice %arg3[%add3A, %dma_wait3A_17, %dma_wait3A_18] : memref<32x20x512xi32, #tpu.memory_space<hbm>> -> memref<1x20x512xi32, #tpu.memory_space<hbm>>
    %dma_wait3A_20 = tpu.memref_squeeze %dma_wait3A_19 : memref<1x20x512xi32, #tpu.memory_space<hbm>> -> memref<20x512xi32, #tpu.memory_space<hbm>>
    tpu.wait_dma2 semaphore(%arg8 : memref<!tpu.dma_semaphore, #tpu.memory_space<semaphore_mem>>) src(%dma_wait3A_20 : memref<20x512xi32, #tpu.memory_space<hbm>>) dst(%arg6 : memref<20x512xi32, #tpu.memory_space<vmem>>)
    tpu.wait_dma2 semaphore(%arg8 : memref<!tpu.dma_semaphore, #tpu.memory_space<semaphore_mem>>) src(%arg2 : memref<512x16xf32, #tpu.memory_space<hbm>>) dst(%arg7 : memref<512x16xf32, #tpu.memory_space<vmem>>)
    %barrier3A = arith.constant 0 : index
    tpu.barrier barrier_id(%barrier3A)
    %scan3A = arith.constant 0 : i32
    %scan3A_21 = arith.constant 20 : i32
    %scan3A_22 = arith.addi %scan3A, %scan3A_21 : i32
    %scan3A_23 = arith.constant 1 : i32
    scf.for %scan3A_35 = %scan3A to %scan3A_22 step %scan3A_23  : i32 {
      %mul3A_36 = arith.constant 1 : i32
      %mul3A_37 = arith.muli %scan3A_35, %mul3A_36 : i32
      %add3A_38 = arith.constant 0 : i32
      %add3A_39 = arith.addi %add3A_38, %mul3A_37 : i32
      %dma_start3A_40 = arith.constant 0 : i32
      %dma_start3A_41 = tpu.memref_slice %arg6[%add3A_39, %dma_start3A_40] : memref<20x512xi32, #tpu.memory_space<vmem>> -> memref<1x512xi32, #tpu.memory_space<vmem>>
      %dma_start3A_42 = tpu.memref_squeeze %dma_start3A_41 : memref<1x512xi32, #tpu.memory_space<vmem>> -> memref<512xi32, #tpu.memory_space<vmem>>
      %dma_start3A_43 = arith.constant 0 : i32
      %dma_start3A_44 = arith.constant 0 : i32
      %dma_start3A_45 = tpu.memref_slice %arg9[%dma_start3A_43, %dma_start3A_44] : memref<10240x16xf32, #tpu.memory_space<vmem_shared>> -> memref<10240x16xf32, #tpu.memory_space<vmem_shared>>
      tpu.enqueue_indirect_dma source(%arg7 : memref<512x16xf32, #tpu.memory_space<vmem>>) target(%dma_start3A_45 : memref<10240x16xf32, #tpu.memory_space<vmem_shared>>) offsets(%dma_start3A_42 : memref<512xi32, #tpu.memory_space<vmem>>) semaphore(%arg8 : memref<!tpu.dma_semaphore, #tpu.memory_space<semaphore_mem>>) {add = true}
    }
    %scan3A_24 = arith.constant 20 : i32
    %scan3A_25 = arith.constant 0 : i32
    %scan3A_26 = arith.constant 20 : i32
    %scan3A_27 = arith.addi %scan3A_25, %scan3A_26 : i32
    %scan3A_28 = arith.constant 1 : i32
    scf.for %scan3A_35 = %scan3A_25 to %scan3A_27 step %scan3A_28  : i32 {
      %mul3A_36 = arith.constant 1 : i32
      %mul3A_37 = arith.muli %scan3A_35, %mul3A_36 : i32
      %add3A_38 = arith.constant 0 : i32
      %add3A_39 = arith.addi %add3A_38, %mul3A_37 : i32
      %dma_wait3A_40 = arith.constant 0 : i32
      %dma_wait3A_41 = arith.constant 0 : i32
      %dma_wait3A_42 = tpu.memref_slice %arg6[%dma_wait3A_40, %dma_wait3A_41] : memref<20x512xi32, #tpu.memory_space<vmem>> -> memref<1x512xi32, #tpu.memory_space<vmem>>
      %dma_wait3A_43 = tpu.memref_squeeze %dma_wait3A_42 : memref<1x512xi32, #tpu.memory_space<vmem>> -> memref<512xi32, #tpu.memory_space<vmem>>
      %dma_wait3A_44 = arith.constant 0 : i32
      %dma_wait3A_45 = arith.constant 0 : i32
      %dma_wait3A_46 = tpu.memref_slice %arg9[%dma_wait3A_44, %dma_wait3A_45] : memref<10240x16xf32, #tpu.memory_space<vmem_shared>> -> memref<10240x16xf32, #tpu.memory_space<vmem_shared>>
      tpu.wait_indirect_dma semaphore(%arg8 : memref<!tpu.dma_semaphore, #tpu.memory_space<semaphore_mem>>) src(%arg7 : memref<512x16xf32, #tpu.memory_space<vmem>>) dst(%dma_wait3A_46 : memref<10240x16xf32, #tpu.memory_space<vmem_shared>>)
    }
    %scan3A_29 = arith.constant 20 : i32
    %barrier3A_30 = arith.constant 0 : index
    tpu.barrier barrier_id(%barrier3A_30)
    %mul3A_31 = arith.constant 640 : i32
    %mul3A_32 = arith.muli %arg1, %mul3A_31 : i32
    %mul3A_33 = arith.constant 640 : i32
    %mul3A_34 = arith.muli %arg1, %mul3A_33 : i32
    "tpu.region"() ({
      %run_scoped3A = tpu.sem_alloc : memref<!tpu.dma_semaphore, #tpu.memory_space<semaphore_mem>>
      %dma_start3A_35 = arith.constant 0 : i32
      %dma_start3A_36 = tpu.memref_slice %arg5[%arg0, %mul3A_34, %dma_start3A_35] : memref<2x10240x16xf32, #tpu.memory_space<hbm>> -> memref<1x640x16xf32, #tpu.memory_space<hbm>>
      %dma_start3A_37 = tpu.memref_squeeze %dma_start3A_36 : memref<1x640x16xf32, #tpu.memory_space<hbm>> -> memref<640x16xf32, #tpu.memory_space<hbm>>
      %dma_start3A_38 = arith.constant 0 : i32
      %dma_start3A_39 = tpu.memref_slice %arg9[%mul3A_32, %dma_start3A_38] : memref<10240x16xf32, #tpu.memory_space<vmem_shared>> -> memref<640x16xf32, #tpu.memory_space<vmem_shared>>
      tpu.enqueue_dma source(%dma_start3A_39 : memref<640x16xf32, #tpu.memory_space<vmem_shared>>) target(%dma_start3A_37 : memref<640x16xf32, #tpu.memory_space<hbm>>) target_semaphore(%run_scoped3A : memref<!tpu.dma_semaphore, #tpu.memory_space<semaphore_mem>>)
      %dma_wait3A_40 = arith.constant 0 : i32
      %dma_wait3A_41 = tpu.memref_slice %arg5[%arg0, %mul3A_34, %dma_wait3A_40] : memref<2x10240x16xf32, #tpu.memory_space<hbm>> -> memref<1x640x16xf32, #tpu.memory_space<hbm>>
      %dma_wait3A_42 = tpu.memref_squeeze %dma_wait3A_41 : memref<1x640x16xf32, #tpu.memory_space<hbm>> -> memref<640x16xf32, #tpu.memory_space<hbm>>
      %dma_wait3A_43 = arith.constant 0 : i32
      %dma_wait3A_44 = tpu.memref_slice %arg9[%mul3A_32, %dma_wait3A_43] : memref<10240x16xf32, #tpu.memory_space<vmem_shared>> -> memref<640x16xf32, #tpu.memory_space<vmem_shared>>
      tpu.wait_dma2 semaphore(%run_scoped3A : memref<!tpu.dma_semaphore, #tpu.memory_space<semaphore_mem>>) src(%dma_wait3A_44 : memref<640x16xf32, #tpu.memory_space<vmem_shared>>) dst(%dma_wait3A_42 : memref<640x16xf32, #tpu.memory_space<hbm>>)
      tpu.yield
    }) : () -> ()
    return
  }
}

#map = affine_map<(d0, d1) -> (0, 0)>
#map1 = affine_map<(d0, d1) -> (0, 0, 0)>
module attributes {stable_mosaic.version = 14 : i64} {
  func.func @body(%arg0: i32, %arg1: i32, %arg2: memref<10240x16xf32, #tpu.memory_space<hbm>>, %arg3: memref<2x10240x16xf32, #tpu.memory_space<hbm>>, %arg4: memref<32x20x512xi32, #tpu.memory_space<hbm>>, %arg5: memref<32x20x512xi32, #tpu.memory_space<hbm>>, %arg6: memref<640x16xf32, #tpu.memory_space<hbm>>, %arg7: memref<2x10240x16xf32, #tpu.memory_space<hbm>>, %arg8: memref<10240x16xf32, #tpu.memory_space<hbm>>, %arg9: memref<10240x16xf32, #tpu.memory_space<hbm>>, %arg10: memref<20x512xi32, #tpu.memory_space<vmem>>, %arg11: memref<20x512xi32, #tpu.memory_space<vmem>>, %arg12: memref<640x16xf32, #tpu.memory_space<vmem>>, %arg13: memref<640x16xf32, #tpu.memory_space<vmem>>, %arg14: memref<640x16xf32, #tpu.memory_space<vmem>>, %arg15: memref<640x16xf32, #tpu.memory_space<vmem>>, %arg16: memref<10240x16xf32, #tpu.memory_space<vmem_shared>>, %arg17: memref<10240x16xf32, #tpu.memory_space<vmem_shared>>, %arg18: memref<512x16xf32, #tpu.memory_space<vmem>>, %arg19: memref<512x16xf32, #tpu.memory_space<vmem>>, %arg20: memref<512x16xf32, #tpu.memory_space<vmem>>, %arg21: memref<512x16xf32, #tpu.memory_space<vmem>>, %arg22: memref<!tpu.dma_semaphore, #tpu.memory_space<semaphore_mem>>, %arg23: memref<!tpu.dma_semaphore, #tpu.memory_space<semaphore_mem>>, %arg24: memref<!tpu.dma_semaphore, #tpu.memory_space<semaphore_mem>>, %arg25: memref<!tpu.dma_semaphore, #tpu.memory_space<semaphore_mem>>, %arg26: memref<!tpu.dma_semaphore, #tpu.memory_space<semaphore_mem>>, %arg27: memref<!tpu.dma_semaphore, #tpu.memory_space<semaphore_mem>>, %arg28: memref<!tpu.dma_semaphore, #tpu.memory_space<semaphore_mem>>, %arg29: memref<!tpu.dma_semaphore, #tpu.memory_space<semaphore_mem>>) attributes {dimension_semantics = [#tpu.dimension_semantics<core_parallel>, #tpu.dimension_semantics<subcore_parallel>], iteration_bounds = array<i64: 2, 16>, scalar_prefetch = 0 : i64, scratch_operands = 20 : i64, tpu.core_type = #tpu.core_type<sc_vector_subcore>, window_params = [{transform_indices = #map}, {transform_indices = #map1}, {transform_indices = #map1}, {transform_indices = #map1}, {transform_indices = #map}, {transform_indices = #map1}, {transform_indices = #map}, {transform_indices = #map}]} {
    %mul3A = arith.constant 2 : i32
    %mul3A_0 = arith.muli %arg1, %mul3A : i32
    %add3A = arith.addi %mul3A_0, %arg0 : i32
    %mul3A_1 = arith.constant 640 : i32
    %mul3A_2 = arith.muli %arg1, %mul3A_1 : i32
    %dma_start3A = arith.constant 0 : i32
    %dma_start3A_3 = tpu.memref_slice %arg16[%mul3A_2, %dma_start3A] : memref<10240x16xf32, #tpu.memory_space<vmem_shared>> -> memref<640x16xf32, #tpu.memory_space<vmem_shared>>
    tpu.enqueue_dma source(%arg6 : memref<640x16xf32, #tpu.memory_space<hbm>>) target(%dma_start3A_3 : memref<640x16xf32, #tpu.memory_space<vmem_shared>>) target_semaphore(%arg22 : memref<!tpu.dma_semaphore, #tpu.memory_space<semaphore_mem>>)
    %dma_start3A_4 = arith.constant 0 : i32
    %dma_start3A_5 = arith.constant 0 : i32
    %dma_start3A_6 = tpu.memref_slice %arg4[%add3A, %dma_start3A_4, %dma_start3A_5] : memref<32x20x512xi32, #tpu.memory_space<hbm>> -> memref<1x20x512xi32, #tpu.memory_space<hbm>>
    %dma_start3A_7 = tpu.memref_squeeze %dma_start3A_6 : memref<1x20x512xi32, #tpu.memory_space<hbm>> -> memref<20x512xi32, #tpu.memory_space<hbm>>
    %dma_start3A_8 = arith.constant 0 : i32
    %dma_start3A_9 = arith.constant 0 : i32
    %dma_start3A_10 = tpu.memref_slice %arg4[%add3A, %dma_start3A_8, %dma_start3A_9] : memref<32x20x512xi32, #tpu.memory_space<hbm>> -> memref<1x20x512xi32, #tpu.memory_space<hbm>>
    %dma_start3A_11 = tpu.memref_squeeze %dma_start3A_10 : memref<1x20x512xi32, #tpu.memory_space<hbm>> -> memref<20x512xi32, #tpu.memory_space<hbm>>
    tpu.enqueue_dma source(%dma_start3A_11 : memref<20x512xi32, #tpu.memory_space<hbm>>) target(%arg10 : memref<20x512xi32, #tpu.memory_space<vmem>>) target_semaphore(%arg23 : memref<!tpu.dma_semaphore, #tpu.memory_space<semaphore_mem>>)
    %dma_start3A_12 = arith.constant 0 : i32
    %dma_start3A_13 = arith.constant 0 : i32
    %dma_start3A_14 = tpu.memref_slice %arg5[%add3A, %dma_start3A_12, %dma_start3A_13] : memref<32x20x512xi32, #tpu.memory_space<hbm>> -> memref<1x20x512xi32, #tpu.memory_space<hbm>>
    %dma_start3A_15 = tpu.memref_squeeze %dma_start3A_14 : memref<1x20x512xi32, #tpu.memory_space<hbm>> -> memref<20x512xi32, #tpu.memory_space<hbm>>
    %dma_start3A_16 = arith.constant 0 : i32
    %dma_start3A_17 = arith.constant 0 : i32
    %dma_start3A_18 = tpu.memref_slice %arg5[%add3A, %dma_start3A_16, %dma_start3A_17] : memref<32x20x512xi32, #tpu.memory_space<hbm>> -> memref<1x20x512xi32, #tpu.memory_space<hbm>>
    %dma_start3A_19 = tpu.memref_squeeze %dma_start3A_18 : memref<1x20x512xi32, #tpu.memory_space<hbm>> -> memref<20x512xi32, #tpu.memory_space<hbm>>
    tpu.enqueue_dma source(%dma_start3A_19 : memref<20x512xi32, #tpu.memory_space<hbm>>) target(%arg11 : memref<20x512xi32, #tpu.memory_space<vmem>>) target_semaphore(%arg24 : memref<!tpu.dma_semaphore, #tpu.memory_space<semaphore_mem>>)
    %dma_start3A_20 = arith.constant 0 : i32
    %dma_start3A_21 = arith.constant 0 : i32
    %dma_start3A_22 = tpu.memref_slice %arg3[%dma_start3A_20, %mul3A_2, %dma_start3A_21] : memref<2x10240x16xf32, #tpu.memory_space<hbm>> -> memref<1x640x16xf32, #tpu.memory_space<hbm>>
    %dma_start3A_23 = tpu.memref_squeeze %dma_start3A_22 : memref<1x640x16xf32, #tpu.memory_space<hbm>> -> memref<640x16xf32, #tpu.memory_space<hbm>>
    %dma_start3A_24 = arith.constant 0 : i32
    %dma_start3A_25 = tpu.memref_slice %arg3[%dma_start3A_20, %mul3A_2, %dma_start3A_24] : memref<2x10240x16xf32, #tpu.memory_space<hbm>> -> memref<1x640x16xf32, #tpu.memory_space<hbm>>
    %dma_start3A_26 = tpu.memref_squeeze %dma_start3A_25 : memref<1x640x16xf32, #tpu.memory_space<hbm>> -> memref<640x16xf32, #tpu.memory_space<hbm>>
    tpu.enqueue_dma source(%dma_start3A_26 : memref<640x16xf32, #tpu.memory_space<hbm>>) target(%arg12 : memref<640x16xf32, #tpu.memory_space<vmem>>) target_semaphore(%arg25 : memref<!tpu.dma_semaphore, #tpu.memory_space<semaphore_mem>>)
    %dma_start3A_27 = arith.constant 1 : i32
    %dma_start3A_28 = arith.constant 0 : i32
    %dma_start3A_29 = tpu.memref_slice %arg3[%dma_start3A_27, %mul3A_2, %dma_start3A_28] : memref<2x10240x16xf32, #tpu.memory_space<hbm>> -> memref<1x640x16xf32, #tpu.memory_space<hbm>>
    %dma_start3A_30 = tpu.memref_squeeze %dma_start3A_29 : memref<1x640x16xf32, #tpu.memory_space<hbm>> -> memref<640x16xf32, #tpu.memory_space<hbm>>
    %dma_start3A_31 = arith.constant 0 : i32
    %dma_start3A_32 = tpu.memref_slice %arg3[%dma_start3A_27, %mul3A_2, %dma_start3A_31] : memref<2x10240x16xf32, #tpu.memory_space<hbm>> -> memref<1x640x16xf32, #tpu.memory_space<hbm>>
    %dma_start3A_33 = tpu.memref_squeeze %dma_start3A_32 : memref<1x640x16xf32, #tpu.memory_space<hbm>> -> memref<640x16xf32, #tpu.memory_space<hbm>>
    tpu.enqueue_dma source(%dma_start3A_33 : memref<640x16xf32, #tpu.memory_space<hbm>>) target(%arg13 : memref<640x16xf32, #tpu.memory_space<vmem>>) target_semaphore(%arg26 : memref<!tpu.dma_semaphore, #tpu.memory_space<semaphore_mem>>)
    %dma_start3A_34 = arith.constant 0 : i32
    %dma_start3A_35 = tpu.memref_slice %arg2[%mul3A_2, %dma_start3A_34] : memref<10240x16xf32, #tpu.memory_space<hbm>> -> memref<640x16xf32, #tpu.memory_space<hbm>>
    %dma_start3A_36 = arith.constant 0 : i32
    %dma_start3A_37 = tpu.memref_slice %arg2[%mul3A_2, %dma_start3A_36] : memref<10240x16xf32, #tpu.memory_space<hbm>> -> memref<640x16xf32, #tpu.memory_space<hbm>>
    tpu.enqueue_dma source(%dma_start3A_37 : memref<640x16xf32, #tpu.memory_space<hbm>>) target(%arg14 : memref<640x16xf32, #tpu.memory_space<vmem>>) target_semaphore(%arg27 : memref<!tpu.dma_semaphore, #tpu.memory_space<semaphore_mem>>)
    %dma_wait3A = arith.constant 0 : i32
    %dma_wait3A_38 = arith.constant 0 : i32
    %dma_wait3A_39 = tpu.memref_slice %arg3[%dma_wait3A, %mul3A_2, %dma_wait3A_38] : memref<2x10240x16xf32, #tpu.memory_space<hbm>> -> memref<1x640x16xf32, #tpu.memory_space<hbm>>
    %dma_wait3A_40 = tpu.memref_squeeze %dma_wait3A_39 : memref<1x640x16xf32, #tpu.memory_space<hbm>> -> memref<640x16xf32, #tpu.memory_space<hbm>>
    %dma_wait3A_41 = arith.constant 0 : i32
    %dma_wait3A_42 = tpu.memref_slice %arg3[%dma_wait3A, %mul3A_2, %dma_wait3A_41] : memref<2x10240x16xf32, #tpu.memory_space<hbm>> -> memref<1x640x16xf32, #tpu.memory_space<hbm>>
    %dma_wait3A_43 = tpu.memref_squeeze %dma_wait3A_42 : memref<1x640x16xf32, #tpu.memory_space<hbm>> -> memref<640x16xf32, #tpu.memory_space<hbm>>
    tpu.wait_dma2 semaphore(%arg25 : memref<!tpu.dma_semaphore, #tpu.memory_space<semaphore_mem>>) src(%dma_wait3A_43 : memref<640x16xf32, #tpu.memory_space<hbm>>) dst(%arg12 : memref<640x16xf32, #tpu.memory_space<vmem>>)
    %dma_wait3A_44 = arith.constant 1 : i32
    %dma_wait3A_45 = arith.constant 0 : i32
    %dma_wait3A_46 = tpu.memref_slice %arg3[%dma_wait3A_44, %mul3A_2, %dma_wait3A_45] : memref<2x10240x16xf32, #tpu.memory_space<hbm>> -> memref<1x640x16xf32, #tpu.memory_space<hbm>>
    %dma_wait3A_47 = tpu.memref_squeeze %dma_wait3A_46 : memref<1x640x16xf32, #tpu.memory_space<hbm>> -> memref<640x16xf32, #tpu.memory_space<hbm>>
    %dma_wait3A_48 = arith.constant 0 : i32
    %dma_wait3A_49 = tpu.memref_slice %arg3[%dma_wait3A_44, %mul3A_2, %dma_wait3A_48] : memref<2x10240x16xf32, #tpu.memory_space<hbm>> -> memref<1x640x16xf32, #tpu.memory_space<hbm>>
    %dma_wait3A_50 = tpu.memref_squeeze %dma_wait3A_49 : memref<1x640x16xf32, #tpu.memory_space<hbm>> -> memref<640x16xf32, #tpu.memory_space<hbm>>
    tpu.wait_dma2 semaphore(%arg26 : memref<!tpu.dma_semaphore, #tpu.memory_space<semaphore_mem>>) src(%dma_wait3A_50 : memref<640x16xf32, #tpu.memory_space<hbm>>) dst(%arg13 : memref<640x16xf32, #tpu.memory_space<vmem>>)
    %dma_wait3A_51 = arith.constant 0 : i32
    %dma_wait3A_52 = tpu.memref_slice %arg2[%mul3A_2, %dma_wait3A_51] : memref<10240x16xf32, #tpu.memory_space<hbm>> -> memref<640x16xf32, #tpu.memory_space<hbm>>
    %dma_wait3A_53 = arith.constant 0 : i32
    %dma_wait3A_54 = tpu.memref_slice %arg2[%mul3A_2, %dma_wait3A_53] : memref<10240x16xf32, #tpu.memory_space<hbm>> -> memref<640x16xf32, #tpu.memory_space<hbm>>
    tpu.wait_dma2 semaphore(%arg27 : memref<!tpu.dma_semaphore, #tpu.memory_space<semaphore_mem>>) src(%dma_wait3A_54 : memref<640x16xf32, #tpu.memory_space<hbm>>) dst(%arg14 : memref<640x16xf32, #tpu.memory_space<vmem>>)
    %parallel_loop3A = arith.constant 0 : i32
    %parallel_loop3A_55 = arith.constant 640 : i32
    %parallel_loop3A_56 = arith.constant 1 : i32
    scf.for %parallel_loop3A_651 = %parallel_loop3A to %parallel_loop3A_55 step %parallel_loop3A_56  : i32 {
      %parallel_loop3A_652 = arith.index_cast %parallel_loop3A_651 : i32 to index
      %parallel_loop3A_653 = arith.constant 0 : index
      %parallel_loop3A_654 = tpu.vector_load %arg12[%parallel_loop3A_652, %parallel_loop3A_653] {strides = array<i32>} : memref<640x16xf32, #tpu.memory_space<vmem>>, vector<16xf32>,
      %parallel_loop3A_655 = arith.index_cast %parallel_loop3A_651 : i32 to index
      %parallel_loop3A_656 = arith.constant 0 : index
      %parallel_loop3A_657 = tpu.vector_load %arg13[%parallel_loop3A_655, %parallel_loop3A_656] {strides = array<i32>} : memref<640x16xf32, #tpu.memory_space<vmem>>, vector<16xf32>,
      %parallel_loop3A_658 = arith.addf %parallel_loop3A_654, %parallel_loop3A_657 : vector<16xf32>
      %parallel_loop3A_659 = arith.constant 1.000000e+00 : f32
      %parallel_loop3A_660 = vector.broadcast %parallel_loop3A_659 : f32 to vector<16xf32>
      %parallel_loop3A_661 = arith.addf %parallel_loop3A_658, %parallel_loop3A_660 : vector<16xf32>
      %parallel_loop3A_662 = vector.bitcast %parallel_loop3A_661 : vector<16xf32> to vector<16xi32>
      %parallel_loop3A_663 = arith.constant 1 : i32
      %parallel_loop3A_664 = vector.broadcast %parallel_loop3A_663 : i32 to vector<16xi32>
      %parallel_loop3A_665 = arith.shrsi %parallel_loop3A_662, %parallel_loop3A_664 : vector<16xi32>
      %parallel_loop3A_666 = arith.constant 1597463007 : i32
      %parallel_loop3A_667 = vector.broadcast %parallel_loop3A_666 : i32 to vector<16xi32>
      %parallel_loop3A_668 = arith.subi %parallel_loop3A_667, %parallel_loop3A_665 : vector<16xi32>
      %parallel_loop3A_669 = vector.bitcast %parallel_loop3A_668 : vector<16xi32> to vector<16xf32>
      %parallel_loop3A_670 = arith.constant 5.000000e-01 : f32
      %parallel_loop3A_671 = vector.broadcast %parallel_loop3A_670 : f32 to vector<16xf32>
      %parallel_loop3A_672 = arith.mulf %parallel_loop3A_671, %parallel_loop3A_661 : vector<16xf32>
      %parallel_loop3A_673 = arith.mulf %parallel_loop3A_672, %parallel_loop3A_669 : vector<16xf32>
      %parallel_loop3A_674 = arith.mulf %parallel_loop3A_673, %parallel_loop3A_669 : vector<16xf32>
      %parallel_loop3A_675 = arith.constant 1.500000e+00 : f32
      %parallel_loop3A_676 = vector.broadcast %parallel_loop3A_675 : f32 to vector<16xf32>
      %parallel_loop3A_677 = arith.subf %parallel_loop3A_676, %parallel_loop3A_674 : vector<16xf32>
      %parallel_loop3A_678 = arith.mulf %parallel_loop3A_669, %parallel_loop3A_677 : vector<16xf32>
      %parallel_loop3A_679 = arith.constant 5.000000e-01 : f32
      %parallel_loop3A_680 = vector.broadcast %parallel_loop3A_679 : f32 to vector<16xf32>
      %parallel_loop3A_681 = arith.mulf %parallel_loop3A_680, %parallel_loop3A_661 : vector<16xf32>
      %parallel_loop3A_682 = arith.mulf %parallel_loop3A_681, %parallel_loop3A_678 : vector<16xf32>
      %parallel_loop3A_683 = arith.mulf %parallel_loop3A_682, %parallel_loop3A_678 : vector<16xf32>
      %parallel_loop3A_684 = arith.constant 1.500000e+00 : f32
      %parallel_loop3A_685 = vector.broadcast %parallel_loop3A_684 : f32 to vector<16xf32>
      %parallel_loop3A_686 = arith.subf %parallel_loop3A_685, %parallel_loop3A_683 : vector<16xf32>
      %parallel_loop3A_687 = arith.mulf %parallel_loop3A_678, %parallel_loop3A_686 : vector<16xf32>
      %parallel_loop3A_688 = arith.constant 5.000000e-01 : f32
      %parallel_loop3A_689 = vector.broadcast %parallel_loop3A_688 : f32 to vector<16xf32>
      %parallel_loop3A_690 = arith.mulf %parallel_loop3A_689, %parallel_loop3A_661 : vector<16xf32>
      %parallel_loop3A_691 = arith.mulf %parallel_loop3A_690, %parallel_loop3A_687 : vector<16xf32>
      %parallel_loop3A_692 = arith.mulf %parallel_loop3A_691, %parallel_loop3A_687 : vector<16xf32>
      %parallel_loop3A_693 = arith.constant 1.500000e+00 : f32
      %parallel_loop3A_694 = vector.broadcast %parallel_loop3A_693 : f32 to vector<16xf32>
      %parallel_loop3A_695 = arith.subf %parallel_loop3A_694, %parallel_loop3A_692 : vector<16xf32>
      %parallel_loop3A_696 = arith.mulf %parallel_loop3A_687, %parallel_loop3A_695 : vector<16xf32>
      %parallel_loop3A_697 = arith.index_cast %parallel_loop3A_651 : i32 to index
      %parallel_loop3A_698 = arith.constant 0 : index
      %parallel_loop3A_699 = tpu.vector_load %arg15[%parallel_loop3A_697, %parallel_loop3A_698] {strides = array<i32>} : memref<640x16xf32, #tpu.memory_space<vmem>>, vector<16xf32>,
      tpu.vector_store %arg15[%parallel_loop3A_697, %parallel_loop3A_698], %parallel_loop3A_696 {strides = array<i32>} : memref<640x16xf32, #tpu.memory_space<vmem>>, vector<16xf32>,
      %parallel_loop3A_700 = arith.index_cast %parallel_loop3A_651 : i32 to index
      %parallel_loop3A_701 = arith.constant 0 : index
      %parallel_loop3A_702 = tpu.vector_load %arg14[%parallel_loop3A_700, %parallel_loop3A_701] {strides = array<i32>} : memref<640x16xf32, #tpu.memory_space<vmem>>, vector<16xf32>,
      %parallel_loop3A_703 = arith.mulf %parallel_loop3A_696, %parallel_loop3A_702 : vector<16xf32>
      %parallel_loop3A_704 = arith.index_cast %parallel_loop3A_651 : i32 to index
      %parallel_loop3A_705 = arith.constant 0 : index
      %parallel_loop3A_706 = tpu.vector_load %arg14[%parallel_loop3A_704, %parallel_loop3A_705] {strides = array<i32>} : memref<640x16xf32, #tpu.memory_space<vmem>>, vector<16xf32>,
      tpu.vector_store %arg14[%parallel_loop3A_704, %parallel_loop3A_705], %parallel_loop3A_703 {strides = array<i32>} : memref<640x16xf32, #tpu.memory_space<vmem>>, vector<16xf32>,
    } {sc.loop_unroll_factor = 8 : i64, sc.parallel_access}
    %dma_start3A_57 = arith.constant 0 : i32
    %dma_start3A_58 = tpu.memref_slice %arg17[%mul3A_2, %dma_start3A_57] : memref<10240x16xf32, #tpu.memory_space<vmem_shared>> -> memref<640x16xf32, #tpu.memory_space<vmem_shared>>
    %dma_start3A_59 = arith.constant 0 : i32
    %dma_start3A_60 = tpu.memref_slice %arg17[%mul3A_2, %dma_start3A_59] : memref<10240x16xf32, #tpu.memory_space<vmem_shared>> -> memref<640x16xf32, #tpu.memory_space<vmem_shared>>
    tpu.enqueue_dma source(%arg14 : memref<640x16xf32, #tpu.memory_space<vmem>>) target(%dma_start3A_60 : memref<640x16xf32, #tpu.memory_space<vmem_shared>>) target_semaphore(%arg28 : memref<!tpu.dma_semaphore, #tpu.memory_space<semaphore_mem>>)
    %eq3A = arith.constant 0 : i32
    %eq3A_61 = arith.cmpi eq, %arg0, %eq3A : i32
    %convert_element_type3A = arith.extui %eq3A_61 : i1 to i32
    %cond3A = arith.constant 0 : i32
    %cond3A_62 = arith.cmpi ne, %convert_element_type3A, %cond3A : i32
    scf.if %cond3A_62 {
      %dma_start3A_651 = arith.constant 0 : i32
      %dma_start3A_652 = tpu.memref_slice %arg8[%mul3A_2, %dma_start3A_651] : memref<10240x16xf32, #tpu.memory_space<hbm>> -> memref<640x16xf32, #tpu.memory_space<hbm>>
      %dma_start3A_653 = arith.constant 0 : i32
      %dma_start3A_654 = tpu.memref_slice %arg8[%mul3A_2, %dma_start3A_653] : memref<10240x16xf32, #tpu.memory_space<hbm>> -> memref<640x16xf32, #tpu.memory_space<hbm>>
      tpu.enqueue_dma source(%arg14 : memref<640x16xf32, #tpu.memory_space<vmem>>) target(%dma_start3A_654 : memref<640x16xf32, #tpu.memory_space<hbm>>) target_semaphore(%arg29 : memref<!tpu.dma_semaphore, #tpu.memory_space<semaphore_mem>>)
      %dma_start3A_655 = arith.constant 0 : i32
      %dma_start3A_656 = tpu.memref_slice %arg9[%mul3A_2, %dma_start3A_655] : memref<10240x16xf32, #tpu.memory_space<hbm>> -> memref<640x16xf32, #tpu.memory_space<hbm>>
      %dma_start3A_657 = arith.constant 0 : i32
      %dma_start3A_658 = tpu.memref_slice %arg9[%mul3A_2, %dma_start3A_657] : memref<10240x16xf32, #tpu.memory_space<hbm>> -> memref<640x16xf32, #tpu.memory_space<hbm>>
      tpu.enqueue_dma source(%arg15 : memref<640x16xf32, #tpu.memory_space<vmem>>) target(%dma_start3A_658 : memref<640x16xf32, #tpu.memory_space<hbm>>) target_semaphore(%arg22 : memref<!tpu.dma_semaphore, #tpu.memory_space<semaphore_mem>>)
    } else {
    }
    %dma_wait3A_63 = arith.constant 0 : i32
    %dma_wait3A_64 = tpu.memref_slice %arg16[%mul3A_2, %dma_wait3A_63] : memref<10240x16xf32, #tpu.memory_space<vmem_shared>> -> memref<640x16xf32, #tpu.memory_space<vmem_shared>>
    tpu.wait_dma2 semaphore(%arg22 : memref<!tpu.dma_semaphore, #tpu.memory_space<semaphore_mem>>) src(%arg6 : memref<640x16xf32, #tpu.memory_space<hbm>>) dst(%dma_wait3A_64 : memref<640x16xf32, #tpu.memory_space<vmem_shared>>)
    %dma_wait3A_65 = arith.constant 0 : i32
    %dma_wait3A_66 = arith.constant 0 : i32
    %dma_wait3A_67 = tpu.memref_slice %arg4[%add3A, %dma_wait3A_65, %dma_wait3A_66] : memref<32x20x512xi32, #tpu.memory_space<hbm>> -> memref<1x20x512xi32, #tpu.memory_space<hbm>>
    %dma_wait3A_68 = tpu.memref_squeeze %dma_wait3A_67 : memref<1x20x512xi32, #tpu.memory_space<hbm>> -> memref<20x512xi32, #tpu.memory_space<hbm>>
    %dma_wait3A_69 = arith.constant 0 : i32
    %dma_wait3A_70 = arith.constant 0 : i32
    %dma_wait3A_71 = tpu.memref_slice %arg4[%add3A, %dma_wait3A_69, %dma_wait3A_70] : memref<32x20x512xi32, #tpu.memory_space<hbm>> -> memref<1x20x512xi32, #tpu.memory_space<hbm>>
    %dma_wait3A_72 = tpu.memref_squeeze %dma_wait3A_71 : memref<1x20x512xi32, #tpu.memory_space<hbm>> -> memref<20x512xi32, #tpu.memory_space<hbm>>
    tpu.wait_dma2 semaphore(%arg23 : memref<!tpu.dma_semaphore, #tpu.memory_space<semaphore_mem>>) src(%dma_wait3A_72 : memref<20x512xi32, #tpu.memory_space<hbm>>) dst(%arg10 : memref<20x512xi32, #tpu.memory_space<vmem>>)
    %dma_wait3A_73 = arith.constant 0 : i32
    %dma_wait3A_74 = arith.constant 0 : i32
    %dma_wait3A_75 = tpu.memref_slice %arg5[%add3A, %dma_wait3A_73, %dma_wait3A_74] : memref<32x20x512xi32, #tpu.memory_space<hbm>> -> memref<1x20x512xi32, #tpu.memory_space<hbm>>
    %dma_wait3A_76 = tpu.memref_squeeze %dma_wait3A_75 : memref<1x20x512xi32, #tpu.memory_space<hbm>> -> memref<20x512xi32, #tpu.memory_space<hbm>>
    %dma_wait3A_77 = arith.constant 0 : i32
    %dma_wait3A_78 = arith.constant 0 : i32
    %dma_wait3A_79 = tpu.memref_slice %arg5[%add3A, %dma_wait3A_77, %dma_wait3A_78] : memref<32x20x512xi32, #tpu.memory_space<hbm>> -> memref<1x20x512xi32, #tpu.memory_space<hbm>>
    %dma_wait3A_80 = tpu.memref_squeeze %dma_wait3A_79 : memref<1x20x512xi32, #tpu.memory_space<hbm>> -> memref<20x512xi32, #tpu.memory_space<hbm>>
    tpu.wait_dma2 semaphore(%arg24 : memref<!tpu.dma_semaphore, #tpu.memory_space<semaphore_mem>>) src(%dma_wait3A_80 : memref<20x512xi32, #tpu.memory_space<hbm>>) dst(%arg11 : memref<20x512xi32, #tpu.memory_space<vmem>>)
    %dma_wait3A_81 = arith.constant 0 : i32
    %dma_wait3A_82 = tpu.memref_slice %arg17[%mul3A_2, %dma_wait3A_81] : memref<10240x16xf32, #tpu.memory_space<vmem_shared>> -> memref<640x16xf32, #tpu.memory_space<vmem_shared>>
    %dma_wait3A_83 = arith.constant 0 : i32
    %dma_wait3A_84 = tpu.memref_slice %arg17[%mul3A_2, %dma_wait3A_83] : memref<10240x16xf32, #tpu.memory_space<vmem_shared>> -> memref<640x16xf32, #tpu.memory_space<vmem_shared>>
    tpu.wait_dma2 semaphore(%arg28 : memref<!tpu.dma_semaphore, #tpu.memory_space<semaphore_mem>>) src(%arg14 : memref<640x16xf32, #tpu.memory_space<vmem>>) dst(%dma_wait3A_84 : memref<640x16xf32, #tpu.memory_space<vmem_shared>>)
    %eq3A_85 = arith.constant 0 : i32
    %eq3A_86 = arith.cmpi eq, %arg0, %eq3A_85 : i32
    %convert_element_type3A_87 = arith.extui %eq3A_86 : i1 to i32
    %cond3A_88 = arith.constant 0 : i32
    %cond3A_89 = arith.cmpi ne, %convert_element_type3A_87, %cond3A_88 : i32
    scf.if %cond3A_89 {
      %dma_wait3A_651 = arith.constant 0 : i32
      %dma_wait3A_652 = tpu.memref_slice %arg8[%mul3A_2, %dma_wait3A_651] : memref<10240x16xf32, #tpu.memory_space<hbm>> -> memref<640x16xf32, #tpu.memory_space<hbm>>
      %dma_wait3A_653 = arith.constant 0 : i32
      %dma_wait3A_654 = tpu.memref_slice %arg8[%mul3A_2, %dma_wait3A_653] : memref<10240x16xf32, #tpu.memory_space<hbm>> -> memref<640x16xf32, #tpu.memory_space<hbm>>
      tpu.wait_dma2 semaphore(%arg29 : memref<!tpu.dma_semaphore, #tpu.memory_space<semaphore_mem>>) src(%arg14 : memref<640x16xf32, #tpu.memory_space<vmem>>) dst(%dma_wait3A_654 : memref<640x16xf32, #tpu.memory_space<hbm>>)
      %dma_wait3A_655 = arith.constant 0 : i32
      %dma_wait3A_656 = tpu.memref_slice %arg9[%mul3A_2, %dma_wait3A_655] : memref<10240x16xf32, #tpu.memory_space<hbm>> -> memref<640x16xf32, #tpu.memory_space<hbm>>
      %dma_wait3A_657 = arith.constant 0 : i32
      %dma_wait3A_658 = tpu.memref_slice %arg9[%mul3A_2, %dma_wait3A_657] : memref<10240x16xf32, #tpu.memory_space<hbm>> -> memref<640x16xf32, #tpu.memory_space<hbm>>
      tpu.wait_dma2 semaphore(%arg22 : memref<!tpu.dma_semaphore, #tpu.memory_space<semaphore_mem>>) src(%arg15 : memref<640x16xf32, #tpu.memory_space<vmem>>) dst(%dma_wait3A_658 : memref<640x16xf32, #tpu.memory_space<hbm>>)
    } else {
    }
    %barrier3A = arith.constant 0 : index
    tpu.barrier barrier_id(%barrier3A)
    %dma_start3A_90 = arith.constant 0 : i32
    %dma_start3A_91 = arith.constant 0 : i32
    %dma_start3A_92 = tpu.memref_slice %arg10[%dma_start3A_90, %dma_start3A_91] : memref<20x512xi32, #tpu.memory_space<vmem>> -> memref<1x512xi32, #tpu.memory_space<vmem>>
    %dma_start3A_93 = tpu.memref_squeeze %dma_start3A_92 : memref<1x512xi32, #tpu.memory_space<vmem>> -> memref<512xi32, #tpu.memory_space<vmem>>
    %dma_start3A_94 = arith.constant 0 : i32
    %dma_start3A_95 = arith.constant 0 : i32
    %dma_start3A_96 = tpu.memref_slice %arg17[%dma_start3A_94, %dma_start3A_95] : memref<10240x16xf32, #tpu.memory_space<vmem_shared>> -> memref<10240x16xf32, #tpu.memory_space<vmem_shared>>
    tpu.enqueue_indirect_dma source(%dma_start3A_96 : memref<10240x16xf32, #tpu.memory_space<vmem_shared>>) target(%arg18 : memref<512x16xf32, #tpu.memory_space<vmem>>) offsets(%dma_start3A_93 : memref<512xi32, #tpu.memory_space<vmem>>) semaphore(%arg22 : memref<!tpu.dma_semaphore, #tpu.memory_space<semaphore_mem>>)
    %dma_start3A_97 = arith.constant 1 : i32
    %dma_start3A_98 = arith.constant 0 : i32
    %dma_start3A_99 = tpu.memref_slice %arg10[%dma_start3A_97, %dma_start3A_98] : memref<20x512xi32, #tpu.memory_space<vmem>> -> memref<1x512xi32, #tpu.memory_space<vmem>>
    %dma_start3A_100 = tpu.memref_squeeze %dma_start3A_99 : memref<1x512xi32, #tpu.memory_space<vmem>> -> memref<512xi32, #tpu.memory_space<vmem>>
    %dma_start3A_101 = arith.constant 0 : i32
    %dma_start3A_102 = arith.constant 0 : i32
    %dma_start3A_103 = tpu.memref_slice %arg17[%dma_start3A_101, %dma_start3A_102] : memref<10240x16xf32, #tpu.memory_space<vmem_shared>> -> memref<10240x16xf32, #tpu.memory_space<vmem_shared>>
    tpu.enqueue_indirect_dma source(%dma_start3A_103 : memref<10240x16xf32, #tpu.memory_space<vmem_shared>>) target(%arg19 : memref<512x16xf32, #tpu.memory_space<vmem>>) offsets(%dma_start3A_100 : memref<512xi32, #tpu.memory_space<vmem>>) semaphore(%arg23 : memref<!tpu.dma_semaphore, #tpu.memory_space<semaphore_mem>>)
    %dma_start3A_104 = arith.constant 2 : i32
    %dma_start3A_105 = arith.constant 0 : i32
    %dma_start3A_106 = tpu.memref_slice %arg10[%dma_start3A_104, %dma_start3A_105] : memref<20x512xi32, #tpu.memory_space<vmem>> -> memref<1x512xi32, #tpu.memory_space<vmem>>
    %dma_start3A_107 = tpu.memref_squeeze %dma_start3A_106 : memref<1x512xi32, #tpu.memory_space<vmem>> -> memref<512xi32, #tpu.memory_space<vmem>>
    %dma_start3A_108 = arith.constant 0 : i32
    %dma_start3A_109 = arith.constant 0 : i32
    %dma_start3A_110 = tpu.memref_slice %arg17[%dma_start3A_108, %dma_start3A_109] : memref<10240x16xf32, #tpu.memory_space<vmem_shared>> -> memref<10240x16xf32, #tpu.memory_space<vmem_shared>>
    tpu.enqueue_indirect_dma source(%dma_start3A_110 : memref<10240x16xf32, #tpu.memory_space<vmem_shared>>) target(%arg20 : memref<512x16xf32, #tpu.memory_space<vmem>>) offsets(%dma_start3A_107 : memref<512xi32, #tpu.memory_space<vmem>>) semaphore(%arg24 : memref<!tpu.dma_semaphore, #tpu.memory_space<semaphore_mem>>)
    %dma_start3A_111 = arith.constant 3 : i32
    %dma_start3A_112 = arith.constant 0 : i32
    %dma_start3A_113 = tpu.memref_slice %arg10[%dma_start3A_111, %dma_start3A_112] : memref<20x512xi32, #tpu.memory_space<vmem>> -> memref<1x512xi32, #tpu.memory_space<vmem>>
    %dma_start3A_114 = tpu.memref_squeeze %dma_start3A_113 : memref<1x512xi32, #tpu.memory_space<vmem>> -> memref<512xi32, #tpu.memory_space<vmem>>
    %dma_start3A_115 = arith.constant 0 : i32
    %dma_start3A_116 = arith.constant 0 : i32
    %dma_start3A_117 = tpu.memref_slice %arg17[%dma_start3A_115, %dma_start3A_116] : memref<10240x16xf32, #tpu.memory_space<vmem_shared>> -> memref<10240x16xf32, #tpu.memory_space<vmem_shared>>
    tpu.enqueue_indirect_dma source(%dma_start3A_117 : memref<10240x16xf32, #tpu.memory_space<vmem_shared>>) target(%arg21 : memref<512x16xf32, #tpu.memory_space<vmem>>) offsets(%dma_start3A_114 : memref<512xi32, #tpu.memory_space<vmem>>) semaphore(%arg25 : memref<!tpu.dma_semaphore, #tpu.memory_space<semaphore_mem>>)
    %dma_wait3A_118 = arith.constant 0 : i32
    %dma_wait3A_119 = arith.constant 0 : i32
    %dma_wait3A_120 = tpu.memref_slice %arg10[%dma_wait3A_118, %dma_wait3A_119] : memref<20x512xi32, #tpu.memory_space<vmem>> -> memref<1x512xi32, #tpu.memory_space<vmem>>
    %dma_wait3A_121 = tpu.memref_squeeze %dma_wait3A_120 : memref<1x512xi32, #tpu.memory_space<vmem>> -> memref<512xi32, #tpu.memory_space<vmem>>
    %dma_wait3A_122 = arith.constant 0 : i32
    %dma_wait3A_123 = arith.constant 0 : i32
    %dma_wait3A_124 = tpu.memref_slice %arg17[%dma_wait3A_122, %dma_wait3A_123] : memref<10240x16xf32, #tpu.memory_space<vmem_shared>> -> memref<10240x16xf32, #tpu.memory_space<vmem_shared>>
    tpu.wait_indirect_dma semaphore(%arg22 : memref<!tpu.dma_semaphore, #tpu.memory_space<semaphore_mem>>) src(%dma_wait3A_124 : memref<10240x16xf32, #tpu.memory_space<vmem_shared>>) dst(%arg18 : memref<512x16xf32, #tpu.memory_space<vmem>>)
    %dma_wait3A_125 = arith.constant 0 : i32
    %dma_wait3A_126 = arith.constant 0 : i32
    %dma_wait3A_127 = tpu.memref_slice %arg10[%dma_wait3A_125, %dma_wait3A_126] : memref<20x512xi32, #tpu.memory_space<vmem>> -> memref<1x512xi32, #tpu.memory_space<vmem>>
    %dma_wait3A_128 = tpu.memref_squeeze %dma_wait3A_127 : memref<1x512xi32, #tpu.memory_space<vmem>> -> memref<512xi32, #tpu.memory_space<vmem>>
    %dma_wait3A_129 = arith.constant 0 : i32
    %dma_wait3A_130 = arith.constant 0 : i32
    %dma_wait3A_131 = tpu.memref_slice %arg17[%dma_wait3A_129, %dma_wait3A_130] : memref<10240x16xf32, #tpu.memory_space<vmem_shared>> -> memref<10240x16xf32, #tpu.memory_space<vmem_shared>>
    tpu.wait_indirect_dma semaphore(%arg23 : memref<!tpu.dma_semaphore, #tpu.memory_space<semaphore_mem>>) src(%dma_wait3A_131 : memref<10240x16xf32, #tpu.memory_space<vmem_shared>>) dst(%arg19 : memref<512x16xf32, #tpu.memory_space<vmem>>)
    %dma_start3A_132 = arith.constant 0 : i32
    %dma_start3A_133 = arith.constant 0 : i32
    %dma_start3A_134 = tpu.memref_slice %arg11[%dma_start3A_132, %dma_start3A_133] : memref<20x512xi32, #tpu.memory_space<vmem>> -> memref<1x512xi32, #tpu.memory_space<vmem>>
    %dma_start3A_135 = tpu.memref_squeeze %dma_start3A_134 : memref<1x512xi32, #tpu.memory_space<vmem>> -> memref<512xi32, #tpu.memory_space<vmem>>
    %dma_start3A_136 = arith.constant 0 : i32
    %dma_start3A_137 = arith.constant 0 : i32
    %dma_start3A_138 = tpu.memref_slice %arg16[%dma_start3A_136, %dma_start3A_137] : memref<10240x16xf32, #tpu.memory_space<vmem_shared>> -> memref<10240x16xf32, #tpu.memory_space<vmem_shared>>
    tpu.enqueue_indirect_dma source(%arg18 : memref<512x16xf32, #tpu.memory_space<vmem>>) target(%dma_start3A_138 : memref<10240x16xf32, #tpu.memory_space<vmem_shared>>) offsets(%dma_start3A_135 : memref<512xi32, #tpu.memory_space<vmem>>) semaphore(%arg26 : memref<!tpu.dma_semaphore, #tpu.memory_space<semaphore_mem>>) {add = true}
    %dma_start3A_139 = arith.constant 1 : i32
    %dma_start3A_140 = arith.constant 0 : i32
    %dma_start3A_141 = tpu.memref_slice %arg11[%dma_start3A_139, %dma_start3A_140] : memref<20x512xi32, #tpu.memory_space<vmem>> -> memref<1x512xi32, #tpu.memory_space<vmem>>
    %dma_start3A_142 = tpu.memref_squeeze %dma_start3A_141 : memref<1x512xi32, #tpu.memory_space<vmem>> -> memref<512xi32, #tpu.memory_space<vmem>>
    %dma_start3A_143 = arith.constant 0 : i32
    %dma_start3A_144 = arith.constant 0 : i32
    %dma_start3A_145 = tpu.memref_slice %arg16[%dma_start3A_143, %dma_start3A_144] : memref<10240x16xf32, #tpu.memory_space<vmem_shared>> -> memref<10240x16xf32, #tpu.memory_space<vmem_shared>>
    tpu.enqueue_indirect_dma source(%arg19 : memref<512x16xf32, #tpu.memory_space<vmem>>) target(%dma_start3A_145 : memref<10240x16xf32, #tpu.memory_space<vmem_shared>>) offsets(%dma_start3A_142 : memref<512xi32, #tpu.memory_space<vmem>>) semaphore(%arg27 : memref<!tpu.dma_semaphore, #tpu.memory_space<semaphore_mem>>) {add = true}
    %dma_wait3A_146 = arith.constant 0 : i32
    %dma_wait3A_147 = arith.constant 0 : i32
    %dma_wait3A_148 = tpu.memref_slice %arg10[%dma_wait3A_146, %dma_wait3A_147] : memref<20x512xi32, #tpu.memory_space<vmem>> -> memref<1x512xi32, #tpu.memory_space<vmem>>
    %dma_wait3A_149 = tpu.memref_squeeze %dma_wait3A_148 : memref<1x512xi32, #tpu.memory_space<vmem>> -> memref<512xi32, #tpu.memory_space<vmem>>
    %dma_wait3A_150 = arith.constant 0 : i32
    %dma_wait3A_151 = arith.constant 0 : i32
    %dma_wait3A_152 = tpu.memref_slice %arg17[%dma_wait3A_150, %dma_wait3A_151] : memref<10240x16xf32, #tpu.memory_space<vmem_shared>> -> memref<10240x16xf32, #tpu.memory_space<vmem_shared>>
    tpu.wait_indirect_dma semaphore(%arg24 : memref<!tpu.dma_semaphore, #tpu.memory_space<semaphore_mem>>) src(%dma_wait3A_152 : memref<10240x16xf32, #tpu.memory_space<vmem_shared>>) dst(%arg20 : memref<512x16xf32, #tpu.memory_space<vmem>>)
    %dma_wait3A_153 = arith.constant 0 : i32
    %dma_wait3A_154 = arith.constant 0 : i32
    %dma_wait3A_155 = tpu.memref_slice %arg10[%dma_wait3A_153, %dma_wait3A_154] : memref<20x512xi32, #tpu.memory_space<vmem>> -> memref<1x512xi32, #tpu.memory_space<vmem>>
    %dma_wait3A_156 = tpu.memref_squeeze %dma_wait3A_155 : memref<1x512xi32, #tpu.memory_space<vmem>> -> memref<512xi32, #tpu.memory_space<vmem>>
    %dma_wait3A_157 = arith.constant 0 : i32
    %dma_wait3A_158 = arith.constant 0 : i32
    %dma_wait3A_159 = tpu.memref_slice %arg17[%dma_wait3A_157, %dma_wait3A_158] : memref<10240x16xf32, #tpu.memory_space<vmem_shared>> -> memref<10240x16xf32, #tpu.memory_space<vmem_shared>>
    tpu.wait_indirect_dma semaphore(%arg25 : memref<!tpu.dma_semaphore, #tpu.memory_space<semaphore_mem>>) src(%dma_wait3A_159 : memref<10240x16xf32, #tpu.memory_space<vmem_shared>>) dst(%arg21 : memref<512x16xf32, #tpu.memory_space<vmem>>)
    %dma_start3A_160 = arith.constant 2 : i32
    %dma_start3A_161 = arith.constant 0 : i32
    %dma_start3A_162 = tpu.memref_slice %arg11[%dma_start3A_160, %dma_start3A_161] : memref<20x512xi32, #tpu.memory_space<vmem>> -> memref<1x512xi32, #tpu.memory_space<vmem>>
    %dma_start3A_163 = tpu.memref_squeeze %dma_start3A_162 : memref<1x512xi32, #tpu.memory_space<vmem>> -> memref<512xi32, #tpu.memory_space<vmem>>
    %dma_start3A_164 = arith.constant 0 : i32
    %dma_start3A_165 = arith.constant 0 : i32
    %dma_start3A_166 = tpu.memref_slice %arg16[%dma_start3A_164, %dma_start3A_165] : memref<10240x16xf32, #tpu.memory_space<vmem_shared>> -> memref<10240x16xf32, #tpu.memory_space<vmem_shared>>
    tpu.enqueue_indirect_dma source(%arg20 : memref<512x16xf32, #tpu.memory_space<vmem>>) target(%dma_start3A_166 : memref<10240x16xf32, #tpu.memory_space<vmem_shared>>) offsets(%dma_start3A_163 : memref<512xi32, #tpu.memory_space<vmem>>) semaphore(%arg28 : memref<!tpu.dma_semaphore, #tpu.memory_space<semaphore_mem>>) {add = true}
    %dma_start3A_167 = arith.constant 3 : i32
    %dma_start3A_168 = arith.constant 0 : i32
    %dma_start3A_169 = tpu.memref_slice %arg11[%dma_start3A_167, %dma_start3A_168] : memref<20x512xi32, #tpu.memory_space<vmem>> -> memref<1x512xi32, #tpu.memory_space<vmem>>
    %dma_start3A_170 = tpu.memref_squeeze %dma_start3A_169 : memref<1x512xi32, #tpu.memory_space<vmem>> -> memref<512xi32, #tpu.memory_space<vmem>>
    %dma_start3A_171 = arith.constant 0 : i32
    %dma_start3A_172 = arith.constant 0 : i32
    %dma_start3A_173 = tpu.memref_slice %arg16[%dma_start3A_171, %dma_start3A_172] : memref<10240x16xf32, #tpu.memory_space<vmem_shared>> -> memref<10240x16xf32, #tpu.memory_space<vmem_shared>>
    tpu.enqueue_indirect_dma source(%arg21 : memref<512x16xf32, #tpu.memory_space<vmem>>) target(%dma_start3A_173 : memref<10240x16xf32, #tpu.memory_space<vmem_shared>>) offsets(%dma_start3A_170 : memref<512xi32, #tpu.memory_space<vmem>>) semaphore(%arg29 : memref<!tpu.dma_semaphore, #tpu.memory_space<semaphore_mem>>) {add = true}
    %dma_wait3A_174 = arith.constant 0 : i32
    %dma_wait3A_175 = arith.constant 0 : i32
    %dma_wait3A_176 = tpu.memref_slice %arg11[%dma_wait3A_174, %dma_wait3A_175] : memref<20x512xi32, #tpu.memory_space<vmem>> -> memref<1x512xi32, #tpu.memory_space<vmem>>
    %dma_wait3A_177 = tpu.memref_squeeze %dma_wait3A_176 : memref<1x512xi32, #tpu.memory_space<vmem>> -> memref<512xi32, #tpu.memory_space<vmem>>
    %dma_wait3A_178 = arith.constant 0 : i32
    %dma_wait3A_179 = arith.constant 0 : i32
    %dma_wait3A_180 = tpu.memref_slice %arg16[%dma_wait3A_178, %dma_wait3A_179] : memref<10240x16xf32, #tpu.memory_space<vmem_shared>> -> memref<10240x16xf32, #tpu.memory_space<vmem_shared>>
    tpu.wait_indirect_dma semaphore(%arg26 : memref<!tpu.dma_semaphore, #tpu.memory_space<semaphore_mem>>) src(%arg18 : memref<512x16xf32, #tpu.memory_space<vmem>>) dst(%dma_wait3A_180 : memref<10240x16xf32, #tpu.memory_space<vmem_shared>>)
    %dma_start3A_181 = arith.constant 4 : i32
    %dma_start3A_182 = arith.constant 0 : i32
    %dma_start3A_183 = tpu.memref_slice %arg10[%dma_start3A_181, %dma_start3A_182] : memref<20x512xi32, #tpu.memory_space<vmem>> -> memref<1x512xi32, #tpu.memory_space<vmem>>
    %dma_start3A_184 = tpu.memref_squeeze %dma_start3A_183 : memref<1x512xi32, #tpu.memory_space<vmem>> -> memref<512xi32, #tpu.memory_space<vmem>>
    %dma_start3A_185 = arith.constant 0 : i32
    %dma_start3A_186 = arith.constant 0 : i32
    %dma_start3A_187 = tpu.memref_slice %arg17[%dma_start3A_185, %dma_start3A_186] : memref<10240x16xf32, #tpu.memory_space<vmem_shared>> -> memref<10240x16xf32, #tpu.memory_space<vmem_shared>>
    tpu.enqueue_indirect_dma source(%dma_start3A_187 : memref<10240x16xf32, #tpu.memory_space<vmem_shared>>) target(%arg18 : memref<512x16xf32, #tpu.memory_space<vmem>>) offsets(%dma_start3A_184 : memref<512xi32, #tpu.memory_space<vmem>>) semaphore(%arg22 : memref<!tpu.dma_semaphore, #tpu.memory_space<semaphore_mem>>)
    %dma_wait3A_188 = arith.constant 0 : i32
    %dma_wait3A_189 = arith.constant 0 : i32
    %dma_wait3A_190 = tpu.memref_slice %arg11[%dma_wait3A_188, %dma_wait3A_189] : memref<20x512xi32, #tpu.memory_space<vmem>> -> memref<1x512xi32, #tpu.memory_space<vmem>>
    %dma_wait3A_191 = tpu.memref_squeeze %dma_wait3A_190 : memref<1x512xi32, #tpu.memory_space<vmem>> -> memref<512xi32, #tpu.memory_space<vmem>>
    %dma_wait3A_192 = arith.constant 0 : i32
    %dma_wait3A_193 = arith.constant 0 : i32
    %dma_wait3A_194 = tpu.memref_slice %arg16[%dma_wait3A_192, %dma_wait3A_193] : memref<10240x16xf32, #tpu.memory_space<vmem_shared>> -> memref<10240x16xf32, #tpu.memory_space<vmem_shared>>
    tpu.wait_indirect_dma semaphore(%arg27 : memref<!tpu.dma_semaphore, #tpu.memory_space<semaphore_mem>>) src(%arg19 : memref<512x16xf32, #tpu.memory_space<vmem>>) dst(%dma_wait3A_194 : memref<10240x16xf32, #tpu.memory_space<vmem_shared>>)
    %dma_start3A_195 = arith.constant 5 : i32
    %dma_start3A_196 = arith.constant 0 : i32
    %dma_start3A_197 = tpu.memref_slice %arg10[%dma_start3A_195, %dma_start3A_196] : memref<20x512xi32, #tpu.memory_space<vmem>> -> memref<1x512xi32, #tpu.memory_space<vmem>>
    %dma_start3A_198 = tpu.memref_squeeze %dma_start3A_197 : memref<1x512xi32, #tpu.memory_space<vmem>> -> memref<512xi32, #tpu.memory_space<vmem>>
    %dma_start3A_199 = arith.constant 0 : i32
    %dma_start3A_200 = arith.constant 0 : i32
    %dma_start3A_201 = tpu.memref_slice %arg17[%dma_start3A_199, %dma_start3A_200] : memref<10240x16xf32, #tpu.memory_space<vmem_shared>> -> memref<10240x16xf32, #tpu.memory_space<vmem_shared>>
    tpu.enqueue_indirect_dma source(%dma_start3A_201 : memref<10240x16xf32, #tpu.memory_space<vmem_shared>>) target(%arg19 : memref<512x16xf32, #tpu.memory_space<vmem>>) offsets(%dma_start3A_198 : memref<512xi32, #tpu.memory_space<vmem>>) semaphore(%arg23 : memref<!tpu.dma_semaphore, #tpu.memory_space<semaphore_mem>>)
    %dma_wait3A_202 = arith.constant 0 : i32
    %dma_wait3A_203 = arith.constant 0 : i32
    %dma_wait3A_204 = tpu.memref_slice %arg10[%dma_wait3A_202, %dma_wait3A_203] : memref<20x512xi32, #tpu.memory_space<vmem>> -> memref<1x512xi32, #tpu.memory_space<vmem>>
    %dma_wait3A_205 = tpu.memref_squeeze %dma_wait3A_204 : memref<1x512xi32, #tpu.memory_space<vmem>> -> memref<512xi32, #tpu.memory_space<vmem>>
    %dma_wait3A_206 = arith.constant 0 : i32
    %dma_wait3A_207 = arith.constant 0 : i32
    %dma_wait3A_208 = tpu.memref_slice %arg17[%dma_wait3A_206, %dma_wait3A_207] : memref<10240x16xf32, #tpu.memory_space<vmem_shared>> -> memref<10240x16xf32, #tpu.memory_space<vmem_shared>>
    tpu.wait_indirect_dma semaphore(%arg22 : memref<!tpu.dma_semaphore, #tpu.memory_space<semaphore_mem>>) src(%dma_wait3A_208 : memref<10240x16xf32, #tpu.memory_space<vmem_shared>>) dst(%arg18 : memref<512x16xf32, #tpu.memory_space<vmem>>)
    %dma_wait3A_209 = arith.constant 0 : i32
    %dma_wait3A_210 = arith.constant 0 : i32
    %dma_wait3A_211 = tpu.memref_slice %arg10[%dma_wait3A_209, %dma_wait3A_210] : memref<20x512xi32, #tpu.memory_space<vmem>> -> memref<1x512xi32, #tpu.memory_space<vmem>>
    %dma_wait3A_212 = tpu.memref_squeeze %dma_wait3A_211 : memref<1x512xi32, #tpu.memory_space<vmem>> -> memref<512xi32, #tpu.memory_space<vmem>>
    %dma_wait3A_213 = arith.constant 0 : i32
    %dma_wait3A_214 = arith.constant 0 : i32
    %dma_wait3A_215 = tpu.memref_slice %arg17[%dma_wait3A_213, %dma_wait3A_214] : memref<10240x16xf32, #tpu.memory_space<vmem_shared>> -> memref<10240x16xf32, #tpu.memory_space<vmem_shared>>
    tpu.wait_indirect_dma semaphore(%arg23 : memref<!tpu.dma_semaphore, #tpu.memory_space<semaphore_mem>>) src(%dma_wait3A_215 : memref<10240x16xf32, #tpu.memory_space<vmem_shared>>) dst(%arg19 : memref<512x16xf32, #tpu.memory_space<vmem>>)
    %dma_start3A_216 = arith.constant 4 : i32
    %dma_start3A_217 = arith.constant 0 : i32
    %dma_start3A_218 = tpu.memref_slice %arg11[%dma_start3A_216, %dma_start3A_217] : memref<20x512xi32, #tpu.memory_space<vmem>> -> memref<1x512xi32, #tpu.memory_space<vmem>>
    %dma_start3A_219 = tpu.memref_squeeze %dma_start3A_218 : memref<1x512xi32, #tpu.memory_space<vmem>> -> memref<512xi32, #tpu.memory_space<vmem>>
    %dma_start3A_220 = arith.constant 0 : i32
    %dma_start3A_221 = arith.constant 0 : i32
    %dma_start3A_222 = tpu.memref_slice %arg16[%dma_start3A_220, %dma_start3A_221] : memref<10240x16xf32, #tpu.memory_space<vmem_shared>> -> memref<10240x16xf32, #tpu.memory_space<vmem_shared>>
    tpu.enqueue_indirect_dma source(%arg18 : memref<512x16xf32, #tpu.memory_space<vmem>>) target(%dma_start3A_222 : memref<10240x16xf32, #tpu.memory_space<vmem_shared>>) offsets(%dma_start3A_219 : memref<512xi32, #tpu.memory_space<vmem>>) semaphore(%arg26 : memref<!tpu.dma_semaphore, #tpu.memory_space<semaphore_mem>>) {add = true}
    %dma_start3A_223 = arith.constant 5 : i32
    %dma_start3A_224 = arith.constant 0 : i32
    %dma_start3A_225 = tpu.memref_slice %arg11[%dma_start3A_223, %dma_start3A_224] : memref<20x512xi32, #tpu.memory_space<vmem>> -> memref<1x512xi32, #tpu.memory_space<vmem>>
    %dma_start3A_226 = tpu.memref_squeeze %dma_start3A_225 : memref<1x512xi32, #tpu.memory_space<vmem>> -> memref<512xi32, #tpu.memory_space<vmem>>
    %dma_start3A_227 = arith.constant 0 : i32
    %dma_start3A_228 = arith.constant 0 : i32
    %dma_start3A_229 = tpu.memref_slice %arg16[%dma_start3A_227, %dma_start3A_228] : memref<10240x16xf32, #tpu.memory_space<vmem_shared>> -> memref<10240x16xf32, #tpu.memory_space<vmem_shared>>
    tpu.enqueue_indirect_dma source(%arg19 : memref<512x16xf32, #tpu.memory_space<vmem>>) target(%dma_start3A_229 : memref<10240x16xf32, #tpu.memory_space<vmem_shared>>) offsets(%dma_start3A_226 : memref<512xi32, #tpu.memory_space<vmem>>) semaphore(%arg27 : memref<!tpu.dma_semaphore, #tpu.memory_space<semaphore_mem>>) {add = true}
    %dma_wait3A_230 = arith.constant 0 : i32
    %dma_wait3A_231 = arith.constant 0 : i32
    %dma_wait3A_232 = tpu.memref_slice %arg11[%dma_wait3A_230, %dma_wait3A_231] : memref<20x512xi32, #tpu.memory_space<vmem>> -> memref<1x512xi32, #tpu.memory_space<vmem>>
    %dma_wait3A_233 = tpu.memref_squeeze %dma_wait3A_232 : memref<1x512xi32, #tpu.memory_space<vmem>> -> memref<512xi32, #tpu.memory_space<vmem>>
    %dma_wait3A_234 = arith.constant 0 : i32
    %dma_wait3A_235 = arith.constant 0 : i32
    %dma_wait3A_236 = tpu.memref_slice %arg16[%dma_wait3A_234, %dma_wait3A_235] : memref<10240x16xf32, #tpu.memory_space<vmem_shared>> -> memref<10240x16xf32, #tpu.memory_space<vmem_shared>>
    tpu.wait_indirect_dma semaphore(%arg28 : memref<!tpu.dma_semaphore, #tpu.memory_space<semaphore_mem>>) src(%arg20 : memref<512x16xf32, #tpu.memory_space<vmem>>) dst(%dma_wait3A_236 : memref<10240x16xf32, #tpu.memory_space<vmem_shared>>)
    %dma_start3A_237 = arith.constant 6 : i32
    %dma_start3A_238 = arith.constant 0 : i32
    %dma_start3A_239 = tpu.memref_slice %arg10[%dma_start3A_237, %dma_start3A_238] : memref<20x512xi32, #tpu.memory_space<vmem>> -> memref<1x512xi32, #tpu.memory_space<vmem>>
    %dma_start3A_240 = tpu.memref_squeeze %dma_start3A_239 : memref<1x512xi32, #tpu.memory_space<vmem>> -> memref<512xi32, #tpu.memory_space<vmem>>
    %dma_start3A_241 = arith.constant 0 : i32
    %dma_start3A_242 = arith.constant 0 : i32
    %dma_start3A_243 = tpu.memref_slice %arg17[%dma_start3A_241, %dma_start3A_242] : memref<10240x16xf32, #tpu.memory_space<vmem_shared>> -> memref<10240x16xf32, #tpu.memory_space<vmem_shared>>
    tpu.enqueue_indirect_dma source(%dma_start3A_243 : memref<10240x16xf32, #tpu.memory_space<vmem_shared>>) target(%arg20 : memref<512x16xf32, #tpu.memory_space<vmem>>) offsets(%dma_start3A_240 : memref<512xi32, #tpu.memory_space<vmem>>) semaphore(%arg24 : memref<!tpu.dma_semaphore, #tpu.memory_space<semaphore_mem>>)
    %dma_wait3A_244 = arith.constant 0 : i32
    %dma_wait3A_245 = arith.constant 0 : i32
    %dma_wait3A_246 = tpu.memref_slice %arg11[%dma_wait3A_244, %dma_wait3A_245] : memref<20x512xi32, #tpu.memory_space<vmem>> -> memref<1x512xi32, #tpu.memory_space<vmem>>
    %dma_wait3A_247 = tpu.memref_squeeze %dma_wait3A_246 : memref<1x512xi32, #tpu.memory_space<vmem>> -> memref<512xi32, #tpu.memory_space<vmem>>
    %dma_wait3A_248 = arith.constant 0 : i32
    %dma_wait3A_249 = arith.constant 0 : i32
    %dma_wait3A_250 = tpu.memref_slice %arg16[%dma_wait3A_248, %dma_wait3A_249] : memref<10240x16xf32, #tpu.memory_space<vmem_shared>> -> memref<10240x16xf32, #tpu.memory_space<vmem_shared>>
    tpu.wait_indirect_dma semaphore(%arg29 : memref<!tpu.dma_semaphore, #tpu.memory_space<semaphore_mem>>) src(%arg21 : memref<512x16xf32, #tpu.memory_space<vmem>>) dst(%dma_wait3A_250 : memref<10240x16xf32, #tpu.memory_space<vmem_shared>>)
    %dma_start3A_251 = arith.constant 7 : i32
    %dma_start3A_252 = arith.constant 0 : i32
    %dma_start3A_253 = tpu.memref_slice %arg10[%dma_start3A_251, %dma_start3A_252] : memref<20x512xi32, #tpu.memory_space<vmem>> -> memref<1x512xi32, #tpu.memory_space<vmem>>
    %dma_start3A_254 = tpu.memref_squeeze %dma_start3A_253 : memref<1x512xi32, #tpu.memory_space<vmem>> -> memref<512xi32, #tpu.memory_space<vmem>>
    %dma_start3A_255 = arith.constant 0 : i32
    %dma_start3A_256 = arith.constant 0 : i32
    %dma_start3A_257 = tpu.memref_slice %arg17[%dma_start3A_255, %dma_start3A_256] : memref<10240x16xf32, #tpu.memory_space<vmem_shared>> -> memref<10240x16xf32, #tpu.memory_space<vmem_shared>>
    tpu.enqueue_indirect_dma source(%dma_start3A_257 : memref<10240x16xf32, #tpu.memory_space<vmem_shared>>) target(%arg21 : memref<512x16xf32, #tpu.memory_space<vmem>>) offsets(%dma_start3A_254 : memref<512xi32, #tpu.memory_space<vmem>>) semaphore(%arg25 : memref<!tpu.dma_semaphore, #tpu.memory_space<semaphore_mem>>)
    %dma_wait3A_258 = arith.constant 0 : i32
    %dma_wait3A_259 = arith.constant 0 : i32
    %dma_wait3A_260 = tpu.memref_slice %arg10[%dma_wait3A_258, %dma_wait3A_259] : memref<20x512xi32, #tpu.memory_space<vmem>> -> memref<1x512xi32, #tpu.memory_space<vmem>>
    %dma_wait3A_261 = tpu.memref_squeeze %dma_wait3A_260 : memref<1x512xi32, #tpu.memory_space<vmem>> -> memref<512xi32, #tpu.memory_space<vmem>>
    %dma_wait3A_262 = arith.constant 0 : i32
    %dma_wait3A_263 = arith.constant 0 : i32
    %dma_wait3A_264 = tpu.memref_slice %arg17[%dma_wait3A_262, %dma_wait3A_263] : memref<10240x16xf32, #tpu.memory_space<vmem_shared>> -> memref<10240x16xf32, #tpu.memory_space<vmem_shared>>
    tpu.wait_indirect_dma semaphore(%arg24 : memref<!tpu.dma_semaphore, #tpu.memory_space<semaphore_mem>>) src(%dma_wait3A_264 : memref<10240x16xf32, #tpu.memory_space<vmem_shared>>) dst(%arg20 : memref<512x16xf32, #tpu.memory_space<vmem>>)
    %dma_wait3A_265 = arith.constant 0 : i32
    %dma_wait3A_266 = arith.constant 0 : i32
    %dma_wait3A_267 = tpu.memref_slice %arg10[%dma_wait3A_265, %dma_wait3A_266] : memref<20x512xi32, #tpu.memory_space<vmem>> -> memref<1x512xi32, #tpu.memory_space<vmem>>
    %dma_wait3A_268 = tpu.memref_squeeze %dma_wait3A_267 : memref<1x512xi32, #tpu.memory_space<vmem>> -> memref<512xi32, #tpu.memory_space<vmem>>
    %dma_wait3A_269 = arith.constant 0 : i32
    %dma_wait3A_270 = arith.constant 0 : i32
    %dma_wait3A_271 = tpu.memref_slice %arg17[%dma_wait3A_269, %dma_wait3A_270] : memref<10240x16xf32, #tpu.memory_space<vmem_shared>> -> memref<10240x16xf32, #tpu.memory_space<vmem_shared>>
    tpu.wait_indirect_dma semaphore(%arg25 : memref<!tpu.dma_semaphore, #tpu.memory_space<semaphore_mem>>) src(%dma_wait3A_271 : memref<10240x16xf32, #tpu.memory_space<vmem_shared>>) dst(%arg21 : memref<512x16xf32, #tpu.memory_space<vmem>>)
    %dma_start3A_272 = arith.constant 6 : i32
    %dma_start3A_273 = arith.constant 0 : i32
    %dma_start3A_274 = tpu.memref_slice %arg11[%dma_start3A_272, %dma_start3A_273] : memref<20x512xi32, #tpu.memory_space<vmem>> -> memref<1x512xi32, #tpu.memory_space<vmem>>
    %dma_start3A_275 = tpu.memref_squeeze %dma_start3A_274 : memref<1x512xi32, #tpu.memory_space<vmem>> -> memref<512xi32, #tpu.memory_space<vmem>>
    %dma_start3A_276 = arith.constant 0 : i32
    %dma_start3A_277 = arith.constant 0 : i32
    %dma_start3A_278 = tpu.memref_slice %arg16[%dma_start3A_276, %dma_start3A_277] : memref<10240x16xf32, #tpu.memory_space<vmem_shared>> -> memref<10240x16xf32, #tpu.memory_space<vmem_shared>>
    tpu.enqueue_indirect_dma source(%arg20 : memref<512x16xf32, #tpu.memory_space<vmem>>) target(%dma_start3A_278 : memref<10240x16xf32, #tpu.memory_space<vmem_shared>>) offsets(%dma_start3A_275 : memref<512xi32, #tpu.memory_space<vmem>>) semaphore(%arg28 : memref<!tpu.dma_semaphore, #tpu.memory_space<semaphore_mem>>) {add = true}
    %dma_start3A_279 = arith.constant 7 : i32
    %dma_start3A_280 = arith.constant 0 : i32
    %dma_start3A_281 = tpu.memref_slice %arg11[%dma_start3A_279, %dma_start3A_280] : memref<20x512xi32, #tpu.memory_space<vmem>> -> memref<1x512xi32, #tpu.memory_space<vmem>>
    %dma_start3A_282 = tpu.memref_squeeze %dma_start3A_281 : memref<1x512xi32, #tpu.memory_space<vmem>> -> memref<512xi32, #tpu.memory_space<vmem>>
    %dma_start3A_283 = arith.constant 0 : i32
    %dma_start3A_284 = arith.constant 0 : i32
    %dma_start3A_285 = tpu.memref_slice %arg16[%dma_start3A_283, %dma_start3A_284] : memref<10240x16xf32, #tpu.memory_space<vmem_shared>> -> memref<10240x16xf32, #tpu.memory_space<vmem_shared>>
    tpu.enqueue_indirect_dma source(%arg21 : memref<512x16xf32, #tpu.memory_space<vmem>>) target(%dma_start3A_285 : memref<10240x16xf32, #tpu.memory_space<vmem_shared>>) offsets(%dma_start3A_282 : memref<512xi32, #tpu.memory_space<vmem>>) semaphore(%arg29 : memref<!tpu.dma_semaphore, #tpu.memory_space<semaphore_mem>>) {add = true}
    %dma_wait3A_286 = arith.constant 0 : i32
    %dma_wait3A_287 = arith.constant 0 : i32
    %dma_wait3A_288 = tpu.memref_slice %arg11[%dma_wait3A_286, %dma_wait3A_287] : memref<20x512xi32, #tpu.memory_space<vmem>> -> memref<1x512xi32, #tpu.memory_space<vmem>>
    %dma_wait3A_289 = tpu.memref_squeeze %dma_wait3A_288 : memref<1x512xi32, #tpu.memory_space<vmem>> -> memref<512xi32, #tpu.memory_space<vmem>>
    %dma_wait3A_290 = arith.constant 0 : i32
    %dma_wait3A_291 = arith.constant 0 : i32
    %dma_wait3A_292 = tpu.memref_slice %arg16[%dma_wait3A_290, %dma_wait3A_291] : memref<10240x16xf32, #tpu.memory_space<vmem_shared>> -> memref<10240x16xf32, #tpu.memory_space<vmem_shared>>
    tpu.wait_indirect_dma semaphore(%arg26 : memref<!tpu.dma_semaphore, #tpu.memory_space<semaphore_mem>>) src(%arg18 : memref<512x16xf32, #tpu.memory_space<vmem>>) dst(%dma_wait3A_292 : memref<10240x16xf32, #tpu.memory_space<vmem_shared>>)
    %dma_start3A_293 = arith.constant 8 : i32
    %dma_start3A_294 = arith.constant 0 : i32
    %dma_start3A_295 = tpu.memref_slice %arg10[%dma_start3A_293, %dma_start3A_294] : memref<20x512xi32, #tpu.memory_space<vmem>> -> memref<1x512xi32, #tpu.memory_space<vmem>>
    %dma_start3A_296 = tpu.memref_squeeze %dma_start3A_295 : memref<1x512xi32, #tpu.memory_space<vmem>> -> memref<512xi32, #tpu.memory_space<vmem>>
    %dma_start3A_297 = arith.constant 0 : i32
    %dma_start3A_298 = arith.constant 0 : i32
    %dma_start3A_299 = tpu.memref_slice %arg17[%dma_start3A_297, %dma_start3A_298] : memref<10240x16xf32, #tpu.memory_space<vmem_shared>> -> memref<10240x16xf32, #tpu.memory_space<vmem_shared>>
    tpu.enqueue_indirect_dma source(%dma_start3A_299 : memref<10240x16xf32, #tpu.memory_space<vmem_shared>>) target(%arg18 : memref<512x16xf32, #tpu.memory_space<vmem>>) offsets(%dma_start3A_296 : memref<512xi32, #tpu.memory_space<vmem>>) semaphore(%arg22 : memref<!tpu.dma_semaphore, #tpu.memory_space<semaphore_mem>>)
    %dma_wait3A_300 = arith.constant 0 : i32
    %dma_wait3A_301 = arith.constant 0 : i32
    %dma_wait3A_302 = tpu.memref_slice %arg11[%dma_wait3A_300, %dma_wait3A_301] : memref<20x512xi32, #tpu.memory_space<vmem>> -> memref<1x512xi32, #tpu.memory_space<vmem>>
    %dma_wait3A_303 = tpu.memref_squeeze %dma_wait3A_302 : memref<1x512xi32, #tpu.memory_space<vmem>> -> memref<512xi32, #tpu.memory_space<vmem>>
    %dma_wait3A_304 = arith.constant 0 : i32
    %dma_wait3A_305 = arith.constant 0 : i32
    %dma_wait3A_306 = tpu.memref_slice %arg16[%dma_wait3A_304, %dma_wait3A_305] : memref<10240x16xf32, #tpu.memory_space<vmem_shared>> -> memref<10240x16xf32, #tpu.memory_space<vmem_shared>>
    tpu.wait_indirect_dma semaphore(%arg27 : memref<!tpu.dma_semaphore, #tpu.memory_space<semaphore_mem>>) src(%arg19 : memref<512x16xf32, #tpu.memory_space<vmem>>) dst(%dma_wait3A_306 : memref<10240x16xf32, #tpu.memory_space<vmem_shared>>)
    %dma_start3A_307 = arith.constant 9 : i32
    %dma_start3A_308 = arith.constant 0 : i32
    %dma_start3A_309 = tpu.memref_slice %arg10[%dma_start3A_307, %dma_start3A_308] : memref<20x512xi32, #tpu.memory_space<vmem>> -> memref<1x512xi32, #tpu.memory_space<vmem>>
    %dma_start3A_310 = tpu.memref_squeeze %dma_start3A_309 : memref<1x512xi32, #tpu.memory_space<vmem>> -> memref<512xi32, #tpu.memory_space<vmem>>
    %dma_start3A_311 = arith.constant 0 : i32
    %dma_start3A_312 = arith.constant 0 : i32
    %dma_start3A_313 = tpu.memref_slice %arg17[%dma_start3A_311, %dma_start3A_312] : memref<10240x16xf32, #tpu.memory_space<vmem_shared>> -> memref<10240x16xf32, #tpu.memory_space<vmem_shared>>
    tpu.enqueue_indirect_dma source(%dma_start3A_313 : memref<10240x16xf32, #tpu.memory_space<vmem_shared>>) target(%arg19 : memref<512x16xf32, #tpu.memory_space<vmem>>) offsets(%dma_start3A_310 : memref<512xi32, #tpu.memory_space<vmem>>) semaphore(%arg23 : memref<!tpu.dma_semaphore, #tpu.memory_space<semaphore_mem>>)
    %dma_wait3A_314 = arith.constant 0 : i32
    %dma_wait3A_315 = arith.constant 0 : i32
    %dma_wait3A_316 = tpu.memref_slice %arg10[%dma_wait3A_314, %dma_wait3A_315] : memref<20x512xi32, #tpu.memory_space<vmem>> -> memref<1x512xi32, #tpu.memory_space<vmem>>
    %dma_wait3A_317 = tpu.memref_squeeze %dma_wait3A_316 : memref<1x512xi32, #tpu.memory_space<vmem>> -> memref<512xi32, #tpu.memory_space<vmem>>
    %dma_wait3A_318 = arith.constant 0 : i32
    %dma_wait3A_319 = arith.constant 0 : i32
    %dma_wait3A_320 = tpu.memref_slice %arg17[%dma_wait3A_318, %dma_wait3A_319] : memref<10240x16xf32, #tpu.memory_space<vmem_shared>> -> memref<10240x16xf32, #tpu.memory_space<vmem_shared>>
    tpu.wait_indirect_dma semaphore(%arg22 : memref<!tpu.dma_semaphore, #tpu.memory_space<semaphore_mem>>) src(%dma_wait3A_320 : memref<10240x16xf32, #tpu.memory_space<vmem_shared>>) dst(%arg18 : memref<512x16xf32, #tpu.memory_space<vmem>>)
    %dma_wait3A_321 = arith.constant 0 : i32
    %dma_wait3A_322 = arith.constant 0 : i32
    %dma_wait3A_323 = tpu.memref_slice %arg10[%dma_wait3A_321, %dma_wait3A_322] : memref<20x512xi32, #tpu.memory_space<vmem>> -> memref<1x512xi32, #tpu.memory_space<vmem>>
    %dma_wait3A_324 = tpu.memref_squeeze %dma_wait3A_323 : memref<1x512xi32, #tpu.memory_space<vmem>> -> memref<512xi32, #tpu.memory_space<vmem>>
    %dma_wait3A_325 = arith.constant 0 : i32
    %dma_wait3A_326 = arith.constant 0 : i32
    %dma_wait3A_327 = tpu.memref_slice %arg17[%dma_wait3A_325, %dma_wait3A_326] : memref<10240x16xf32, #tpu.memory_space<vmem_shared>> -> memref<10240x16xf32, #tpu.memory_space<vmem_shared>>
    tpu.wait_indirect_dma semaphore(%arg23 : memref<!tpu.dma_semaphore, #tpu.memory_space<semaphore_mem>>) src(%dma_wait3A_327 : memref<10240x16xf32, #tpu.memory_space<vmem_shared>>) dst(%arg19 : memref<512x16xf32, #tpu.memory_space<vmem>>)
    %dma_start3A_328 = arith.constant 8 : i32
    %dma_start3A_329 = arith.constant 0 : i32
    %dma_start3A_330 = tpu.memref_slice %arg11[%dma_start3A_328, %dma_start3A_329] : memref<20x512xi32, #tpu.memory_space<vmem>> -> memref<1x512xi32, #tpu.memory_space<vmem>>
    %dma_start3A_331 = tpu.memref_squeeze %dma_start3A_330 : memref<1x512xi32, #tpu.memory_space<vmem>> -> memref<512xi32, #tpu.memory_space<vmem>>
    %dma_start3A_332 = arith.constant 0 : i32
    %dma_start3A_333 = arith.constant 0 : i32
    %dma_start3A_334 = tpu.memref_slice %arg16[%dma_start3A_332, %dma_start3A_333] : memref<10240x16xf32, #tpu.memory_space<vmem_shared>> -> memref<10240x16xf32, #tpu.memory_space<vmem_shared>>
    tpu.enqueue_indirect_dma source(%arg18 : memref<512x16xf32, #tpu.memory_space<vmem>>) target(%dma_start3A_334 : memref<10240x16xf32, #tpu.memory_space<vmem_shared>>) offsets(%dma_start3A_331 : memref<512xi32, #tpu.memory_space<vmem>>) semaphore(%arg26 : memref<!tpu.dma_semaphore, #tpu.memory_space<semaphore_mem>>) {add = true}
    %dma_start3A_335 = arith.constant 9 : i32
    %dma_start3A_336 = arith.constant 0 : i32
    %dma_start3A_337 = tpu.memref_slice %arg11[%dma_start3A_335, %dma_start3A_336] : memref<20x512xi32, #tpu.memory_space<vmem>> -> memref<1x512xi32, #tpu.memory_space<vmem>>
    %dma_start3A_338 = tpu.memref_squeeze %dma_start3A_337 : memref<1x512xi32, #tpu.memory_space<vmem>> -> memref<512xi32, #tpu.memory_space<vmem>>
    %dma_start3A_339 = arith.constant 0 : i32
    %dma_start3A_340 = arith.constant 0 : i32
    %dma_start3A_341 = tpu.memref_slice %arg16[%dma_start3A_339, %dma_start3A_340] : memref<10240x16xf32, #tpu.memory_space<vmem_shared>> -> memref<10240x16xf32, #tpu.memory_space<vmem_shared>>
    tpu.enqueue_indirect_dma source(%arg19 : memref<512x16xf32, #tpu.memory_space<vmem>>) target(%dma_start3A_341 : memref<10240x16xf32, #tpu.memory_space<vmem_shared>>) offsets(%dma_start3A_338 : memref<512xi32, #tpu.memory_space<vmem>>) semaphore(%arg27 : memref<!tpu.dma_semaphore, #tpu.memory_space<semaphore_mem>>) {add = true}
    %dma_wait3A_342 = arith.constant 0 : i32
    %dma_wait3A_343 = arith.constant 0 : i32
    %dma_wait3A_344 = tpu.memref_slice %arg11[%dma_wait3A_342, %dma_wait3A_343] : memref<20x512xi32, #tpu.memory_space<vmem>> -> memref<1x512xi32, #tpu.memory_space<vmem>>
    %dma_wait3A_345 = tpu.memref_squeeze %dma_wait3A_344 : memref<1x512xi32, #tpu.memory_space<vmem>> -> memref<512xi32, #tpu.memory_space<vmem>>
    %dma_wait3A_346 = arith.constant 0 : i32
    %dma_wait3A_347 = arith.constant 0 : i32
    %dma_wait3A_348 = tpu.memref_slice %arg16[%dma_wait3A_346, %dma_wait3A_347] : memref<10240x16xf32, #tpu.memory_space<vmem_shared>> -> memref<10240x16xf32, #tpu.memory_space<vmem_shared>>
    tpu.wait_indirect_dma semaphore(%arg28 : memref<!tpu.dma_semaphore, #tpu.memory_space<semaphore_mem>>) src(%arg20 : memref<512x16xf32, #tpu.memory_space<vmem>>) dst(%dma_wait3A_348 : memref<10240x16xf32, #tpu.memory_space<vmem_shared>>)
    %dma_start3A_349 = arith.constant 10 : i32
    %dma_start3A_350 = arith.constant 0 : i32
    %dma_start3A_351 = tpu.memref_slice %arg10[%dma_start3A_349, %dma_start3A_350] : memref<20x512xi32, #tpu.memory_space<vmem>> -> memref<1x512xi32, #tpu.memory_space<vmem>>
    %dma_start3A_352 = tpu.memref_squeeze %dma_start3A_351 : memref<1x512xi32, #tpu.memory_space<vmem>> -> memref<512xi32, #tpu.memory_space<vmem>>
    %dma_start3A_353 = arith.constant 0 : i32
    %dma_start3A_354 = arith.constant 0 : i32
    %dma_start3A_355 = tpu.memref_slice %arg17[%dma_start3A_353, %dma_start3A_354] : memref<10240x16xf32, #tpu.memory_space<vmem_shared>> -> memref<10240x16xf32, #tpu.memory_space<vmem_shared>>
    tpu.enqueue_indirect_dma source(%dma_start3A_355 : memref<10240x16xf32, #tpu.memory_space<vmem_shared>>) target(%arg20 : memref<512x16xf32, #tpu.memory_space<vmem>>) offsets(%dma_start3A_352 : memref<512xi32, #tpu.memory_space<vmem>>) semaphore(%arg24 : memref<!tpu.dma_semaphore, #tpu.memory_space<semaphore_mem>>)
    %dma_wait3A_356 = arith.constant 0 : i32
    %dma_wait3A_357 = arith.constant 0 : i32
    %dma_wait3A_358 = tpu.memref_slice %arg11[%dma_wait3A_356, %dma_wait3A_357] : memref<20x512xi32, #tpu.memory_space<vmem>> -> memref<1x512xi32, #tpu.memory_space<vmem>>
    %dma_wait3A_359 = tpu.memref_squeeze %dma_wait3A_358 : memref<1x512xi32, #tpu.memory_space<vmem>> -> memref<512xi32, #tpu.memory_space<vmem>>
    %dma_wait3A_360 = arith.constant 0 : i32
    %dma_wait3A_361 = arith.constant 0 : i32
    %dma_wait3A_362 = tpu.memref_slice %arg16[%dma_wait3A_360, %dma_wait3A_361] : memref<10240x16xf32, #tpu.memory_space<vmem_shared>> -> memref<10240x16xf32, #tpu.memory_space<vmem_shared>>
    tpu.wait_indirect_dma semaphore(%arg29 : memref<!tpu.dma_semaphore, #tpu.memory_space<semaphore_mem>>) src(%arg21 : memref<512x16xf32, #tpu.memory_space<vmem>>) dst(%dma_wait3A_362 : memref<10240x16xf32, #tpu.memory_space<vmem_shared>>)
    %dma_start3A_363 = arith.constant 11 : i32
    %dma_start3A_364 = arith.constant 0 : i32
    %dma_start3A_365 = tpu.memref_slice %arg10[%dma_start3A_363, %dma_start3A_364] : memref<20x512xi32, #tpu.memory_space<vmem>> -> memref<1x512xi32, #tpu.memory_space<vmem>>
    %dma_start3A_366 = tpu.memref_squeeze %dma_start3A_365 : memref<1x512xi32, #tpu.memory_space<vmem>> -> memref<512xi32, #tpu.memory_space<vmem>>
    %dma_start3A_367 = arith.constant 0 : i32
    %dma_start3A_368 = arith.constant 0 : i32
    %dma_start3A_369 = tpu.memref_slice %arg17[%dma_start3A_367, %dma_start3A_368] : memref<10240x16xf32, #tpu.memory_space<vmem_shared>> -> memref<10240x16xf32, #tpu.memory_space<vmem_shared>>
    tpu.enqueue_indirect_dma source(%dma_start3A_369 : memref<10240x16xf32, #tpu.memory_space<vmem_shared>>) target(%arg21 : memref<512x16xf32, #tpu.memory_space<vmem>>) offsets(%dma_start3A_366 : memref<512xi32, #tpu.memory_space<vmem>>) semaphore(%arg25 : memref<!tpu.dma_semaphore, #tpu.memory_space<semaphore_mem>>)
    %dma_wait3A_370 = arith.constant 0 : i32
    %dma_wait3A_371 = arith.constant 0 : i32
    %dma_wait3A_372 = tpu.memref_slice %arg10[%dma_wait3A_370, %dma_wait3A_371] : memref<20x512xi32, #tpu.memory_space<vmem>> -> memref<1x512xi32, #tpu.memory_space<vmem>>
    %dma_wait3A_373 = tpu.memref_squeeze %dma_wait3A_372 : memref<1x512xi32, #tpu.memory_space<vmem>> -> memref<512xi32, #tpu.memory_space<vmem>>
    %dma_wait3A_374 = arith.constant 0 : i32
    %dma_wait3A_375 = arith.constant 0 : i32
    %dma_wait3A_376 = tpu.memref_slice %arg17[%dma_wait3A_374, %dma_wait3A_375] : memref<10240x16xf32, #tpu.memory_space<vmem_shared>> -> memref<10240x16xf32, #tpu.memory_space<vmem_shared>>
    tpu.wait_indirect_dma semaphore(%arg24 : memref<!tpu.dma_semaphore, #tpu.memory_space<semaphore_mem>>) src(%dma_wait3A_376 : memref<10240x16xf32, #tpu.memory_space<vmem_shared>>) dst(%arg20 : memref<512x16xf32, #tpu.memory_space<vmem>>)
    %dma_wait3A_377 = arith.constant 0 : i32
    %dma_wait3A_378 = arith.constant 0 : i32
    %dma_wait3A_379 = tpu.memref_slice %arg10[%dma_wait3A_377, %dma_wait3A_378] : memref<20x512xi32, #tpu.memory_space<vmem>> -> memref<1x512xi32, #tpu.memory_space<vmem>>
    %dma_wait3A_380 = tpu.memref_squeeze %dma_wait3A_379 : memref<1x512xi32, #tpu.memory_space<vmem>> -> memref<512xi32, #tpu.memory_space<vmem>>
    %dma_wait3A_381 = arith.constant 0 : i32
    %dma_wait3A_382 = arith.constant 0 : i32
    %dma_wait3A_383 = tpu.memref_slice %arg17[%dma_wait3A_381, %dma_wait3A_382] : memref<10240x16xf32, #tpu.memory_space<vmem_shared>> -> memref<10240x16xf32, #tpu.memory_space<vmem_shared>>
    tpu.wait_indirect_dma semaphore(%arg25 : memref<!tpu.dma_semaphore, #tpu.memory_space<semaphore_mem>>) src(%dma_wait3A_383 : memref<10240x16xf32, #tpu.memory_space<vmem_shared>>) dst(%arg21 : memref<512x16xf32, #tpu.memory_space<vmem>>)
    %dma_start3A_384 = arith.constant 10 : i32
    %dma_start3A_385 = arith.constant 0 : i32
    %dma_start3A_386 = tpu.memref_slice %arg11[%dma_start3A_384, %dma_start3A_385] : memref<20x512xi32, #tpu.memory_space<vmem>> -> memref<1x512xi32, #tpu.memory_space<vmem>>
    %dma_start3A_387 = tpu.memref_squeeze %dma_start3A_386 : memref<1x512xi32, #tpu.memory_space<vmem>> -> memref<512xi32, #tpu.memory_space<vmem>>
    %dma_start3A_388 = arith.constant 0 : i32
    %dma_start3A_389 = arith.constant 0 : i32
    %dma_start3A_390 = tpu.memref_slice %arg16[%dma_start3A_388, %dma_start3A_389] : memref<10240x16xf32, #tpu.memory_space<vmem_shared>> -> memref<10240x16xf32, #tpu.memory_space<vmem_shared>>
    tpu.enqueue_indirect_dma source(%arg20 : memref<512x16xf32, #tpu.memory_space<vmem>>) target(%dma_start3A_390 : memref<10240x16xf32, #tpu.memory_space<vmem_shared>>) offsets(%dma_start3A_387 : memref<512xi32, #tpu.memory_space<vmem>>) semaphore(%arg28 : memref<!tpu.dma_semaphore, #tpu.memory_space<semaphore_mem>>) {add = true}
    %dma_start3A_391 = arith.constant 11 : i32
    %dma_start3A_392 = arith.constant 0 : i32
    %dma_start3A_393 = tpu.memref_slice %arg11[%dma_start3A_391, %dma_start3A_392] : memref<20x512xi32, #tpu.memory_space<vmem>> -> memref<1x512xi32, #tpu.memory_space<vmem>>
    %dma_start3A_394 = tpu.memref_squeeze %dma_start3A_393 : memref<1x512xi32, #tpu.memory_space<vmem>> -> memref<512xi32, #tpu.memory_space<vmem>>
    %dma_start3A_395 = arith.constant 0 : i32
    %dma_start3A_396 = arith.constant 0 : i32
    %dma_start3A_397 = tpu.memref_slice %arg16[%dma_start3A_395, %dma_start3A_396] : memref<10240x16xf32, #tpu.memory_space<vmem_shared>> -> memref<10240x16xf32, #tpu.memory_space<vmem_shared>>
    tpu.enqueue_indirect_dma source(%arg21 : memref<512x16xf32, #tpu.memory_space<vmem>>) target(%dma_start3A_397 : memref<10240x16xf32, #tpu.memory_space<vmem_shared>>) offsets(%dma_start3A_394 : memref<512xi32, #tpu.memory_space<vmem>>) semaphore(%arg29 : memref<!tpu.dma_semaphore, #tpu.memory_space<semaphore_mem>>) {add = true}
    %dma_wait3A_398 = arith.constant 0 : i32
    %dma_wait3A_399 = arith.constant 0 : i32
    %dma_wait3A_400 = tpu.memref_slice %arg11[%dma_wait3A_398, %dma_wait3A_399] : memref<20x512xi32, #tpu.memory_space<vmem>> -> memref<1x512xi32, #tpu.memory_space<vmem>>
    %dma_wait3A_401 = tpu.memref_squeeze %dma_wait3A_400 : memref<1x512xi32, #tpu.memory_space<vmem>> -> memref<512xi32, #tpu.memory_space<vmem>>
    %dma_wait3A_402 = arith.constant 0 : i32
    %dma_wait3A_403 = arith.constant 0 : i32
    %dma_wait3A_404 = tpu.memref_slice %arg16[%dma_wait3A_402, %dma_wait3A_403] : memref<10240x16xf32, #tpu.memory_space<vmem_shared>> -> memref<10240x16xf32, #tpu.memory_space<vmem_shared>>
    tpu.wait_indirect_dma semaphore(%arg26 : memref<!tpu.dma_semaphore, #tpu.memory_space<semaphore_mem>>) src(%arg18 : memref<512x16xf32, #tpu.memory_space<vmem>>) dst(%dma_wait3A_404 : memref<10240x16xf32, #tpu.memory_space<vmem_shared>>)
    %dma_start3A_405 = arith.constant 12 : i32
    %dma_start3A_406 = arith.constant 0 : i32
    %dma_start3A_407 = tpu.memref_slice %arg10[%dma_start3A_405, %dma_start3A_406] : memref<20x512xi32, #tpu.memory_space<vmem>> -> memref<1x512xi32, #tpu.memory_space<vmem>>
    %dma_start3A_408 = tpu.memref_squeeze %dma_start3A_407 : memref<1x512xi32, #tpu.memory_space<vmem>> -> memref<512xi32, #tpu.memory_space<vmem>>
    %dma_start3A_409 = arith.constant 0 : i32
    %dma_start3A_410 = arith.constant 0 : i32
    %dma_start3A_411 = tpu.memref_slice %arg17[%dma_start3A_409, %dma_start3A_410] : memref<10240x16xf32, #tpu.memory_space<vmem_shared>> -> memref<10240x16xf32, #tpu.memory_space<vmem_shared>>
    tpu.enqueue_indirect_dma source(%dma_start3A_411 : memref<10240x16xf32, #tpu.memory_space<vmem_shared>>) target(%arg18 : memref<512x16xf32, #tpu.memory_space<vmem>>) offsets(%dma_start3A_408 : memref<512xi32, #tpu.memory_space<vmem>>) semaphore(%arg22 : memref<!tpu.dma_semaphore, #tpu.memory_space<semaphore_mem>>)
    %dma_wait3A_412 = arith.constant 0 : i32
    %dma_wait3A_413 = arith.constant 0 : i32
    %dma_wait3A_414 = tpu.memref_slice %arg11[%dma_wait3A_412, %dma_wait3A_413] : memref<20x512xi32, #tpu.memory_space<vmem>> -> memref<1x512xi32, #tpu.memory_space<vmem>>
    %dma_wait3A_415 = tpu.memref_squeeze %dma_wait3A_414 : memref<1x512xi32, #tpu.memory_space<vmem>> -> memref<512xi32, #tpu.memory_space<vmem>>
    %dma_wait3A_416 = arith.constant 0 : i32
    %dma_wait3A_417 = arith.constant 0 : i32
    %dma_wait3A_418 = tpu.memref_slice %arg16[%dma_wait3A_416, %dma_wait3A_417] : memref<10240x16xf32, #tpu.memory_space<vmem_shared>> -> memref<10240x16xf32, #tpu.memory_space<vmem_shared>>
    tpu.wait_indirect_dma semaphore(%arg27 : memref<!tpu.dma_semaphore, #tpu.memory_space<semaphore_mem>>) src(%arg19 : memref<512x16xf32, #tpu.memory_space<vmem>>) dst(%dma_wait3A_418 : memref<10240x16xf32, #tpu.memory_space<vmem_shared>>)
    %dma_start3A_419 = arith.constant 13 : i32
    %dma_start3A_420 = arith.constant 0 : i32
    %dma_start3A_421 = tpu.memref_slice %arg10[%dma_start3A_419, %dma_start3A_420] : memref<20x512xi32, #tpu.memory_space<vmem>> -> memref<1x512xi32, #tpu.memory_space<vmem>>
    %dma_start3A_422 = tpu.memref_squeeze %dma_start3A_421 : memref<1x512xi32, #tpu.memory_space<vmem>> -> memref<512xi32, #tpu.memory_space<vmem>>
    %dma_start3A_423 = arith.constant 0 : i32
    %dma_start3A_424 = arith.constant 0 : i32
    %dma_start3A_425 = tpu.memref_slice %arg17[%dma_start3A_423, %dma_start3A_424] : memref<10240x16xf32, #tpu.memory_space<vmem_shared>> -> memref<10240x16xf32, #tpu.memory_space<vmem_shared>>
    tpu.enqueue_indirect_dma source(%dma_start3A_425 : memref<10240x16xf32, #tpu.memory_space<vmem_shared>>) target(%arg19 : memref<512x16xf32, #tpu.memory_space<vmem>>) offsets(%dma_start3A_422 : memref<512xi32, #tpu.memory_space<vmem>>) semaphore(%arg23 : memref<!tpu.dma_semaphore, #tpu.memory_space<semaphore_mem>>)
    %dma_wait3A_426 = arith.constant 0 : i32
    %dma_wait3A_427 = arith.constant 0 : i32
    %dma_wait3A_428 = tpu.memref_slice %arg10[%dma_wait3A_426, %dma_wait3A_427] : memref<20x512xi32, #tpu.memory_space<vmem>> -> memref<1x512xi32, #tpu.memory_space<vmem>>
    %dma_wait3A_429 = tpu.memref_squeeze %dma_wait3A_428 : memref<1x512xi32, #tpu.memory_space<vmem>> -> memref<512xi32, #tpu.memory_space<vmem>>
    %dma_wait3A_430 = arith.constant 0 : i32
    %dma_wait3A_431 = arith.constant 0 : i32
    %dma_wait3A_432 = tpu.memref_slice %arg17[%dma_wait3A_430, %dma_wait3A_431] : memref<10240x16xf32, #tpu.memory_space<vmem_shared>> -> memref<10240x16xf32, #tpu.memory_space<vmem_shared>>
    tpu.wait_indirect_dma semaphore(%arg22 : memref<!tpu.dma_semaphore, #tpu.memory_space<semaphore_mem>>) src(%dma_wait3A_432 : memref<10240x16xf32, #tpu.memory_space<vmem_shared>>) dst(%arg18 : memref<512x16xf32, #tpu.memory_space<vmem>>)
    %dma_wait3A_433 = arith.constant 0 : i32
    %dma_wait3A_434 = arith.constant 0 : i32
    %dma_wait3A_435 = tpu.memref_slice %arg10[%dma_wait3A_433, %dma_wait3A_434] : memref<20x512xi32, #tpu.memory_space<vmem>> -> memref<1x512xi32, #tpu.memory_space<vmem>>
    %dma_wait3A_436 = tpu.memref_squeeze %dma_wait3A_435 : memref<1x512xi32, #tpu.memory_space<vmem>> -> memref<512xi32, #tpu.memory_space<vmem>>
    %dma_wait3A_437 = arith.constant 0 : i32
    %dma_wait3A_438 = arith.constant 0 : i32
    %dma_wait3A_439 = tpu.memref_slice %arg17[%dma_wait3A_437, %dma_wait3A_438] : memref<10240x16xf32, #tpu.memory_space<vmem_shared>> -> memref<10240x16xf32, #tpu.memory_space<vmem_shared>>
    tpu.wait_indirect_dma semaphore(%arg23 : memref<!tpu.dma_semaphore, #tpu.memory_space<semaphore_mem>>) src(%dma_wait3A_439 : memref<10240x16xf32, #tpu.memory_space<vmem_shared>>) dst(%arg19 : memref<512x16xf32, #tpu.memory_space<vmem>>)
    %dma_start3A_440 = arith.constant 12 : i32
    %dma_start3A_441 = arith.constant 0 : i32
    %dma_start3A_442 = tpu.memref_slice %arg11[%dma_start3A_440, %dma_start3A_441] : memref<20x512xi32, #tpu.memory_space<vmem>> -> memref<1x512xi32, #tpu.memory_space<vmem>>
    %dma_start3A_443 = tpu.memref_squeeze %dma_start3A_442 : memref<1x512xi32, #tpu.memory_space<vmem>> -> memref<512xi32, #tpu.memory_space<vmem>>
    %dma_start3A_444 = arith.constant 0 : i32
    %dma_start3A_445 = arith.constant 0 : i32
    %dma_start3A_446 = tpu.memref_slice %arg16[%dma_start3A_444, %dma_start3A_445] : memref<10240x16xf32, #tpu.memory_space<vmem_shared>> -> memref<10240x16xf32, #tpu.memory_space<vmem_shared>>
    tpu.enqueue_indirect_dma source(%arg18 : memref<512x16xf32, #tpu.memory_space<vmem>>) target(%dma_start3A_446 : memref<10240x16xf32, #tpu.memory_space<vmem_shared>>) offsets(%dma_start3A_443 : memref<512xi32, #tpu.memory_space<vmem>>) semaphore(%arg26 : memref<!tpu.dma_semaphore, #tpu.memory_space<semaphore_mem>>) {add = true}
    %dma_start3A_447 = arith.constant 13 : i32
    %dma_start3A_448 = arith.constant 0 : i32
    %dma_start3A_449 = tpu.memref_slice %arg11[%dma_start3A_447, %dma_start3A_448] : memref<20x512xi32, #tpu.memory_space<vmem>> -> memref<1x512xi32, #tpu.memory_space<vmem>>
    %dma_start3A_450 = tpu.memref_squeeze %dma_start3A_449 : memref<1x512xi32, #tpu.memory_space<vmem>> -> memref<512xi32, #tpu.memory_space<vmem>>
    %dma_start3A_451 = arith.constant 0 : i32
    %dma_start3A_452 = arith.constant 0 : i32
    %dma_start3A_453 = tpu.memref_slice %arg16[%dma_start3A_451, %dma_start3A_452] : memref<10240x16xf32, #tpu.memory_space<vmem_shared>> -> memref<10240x16xf32, #tpu.memory_space<vmem_shared>>
    tpu.enqueue_indirect_dma source(%arg19 : memref<512x16xf32, #tpu.memory_space<vmem>>) target(%dma_start3A_453 : memref<10240x16xf32, #tpu.memory_space<vmem_shared>>) offsets(%dma_start3A_450 : memref<512xi32, #tpu.memory_space<vmem>>) semaphore(%arg27 : memref<!tpu.dma_semaphore, #tpu.memory_space<semaphore_mem>>) {add = true}
    %dma_wait3A_454 = arith.constant 0 : i32
    %dma_wait3A_455 = arith.constant 0 : i32
    %dma_wait3A_456 = tpu.memref_slice %arg11[%dma_wait3A_454, %dma_wait3A_455] : memref<20x512xi32, #tpu.memory_space<vmem>> -> memref<1x512xi32, #tpu.memory_space<vmem>>
    %dma_wait3A_457 = tpu.memref_squeeze %dma_wait3A_456 : memref<1x512xi32, #tpu.memory_space<vmem>> -> memref<512xi32, #tpu.memory_space<vmem>>
    %dma_wait3A_458 = arith.constant 0 : i32
    %dma_wait3A_459 = arith.constant 0 : i32
    %dma_wait3A_460 = tpu.memref_slice %arg16[%dma_wait3A_458, %dma_wait3A_459] : memref<10240x16xf32, #tpu.memory_space<vmem_shared>> -> memref<10240x16xf32, #tpu.memory_space<vmem_shared>>
    tpu.wait_indirect_dma semaphore(%arg28 : memref<!tpu.dma_semaphore, #tpu.memory_space<semaphore_mem>>) src(%arg20 : memref<512x16xf32, #tpu.memory_space<vmem>>) dst(%dma_wait3A_460 : memref<10240x16xf32, #tpu.memory_space<vmem_shared>>)
    %dma_start3A_461 = arith.constant 14 : i32
    %dma_start3A_462 = arith.constant 0 : i32
    %dma_start3A_463 = tpu.memref_slice %arg10[%dma_start3A_461, %dma_start3A_462] : memref<20x512xi32, #tpu.memory_space<vmem>> -> memref<1x512xi32, #tpu.memory_space<vmem>>
    %dma_start3A_464 = tpu.memref_squeeze %dma_start3A_463 : memref<1x512xi32, #tpu.memory_space<vmem>> -> memref<512xi32, #tpu.memory_space<vmem>>
    %dma_start3A_465 = arith.constant 0 : i32
    %dma_start3A_466 = arith.constant 0 : i32
    %dma_start3A_467 = tpu.memref_slice %arg17[%dma_start3A_465, %dma_start3A_466] : memref<10240x16xf32, #tpu.memory_space<vmem_shared>> -> memref<10240x16xf32, #tpu.memory_space<vmem_shared>>
    tpu.enqueue_indirect_dma source(%dma_start3A_467 : memref<10240x16xf32, #tpu.memory_space<vmem_shared>>) target(%arg20 : memref<512x16xf32, #tpu.memory_space<vmem>>) offsets(%dma_start3A_464 : memref<512xi32, #tpu.memory_space<vmem>>) semaphore(%arg24 : memref<!tpu.dma_semaphore, #tpu.memory_space<semaphore_mem>>)
    %dma_wait3A_468 = arith.constant 0 : i32
    %dma_wait3A_469 = arith.constant 0 : i32
    %dma_wait3A_470 = tpu.memref_slice %arg11[%dma_wait3A_468, %dma_wait3A_469] : memref<20x512xi32, #tpu.memory_space<vmem>> -> memref<1x512xi32, #tpu.memory_space<vmem>>
    %dma_wait3A_471 = tpu.memref_squeeze %dma_wait3A_470 : memref<1x512xi32, #tpu.memory_space<vmem>> -> memref<512xi32, #tpu.memory_space<vmem>>
    %dma_wait3A_472 = arith.constant 0 : i32
    %dma_wait3A_473 = arith.constant 0 : i32
    %dma_wait3A_474 = tpu.memref_slice %arg16[%dma_wait3A_472, %dma_wait3A_473] : memref<10240x16xf32, #tpu.memory_space<vmem_shared>> -> memref<10240x16xf32, #tpu.memory_space<vmem_shared>>
    tpu.wait_indirect_dma semaphore(%arg29 : memref<!tpu.dma_semaphore, #tpu.memory_space<semaphore_mem>>) src(%arg21 : memref<512x16xf32, #tpu.memory_space<vmem>>) dst(%dma_wait3A_474 : memref<10240x16xf32, #tpu.memory_space<vmem_shared>>)
    %dma_start3A_475 = arith.constant 15 : i32
    %dma_start3A_476 = arith.constant 0 : i32
    %dma_start3A_477 = tpu.memref_slice %arg10[%dma_start3A_475, %dma_start3A_476] : memref<20x512xi32, #tpu.memory_space<vmem>> -> memref<1x512xi32, #tpu.memory_space<vmem>>
    %dma_start3A_478 = tpu.memref_squeeze %dma_start3A_477 : memref<1x512xi32, #tpu.memory_space<vmem>> -> memref<512xi32, #tpu.memory_space<vmem>>
    %dma_start3A_479 = arith.constant 0 : i32
    %dma_start3A_480 = arith.constant 0 : i32
    %dma_start3A_481 = tpu.memref_slice %arg17[%dma_start3A_479, %dma_start3A_480] : memref<10240x16xf32, #tpu.memory_space<vmem_shared>> -> memref<10240x16xf32, #tpu.memory_space<vmem_shared>>
    tpu.enqueue_indirect_dma source(%dma_start3A_481 : memref<10240x16xf32, #tpu.memory_space<vmem_shared>>) target(%arg21 : memref<512x16xf32, #tpu.memory_space<vmem>>) offsets(%dma_start3A_478 : memref<512xi32, #tpu.memory_space<vmem>>) semaphore(%arg25 : memref<!tpu.dma_semaphore, #tpu.memory_space<semaphore_mem>>)
    %dma_wait3A_482 = arith.constant 0 : i32
    %dma_wait3A_483 = arith.constant 0 : i32
    %dma_wait3A_484 = tpu.memref_slice %arg10[%dma_wait3A_482, %dma_wait3A_483] : memref<20x512xi32, #tpu.memory_space<vmem>> -> memref<1x512xi32, #tpu.memory_space<vmem>>
    %dma_wait3A_485 = tpu.memref_squeeze %dma_wait3A_484 : memref<1x512xi32, #tpu.memory_space<vmem>> -> memref<512xi32, #tpu.memory_space<vmem>>
    %dma_wait3A_486 = arith.constant 0 : i32
    %dma_wait3A_487 = arith.constant 0 : i32
    %dma_wait3A_488 = tpu.memref_slice %arg17[%dma_wait3A_486, %dma_wait3A_487] : memref<10240x16xf32, #tpu.memory_space<vmem_shared>> -> memref<10240x16xf32, #tpu.memory_space<vmem_shared>>
    tpu.wait_indirect_dma semaphore(%arg24 : memref<!tpu.dma_semaphore, #tpu.memory_space<semaphore_mem>>) src(%dma_wait3A_488 : memref<10240x16xf32, #tpu.memory_space<vmem_shared>>) dst(%arg20 : memref<512x16xf32, #tpu.memory_space<vmem>>)
    %dma_wait3A_489 = arith.constant 0 : i32
    %dma_wait3A_490 = arith.constant 0 : i32
    %dma_wait3A_491 = tpu.memref_slice %arg10[%dma_wait3A_489, %dma_wait3A_490] : memref<20x512xi32, #tpu.memory_space<vmem>> -> memref<1x512xi32, #tpu.memory_space<vmem>>
    %dma_wait3A_492 = tpu.memref_squeeze %dma_wait3A_491 : memref<1x512xi32, #tpu.memory_space<vmem>> -> memref<512xi32, #tpu.memory_space<vmem>>
    %dma_wait3A_493 = arith.constant 0 : i32
    %dma_wait3A_494 = arith.constant 0 : i32
    %dma_wait3A_495 = tpu.memref_slice %arg17[%dma_wait3A_493, %dma_wait3A_494] : memref<10240x16xf32, #tpu.memory_space<vmem_shared>> -> memref<10240x16xf32, #tpu.memory_space<vmem_shared>>
    tpu.wait_indirect_dma semaphore(%arg25 : memref<!tpu.dma_semaphore, #tpu.memory_space<semaphore_mem>>) src(%dma_wait3A_495 : memref<10240x16xf32, #tpu.memory_space<vmem_shared>>) dst(%arg21 : memref<512x16xf32, #tpu.memory_space<vmem>>)
    %dma_start3A_496 = arith.constant 14 : i32
    %dma_start3A_497 = arith.constant 0 : i32
    %dma_start3A_498 = tpu.memref_slice %arg11[%dma_start3A_496, %dma_start3A_497] : memref<20x512xi32, #tpu.memory_space<vmem>> -> memref<1x512xi32, #tpu.memory_space<vmem>>
    %dma_start3A_499 = tpu.memref_squeeze %dma_start3A_498 : memref<1x512xi32, #tpu.memory_space<vmem>> -> memref<512xi32, #tpu.memory_space<vmem>>
    %dma_start3A_500 = arith.constant 0 : i32
    %dma_start3A_501 = arith.constant 0 : i32
    %dma_start3A_502 = tpu.memref_slice %arg16[%dma_start3A_500, %dma_start3A_501] : memref<10240x16xf32, #tpu.memory_space<vmem_shared>> -> memref<10240x16xf32, #tpu.memory_space<vmem_shared>>
    tpu.enqueue_indirect_dma source(%arg20 : memref<512x16xf32, #tpu.memory_space<vmem>>) target(%dma_start3A_502 : memref<10240x16xf32, #tpu.memory_space<vmem_shared>>) offsets(%dma_start3A_499 : memref<512xi32, #tpu.memory_space<vmem>>) semaphore(%arg28 : memref<!tpu.dma_semaphore, #tpu.memory_space<semaphore_mem>>) {add = true}
    %dma_start3A_503 = arith.constant 15 : i32
    %dma_start3A_504 = arith.constant 0 : i32
    %dma_start3A_505 = tpu.memref_slice %arg11[%dma_start3A_503, %dma_start3A_504] : memref<20x512xi32, #tpu.memory_space<vmem>> -> memref<1x512xi32, #tpu.memory_space<vmem>>
    %dma_start3A_506 = tpu.memref_squeeze %dma_start3A_505 : memref<1x512xi32, #tpu.memory_space<vmem>> -> memref<512xi32, #tpu.memory_space<vmem>>
    %dma_start3A_507 = arith.constant 0 : i32
    %dma_start3A_508 = arith.constant 0 : i32
    %dma_start3A_509 = tpu.memref_slice %arg16[%dma_start3A_507, %dma_start3A_508] : memref<10240x16xf32, #tpu.memory_space<vmem_shared>> -> memref<10240x16xf32, #tpu.memory_space<vmem_shared>>
    tpu.enqueue_indirect_dma source(%arg21 : memref<512x16xf32, #tpu.memory_space<vmem>>) target(%dma_start3A_509 : memref<10240x16xf32, #tpu.memory_space<vmem_shared>>) offsets(%dma_start3A_506 : memref<512xi32, #tpu.memory_space<vmem>>) semaphore(%arg29 : memref<!tpu.dma_semaphore, #tpu.memory_space<semaphore_mem>>) {add = true}
    %dma_wait3A_510 = arith.constant 0 : i32
    %dma_wait3A_511 = arith.constant 0 : i32
    %dma_wait3A_512 = tpu.memref_slice %arg11[%dma_wait3A_510, %dma_wait3A_511] : memref<20x512xi32, #tpu.memory_space<vmem>> -> memref<1x512xi32, #tpu.memory_space<vmem>>
    %dma_wait3A_513 = tpu.memref_squeeze %dma_wait3A_512 : memref<1x512xi32, #tpu.memory_space<vmem>> -> memref<512xi32, #tpu.memory_space<vmem>>
    %dma_wait3A_514 = arith.constant 0 : i32
    %dma_wait3A_515 = arith.constant 0 : i32
    %dma_wait3A_516 = tpu.memref_slice %arg16[%dma_wait3A_514, %dma_wait3A_515] : memref<10240x16xf32, #tpu.memory_space<vmem_shared>> -> memref<10240x16xf32, #tpu.memory_space<vmem_shared>>
    tpu.wait_indirect_dma semaphore(%arg26 : memref<!tpu.dma_semaphore, #tpu.memory_space<semaphore_mem>>) src(%arg18 : memref<512x16xf32, #tpu.memory_space<vmem>>) dst(%dma_wait3A_516 : memref<10240x16xf32, #tpu.memory_space<vmem_shared>>)
    %dma_start3A_517 = arith.constant 16 : i32
    %dma_start3A_518 = arith.constant 0 : i32
    %dma_start3A_519 = tpu.memref_slice %arg10[%dma_start3A_517, %dma_start3A_518] : memref<20x512xi32, #tpu.memory_space<vmem>> -> memref<1x512xi32, #tpu.memory_space<vmem>>
    %dma_start3A_520 = tpu.memref_squeeze %dma_start3A_519 : memref<1x512xi32, #tpu.memory_space<vmem>> -> memref<512xi32, #tpu.memory_space<vmem>>
    %dma_start3A_521 = arith.constant 0 : i32
    %dma_start3A_522 = arith.constant 0 : i32
    %dma_start3A_523 = tpu.memref_slice %arg17[%dma_start3A_521, %dma_start3A_522] : memref<10240x16xf32, #tpu.memory_space<vmem_shared>> -> memref<10240x16xf32, #tpu.memory_space<vmem_shared>>
    tpu.enqueue_indirect_dma source(%dma_start3A_523 : memref<10240x16xf32, #tpu.memory_space<vmem_shared>>) target(%arg18 : memref<512x16xf32, #tpu.memory_space<vmem>>) offsets(%dma_start3A_520 : memref<512xi32, #tpu.memory_space<vmem>>) semaphore(%arg22 : memref<!tpu.dma_semaphore, #tpu.memory_space<semaphore_mem>>)
    %dma_wait3A_524 = arith.constant 0 : i32
    %dma_wait3A_525 = arith.constant 0 : i32
    %dma_wait3A_526 = tpu.memref_slice %arg11[%dma_wait3A_524, %dma_wait3A_525] : memref<20x512xi32, #tpu.memory_space<vmem>> -> memref<1x512xi32, #tpu.memory_space<vmem>>
    %dma_wait3A_527 = tpu.memref_squeeze %dma_wait3A_526 : memref<1x512xi32, #tpu.memory_space<vmem>> -> memref<512xi32, #tpu.memory_space<vmem>>
    %dma_wait3A_528 = arith.constant 0 : i32
    %dma_wait3A_529 = arith.constant 0 : i32
    %dma_wait3A_530 = tpu.memref_slice %arg16[%dma_wait3A_528, %dma_wait3A_529] : memref<10240x16xf32, #tpu.memory_space<vmem_shared>> -> memref<10240x16xf32, #tpu.memory_space<vmem_shared>>
    tpu.wait_indirect_dma semaphore(%arg27 : memref<!tpu.dma_semaphore, #tpu.memory_space<semaphore_mem>>) src(%arg19 : memref<512x16xf32, #tpu.memory_space<vmem>>) dst(%dma_wait3A_530 : memref<10240x16xf32, #tpu.memory_space<vmem_shared>>)
    %dma_start3A_531 = arith.constant 17 : i32
    %dma_start3A_532 = arith.constant 0 : i32
    %dma_start3A_533 = tpu.memref_slice %arg10[%dma_start3A_531, %dma_start3A_532] : memref<20x512xi32, #tpu.memory_space<vmem>> -> memref<1x512xi32, #tpu.memory_space<vmem>>
    %dma_start3A_534 = tpu.memref_squeeze %dma_start3A_533 : memref<1x512xi32, #tpu.memory_space<vmem>> -> memref<512xi32, #tpu.memory_space<vmem>>
    %dma_start3A_535 = arith.constant 0 : i32
    %dma_start3A_536 = arith.constant 0 : i32
    %dma_start3A_537 = tpu.memref_slice %arg17[%dma_start3A_535, %dma_start3A_536] : memref<10240x16xf32, #tpu.memory_space<vmem_shared>> -> memref<10240x16xf32, #tpu.memory_space<vmem_shared>>
    tpu.enqueue_indirect_dma source(%dma_start3A_537 : memref<10240x16xf32, #tpu.memory_space<vmem_shared>>) target(%arg19 : memref<512x16xf32, #tpu.memory_space<vmem>>) offsets(%dma_start3A_534 : memref<512xi32, #tpu.memory_space<vmem>>) semaphore(%arg23 : memref<!tpu.dma_semaphore, #tpu.memory_space<semaphore_mem>>)
    %dma_wait3A_538 = arith.constant 0 : i32
    %dma_wait3A_539 = arith.constant 0 : i32
    %dma_wait3A_540 = tpu.memref_slice %arg10[%dma_wait3A_538, %dma_wait3A_539] : memref<20x512xi32, #tpu.memory_space<vmem>> -> memref<1x512xi32, #tpu.memory_space<vmem>>
    %dma_wait3A_541 = tpu.memref_squeeze %dma_wait3A_540 : memref<1x512xi32, #tpu.memory_space<vmem>> -> memref<512xi32, #tpu.memory_space<vmem>>
    %dma_wait3A_542 = arith.constant 0 : i32
    %dma_wait3A_543 = arith.constant 0 : i32
    %dma_wait3A_544 = tpu.memref_slice %arg17[%dma_wait3A_542, %dma_wait3A_543] : memref<10240x16xf32, #tpu.memory_space<vmem_shared>> -> memref<10240x16xf32, #tpu.memory_space<vmem_shared>>
    tpu.wait_indirect_dma semaphore(%arg22 : memref<!tpu.dma_semaphore, #tpu.memory_space<semaphore_mem>>) src(%dma_wait3A_544 : memref<10240x16xf32, #tpu.memory_space<vmem_shared>>) dst(%arg18 : memref<512x16xf32, #tpu.memory_space<vmem>>)
    %dma_wait3A_545 = arith.constant 0 : i32
    %dma_wait3A_546 = arith.constant 0 : i32
    %dma_wait3A_547 = tpu.memref_slice %arg10[%dma_wait3A_545, %dma_wait3A_546] : memref<20x512xi32, #tpu.memory_space<vmem>> -> memref<1x512xi32, #tpu.memory_space<vmem>>
    %dma_wait3A_548 = tpu.memref_squeeze %dma_wait3A_547 : memref<1x512xi32, #tpu.memory_space<vmem>> -> memref<512xi32, #tpu.memory_space<vmem>>
    %dma_wait3A_549 = arith.constant 0 : i32
    %dma_wait3A_550 = arith.constant 0 : i32
    %dma_wait3A_551 = tpu.memref_slice %arg17[%dma_wait3A_549, %dma_wait3A_550] : memref<10240x16xf32, #tpu.memory_space<vmem_shared>> -> memref<10240x16xf32, #tpu.memory_space<vmem_shared>>
    tpu.wait_indirect_dma semaphore(%arg23 : memref<!tpu.dma_semaphore, #tpu.memory_space<semaphore_mem>>) src(%dma_wait3A_551 : memref<10240x16xf32, #tpu.memory_space<vmem_shared>>) dst(%arg19 : memref<512x16xf32, #tpu.memory_space<vmem>>)
    %dma_start3A_552 = arith.constant 16 : i32
    %dma_start3A_553 = arith.constant 0 : i32
    %dma_start3A_554 = tpu.memref_slice %arg11[%dma_start3A_552, %dma_start3A_553] : memref<20x512xi32, #tpu.memory_space<vmem>> -> memref<1x512xi32, #tpu.memory_space<vmem>>
    %dma_start3A_555 = tpu.memref_squeeze %dma_start3A_554 : memref<1x512xi32, #tpu.memory_space<vmem>> -> memref<512xi32, #tpu.memory_space<vmem>>
    %dma_start3A_556 = arith.constant 0 : i32
    %dma_start3A_557 = arith.constant 0 : i32
    %dma_start3A_558 = tpu.memref_slice %arg16[%dma_start3A_556, %dma_start3A_557] : memref<10240x16xf32, #tpu.memory_space<vmem_shared>> -> memref<10240x16xf32, #tpu.memory_space<vmem_shared>>
    tpu.enqueue_indirect_dma source(%arg18 : memref<512x16xf32, #tpu.memory_space<vmem>>) target(%dma_start3A_558 : memref<10240x16xf32, #tpu.memory_space<vmem_shared>>) offsets(%dma_start3A_555 : memref<512xi32, #tpu.memory_space<vmem>>) semaphore(%arg26 : memref<!tpu.dma_semaphore, #tpu.memory_space<semaphore_mem>>) {add = true}
    %dma_start3A_559 = arith.constant 17 : i32
    %dma_start3A_560 = arith.constant 0 : i32
    %dma_start3A_561 = tpu.memref_slice %arg11[%dma_start3A_559, %dma_start3A_560] : memref<20x512xi32, #tpu.memory_space<vmem>> -> memref<1x512xi32, #tpu.memory_space<vmem>>
    %dma_start3A_562 = tpu.memref_squeeze %dma_start3A_561 : memref<1x512xi32, #tpu.memory_space<vmem>> -> memref<512xi32, #tpu.memory_space<vmem>>
    %dma_start3A_563 = arith.constant 0 : i32
    %dma_start3A_564 = arith.constant 0 : i32
    %dma_start3A_565 = tpu.memref_slice %arg16[%dma_start3A_563, %dma_start3A_564] : memref<10240x16xf32, #tpu.memory_space<vmem_shared>> -> memref<10240x16xf32, #tpu.memory_space<vmem_shared>>
    tpu.enqueue_indirect_dma source(%arg19 : memref<512x16xf32, #tpu.memory_space<vmem>>) target(%dma_start3A_565 : memref<10240x16xf32, #tpu.memory_space<vmem_shared>>) offsets(%dma_start3A_562 : memref<512xi32, #tpu.memory_space<vmem>>) semaphore(%arg27 : memref<!tpu.dma_semaphore, #tpu.memory_space<semaphore_mem>>) {add = true}
    %dma_wait3A_566 = arith.constant 0 : i32
    %dma_wait3A_567 = arith.constant 0 : i32
    %dma_wait3A_568 = tpu.memref_slice %arg11[%dma_wait3A_566, %dma_wait3A_567] : memref<20x512xi32, #tpu.memory_space<vmem>> -> memref<1x512xi32, #tpu.memory_space<vmem>>
    %dma_wait3A_569 = tpu.memref_squeeze %dma_wait3A_568 : memref<1x512xi32, #tpu.memory_space<vmem>> -> memref<512xi32, #tpu.memory_space<vmem>>
    %dma_wait3A_570 = arith.constant 0 : i32
    %dma_wait3A_571 = arith.constant 0 : i32
    %dma_wait3A_572 = tpu.memref_slice %arg16[%dma_wait3A_570, %dma_wait3A_571] : memref<10240x16xf32, #tpu.memory_space<vmem_shared>> -> memref<10240x16xf32, #tpu.memory_space<vmem_shared>>
    tpu.wait_indirect_dma semaphore(%arg28 : memref<!tpu.dma_semaphore, #tpu.memory_space<semaphore_mem>>) src(%arg20 : memref<512x16xf32, #tpu.memory_space<vmem>>) dst(%dma_wait3A_572 : memref<10240x16xf32, #tpu.memory_space<vmem_shared>>)
    %dma_start3A_573 = arith.constant 18 : i32
    %dma_start3A_574 = arith.constant 0 : i32
    %dma_start3A_575 = tpu.memref_slice %arg10[%dma_start3A_573, %dma_start3A_574] : memref<20x512xi32, #tpu.memory_space<vmem>> -> memref<1x512xi32, #tpu.memory_space<vmem>>
    %dma_start3A_576 = tpu.memref_squeeze %dma_start3A_575 : memref<1x512xi32, #tpu.memory_space<vmem>> -> memref<512xi32, #tpu.memory_space<vmem>>
    %dma_start3A_577 = arith.constant 0 : i32
    %dma_start3A_578 = arith.constant 0 : i32
    %dma_start3A_579 = tpu.memref_slice %arg17[%dma_start3A_577, %dma_start3A_578] : memref<10240x16xf32, #tpu.memory_space<vmem_shared>> -> memref<10240x16xf32, #tpu.memory_space<vmem_shared>>
    tpu.enqueue_indirect_dma source(%dma_start3A_579 : memref<10240x16xf32, #tpu.memory_space<vmem_shared>>) target(%arg20 : memref<512x16xf32, #tpu.memory_space<vmem>>) offsets(%dma_start3A_576 : memref<512xi32, #tpu.memory_space<vmem>>) semaphore(%arg24 : memref<!tpu.dma_semaphore, #tpu.memory_space<semaphore_mem>>)
    %dma_wait3A_580 = arith.constant 0 : i32
    %dma_wait3A_581 = arith.constant 0 : i32
    %dma_wait3A_582 = tpu.memref_slice %arg11[%dma_wait3A_580, %dma_wait3A_581] : memref<20x512xi32, #tpu.memory_space<vmem>> -> memref<1x512xi32, #tpu.memory_space<vmem>>
    %dma_wait3A_583 = tpu.memref_squeeze %dma_wait3A_582 : memref<1x512xi32, #tpu.memory_space<vmem>> -> memref<512xi32, #tpu.memory_space<vmem>>
    %dma_wait3A_584 = arith.constant 0 : i32
    %dma_wait3A_585 = arith.constant 0 : i32
    %dma_wait3A_586 = tpu.memref_slice %arg16[%dma_wait3A_584, %dma_wait3A_585] : memref<10240x16xf32, #tpu.memory_space<vmem_shared>> -> memref<10240x16xf32, #tpu.memory_space<vmem_shared>>
    tpu.wait_indirect_dma semaphore(%arg29 : memref<!tpu.dma_semaphore, #tpu.memory_space<semaphore_mem>>) src(%arg21 : memref<512x16xf32, #tpu.memory_space<vmem>>) dst(%dma_wait3A_586 : memref<10240x16xf32, #tpu.memory_space<vmem_shared>>)
    %dma_start3A_587 = arith.constant 19 : i32
    %dma_start3A_588 = arith.constant 0 : i32
    %dma_start3A_589 = tpu.memref_slice %arg10[%dma_start3A_587, %dma_start3A_588] : memref<20x512xi32, #tpu.memory_space<vmem>> -> memref<1x512xi32, #tpu.memory_space<vmem>>
    %dma_start3A_590 = tpu.memref_squeeze %dma_start3A_589 : memref<1x512xi32, #tpu.memory_space<vmem>> -> memref<512xi32, #tpu.memory_space<vmem>>
    %dma_start3A_591 = arith.constant 0 : i32
    %dma_start3A_592 = arith.constant 0 : i32
    %dma_start3A_593 = tpu.memref_slice %arg17[%dma_start3A_591, %dma_start3A_592] : memref<10240x16xf32, #tpu.memory_space<vmem_shared>> -> memref<10240x16xf32, #tpu.memory_space<vmem_shared>>
    tpu.enqueue_indirect_dma source(%dma_start3A_593 : memref<10240x16xf32, #tpu.memory_space<vmem_shared>>) target(%arg21 : memref<512x16xf32, #tpu.memory_space<vmem>>) offsets(%dma_start3A_590 : memref<512xi32, #tpu.memory_space<vmem>>) semaphore(%arg25 : memref<!tpu.dma_semaphore, #tpu.memory_space<semaphore_mem>>)
    %dma_wait3A_594 = arith.constant 0 : i32
    %dma_wait3A_595 = arith.constant 0 : i32
    %dma_wait3A_596 = tpu.memref_slice %arg10[%dma_wait3A_594, %dma_wait3A_595] : memref<20x512xi32, #tpu.memory_space<vmem>> -> memref<1x512xi32, #tpu.memory_space<vmem>>
    %dma_wait3A_597 = tpu.memref_squeeze %dma_wait3A_596 : memref<1x512xi32, #tpu.memory_space<vmem>> -> memref<512xi32, #tpu.memory_space<vmem>>
    %dma_wait3A_598 = arith.constant 0 : i32
    %dma_wait3A_599 = arith.constant 0 : i32
    %dma_wait3A_600 = tpu.memref_slice %arg17[%dma_wait3A_598, %dma_wait3A_599] : memref<10240x16xf32, #tpu.memory_space<vmem_shared>> -> memref<10240x16xf32, #tpu.memory_space<vmem_shared>>
    tpu.wait_indirect_dma semaphore(%arg24 : memref<!tpu.dma_semaphore, #tpu.memory_space<semaphore_mem>>) src(%dma_wait3A_600 : memref<10240x16xf32, #tpu.memory_space<vmem_shared>>) dst(%arg20 : memref<512x16xf32, #tpu.memory_space<vmem>>)
    %dma_wait3A_601 = arith.constant 0 : i32
    %dma_wait3A_602 = arith.constant 0 : i32
    %dma_wait3A_603 = tpu.memref_slice %arg10[%dma_wait3A_601, %dma_wait3A_602] : memref<20x512xi32, #tpu.memory_space<vmem>> -> memref<1x512xi32, #tpu.memory_space<vmem>>
    %dma_wait3A_604 = tpu.memref_squeeze %dma_wait3A_603 : memref<1x512xi32, #tpu.memory_space<vmem>> -> memref<512xi32, #tpu.memory_space<vmem>>
    %dma_wait3A_605 = arith.constant 0 : i32
    %dma_wait3A_606 = arith.constant 0 : i32
    %dma_wait3A_607 = tpu.memref_slice %arg17[%dma_wait3A_605, %dma_wait3A_606] : memref<10240x16xf32, #tpu.memory_space<vmem_shared>> -> memref<10240x16xf32, #tpu.memory_space<vmem_shared>>
    tpu.wait_indirect_dma semaphore(%arg25 : memref<!tpu.dma_semaphore, #tpu.memory_space<semaphore_mem>>) src(%dma_wait3A_607 : memref<10240x16xf32, #tpu.memory_space<vmem_shared>>) dst(%arg21 : memref<512x16xf32, #tpu.memory_space<vmem>>)
    %dma_start3A_608 = arith.constant 18 : i32
    %dma_start3A_609 = arith.constant 0 : i32
    %dma_start3A_610 = tpu.memref_slice %arg11[%dma_start3A_608, %dma_start3A_609] : memref<20x512xi32, #tpu.memory_space<vmem>> -> memref<1x512xi32, #tpu.memory_space<vmem>>
    %dma_start3A_611 = tpu.memref_squeeze %dma_start3A_610 : memref<1x512xi32, #tpu.memory_space<vmem>> -> memref<512xi32, #tpu.memory_space<vmem>>
    %dma_start3A_612 = arith.constant 0 : i32
    %dma_start3A_613 = arith.constant 0 : i32
    %dma_start3A_614 = tpu.memref_slice %arg16[%dma_start3A_612, %dma_start3A_613] : memref<10240x16xf32, #tpu.memory_space<vmem_shared>> -> memref<10240x16xf32, #tpu.memory_space<vmem_shared>>
    tpu.enqueue_indirect_dma source(%arg20 : memref<512x16xf32, #tpu.memory_space<vmem>>) target(%dma_start3A_614 : memref<10240x16xf32, #tpu.memory_space<vmem_shared>>) offsets(%dma_start3A_611 : memref<512xi32, #tpu.memory_space<vmem>>) semaphore(%arg28 : memref<!tpu.dma_semaphore, #tpu.memory_space<semaphore_mem>>) {add = true}
    %dma_start3A_615 = arith.constant 19 : i32
    %dma_start3A_616 = arith.constant 0 : i32
    %dma_start3A_617 = tpu.memref_slice %arg11[%dma_start3A_615, %dma_start3A_616] : memref<20x512xi32, #tpu.memory_space<vmem>> -> memref<1x512xi32, #tpu.memory_space<vmem>>
    %dma_start3A_618 = tpu.memref_squeeze %dma_start3A_617 : memref<1x512xi32, #tpu.memory_space<vmem>> -> memref<512xi32, #tpu.memory_space<vmem>>
    %dma_start3A_619 = arith.constant 0 : i32
    %dma_start3A_620 = arith.constant 0 : i32
    %dma_start3A_621 = tpu.memref_slice %arg16[%dma_start3A_619, %dma_start3A_620] : memref<10240x16xf32, #tpu.memory_space<vmem_shared>> -> memref<10240x16xf32, #tpu.memory_space<vmem_shared>>
    tpu.enqueue_indirect_dma source(%arg21 : memref<512x16xf32, #tpu.memory_space<vmem>>) target(%dma_start3A_621 : memref<10240x16xf32, #tpu.memory_space<vmem_shared>>) offsets(%dma_start3A_618 : memref<512xi32, #tpu.memory_space<vmem>>) semaphore(%arg29 : memref<!tpu.dma_semaphore, #tpu.memory_space<semaphore_mem>>) {add = true}
    %dma_wait3A_622 = arith.constant 0 : i32
    %dma_wait3A_623 = arith.constant 0 : i32
    %dma_wait3A_624 = tpu.memref_slice %arg11[%dma_wait3A_622, %dma_wait3A_623] : memref<20x512xi32, #tpu.memory_space<vmem>> -> memref<1x512xi32, #tpu.memory_space<vmem>>
    %dma_wait3A_625 = tpu.memref_squeeze %dma_wait3A_624 : memref<1x512xi32, #tpu.memory_space<vmem>> -> memref<512xi32, #tpu.memory_space<vmem>>
    %dma_wait3A_626 = arith.constant 0 : i32
    %dma_wait3A_627 = arith.constant 0 : i32
    %dma_wait3A_628 = tpu.memref_slice %arg16[%dma_wait3A_626, %dma_wait3A_627] : memref<10240x16xf32, #tpu.memory_space<vmem_shared>> -> memref<10240x16xf32, #tpu.memory_space<vmem_shared>>
    tpu.wait_indirect_dma semaphore(%arg26 : memref<!tpu.dma_semaphore, #tpu.memory_space<semaphore_mem>>) src(%arg18 : memref<512x16xf32, #tpu.memory_space<vmem>>) dst(%dma_wait3A_628 : memref<10240x16xf32, #tpu.memory_space<vmem_shared>>)
    %dma_wait3A_629 = arith.constant 0 : i32
    %dma_wait3A_630 = arith.constant 0 : i32
    %dma_wait3A_631 = tpu.memref_slice %arg11[%dma_wait3A_629, %dma_wait3A_630] : memref<20x512xi32, #tpu.memory_space<vmem>> -> memref<1x512xi32, #tpu.memory_space<vmem>>
    %dma_wait3A_632 = tpu.memref_squeeze %dma_wait3A_631 : memref<1x512xi32, #tpu.memory_space<vmem>> -> memref<512xi32, #tpu.memory_space<vmem>>
    %dma_wait3A_633 = arith.constant 0 : i32
    %dma_wait3A_634 = arith.constant 0 : i32
    %dma_wait3A_635 = tpu.memref_slice %arg16[%dma_wait3A_633, %dma_wait3A_634] : memref<10240x16xf32, #tpu.memory_space<vmem_shared>> -> memref<10240x16xf32, #tpu.memory_space<vmem_shared>>
    tpu.wait_indirect_dma semaphore(%arg27 : memref<!tpu.dma_semaphore, #tpu.memory_space<semaphore_mem>>) src(%arg19 : memref<512x16xf32, #tpu.memory_space<vmem>>) dst(%dma_wait3A_635 : memref<10240x16xf32, #tpu.memory_space<vmem_shared>>)
    %dma_wait3A_636 = arith.constant 0 : i32
    %dma_wait3A_637 = arith.constant 0 : i32
    %dma_wait3A_638 = tpu.memref_slice %arg11[%dma_wait3A_636, %dma_wait3A_637] : memref<20x512xi32, #tpu.memory_space<vmem>> -> memref<1x512xi32, #tpu.memory_space<vmem>>
    %dma_wait3A_639 = tpu.memref_squeeze %dma_wait3A_638 : memref<1x512xi32, #tpu.memory_space<vmem>> -> memref<512xi32, #tpu.memory_space<vmem>>
    %dma_wait3A_640 = arith.constant 0 : i32
    %dma_wait3A_641 = arith.constant 0 : i32
    %dma_wait3A_642 = tpu.memref_slice %arg16[%dma_wait3A_640, %dma_wait3A_641] : memref<10240x16xf32, #tpu.memory_space<vmem_shared>> -> memref<10240x16xf32, #tpu.memory_space<vmem_shared>>
    tpu.wait_indirect_dma semaphore(%arg28 : memref<!tpu.dma_semaphore, #tpu.memory_space<semaphore_mem>>) src(%arg20 : memref<512x16xf32, #tpu.memory_space<vmem>>) dst(%dma_wait3A_642 : memref<10240x16xf32, #tpu.memory_space<vmem_shared>>)
    %dma_wait3A_643 = arith.constant 0 : i32
    %dma_wait3A_644 = arith.constant 0 : i32
    %dma_wait3A_645 = tpu.memref_slice %arg11[%dma_wait3A_643, %dma_wait3A_644] : memref<20x512xi32, #tpu.memory_space<vmem>> -> memref<1x512xi32, #tpu.memory_space<vmem>>
    %dma_wait3A_646 = tpu.memref_squeeze %dma_wait3A_645 : memref<1x512xi32, #tpu.memory_space<vmem>> -> memref<512xi32, #tpu.memory_space<vmem>>
    %dma_wait3A_647 = arith.constant 0 : i32
    %dma_wait3A_648 = arith.constant 0 : i32
    %dma_wait3A_649 = tpu.memref_slice %arg16[%dma_wait3A_647, %dma_wait3A_648] : memref<10240x16xf32, #tpu.memory_space<vmem_shared>> -> memref<10240x16xf32, #tpu.memory_space<vmem_shared>>
    tpu.wait_indirect_dma semaphore(%arg29 : memref<!tpu.dma_semaphore, #tpu.memory_space<semaphore_mem>>) src(%arg21 : memref<512x16xf32, #tpu.memory_space<vmem>>) dst(%dma_wait3A_649 : memref<10240x16xf32, #tpu.memory_space<vmem_shared>>)
    %barrier3A_650 = arith.constant 0 : index
    tpu.barrier barrier_id(%barrier3A_650)
    "tpu.region"() ({
      %run_scoped3A = tpu.sem_alloc : memref<!tpu.dma_semaphore, #tpu.memory_space<semaphore_mem>>
      %dma_start3A_651 = arith.constant 0 : i32
      %dma_start3A_652 = tpu.memref_slice %arg7[%arg0, %mul3A_2, %dma_start3A_651] : memref<2x10240x16xf32, #tpu.memory_space<hbm>> -> memref<1x640x16xf32, #tpu.memory_space<hbm>>
      %dma_start3A_653 = tpu.memref_squeeze %dma_start3A_652 : memref<1x640x16xf32, #tpu.memory_space<hbm>> -> memref<640x16xf32, #tpu.memory_space<hbm>>
      %dma_start3A_654 = arith.constant 0 : i32
      %dma_start3A_655 = tpu.memref_slice %arg16[%mul3A_2, %dma_start3A_654] : memref<10240x16xf32, #tpu.memory_space<vmem_shared>> -> memref<640x16xf32, #tpu.memory_space<vmem_shared>>
      tpu.enqueue_dma source(%dma_start3A_655 : memref<640x16xf32, #tpu.memory_space<vmem_shared>>) target(%dma_start3A_653 : memref<640x16xf32, #tpu.memory_space<hbm>>) target_semaphore(%run_scoped3A : memref<!tpu.dma_semaphore, #tpu.memory_space<semaphore_mem>>)
      %dma_wait3A_656 = arith.constant 0 : i32
      %dma_wait3A_657 = tpu.memref_slice %arg7[%arg0, %mul3A_2, %dma_wait3A_656] : memref<2x10240x16xf32, #tpu.memory_space<hbm>> -> memref<1x640x16xf32, #tpu.memory_space<hbm>>
      %dma_wait3A_658 = tpu.memref_squeeze %dma_wait3A_657 : memref<1x640x16xf32, #tpu.memory_space<hbm>> -> memref<640x16xf32, #tpu.memory_space<hbm>>
      %dma_wait3A_659 = arith.constant 0 : i32
      %dma_wait3A_660 = tpu.memref_slice %arg16[%mul3A_2, %dma_wait3A_659] : memref<10240x16xf32, #tpu.memory_space<vmem_shared>> -> memref<640x16xf32, #tpu.memory_space<vmem_shared>>
      tpu.wait_dma2 semaphore(%run_scoped3A : memref<!tpu.dma_semaphore, #tpu.memory_space<semaphore_mem>>) src(%dma_wait3A_660 : memref<640x16xf32, #tpu.memory_space<vmem_shared>>) dst(%dma_wait3A_658 : memref<640x16xf32, #tpu.memory_space<hbm>>)
      tpu.yield
    }) : () -> ()
    return
  }
}

module attributes {stable_mosaic.version = 14 : i64} {
  func.func @body(%arg0: i32, %arg1: memref<10000x128xf32, #tpu.memory_space<vmem>>, %arg2: memref<128x16xf32, #tpu.memory_space<vmem>>, %arg3: memref<10000x16xf32, #tpu.memory_space<vmem>>) attributes {dimension_semantics = [#tpu.dimension_semantics<arbitrary>], iteration_bounds = array<i64: 1>, scalar_prefetch = 0 : i64, scratch_operands = 0 : i64, tpu.core_type = #tpu.core_type<tc>, window_params = [{transform_indices = @transform_0, window_bounds = array<i64: 10000, 128>}, {pipeline_mode = #tpu.pipeline_mode<synchronous>, transform_indices = @transform_1, window_bounds = array<i64: 128, 16>}, {transform_indices = @transform_2, window_bounds = array<i64: 10000, 16>}]} {
    %get3A = arith.constant 0 : index
    %get3A_0 = arith.constant 0 : index
    %get3A_1 = vector.load %arg1[%get3A, %get3A_0] : memref<10000x128xf32, #tpu.memory_space<vmem>>, vector<10000x128xf32>
    %get3A_2 = arith.constant 0 : index
    %get3A_3 = arith.constant 0 : index
    %get3A_4 = vector.load %arg2[%get3A_2, %get3A_3] : memref<128x16xf32, #tpu.memory_space<vmem>>, vector<128x16xf32>
    %dot_general3A = arith.constant dense<0.000000e+00> : vector<10000x16xf32>
    %dot_general3A_5 = tpu.matmul %get3A_1, %get3A_4, %dot_general3A {dimension_numbers = #tpu.dot_dimension_numbers<[1], [0], [0], [1], [0, 0, 1, 1], [], []>, transpose_lhs_hint = false} : vector<10000x128xf32>, vector<128x16xf32>, vector<10000x16xf32> -> vector<10000x16xf32>
    %swap3A = arith.constant 0 : index
    %swap3A_6 = arith.constant 0 : index
    %swap3A_7 = vector.load %arg3[%swap3A, %swap3A_6] : memref<10000x16xf32, #tpu.memory_space<vmem>>, vector<10000x16xf32>
    tpu.vector_store %arg3[%swap3A, %swap3A_6], %dot_general3A_5 {strides = array<i32>} : memref<10000x16xf32, #tpu.memory_space<vmem>>, vector<10000x16xf32>,
    return
  }
  func.func @transform_0(%arg0: i32) -> (i32, i32) {
    %c0_i32 = arith.constant 0 : i32
    %c0_i32_0 = arith.constant 0 : i32
    return %arg0, %c0_i32 : i32, i32
  }
  func.func @transform_1(%arg0: i32) -> (i32, i32) {
    %c0_i32 = arith.constant 0 : i32
    %c0_i32_0 = arith.constant 0 : i32
    %c0_i32_1 = arith.constant 0 : i32
    return %c0_i32, %c0_i32_0 : i32, i32
  }
  func.func @transform_2(%arg0: i32) -> (i32, i32) {
    %c0_i32 = arith.constant 0 : i32
    %c0_i32_0 = arith.constant 0 : i32
    return %arg0, %c0_i32 : i32, i32
  }
}

module attributes {stable_mosaic.version = 14 : i64} {
  func.func @body(%arg0: i32, %arg1: memref<2x10000x16xf32, #tpu.memory_space<vmem>>, %arg2: memref<10000x16xf32, #tpu.memory_space<vmem>>, %arg3: memref<10000x16xf32, #tpu.memory_space<vmem>>, %arg4: memref<16x128xf32, #tpu.memory_space<vmem>>, %arg5: memref<8x128xf32, #tpu.memory_space<vmem>>, %arg6: memref<128x1xf32, #tpu.memory_space<vmem>>, %arg7: memref<8x8xf32, #tpu.memory_space<vmem>>, %arg8: memref<10000x1xf32, #tpu.memory_space<vmem>>) attributes {dimension_semantics = [#tpu.dimension_semantics<arbitrary>], iteration_bounds = array<i64: 1>, scalar_prefetch = 0 : i64, scratch_operands = 0 : i64, tpu.core_type = #tpu.core_type<tc>, window_params = [{transform_indices = @transform_0, window_bounds = array<i64: 2, 10000, 16>}, {transform_indices = @transform_1, window_bounds = array<i64: 10000, 16>}, {transform_indices = @transform_2, window_bounds = array<i64: 10000, 16>}, {pipeline_mode = #tpu.pipeline_mode<synchronous>, transform_indices = @transform_3, window_bounds = array<i64: 16, 128>}, {pipeline_mode = #tpu.pipeline_mode<synchronous>, transform_indices = @transform_4, window_bounds = array<i64: 8, 128>}, {pipeline_mode = #tpu.pipeline_mode<synchronous>, transform_indices = @transform_5, window_bounds = array<i64: 128, 1>}, {pipeline_mode = #tpu.pipeline_mode<synchronous>, transform_indices = @transform_6, window_bounds = array<i64: 8, 8>}, {transform_indices = @transform_7, window_bounds = array<i64: 10000, 1>}]} {
    %get3A = arith.constant 0 : index
    %get3A_0 = arith.constant 0 : index
    %get3A_1 = vector.load %arg3[%get3A, %get3A_0] : memref<10000x16xf32, #tpu.memory_space<vmem>>, vector<10000x16xf32>
    %get3A_2 = arith.constant 0 : index
    %get3A_3 = arith.constant 0 : index
    %get3A_4 = arith.constant 0 : index
    %get3A_5 = vector.load %arg1[%get3A_2, %get3A_3, %get3A_4] : memref<2x10000x16xf32, #tpu.memory_space<vmem>>, vector<1x10000x16xf32>
    %get3A_6 = vector.shape_cast %get3A_5 : vector<1x10000x16xf32> to vector<10000x16xf32>
    %get3A_7 = arith.constant 1 : index
    %get3A_8 = arith.constant 0 : index
    %get3A_9 = arith.constant 0 : index
    %get3A_10 = vector.load %arg1[%get3A_7, %get3A_8, %get3A_9] : memref<2x10000x16xf32, #tpu.memory_space<vmem>>, vector<1x10000x16xf32>
    %get3A_11 = vector.shape_cast %get3A_10 : vector<1x10000x16xf32> to vector<10000x16xf32>
    %add3A = arith.addf %get3A_6, %get3A_11 : vector<10000x16xf32>
    %get3A_12 = arith.constant 0 : index
    %get3A_13 = arith.constant 0 : index
    %get3A_14 = vector.load %arg2[%get3A_12, %get3A_13] : memref<10000x16xf32, #tpu.memory_space<vmem>>, vector<10000x16xf32>
    %add3A_15 = arith.addf %add3A, %get3A_14 : vector<10000x16xf32>
    %mul3A = arith.mulf %get3A_1, %add3A_15 : vector<10000x16xf32>
    %get3A_16 = arith.constant 0 : index
    %get3A_17 = arith.constant 0 : index
    %get3A_18 = vector.load %arg4[%get3A_16, %get3A_17] : memref<16x128xf32, #tpu.memory_space<vmem>>, vector<16x128xf32>
    %dot_general3A = arith.constant dense<0.000000e+00> : vector<10000x128xf32>
    %dot_general3A_19 = tpu.matmul %mul3A, %get3A_18, %dot_general3A {dimension_numbers = #tpu.dot_dimension_numbers<[1], [0], [0], [1], [0, 0, 1, 1], [], []>, transpose_lhs_hint = false} : vector<10000x16xf32>, vector<16x128xf32>, vector<10000x128xf32> -> vector<10000x128xf32>
    %get3A_20 = arith.constant 0 : index
    %get3A_21 = arith.constant 0 : index
    %get3A_22 = vector.load %arg5[%get3A_20, %get3A_21] : memref<8x128xf32, #tpu.memory_space<vmem>>, vector<1x128xf32>
    %add3A_23 = vector.broadcast %get3A_22 : vector<1x128xf32> to vector<10000x128xf32>
    %add3A_24 = arith.addf %dot_general3A_19, %add3A_23 : vector<10000x128xf32>
    %max3A = arith.constant 0.000000e+00 : f32
    %max3A_25 = vector.broadcast %max3A : f32 to vector<10000x128xf32>
    %max3A_26 = arith.maximumf %add3A_24, %max3A_25 : vector<10000x128xf32>
    %get3A_27 = arith.constant 0 : index
    %get3A_28 = arith.constant 0 : index
    %get3A_29 = vector.load %arg6[%get3A_27, %get3A_28] : memref<128x1xf32, #tpu.memory_space<vmem>>, vector<128x1xf32>
    %dot_general3A_30 = arith.constant dense<0.000000e+00> : vector<10000x1xf32>
    %dot_general3A_31 = tpu.matmul %max3A_26, %get3A_29, %dot_general3A_30 {dimension_numbers = #tpu.dot_dimension_numbers<[1], [0], [0], [1], [0, 0, 1, 1], [], []>, transpose_lhs_hint = false} : vector<10000x128xf32>, vector<128x1xf32>, vector<10000x1xf32> -> vector<10000x1xf32>
    %get3A_32 = arith.constant 0 : index
    %get3A_33 = arith.constant 0 : index
    %get3A_34 = vector.load %arg7[%get3A_32, %get3A_33] : memref<8x8xf32, #tpu.memory_space<vmem>>, vector<1x1xf32>
    %add3A_35 = vector.broadcast %get3A_34 : vector<1x1xf32> to vector<10000x1xf32>
    %add3A_36 = arith.addf %dot_general3A_31, %add3A_35 : vector<10000x1xf32>
    %swap3A = arith.constant 0 : index
    %swap3A_37 = arith.constant 0 : index
    %swap3A_38 = vector.load %arg8[%swap3A, %swap3A_37] : memref<10000x1xf32, #tpu.memory_space<vmem>>, vector<10000x1xf32>
    tpu.vector_store %arg8[%swap3A, %swap3A_37], %add3A_36 {strides = array<i32>} : memref<10000x1xf32, #tpu.memory_space<vmem>>, vector<10000x1xf32>,
    return
  }
  func.func @transform_0(%arg0: i32) -> (i32, i32, i32) {
    %c0_i32 = arith.constant 0 : i32
    %c0_i32_0 = arith.constant 0 : i32
    %c0_i32_1 = arith.constant 0 : i32
    return %c0_i32, %arg0, %c0_i32_0 : i32, i32, i32
  }
  func.func @transform_1(%arg0: i32) -> (i32, i32) {
    %c0_i32 = arith.constant 0 : i32
    %c0_i32_0 = arith.constant 0 : i32
    return %arg0, %c0_i32 : i32, i32
  }
  func.func @transform_2(%arg0: i32) -> (i32, i32) {
    %c0_i32 = arith.constant 0 : i32
    %c0_i32_0 = arith.constant 0 : i32
    return %arg0, %c0_i32 : i32, i32
  }
  func.func @transform_3(%arg0: i32) -> (i32, i32) {
    %c0_i32 = arith.constant 0 : i32
    %c0_i32_0 = arith.constant 0 : i32
    %c0_i32_1 = arith.constant 0 : i32
    return %c0_i32, %c0_i32_0 : i32, i32
  }
  func.func @transform_4(%arg0: i32) -> (i32, i32) {
    %c0_i32 = arith.constant 0 : i32
    %c0_i32_0 = arith.constant 0 : i32
    %c0_i32_1 = arith.constant 0 : i32
    return %c0_i32, %c0_i32_0 : i32, i32
  }
  func.func @transform_5(%arg0: i32) -> (i32, i32) {
    %c0_i32 = arith.constant 0 : i32
    %c0_i32_0 = arith.constant 0 : i32
    %c0_i32_1 = arith.constant 0 : i32
    return %c0_i32, %c0_i32_0 : i32, i32
  }
  func.func @transform_6(%arg0: i32) -> (i32, i32) {
    %c0_i32 = arith.constant 0 : i32
    %c0_i32_0 = arith.constant 0 : i32
    %c0_i32_1 = arith.constant 0 : i32
    return %c0_i32, %c0_i32_0 : i32, i32
  }
  func.func @transform_7(%arg0: i32) -> (i32, i32) {
    %c0_i32 = arith.constant 0 : i32
    %c0_i32_0 = arith.constant 0 : i32
    return %arg0, %c0_i32 : i32, i32
  }
}

</mosaic_0001>

<sc_bundles>
// kernel: kernel.10.cloned.1.call-start
scs
__scs_entry_jumppad:
0x0: {  	(pc) =	sbr.rel $0x88, $3  }
0x1: {  	(tag) =	ssettag $0x0;
	lr =	simm.s32 $0x1  }
0x2: {  	[smem:$0x3F99] =	sst lr;
	_ =	strace $0xD0000000  }
0x3: {  	_ = 	snop  }
0x4: {  	_ = 	snop  }
0x5: {  	_ = 	snop  }
0x6: {  	_ = 	snop  }
0x7: {  	_ = 	snop  }
__scs_overlays_trampoline_lowered:
0x8: {  	[smem:$0x3FA8] =	sst s0  }
0x9: {  	[smem:$0x3FA9] =	sst s1  }
0xa: {  	[smem:$0x3FAA] =	sst s2  }
0xb: {  	[smem:$0x3FAB] =	sst s3  }
0xc: {  	[smem:$0x3FAC] =	sst s4  }
0xd: {  	[smem:$0x3FAD] =	sst s5  }
0xe: {  	[smem:$0x3FAE] =	sst s6  }
0xf: {  	[smem:$0x3FAF] =	sst s7  }
0x10: {  	[smem:$0x3FB0] =	sst s8  }
0x11: {  	[smem:$0x3FB1] =	sst s9;
	s0 =	simm.s32 @!p0 $0x0  }
0x12: {  	s1 =	sld [smem:$0x3F97];
	s0 =	simm.s32 @p0 $0x1  }
0x13: {  	[smem:$0x3FB2] =	sst s0;
	s0 =	simm.s32 @!p1 $0x0  }
0x14: {  	s2 =	sld [smem:$0x3F96];
	s0 =	simm.s32 @p1 $0x1  }
0x15: {  	[smem:$0x3FB3] =	sst s0;
	s0 =	simm.s32 @!p2 $0x0  }
0x16: {  	s3 =	sld [smem:$0x3FDB];
	s0 =	simm.s32 @p2 $0x1  }
0x17: {  	s4 =	simm.s32 $0x1BF5;
	[smem:$0x3FB5] =	sst s0  }
0x18: {  	s0 =	sld [smem:$0x3F98];
	_ =	swait.ge [sflag:s4], $0x0  }
0x19: {  	s7 =	sld [smem:$0x3F99]  }
0x1a: {  	s8 =	sadd.s32 $0xFFFFE003, lr  }
0x1b: {  	s9 =	sadd.s32 $0xFFFFFEF7, lr;
	s5 =	simm.s32 $0xFFFFFFFF;
	p2 =	slt.u32 s8, $0xFFFFF086  }
0x1c: {  	p1 =	slt.u32 s9, $0xF7A;
	s5 =	simm.s32 @!p2 $0x0  }
0x1d: {  	s5 =	simm.s32 @p1 $0x1;
	p0 =	seq.s32 s7, s2  }
0x1e: {  	s7 =	smul.u32 @!p0 $0xF7A, s2;
	p2 =	seq.s32 @!p0 s5, $0x0  }
0x1f: {  	s9 =	smul.u32 $0xF7A, s1;
	s8 =	simm.s32 @!p0 $0x1BF5;
	p2 =	por !p2, p0  }
0x20: {  	[sflag:s8] =	ssyncset.s32 @!p0 $0xFFFFF086;
	s6 =	sadd.s32 @!p0 s3, s7;
	s7 =	simm.s32 @!p0 $0x108  }
0x21: {  	s3 =	sadd.s32 s3, s9;
	s6 =	sadd.s32 @!p0 $0x88, s6;
	s7 =	simm.s32 @p2 $0x1082  }
0x22: {  	[simem:s7], [sflag:s8] =	dma.local @!p0 [hbm:s6], $0xF7A  }
0x23: {  	s9 =	sor.u32 $0xD0000000, s2;
	s6 =	simm.s32 $0x108;
	_ =	swait.ge @!p0 [sflag:s8], $0x0  }
0x24: {  	s3 =	sadd.s32 $0x88, s3;
	s6 =	simm.s32 @!p1 $0x1082;
	[sflag:s4] =	ssyncset.s32 $0xFFFFF086  }
0x25: {  	[simem:s6], [sflag:s4] =	dma.local [hbm:s3], $0xF7A  }
0x26: {  	[smem:$0x3F99] =	sst s1;
	(tag) =	ssettag s2;
	_ =	strace s9  }
0x27: {  	s1 =	sld [smem:$0x3FA9]  }
0x28: {  	s2 =	sld [smem:$0x3FAA]  }
0x29: {  	s4 =	sld [smem:$0x3FAC]  }
0x2a: {  	p0 =	seq.s32 s5, $0x0;
	s5 =	sld [smem:$0x3FAD]  }
0x2b: {  	s6 =	sld [smem:$0x3FAE]  }
0x2c: {  	s7 =	sld [smem:$0x3FAF]  }
0x2d: {  	s3 =	simm.s32 $0x108;
	s8 =	sld [smem:$0x3FB0]  }
0x2e: {  	s3 =	simm.s32 @!p0 $0x1082;
	s9 =	sld [smem:$0x3FB1]  }
0x2f: {  	lr =	sadd.s32 s0, s3;
	s0 =	sld [smem:$0x3FA8]  }
0x30: {  	s3 =	sld [smem:$0x3FAB]  }
0x31: {  	[smem:$0x3FB4] =	sst s10  }
0x32: {  	s10 =	sld [smem:$0x3FB2];
	_ =	sdelay $0x3  }
0x33: {  	p0 =	seq.s32 s10, $0x1;
	s10 =	sld [smem:$0x3FB4];
	_ =	sdelay $0x3  }
0x34: {  	[smem:$0x3FB4] =	sst s10  }
0x35: {  	s10 =	sld [smem:$0x3FB3];
	_ =	sdelay $0x3  }
0x36: {  	p1 =	seq.s32 s10, $0x1;
	s10 =	sld [smem:$0x3FB4];
	_ =	sdelay $0x3  }
0x37: {  	[smem:$0x3FB4] =	sst s10  }
0x38: {  	s10 =	sld [smem:$0x3FB5]  }
0x39: {  	_ = 	snop;
	(pc) =	sbr.ind lr, $3  }
0x3a: {  	_ = 	snop  }
0x3b: {  	_ = 	snop  }
0x3c: {  	p2 =	seq.s32 s10, $0x1;
	s10 =	sld [smem:$0x3FB4]  }
0x3d: {  	_ =	shalt  }
0x3e: {  	_ =	shalt  }
0x3f: {  	_ =	shalt  }
0x40: {  	_ =	shalt  }
0x41: {  	_ =	shalt  }
0x42: {  	_ =	shalt  }
0x43: {  	_ =	shalt  }
0x44: {  	_ =	shalt  }
0x45: {  	_ =	shalt  }
0x46: {  	_ =	shalt  }
0x47: {  	_ =	shalt  }
0x48: {  	_ =	shalt  }
0x49: {  	_ =	shalt  }
0x4a: {  	_ =	shalt  }
0x4b: {  	_ =	shalt  }
0x4c: {  	_ =	shalt  }
0x4d: {  	_ =	shalt  }
0x4e: {  	_ =	shalt  }
0x4f: {  	_ =	shalt  }
0x50: {  	_ =	shalt  }
0x51: {  	_ =	shalt  }
0x52: {  	_ =	shalt  }
0x53: {  	_ =	shalt  }
0x54: {  	_ =	shalt  }
0x55: {  	_ =	shalt  }
0x56: {  	_ =	shalt  }
0x57: {  	_ =	shalt  }
0x58: {  	_ =	shalt  }
0x59: {  	_ =	shalt  }
0x5a: {  	_ =	shalt  }
0x5b: {  	_ =	shalt  }
0x5c: {  	_ =	shalt  }
0x5d: {  	_ =	shalt  }
0x5e: {  	_ =	shalt  }
0x5f: {  	_ =	shalt  }
0x60: {  	_ =	shalt  }
0x61: {  	_ =	shalt  }
0x62: {  	_ =	shalt  }
0x63: {  	_ =	shalt  }
0x64: {  	_ =	shalt  }
0x65: {  	_ =	shalt  }
0x66: {  	_ =	shalt  }
0x67: {  	_ =	shalt  }
0x68: {  	_ =	shalt  }
0x69: {  	_ =	shalt  }
0x6a: {  	_ =	shalt  }
0x6b: {  	_ =	shalt  }
0x6c: {  	_ =	shalt  }
0x6d: {  	_ =	shalt  }
0x6e: {  	_ =	shalt  }
0x6f: {  	_ =	shalt  }
0x70: {  	_ =	shalt  }
0x71: {  	_ =	shalt  }
0x72: {  	_ =	shalt  }
0x73: {  	_ =	shalt  }
0x74: {  	_ =	shalt  }
0x75: {  	_ =	shalt  }
0x76: {  	_ =	shalt  }
0x77: {  	_ =	shalt  }
0x78: {  	_ =	shalt  }
0x79: {  	_ =	shalt  }
0x7a: {  	_ =	shalt  }
0x7b: {  	_ =	shalt  }
0x7c: {  	_ =	shalt  }
0x7d: {  	_ =	shalt  }
0x7e: {  	_ =	shalt  }
0x7f: {  	_ =	shalt  }
0x80: {  	_ =	shalt  }
0x81: {  	_ =	shalt  }
0x82: {  	_ =	shalt  }
0x83: {  	_ =	shalt  }
0x84: {  	_ =	shalt  }
0x85: {  	_ =	shalt  }
0x86: {  	_ =	shalt  }
0x87: {  	_ =	shalt  }
.Lfunc_end0:
.L_simem_size_0:
called_computation.1_lowered:
.L_overlay_start_0:
0x88: {  	s2 =	sld [smem:$0x3FD9]  }
0x89: {  	s3 =	sld [smem:$0x3FFE];
	_ =	sdelay $0x1  }
0x8a: {  	s1 =	srdreg.scid  }
0x8b: {  	s0 =	sand.u32 $0x1, s1  }
0x8c: {  	s16 =	sshll.u32 s0, $0xA;
	s2 =	sadd.s32 s3, s2  }
0x8d: {  	s2 =	sadd.s32 s2, s16  }
0x8e: {  	[smem:$0x3FC0] =	sst s2  }
0x8f: {  	_ = 	snop  }
0x90: {  	(tm) =	ssettm $0x1  }
0x91: {  	s17 =	sld [smem:$0x3FFB];
	_ =	sdelay $0x3  }
0x92: {  	_ =	strace s17  }
0x93: {  	s2 =	sld [smem:$0x3FFC];
	_ =	sdelay $0x3  }
0x94: {  	_ =	strace s2  }
0x95: {  	s2 =	sld [smem:$0x3FFD];
	_ =	sdelay $0x3  }
0x96: {  	_ =	strace s2  }
0x97: {  	_ =	strace $0x8FFFFFFF  }
0x98: {  	s18 =	sld [smem:$0x3FDB];
	_ =	sdelay $0x1  }
0x99: {  	s19 =	simm.s32 $_scs_section_size  }
0x9a: {  	s4 =	simm.s32 $_size__tile_overlayer_lowered;
	s5 =	simm.s32 $_tile_overlayer_lowered  }
0x9b: {  	s22 =	simm.s32 $0x1BFF;
	s21 =	sshll.u32 s5, $0x1;
	s2 =	sadd.s32 s19, s18  }
0x9c: {  	s6 =	simm.s32 $0x0;
	s20 =	sshll.u32 s4, $0x1;
	s4 =	sadd.s32 s21, s2  }
0x9d: {  	[timem:s6], [sflag:s22] =	dma.local [hbm:s4], s20  }
0x9e: {  	_ =	swait.ge [sflag:s22], s20  }
0x9f: {  	s3 =	ssub.s32 $0x0, s20;
	[sflag:s22] =	ssyncset.done $0x0  }
0xa0: {  	[sflag:s22] =	ssyncadd.s32 s3;
	_ =	sdelay $0x1  }
0xa1: {  	s23 =	simm.s32 $0x1B8B  }
0xa2: {  	_ =	swait.ge [sflag:s23], $0x1  }
0xa3: {  	[sflag:s23] =	ssyncset.done $0x0  }
0xa4: {  	s25 =	simm.s32 $0x1B8E;
	s24 =	sld [smem:$0x3FFE];
	[sflag:s23] =	ssyncadd.s32 $0xFFFFFFFF  }
0xa5: {  	s26 =	simm.s32 $execute0_lowered;
	[smem:$0x3FD2] =	sst s25  }
0xa6: {  	s4 =	sshll.u32 s26, $0x1;
	_ =	strace $0x80000049;
	[dreg:$0x1] =	wrdreg $0xFFFFFFFF  }
0xa7: {  	s28 =	simm.s32 $_size_execute0_lowered;
	s2 =	sadd.s32 s2, s4;
	[dreg:$0x0] =	wrdreg $0x0  }
0xa8: {  	s4 =	sshll.u32 s28, $0x1;
	[dreg:$0x2] =	wrdreg s2  }
0xa9: {  	[dreg:$0x3] =	wrdreg s4  }
0xaa: {  	[dreg:$0x4] =	wrdreg $0xC0  }
0xab: {  	_ =	task [dreg:s6], $0x5FFFF  }
0xac: {  	[dreg:$0x1] =	wrdreg $0xFFFFFFFF  }
0xad: {  	[dreg:$0x0] =	wrdreg $0x60  }
0xae: {  	[dreg:$0x2] =	wrdreg s24  }
0xaf: {  	[dreg:$0x3] =	wrdreg $0xF0000  }
0xb0: {  	[dreg:$0x4] =	wrdreg $0x118000  }
0xb1: {  	[dreg:$0x5] =	wrdreg $0x9  }
0xb2: {  	_ =	task.clear_ibuf [dreg:s6], $0x6FFFF;
	_ =	strace $0x90000049  }
0xb3: {  	s29 =	simm.s32 $0x9;
	_ =	strace $0x8000004B  }
0xb4: {  	_ =	swait.ge [sflag:s29], $0x1  }
0xb5: {  	[sflag:s29] =	ssyncadd.s32 $0xFFFFFFFF  }
0xb6: {  	_ =	strace $0x9000004B  }
0xb7: {  	_ =	sfence  }
0xb8: {  	s30 =	sld [smem:$0x0];
	_ =	sdelay $0x2  }
0xb9: {  	s31 =	sshll.u32 s1, $0xD;
	s1 =	sshrl.u32 s1, $0x2  }
0xba: {  	s3 =	sand.u32 $0x4000, s31;
	s1 =	sadd.s32 s1, s30  }
0xbb: {  	s0 =	sor.u32 s3, s0;
	s1 =	sshll.u32 s1, $0x11  }
0xbc: {  	s0 =	sor.u32 s1, s0  }
0xbd: {  	s0 =	sadd.s32 $0x8F2B, s0  }
0xbe: {  	[sflag:s0] =	ssyncadd.remote.s32 $0x1  }
0xbf: {  	_ =	sfence.sel $0xFFFF  }
0xc0: {  	[dreg:$0x0] =	wrdreg $0xFFFFFFFF;
	(pc) =	sbr.abs _section_cstart, $3  }
0xc1: {  	[dreg:$0x1] =	wrdreg $0xFFFFFFFF  }
0xc2: {  	_ =	task.clear_ibuf [dreg:s6], $0x2FFFF;
	_ =	strace $0x9FFFFFFF  }
0xc3: {  	(tm) =	ssettm $0x7FFFFFFF  }
tec
execute0_lowered:
.L_overlay_start_1:
0x0: {  	(tag) =	ssettag $0x1  }
0x1: {  	s0 =	srdreg.scid  }
0x2: {  	s11 =	stileid.u32;
	s1 =	rddreg [dreg:$0x0]  }
0x3: {  	s2 =	rddreg [dreg:$0x1];
	s28 =	simm.s32 $0x2;
	s29 =	simm.s32 $0x3  }
0x4: {  	s30 =	simm.s32 $0x7;
	s31 =	simm.s32 $0x200;
	s0 =	sand.u32 $0x1, s0  }
0x5: {  	s3 =	sshll.u32 s11, $0x1;
	s7 =	smul.u32 $0x2800, s11;
	s8 =	sadd.s32 $0xC000, s1  }
0x6: {  	s4 =	sor.u32 s0, s3;
	s3 =	rddreg [dreg:$0x2];
	s6 =	smul.u32 $0x28000, s0  }
0x7: {  	s9 =	ssub.s32 $0x2, s0;
	p0 =	sne.s32 s0, $0x0;
	s0 =	simm.s32 $0x16000  }
0x8: {  	s5 =	smul.u32 $0x500, s4;
	s4 =	simm.s32 $0x0;
	s17 =	sshrl.u32 s7, $0x3  }
0x9: {  	s18 =	sshrl.u32 s9, $0x1;
	s20 =	sadd.s32 s7, s2;
	s25 =	sadd.s32 s7, s3  }
0xa: {  	[smem:$0x7FF] =	sst s4;
	s6 =	sadd.s32 s7, s6;
	s19 =	ssub.s32 s9, s18  }
0xb: {  	s18 =	sshrl.u32 s20, $0x3;
	s20 =	simm.s32 $0x1A000;
	s7 =	simm.s32 $0x0  }
0xc: {  	_ =	strace $0x8000004A;
	s5 =	sadd.s32 s5, s1;
	[dreg:$0x4] =	wrdreg s8  }
0xd: {  	s6 =	sshrl.u32 s6, $0x3;
	[dreg:$0xb] =	wrdreg s25;
	s25 =	simm.s32 $0x6  }
0xe: {  	s10 =	sadd.s32 s6, s1;
	s1 =	sadd.s32 s17, s1;
	s21 =	sadd.s32 $0x1B600, s5  }
0xf: {  	s6 =	sshll.u32 s11, $0x6;
	s5 =	sadd.s32 $0x2000, s5;
	[dreg:$0x6] =	wrdreg s21  }
0x10: {  	s17 =	smax.u32 s19, $0x1;
	s11 =	sor.u32 $0x1C01, s6;
	[dreg:$0x7] =	wrdreg s5  }
0x11: {  	s19 =	simm.s32 $0x9;
	s22 =	sadd.s32 $0xC600, s1;
	[dreg:$0x5] =	wrdreg s11  }
0x12: {  	s23 =	sadd.s32 $0x11600, s1;
	s24 =	sadd.s32 $0x16600, s1;
	[dreg:$0x8] =	wrdreg s22  }
0x13: {  	s26 =	sadd.s32 $0x2F600, s1;
	s1 =	sadd.s32 $0x34600, s1;
	[dreg:$0x9] =	wrdreg s23  }
0x14: {  	s16 =	sadd.s32 $0x25600, s10;
	s10 =	simm.s32 $0x2800;
	[dreg:$0xa] =	wrdreg s24  }
0x15: {  	s21 =	simm.s32 $0x18000;
	s5 =	simm.s32 $0x8;
	[dreg:$0xc] =	wrdreg s26  }
0x16: {  	[dreg:$0xd] =	wrdreg s1;
	s11 =	simm.s32 $0xA000;
	s23 =	simm.s32 $0x4  }
0x17: {  	s24 =	simm.s32 $0x5;
	s26 =	simm.s32 $0x1;
	s1 =	simm.s32 $0x14000  }
.LBB2_1:
0x18: {  	s8 =	rddreg [dreg:$0x4]  }
0x19: {  	s9 =	rddreg [dreg:$0x5]  }
0x1a: {  	[spmem:s18], [sflag:s9] =	dma.local [hbm:s8], $0x500  }
0x1b: {  	s8 =	rddreg [dreg:$0x6]  }
0x1c: {  	[tilespmem:s4], [sflag:$0x2] =	stream.linear.gather [hbm4b:s8+s4], $0x2800, $0x38;
	[tilespmem:$0x1C000] =	vst v63  }
0x1d: {  	s12 =	rddreg [dreg:$0x7]  }
0x1e: {  	[tilespmem:s10], [sflag:$0x3] =	stream.linear.gather [hbm4b:s12+s4], $0x2800, $0x38;
	[tilespmem:$0x1C000] =	vst v63  }
0x1f: {  	s14 =	simm.s32 $0x5000;
	s13 =	rddreg [dreg:$0x8]  }
0x20: {  	[tilespmem:s14], [sflag:$0x4] =	stream.linear.gather [hbm4b:s13+s4], $0x2800, $0x38;
	[tilespmem:$0x1C000] =	vst v63  }
0x21: {  	s22 =	simm.s32 $0x7800;
	s15 =	rddreg [dreg:$0x9]  }
0x22: {  	[tilespmem:s22], [sflag:$0x5] =	stream.linear.gather [hbm4b:s15+s4], $0x2800, $0x38;
	[tilespmem:$0x1C000] =	vst v63  }
0x23: {  	s10 =	rddreg [dreg:$0xa]  }
0x24: {  	[tilespmem:s11], [sflag:$0x6] =	stream.linear.gather [hbm4b:s10+s4], $0x2800, $0x38;
	[tilespmem:$0x1C000] =	vst v63  }
0x25: {  	_ =	swait.ge [sflag:s23], $0x2800  }
0x26: {  	[sflag:s23] =	ssyncset.done $0x0  }
0x27: {  	[sflag:s23] =	ssyncadd.s32 $0xFFFFD800  }
0x28: {  	_ =	swait.ge [sflag:s24], $0x2800  }
0x29: {  	[sflag:s24] =	ssyncset.done $0x0  }
0x2a: {  	[sflag:s24] =	ssyncadd.s32 $0xFFFFD800  }
0x2b: {  	_ =	swait.ge [sflag:s25], $0x2800  }
0x2c: {  	[sflag:s25] =	ssyncset.done $0x0  }
0x2d: {  	s12 =	simm.s32 $0x7840;
	[sflag:s25] =	ssyncadd.s32 $0xFFFFD800  }
0x2e: {  	s13 =	simm.s32 $0x5040;
	v0 =	vld [tilespmem:s12+$0x0]  }
0x2f: {  	v1 =	vld [tilespmem:s13+$0x0]  }
0x30: {  	v2 =	vld [tilespmem:s12+$0xFFFFFFE0]  }
0x31: {  	v3 =	vld [tilespmem:s12+$0xFFFFFFF0]  }
0x32: {  	v4 =	vld [tilespmem:s13+$0x10]  }
0x33: {  	v5 =	vld [tilespmem:s13+$0xFFFFFFF0]  }
0x34: {  	v6 =	vld [tilespmem:s12+$0x10]  }
0x35: {  	v7 =	vld [tilespmem:s12+$0xFFFFFFC0]  }
0x36: {  	v8 =	vld [tilespmem:s13+$0xFFFFFFE0]  }
0x37: {  	v9 =	vld [tilespmem:s13+$0xFFFFFFC0]  }
0x38: {  	v12 =	vld [tilespmem:s12+$0xFFFFFFD0]  }
0x39: {  	v14 =	vld [tilespmem:s13+$0xFFFFFFD0];
	_ =	sdelay $0x1  }
0x3a: {  	v3 =	vadd.f32 v3, v5  }
0x3b: {  	v0 =	vadd.f32 v0, v1;
	v1 =	vadd.f32 v2, v8  }
0x3c: {  	v10 =	vld [tilespmem:s12+$0x20];
	v7 =	vadd.f32 v7, v9;
	v4 =	vadd.f32 v6, v4  }
0x3d: {  	v5 =	vld [tilespmem:s13+$0x20];
	v12 =	vadd.f32 v12, v14;
	v3 =	vadd.f32 $1.000000000e+00, v3  }
0x3e: {  	v2 =	vld [tilespmem:s13+$0x30];
	v0 =	vadd.f32 $1.000000000e+00, v0;
	v1 =	vadd.f32 $1.000000000e+00, v1  }
0x3f: {  	v8 =	vld [tilespmem:s12+$0x30];
	v4 =	vadd.f32 $1.000000000e+00, v4;
	v7 =	vadd.f32 $1.000000000e+00, v7  }
0x40: {  	v6 =	vshra.s32 v3, $0x1;
	v3 =	vmul.f32 $5.000000000e-01, v3;
	v9 =	vshra.s32 v0, $0x1  }
0x41: {  	v13 =	vshra.s32 v4, $0x1;
	v0 =	vmul.f32 $5.000000000e-01, v0;
	v15 =	vmul.f32 $5.000000000e-01, v4  }
0x42: {  	v16 =	vshra.s32 v7, $0x1;
	v7 =	vmul.f32 $5.000000000e-01, v7;
	v6 =	vsub.s32 $0x5F3759DF, v6  }
0x43: {  	v5 =	vadd.f32 v10, v5;
	v10 =	vshra.s32 v1, $0x1;
	v9 =	vsub.s32 $0x5F3759DF, v9  }
0x44: {  	v13 =	vsub.s32 $0x5F3759DF, v13;
	v2 =	vadd.f32 v8, v2;
	v1 =	vmul.f32 $5.000000000e-01, v1  }
0x45: {  	v16 =	vsub.s32 $0x5F3759DF, v16;
	v11 =	vmul.f32 v6, v3;
	v4 =	vmul.f32 v9, v0  }
0x46: {  	v10 =	vsub.s32 $0x5F3759DF, v10;
	v8 =	vmul.f32 v13, v15;
	v19 =	vmul.f32 v16, v7  }
0x47: {  	v5 =	vadd.f32 $1.000000000e+00, v5;
	v17 =	vmul.f32 v10, v1;
	v4 =	vmul.f32 v9, v4  }
0x48: {  	v2 =	vadd.f32 $1.000000000e+00, v2;
	v8 =	vmul.f32 v13, v8;
	v19 =	vmul.f32 v16, v19  }
0x49: {  	v14 =	vmul.f32 v10, v17;
	v17 =	vmul.f32 v6, v11;
	v4 =	vsub.f32 $1.500000000e+00, v4  }
0x4a: {  	v11 =	vmul.f32 $5.000000000e-01, v2;
	v18 =	vmul.f32 $5.000000000e-01, v5  }
0x4b: {  	v5 =	vshra.s32 v5, $0x1;
	v4 =	vmul.f32 v9, v4;
	v9 =	vshra.s32 v2, $0x1  }
0x4c: {  	v5 =	vsub.s32 $0x5F3759DF, v5;
	v2 =	vsub.f32 $1.500000000e+00, v17;
	v9 =	vsub.s32 $0x5F3759DF, v9  }
0x4d: {  	v8 =	vsub.f32 $1.500000000e+00, v8;
	v22 =	vmul.f32 v5, v18;
	v20 =	vmul.f32 v9, v11  }
0x4e: {  	v2 =	vmul.f32 v6, v2;
	v6 =	vmul.f32 v4, v0  }
0x4f: {  	v12 =	vadd.f32 $1.000000000e+00, v12;
	v8 =	vmul.f32 v13, v8;
	v13 =	vmul.f32 v9, v20  }
0x50: {  	v20 =	vmul.f32 v2, v3;
	v6 =	vmul.f32 v6, v4  }
0x51: {  	v14 =	vsub.f32 $1.500000000e+00, v14;
	v17 =	vmul.f32 $5.000000000e-01, v12;
	v21 =	vmul.f32 v8, v15  }
0x52: {  	v13 =	vsub.f32 $1.500000000e+00, v13;
	v20 =	vmul.f32 v20, v2;
	v6 =	vsub.f32 $1.500000000e+00, v6  }
0x53: {  	v19 =	vsub.f32 $1.500000000e+00, v19;
	v10 =	vmul.f32 v10, v14;
	v21 =	vmul.f32 v21, v8  }
0x54: {  	v20 =	vsub.f32 $1.500000000e+00, v20;
	v6 =	vmul.f32 v6, v4;
	v4 =	vmul.f32 v9, v13  }
0x55: {  	v12 =	vshra.s32 v12, $0x1;
	v9 =	vmul.f32 v16, v19;
	v13 =	vmul.f32 v5, v22  }
0x56: {  	v12 =	vsub.s32 $0x5F3759DF, v12;
	v2 =	vmul.f32 v20, v2;
	v0 =	vmul.f32 v6, v0  }
0x57: {  	s14 =	simm.s32 $0x78C0;
	v16 =	vmul.f32 v9, v7;
	v13 =	vsub.f32 $1.500000000e+00, v13;
	v20 =	vmul.f32 v12, v17  }
0x58: {  	s15 =	simm.s32 $0x50C0;
	v21 =	vsub.f32 $1.500000000e+00, v21;
	v19 =	vld [tilespmem:s14+$0x0];
	v3 =	vmul.f32 v2, v3;
	v0 =	vmul.f32 v0, v6  }
0x59: {  	v22 =	vld [tilespmem:s15+$0x0];
	v16 =	vmul.f32 v16, v9;
	v5 =	vmul.f32 v5, v13  }
0x5a: {  	v25 =	vld [tilespmem:s14+$0x10];
	v8 =	vmul.f32 v21, v8;
	v14 =	vmul.f32 v12, v20;
	v0 =	vsub.f32 $1.500000000e+00, v0  }
0x5b: {  	v13 =	vld [tilespmem:s14+$0xFFFFFFF0];
	v3 =	vmul.f32 v3, v2;
	v16 =	vsub.f32 $1.500000000e+00, v16;
	v21 =	vmul.f32 v5, v18  }
0x5c: {  	v23 =	vmul.f32 v10, v1;
	v20 =	vld [tilespmem:s15+$0x10];
	v14 =	vsub.f32 $1.500000000e+00, v14;
	v0 =	vmul.f32 v0, v6  }
0x5d: {  	v6 =	vld [tilespmem:s14+$0xFFFFFFC0];
	v3 =	vsub.f32 $1.500000000e+00, v3;
	v9 =	vmul.f32 v16, v9;
	v16 =	vmul.f32 v21, v5  }
0x5e: {  	v23 =	vmul.f32 v23, v10;
	v15 =	vmul.f32 v8, v15;
	v19 =	vadd.f32 v19, v22;
	v21 =	vld [tilespmem:s15+$0xFFFFFFF0]  }
0x5f: {  	v12 =	vmul.f32 v12, v14;
	v14 =	vld [tilespmem:s15+$0xFFFFFFC0];
	v24 =	vmul.f32 v3, v2;
	v2 =	vsub.f32 $1.500000000e+00, v16  }
0x60: {  	v15 =	vmul.f32 v15, v8;
	v3 =	vmul.f32 v9, v7;
	v7 =	vld [tilespmem:s14+$0xFFFFFFE0];
	v16 =	vsub.f32 $1.500000000e+00, v23  }
0x61: {  	s8 =	simm.s32 $0xC840;
	v19 =	vadd.f32 $1.000000000e+00, v19;
	v23 =	vmul.f32 v12, v17;
	v2 =	vmul.f32 v2, v5;
	v5 =	vld [tilespmem:s15+$0xFFFFFFE0]  }
0x62: {  	s22 =	simm.s32 $0xA040;
	v15 =	vsub.f32 $1.500000000e+00, v15;
	[tilespmem:s8+$0xFFFFFFF0] =	vst v24;
	v26 =	vmul.f32 v3, v9;
	v3 =	vmul.f32 v16, v10;
	v16 =	vld [tilespmem:s14+$0x20]  }
0x63: {  	v28 =	vmul.f32 $5.000000000e-01, v19;
	v23 =	vmul.f32 v23, v12;
	v10 =	vld [tilespmem:s22+$0xFFFFFFF0];
	v13 =	vadd.f32 v13, v21  }
0x64: {  	v14 =	vadd.f32 v6, v14;
	v6 =	vld [tilespmem:s15+$0x20];
	v21 =	vsub.f32 $1.500000000e+00, v26;
	v26 =	vmul.f32 v2, v18  }
0x65: {  	v18 =	vmul.f32 v3, v1;
	v1 =	vadd.f32 $1.000000000e+00, v13;
	v13 =	vadd.f32 v25, v20  }
0x66: {  	v20 =	vsub.f32 $1.500000000e+00, v23;
	v9 =	vmul.f32 v21, v9;
	v21 =	vmul.f32 v4, v11  }
0x67: {  	v26 =	vmul.f32 v26, v2;
	v5 =	vadd.f32 v7, v5;
	v7 =	vshra.s32 v1, $0x1  }
0x68: {  	v27 =	vmul.f32 v20, v12;
	v13 =	vadd.f32 $1.000000000e+00, v13;
	v22 =	vmul.f32 v24, v10;
	v24 =	vld [tilespmem:s15+$0x30]  }
0x69: {  	v23 =	vsub.s32 $0x5F3759DF, v7;
	[tilespmem:s8+$0xFFFFFFC0] =	vst v9;
	v10 =	vmul.f32 $5.000000000e-01, v1;
	v12 =	vadd.f32 v16, v6;
	v16 =	vld [tilespmem:s14+$0x30]  }
0x6a: {  	v6 =	vshra.s32 v19, $0x1;
	v21 =	vmul.f32 v21, v4;
	v5 =	vadd.f32 $1.000000000e+00, v5;
	v1 =	vld [tilespmem:s22+$0xFFFFFFC0]  }
0x6b: {  	[tilespmem:s8+$0x0] =	vst v0;
	v25 =	vsub.s32 $0x5F3759DF, v6;
	v6 =	vshra.s32 v13, $0x1;
	v17 =	vmul.f32 v27, v17  }
0x6c: {  	v19 =	vld [tilespmem:s22+$0x0];
	v20 =	vmul.f32 v23, v10;
	v29 =	vsub.s32 $0x5F3759DF, v6;
	v6 =	vmul.f32 $5.000000000e-01, v13  }
0x6d: {  	v32 =	vadd.f32 $1.000000000e+00, v12;
	v12 =	vadd.f32 $1.000000000e+00, v14;
	v14 =	vmul.f32 v18, v3  }
0x6e: {  	v31 =	vld [tilespmem:s15+$0xFFFFFFD0];
	v17 =	vmul.f32 v17, v27;
	v16 =	vadd.f32 v16, v24;
	v24 =	vmul.f32 v29, v6  }
0x6f: {  	v21 =	vsub.f32 $1.500000000e+00, v21;
	v13 =	vld [tilespmem:s14+$0xFFFFFFD0];
	v30 =	vmul.f32 v9, v1;
	v9 =	vmul.f32 v25, v28  }
0x70: {  	v7 =	vshra.s32 v5, $0x1;
	v1 =	vmul.f32 $5.000000000e-01, v5;
	v5 =	vmul.f32 v15, v8  }
0x71: {  	v7 =	vsub.s32 $0x5F3759DF, v7;
	v33 =	vmul.f32 v0, v19;
	v8 =	vmul.f32 v25, v9  }
0x72: {  	v0 =	vshra.s32 v12, $0x1;
	v15 =	vadd.f32 $1.000000000e+00, v16;
	v16 =	vmul.f32 v7, v1;
	[tilespmem:s8+$0x10] =	vst v5  }
0x73: {  	v18 =	vmul.f32 v29, v24;
	v24 =	vsub.s32 $0x5F3759DF, v0;
	v19 =	vld [tilespmem:s22+$0x10];
	v0 =	vsub.f32 $1.500000000e+00, v8  }
0x74: {  	v9 =	vmul.f32 $5.000000000e-01, v12;
	v8 =	vadd.f32 v13, v31;
	v12 =	vmul.f32 v7, v16  }
0x75: {  	v16 =	vsub.f32 $1.500000000e+00, v18;
	v18 =	vmul.f32 v25, v0;
	v25 =	vshra.s32 v15, $0x1  }
0x76: {  	v0 =	vmul.f32 $5.000000000e-01, v15;
	v31 =	vadd.f32 $1.000000000e+00, v8;
	v8 =	vmul.f32 $5.000000000e-01, v32  }
0x77: {  	v13 =	vsub.f32 $1.500000000e+00, v12;
	v15 =	vmul.f32 v23, v20;
	v12 =	vmul.f32 v21, v4  }
0x78: {  	v20 =	vsub.s32 $0x5F3759DF, v25;
	v21 =	vmul.f32 v5, v19;
	v4 =	vmul.f32 v18, v28  }
0x79: {  	v5 =	vmul.f32 v24, v9;
	v19 =	vsub.f32 $1.500000000e+00, v15;
	v15 =	vmul.f32 v29, v16  }
0x7a: {  	v25 =	vmul.f32 v20, v0;
	v11 =	vmul.f32 v12, v11  }
0x7b: {  	v58 =	vmul.f32 v4, v18;
	v60 =	vmul.f32 v23, v19  }
0x7c: {  	v63 =	vsub.f32 $1.500000000e+00, v17;
	v4 =	vmul.f32 $5.000000000e-01, v31;
	v23 =	vmul.f32 v20, v25  }
0x7d: {  	v59 =	vshra.s32 v32, $0x1;
	v5 =	vmul.f32 v24, v5;
	v61 =	vmul.f32 v60, v10  }
0x7e: {  	v19 =	vsub.f32 $1.500000000e+00, v14;
	[tilespmem:s22+$0x10] =	vst v21;
	v21 =	vmul.f32 v63, v27;
	v25 =	vsub.f32 $1.500000000e+00, v58  }
0x7f: {  	v23 =	vsub.f32 $1.500000000e+00, v23;
	v62 =	vsub.f32 $1.500000000e+00, v5;
	v29 =	vmul.f32 v61, v60  }
0x80: {  	v14 =	vmul.f32 v25, v18;
	v25 =	vmul.f32 v15, v6;
	v18 =	vsub.s32 $0x5F3759DF, v59  }
0x81: {  	[tilespmem:s22+$0xFFFFFFF0] =	vst v22;
	v5 =	vmul.f32 v20, v23;
	v20 =	vmul.f32 v18, v8;
	v22 =	vsub.f32 $1.500000000e+00, v29  }
0x82: {  	s9 =	simm.s32 $0xA0C0;
	v16 =	vshra.s32 v31, $0x1;
	v17 =	vmul.f32 v24, v62;
	v34 =	vmul.f32 v25, v15  }
0x83: {  	s11 =	simm.s32 $0x8;
	s10 =	simm.s32 $0xC8C0;
	s12 =	simm.s32 $0xA0C0;
	[tilespmem:s22+$0x0] =	vst v33;
	v24 =	vsub.f32 $1.500000000e+00, v26;
	v23 =	vmul.f32 v18, v20;
	v20 =	vmul.f32 v22, v60  }
0x84: {  	s13 =	simm.s32 $0xC8C0;
	s15 =	simm.s32 $0x5140;
	s14 =	simm.s32 $0x7940;
	[tilespmem:s22+$0xFFFFFFC0] =	vst v30;
	v25 =	vmul.f32 v14, v28;
	v22 =	vmul.f32 v11, v12;
	v11 =	vsub.f32 $1.500000000e+00, v34  }
.LBB2_2:
0x85: {  	v26 =	vld [tilespmem:s14+$0x0];
	s11 =	sadd.s32 $0x8, s11;
	v27 =	vmul.f32 v17, v9;
	v10 =	vmul.f32 v20, v10;
	v23 =	vsub.f32 $1.500000000e+00, v23;
	s12 =	sadd.s32 $0x80, s12;
	s13 =	sadd.s32 $0x80, s13  }
0x86: {  	v2 =	vmul.f32 v24, v2;
	v28 =	vld [tilespmem:s15+$0x0];
	p1 =	slt.u32 s11, $0x278;
	v25 =	vmul.f32 v25, v14;
	[tilespmem:s8+$0xFFFFFFD0] =	vst v21  }
0x87: {  	v16 =	vsub.s32 $0x5F3759DF, v16;
	v3 =	vmul.f32 v19, v3;
	v10 =	vmul.f32 v10, v20;
	v24 =	vld [tilespmem:s22+$0xFFFFFFD0]  }
0x88: {  	v29 =	vmul.f32 v16, v4;
	v11 =	vmul.f32 v11, v15;
	v19 =	vld [tilespmem:s14+$0xFFFFFFE0];
	v25 =	vsub.f32 $1.500000000e+00, v25  }
0x89: {  	v22 =	vsub.f32 $1.500000000e+00, v22;
	v27 =	vmul.f32 v27, v17;
	v15 =	vld [tilespmem:s14+$0xFFFFFFF0];
	v10 =	vsub.f32 $1.500000000e+00, v10;
	[tilespmem:s8+$0x20] =	vst v2  }
0x8a: {  	v18 =	vmul.f32 v18, v23;
	v14 =	vmul.f32 v25, v14;
	[tilespmem:s8+$0xFFFFFFE0] =	vst v3;
	v23 =	vld [tilespmem:s22+$0x20]  }
0x8b: {  	v7 =	vmul.f32 v7, v13;
	v27 =	vsub.f32 $1.500000000e+00, v27;
	v25 =	vld [tilespmem:s15+$0x10];
	v10 =	vmul.f32 v10, v20  }
0x8c: {  	v12 =	vmul.f32 v22, v12;
	v13 =	vmul.f32 v18, v8;
	[tilespmem:s10+$0x0] =	vst v14;
	v20 =	vld [tilespmem:s22+$0xFFFFFFE0]  }
0x8d: {  	v29 =	vmul.f32 v16, v29;
	v21 =	vmul.f32 v21, v24;
	v22 =	vld [tilespmem:s14+$0x10]  }
0x8e: {  	v30 =	vmul.f32 v7, v1;
	v6 =	vmul.f32 v11, v6;
	v24 =	vld [tilespmem:s14+$0xFFFFFFC0];
	[tilespmem:s8+$0x30] =	vst v12;
	s8 =	smov.u32 s10;
	s10 =	smov.u32 s13  }
0x8f: {  	v17 =	vmul.f32 v27, v17;
	v27 =	vsub.f32 $1.500000000e+00, v29;
	v13 =	vmul.f32 v13, v18;
	[tilespmem:s8+$0xFFFFFFF0] =	vst v10;
	v29 =	vld [tilespmem:s22+$0x30]  }
0x90: {  	v30 =	vmul.f32 v30, v7;
	v2 =	vmul.f32 v2, v23;
	v31 =	vld [tilespmem:s14+$0x20];
	[tilespmem:s22+$0xFFFFFFD0] =	vst v21  }
0x91: {  	v16 =	vmul.f32 v16, v27;
	v13 =	vsub.f32 $1.500000000e+00, v13;
	v21 =	vld [tilespmem:s15+$0xFFFFFFF0];
	v3 =	vmul.f32 v3, v20  }
0x92: {  	v9 =	vmul.f32 v17, v9;
	v23 =	vsub.f32 $1.500000000e+00, v30;
	v20 =	vld [tilespmem:s15+$0xFFFFFFC0];
	[tilespmem:s22+$0x20] =	vst v2  }
0x93: {  	v30 =	vmul.f32 v16, v4;
	v2 =	vmul.f32 v13, v18;
	v27 =	vld [tilespmem:s15+$0x30];
	[tilespmem:s22+$0xFFFFFFE0] =	vst v3  }
0x94: {  	v9 =	vmul.f32 v9, v17;
	v13 =	vld [tilespmem:s15+$0xFFFFFFE0];
	v12 =	vmul.f32 v12, v29  }
0x95: {  	v18 =	vmul.f32 v30, v16;
	v3 =	vmul.f32 v23, v7;
	v7 =	vld [tilespmem:s9+$0xFFFFFFF0]  }
0x96: {  	v9 =	vsub.f32 $1.500000000e+00, v9;
	v23 =	vmul.f32 v2, v8;
	v15 =	vadd.f32 v15, v21;
	v21 =	vld [tilespmem:s15+$0x20];
	[tilespmem:s22+$0x30] =	vst v12;
	s22 =	smov.u32 s9;
	s9 =	smov.u32 s12  }
0x97: {  	v1 =	vmul.f32 v3, v1;
	v8 =	vadd.f32 v24, v20  }
0x98: {  	v9 =	vmul.f32 v9, v17;
	v12 =	vadd.f32 $1.000000000e+00, v15;
	v15 =	vadd.f32 v22, v25  }
0x99: {  	v17 =	vadd.f32 v26, v28;
	v18 =	vsub.f32 $1.500000000e+00, v18;
	v20 =	vmul.f32 v5, v0  }
0x9a: {  	v13 =	vadd.f32 v19, v13;
	v19 =	vshra.s32 v12, $0x1;
	[tilespmem:s8+$0xFFFFFFC0] =	vst v9;
	v7 =	vmul.f32 v10, v7  }
0x9b: {  	v17 =	vadd.f32 $1.000000000e+00, v17;
	v26 =	vmul.f32 v18, v16;
	v19 =	vsub.s32 $0x5F3759DF, v19;
	v22 =	vld [tilespmem:s22+$0xFFFFFFC0]  }
0x9c: {  	v10 =	vmul.f32 $5.000000000e-01, v12;
	v13 =	vadd.f32 $1.000000000e+00, v13;
	v12 =	vadd.f32 v31, v21;
	[tilespmem:s22+$0xFFFFFFF0] =	vst v7;
	v16 =	vld [tilespmem:s22+$0x0]  }
0x9d: {  	v18 =	vshra.s32 v17, $0x1;
	v24 =	vmul.f32 v6, v11;
	v15 =	vadd.f32 $1.000000000e+00, v15;
	v21 =	vld [tilespmem:s14+$0x30]  }
0x9e: {  	v20 =	vmul.f32 v20, v5;
	v25 =	vmul.f32 v19, v10;
	v6 =	vshra.s32 v13, $0x1  }
0x9f: {  	v18 =	vsub.s32 $0x5F3759DF, v18;
	v7 =	vsub.s32 $0x5F3759DF, v6;
	v6 =	vshra.s32 v15, $0x1;
	v28 =	vld [tilespmem:s14+$0xFFFFFFD0]  }
0xa0: {  	v30 =	vmul.f32 $5.000000000e-01, v17;
	v17 =	vmul.f32 v26, v4;
	v4 =	vsub.f32 $1.500000000e+00, v20;
	v29 =	vld [tilespmem:s15+$0xFFFFFFD0]  }
0xa1: {  	v20 =	vsub.s32 $0x5F3759DF, v6;
	v6 =	vmul.f32 $5.000000000e-01, v15;
	v9 =	vmul.f32 v9, v22  }
0xa2: {  	v15 =	vmul.f32 v18, v30;
	v22 =	vsub.f32 $1.500000000e+00, v24;
	v21 =	vadd.f32 v21, v27  }
0xa3: {  	v31 =	vmul.f32 v1, v3;
	v24 =	vmul.f32 v20, v6;
	v27 =	vadd.f32 $1.000000000e+00, v12;
	[tilespmem:s22+$0xFFFFFFC0] =	vst v9  }
0xa4: {  	v8 =	vadd.f32 $1.000000000e+00, v8;
	v1 =	vmul.f32 $5.000000000e-01, v13;
	v11 =	vmul.f32 v22, v11  }
0xa5: {  	v14 =	vmul.f32 v14, v16;
	v12 =	vmul.f32 v18, v15;
	v13 =	vadd.f32 $1.000000000e+00, v21  }
0xa6: {  	v15 =	vmul.f32 v7, v1;
	v9 =	vshra.s32 v8, $0x1;
	v16 =	vmul.f32 v20, v24;
	[tilespmem:s8+$0x10] =	vst v11  }
0xa7: {  	v21 =	vsub.s32 $0x5F3759DF, v9;
	v9 =	vmul.f32 $5.000000000e-01, v8;
	v8 =	vsub.f32 $1.500000000e+00, v12;
	[tilespmem:s22+$0x0] =	vst v14;
	v14 =	vld [tilespmem:s22+$0x10]  }
0xa8: {  	v15 =	vmul.f32 v7, v15;
	v12 =	vadd.f32 v28, v29;
	v22 =	vsub.f32 $1.500000000e+00, v16  }
0xa9: {  	v24 =	vmul.f32 v18, v8;
	v16 =	vshra.s32 v13, $0x1;
	v28 =	vmul.f32 $5.000000000e-01, v13  }
0xaa: {  	v13 =	vsub.f32 $1.500000000e+00, v15;
	v8 =	vmul.f32 $5.000000000e-01, v27;
	v18 =	vadd.f32 $1.000000000e+00, v12  }
0xab: {  	v15 =	vmul.f32 v19, v25;
	v25 =	vsub.s32 $0x5F3759DF, v16;
	v12 =	vmul.f32 v4, v5  }
0xac: {  	v16 =	vshra.s32 v18, $0x1;
	v4 =	vmul.f32 $5.000000000e-01, v18;
	v5 =	vmul.f32 v11, v14  }
0xad: {  	v18 =	vmul.f32 v25, v28;
	v11 =	vmul.f32 v21, v9;
	v14 =	vsub.f32 $1.500000000e+00, v15  }
0xae: {  	v29 =	vmul.f32 v24, v30;
	v15 =	vmul.f32 v20, v22;
	v20 =	vshra.s32 v27, $0x1;
	[tilespmem:s22+$0x10] =	vst v5  }
0xaf: {  	v22 =	vmul.f32 v19, v14;
	v5 =	vmul.f32 v25, v18;
	v19 =	vsub.f32 $1.500000000e+00, v31  }
0xb0: {  	v11 =	vmul.f32 v21, v11;
	v14 =	vmul.f32 v29, v24;
	v18 =	vsub.s32 $0x5F3759DF, v20  }
0xb1: {  	v17 =	vmul.f32 v17, v26;
	v20 =	vmul.f32 v22, v10;
	v5 =	vsub.f32 $1.500000000e+00, v5  }
0xb2: {  	v27 =	vmul.f32 v15, v6;
	v29 =	vmul.f32 v23, v2;
	v14 =	vsub.f32 $1.500000000e+00, v14  }
0xb3: {  	v23 =	vmul.f32 v18, v8;
	v11 =	vsub.f32 $1.500000000e+00, v11;
	v20 =	vmul.f32 v20, v22  }
.Ltmp0:
0xb4: {  	v32 =	vmul.f32 v12, v0;
	v0 =	vmovc v28;
	v31 =	vsub.f32 $1.500000000e+00, v17;
	v27 =	vmul.f32 v27, v15;
	(pc) =	sbr.rel @p1 .LBB2_2-.Ltmp0, $4  }
0xb5: {  	v14 =	vmul.f32 v14, v24;
	v5 =	vmul.f32 v25, v5;
	v20 =	vsub.f32 $1.500000000e+00, v20  }
0xb6: {  	v23 =	vmul.f32 v18, v23;
	v17 =	vmul.f32 v21, v11  }
0xb7: {  	v24 =	vsub.f32 $1.500000000e+00, v29;
	v20 =	vmul.f32 v20, v22;
	v22 =	vmul.f32 v32, v12  }
0xb8: {  	s14 =	sadd.s32 $0x80, s14;
	s15 =	sadd.s32 $0x80, s15;
	v11 =	vsub.f32 $1.500000000e+00, v27;
	v21 =	vmul.f32 v31, v26;
	v25 =	vmul.f32 v14, v30  }
0xb9: {  	v10 =	vmul.f32 v20, v10;
	v26 =	vmul.f32 v17, v9  }
0xba: {  	v2 =	vmul.f32 v24, v2;
	v3 =	vmul.f32 v19, v3  }
0xbb: {  	v16 =	vsub.s32 $0x5F3759DF, v16;
	v7 =	vmul.f32 v7, v13;
	v40 =	vmul.f32 v5, v0  }
0xbc: {  	v23 =	vsub.f32 $1.500000000e+00, v23;
	v62 =	vmul.f32 v16, v4;
	v25 =	vmul.f32 v25, v14  }
0xbd: {  	v22 =	vsub.f32 $1.500000000e+00, v22;
	v11 =	vmul.f32 v11, v15;
	v10 =	vmul.f32 v10, v20  }
0xbe: {  	v63 =	vmul.f32 v18, v23;
	v28 =	vmul.f32 v26, v17  }
0xbf: {  	v12 =	vmul.f32 v22, v12;
	v33 =	vmul.f32 v7, v1  }
0xc0: {  	[tilespmem:s8+$0xFFFFFFD0] =	vst v21;
	v42 =	vmul.f32 v40, v5;
	v27 =	vmul.f32 v16, v62  }
0xc1: {  	v61 =	vld [tilespmem:s22+$0xFFFFFFD0];
	[tilespmem:s8+$0x20] =	vst v2;
	v6 =	vmul.f32 v11, v6;
	v49 =	vsub.f32 $1.500000000e+00, v25;
	v10 =	vsub.f32 $1.500000000e+00, v10  }
0xc2: {  	[tilespmem:s8+$0xFFFFFFE0] =	vst v3;
	v29 =	vld [tilespmem:s22+$0x20];
	v30 =	vmul.f32 v63, v8;
	v37 =	vmul.f32 v33, v7;
	v18 =	vsub.f32 $1.500000000e+00, v27  }
0xc3: {  	v31 =	vld [tilespmem:s22+$0xFFFFFFE0];
	v19 =	vsub.f32 $1.500000000e+00, v28;
	v47 =	vmul.f32 v6, v11;
	v6 =	vmul.f32 v49, v14  }
0xc4: {  	v44 =	vsub.f32 $1.500000000e+00, v42;
	v10 =	vmul.f32 v10, v20;
	v16 =	vmul.f32 v16, v18  }
0xc5: {  	[tilespmem:s8+$0x30] =	vst v12;
	v34 =	vmul.f32 v19, v17;
	v35 =	vmul.f32 v30, v63  }
0xc6: {  	v38 =	vld [tilespmem:s22+$0x30];
	v48 =	vmul.f32 v44, v5;
	v36 =	vmul.f32 v16, v4  }
0xc7: {  	v20 =	vsub.f32 $1.500000000e+00, v37;
	v32 =	vmul.f32 v21, v61;
	v2 =	vmul.f32 v2, v29  }
0xc8: {  	v18 =	vsub.f32 $1.500000000e+00, v35;
	v3 =	vmul.f32 v3, v31;
	v19 =	vmul.f32 v36, v16  }
0xc9: {  	v39 =	vmul.f32 v34, v9;
	v7 =	vmul.f32 v20, v7  }
0xca: {  	v51 =	vmul.f32 v48, v0;
	v15 =	vmul.f32 v18, v63;
	v41 =	vsub.f32 $1.500000000e+00, v19  }
0xcb: {  	[tilespmem:s10+$0x0] =	vst v6;
	v9 =	vmul.f32 v39, v34;
	v12 =	vmul.f32 v12, v38  }
0xcc: {  	[tilespmem:s10+$0xFFFFFFF0] =	vst v10;
	v45 =	vmul.f32 v7, v1;
	v16 =	vmul.f32 v41, v16  }
0xcd: {  	[tilespmem:s22+$0x20] =	vst v2;
	v2 =	vsub.f32 $1.500000000e+00, v47;
	v0 =	vmul.f32 v51, v48;
	v43 =	vmul.f32 v15, v8  }
0xce: {  	[tilespmem:s22+$0xFFFFFFD0] =	vst v32;
	v9 =	vsub.f32 $1.500000000e+00, v9;
	v1 =	vmul.f32 v45, v7;
	v46 =	vmul.f32 v16, v4  }
0xcf: {  	[tilespmem:s22+$0xFFFFFFE0] =	vst v3;
	v2 =	vmul.f32 v2, v11;
	v0 =	vsub.f32 $1.500000000e+00, v0;
	v8 =	vmul.f32 v43, v15  }
0xd0: {  	v54 =	vld [tilespmem:s9+$0x0];
	[tilespmem:s22+$0x30] =	vst v12;
	v50 =	vmul.f32 v9, v34;
	v1 =	vsub.f32 $1.500000000e+00, v1;
	v4 =	vmul.f32 v46, v16  }
0xd1: {  	v52 =	vld [tilespmem:s9+$0xFFFFFFF0];
	[tilespmem:s10+$0x10] =	vst v2;
	v0 =	vmul.f32 v0, v48;
	v8 =	vsub.f32 $1.500000000e+00, v8  }
0xd2: {  	v55 =	vld [tilespmem:s9+$0x10];
	[tilespmem:s10+$0xFFFFFFC0] =	vst v50;
	v1 =	vmul.f32 v1, v7;
	v4 =	vsub.f32 $1.500000000e+00, v4  }
0xd3: {  	[tilespmem:s10+$0x30] =	vst v0;
	v53 =	vld [tilespmem:s9+$0xFFFFFFC0];
	v8 =	vmul.f32 v8, v15  }
0xd4: {  	v61 =	vld [tilespmem:s9+$0x30];
	[tilespmem:s10+$0xFFFFFFE0] =	vst v1;
	v4 =	vmul.f32 v4, v16  }
0xd5: {  	v60 =	vmul.f32 v6, v54;
	v59 =	vld [tilespmem:s9+$0xFFFFFFE0];
	[tilespmem:s10+$0x20] =	vst v8  }
0xd6: {  	v57 =	vmul.f32 v10, v52;
	v58 =	vld [tilespmem:s9+$0x20];
	[tilespmem:s10+$0xFFFFFFD0] =	vst v4  }
0xd7: {  	[tilespmem:s9+$0x0] =	vst v60;
	v2 =	vmul.f32 v2, v55;
	v56 =	vld [tilespmem:s9+$0xFFFFFFD0]  }
0xd8: {  	[tilespmem:s9+$0xFFFFFFF0] =	vst v57;
	v3 =	vmul.f32 v50, v53  }
0xd9: {  	[tilespmem:s9+$0x10] =	vst v2;
	v0 =	vmul.f32 v0, v61  }
0xda: {  	[tilespmem:s9+$0xFFFFFFC0] =	vst v3;
	v1 =	vmul.f32 v1, v59  }
0xdb: {  	[tilespmem:s9+$0x30] =	vst v0;
	v63 =	vmul.f32 v8, v58  }
0xdc: {  	[tilespmem:s9+$0xFFFFFFE0] =	vst v1;
	v62 =	vmul.f32 v4, v56  }
0xdd: {  	[tilespmem:s9+$0x20] =	vst v63  }
0xde: {  	[tilespmem:s9+$0xFFFFFFD0] =	vst v62  }
0xdf: {  	s11 =	simm.s32 $0xA000;
	s8 =	rddreg [dreg:$0xb]  }
0xe0: {  	[spmem:s8] =	stream.linear.scatter [tilespmem:s11], [sflag:$0x7], $0x2800, $0x38;
	[tilespmem:$0x1C000] =	vst v63  }
0xe1: {  	s9 =	simm.s32 @!p0 $0xA000;
	s10 =	rddreg [dreg:$0xc];
	s8 =	simm.s32 @!p0 $0x0  }
0xe2: {  	[hbm4b:s10+s8] =	stream.linear.scatter @!p0 [tilespmem:s9], [sflag:$0x8], $0x2800, $0x38;
	[tilespmem:$0x1C000] =	vst v63  }
0xe3: {  	s9 =	simm.s32 @!p0 $0xC800;
	s10 =	rddreg [dreg:$0xd]  }
0xe4: {  	[hbm4b:s10+s8] =	stream.linear.scatter @!p0 [tilespmem:s9], [sflag:$0x1], $0x2800, $0x38;
	[tilespmem:$0x1C000] =	vst v63  }
0xe5: {  	_ =	swait.ge [sflag:s26], $0x500  }
0xe6: {  	[sflag:s26] =	ssyncset.done $0x0  }
0xe7: {  	[sflag:s26] =	ssyncadd.s32 $0xFFFFFB00  }
0xe8: {  	_ =	swait.ge [sflag:s28], $0x2800  }
0xe9: {  	[sflag:s28] =	ssyncset.done $0x0  }
0xea: {  	[sflag:s28] =	ssyncadd.s32 $0xFFFFD800  }
0xeb: {  	_ =	swait.ge [sflag:s29], $0x2800  }
0xec: {  	[sflag:s29] =	ssyncset.done $0x0  }
0xed: {  	[sflag:s29] =	ssyncadd.s32 $0xFFFFD800  }
0xee: {  	_ =	swait.ge [sflag:s30], $0x2800  }
0xef: {  	[sflag:s30] =	ssyncset.done $0x0  }
0xf0: {  	s8 =	simm.s32 @!p0 $0x8;
	[sflag:s30] =	ssyncadd.s32 $0xFFFFD800  }
0xf1: {  	_ =	swait.ge @!p0 [sflag:s8], $0x2800  }
0xf2: {  	[sflag:s8] =	ssyncset.done @!p0 $0x0  }
0xf3: {  	[sflag:s8] =	ssyncadd.s32 @!p0 $0xFFFFD800;
	s8 =	simm.s32 @!p0 $0x1  }
0xf4: {  	_ =	swait.ge @!p0 [sflag:s8], $0x2800  }
0xf5: {  	[sflag:s8] =	ssyncset.done @!p0 $0x0  }
0xf6: {  	[sflag:s8] =	ssyncadd.s32 @!p0 $0xFFFFD800  }
0xf7: {  	[bflag:$0x0] =	sbarrier.arrive $0xFFFF  }
0xf8: {  	[tilespmem:s1], [sflag:$0x1] =	stream.indirect.gather [spmem:s3], $0x10, s4, s31, $0xb8;
	[tilespmem:$0x1C000] =	vst v63  }
0xf9: {  	_ = 	snop  }
0xfa: {  	[tilespmem:s0], [sflag:$0x2] =	stream.indirect.gather [spmem:s3], $0x10, s31, s31, $0xb8;
	[tilespmem:$0x1C000] =	vst v63  }
0xfb: {  	s15 =	simm.s32 $0x400  }
0xfc: {  	[tilespmem:s21], [sflag:$0x3] =	stream.indirect.gather [spmem:s3], $0x10, s15, s31, $0xb8;
	[tilespmem:$0x1C000] =	vst v63  }
0xfd: {  	s22 =	simm.s32 $0x600  }
0xfe: {  	[tilespmem:s20], [sflag:$0x4] =	stream.indirect.gather [spmem:s3], $0x10, s22, s31, $0xb8;
	[tilespmem:$0x1C000] =	vst v63  }
0xff: {  	_ =	swait.ge [sflag:s26], $0x2000  }
0x100: {  	[sflag:s26] =	ssyncset.done $0x0  }
0x101: {  	[sflag:s26] =	ssyncadd.s32 $0xFFFFE000  }
0x102: {  	_ =	swait.ge [sflag:s28], $0x2000  }
0x103: {  	[sflag:s28] =	ssyncset.done $0x0  }
0x104: {  	s10 =	simm.s32 $0x2800;
	[sflag:s28] =	ssyncadd.s32 $0xFFFFE000  }
0x105: {  	[spmem:s2] =	stream.indirect.scatter.add.f32 [tilespmem:s1], [sflag:$0x5], $0x10, s10, s31, $0xb8;
	[tilespmem:$0x1C000] =	vst v63  }
0x106: {  	s9 =	simm.s32 $0x2A00  }
0x107: {  	[spmem:s2] =	stream.indirect.scatter.add.f32 [tilespmem:s0], [sflag:$0x6], $0x10, s9, s31, $0xb8;
	[tilespmem:$0x1C000] =	vst v63  }
0x108: {  	_ =	swait.ge [sflag:s29], $0x2000  }
0x109: {  	[sflag:s29] =	ssyncset.done $0x0  }
0x10a: {  	[sflag:s29] =	ssyncadd.s32 $0xFFFFE000  }
0x10b: {  	_ =	swait.ge [sflag:s23], $0x2000  }
0x10c: {  	[sflag:s23] =	ssyncset.done $0x0  }
0x10d: {  	s12 =	simm.s32 $0x2C00;
	[sflag:s23] =	ssyncadd.s32 $0xFFFFE000  }
0x10e: {  	[spmem:s2] =	stream.indirect.scatter.add.f32 [tilespmem:s21], [sflag:$0x7], $0x10, s12, s31, $0xb8;
	[tilespmem:$0x1C000] =	vst v63  }
0x10f: {  	s13 =	simm.s32 $0x2E00  }
0x110: {  	[spmem:s2] =	stream.indirect.scatter.add.f32 [tilespmem:s20], [sflag:$0x8], $0x10, s13, s31, $0xb8;
	[tilespmem:$0x1C000] =	vst v63  }
0x111: {  	_ =	swait.ge [sflag:s24], $0x2000  }
0x112: {  	[sflag:s24] =	ssyncset.done $0x0  }
0x113: {  	s14 =	simm.s32 $0x800;
	[sflag:s24] =	ssyncadd.s32 $0xFFFFE000  }
0x114: {  	[tilespmem:s1], [sflag:$0x1] =	stream.indirect.gather [spmem:s3], $0x10, s14, s31, $0xb8;
	[tilespmem:$0x1C000] =	vst v63  }
0x115: {  	_ =	swait.ge [sflag:s25], $0x2000  }
0x116: {  	[sflag:s25] =	ssyncset.done $0x0  }
0x117: {  	s15 =	simm.s32 $0xA00;
	[sflag:s25] =	ssyncadd.s32 $0xFFFFE000  }
0x118: {  	[tilespmem:s0], [sflag:$0x2] =	stream.indirect.gather [spmem:s3], $0x10, s15, s31, $0xb8;
	[tilespmem:$0x1C000] =	vst v63  }
0x119: {  	_ =	swait.ge [sflag:s26], $0x2000  }
0x11a: {  	[sflag:s26] =	ssyncset.done $0x0  }
0x11b: {  	[sflag:s26] =	ssyncadd.s32 $0xFFFFE000  }
0x11c: {  	_ =	swait.ge [sflag:s28], $0x2000  }
0x11d: {  	[sflag:s28] =	ssyncset.done $0x0  }
0x11e: {  	s22 =	simm.s32 $0x3000;
	[sflag:s28] =	ssyncadd.s32 $0xFFFFE000  }
0x11f: {  	[spmem:s2] =	stream.indirect.scatter.add.f32 [tilespmem:s1], [sflag:$0x5], $0x10, s22, s31, $0xb8;
	[tilespmem:$0x1C000] =	vst v63  }
0x120: {  	s9 =	simm.s32 $0x3200  }
0x121: {  	[spmem:s2] =	stream.indirect.scatter.add.f32 [tilespmem:s0], [sflag:$0x6], $0x10, s9, s31, $0xb8;
	[tilespmem:$0x1C000] =	vst v63  }
0x122: {  	_ =	swait.ge [sflag:s30], $0x2000  }
0x123: {  	[sflag:s30] =	ssyncset.done $0x0  }
0x124: {  	s12 =	simm.s32 $0xC00;
	[sflag:s30] =	ssyncadd.s32 $0xFFFFE000  }
0x125: {  	[tilespmem:s21], [sflag:$0x3] =	stream.indirect.gather [spmem:s3], $0x10, s12, s31, $0xb8;
	[tilespmem:$0x1C000] =	vst v63  }
0x126: {  	_ =	swait.ge [sflag:s5], $0x2000  }
0x127: {  	[sflag:s5] =	ssyncset.done $0x0  }
0x128: {  	s13 =	simm.s32 $0xE00;
	[sflag:s5] =	ssyncadd.s32 $0xFFFFE000  }
0x129: {  	[tilespmem:s20], [sflag:$0x4] =	stream.indirect.gather [spmem:s3], $0x10, s13, s31, $0xb8;
	[tilespmem:$0x1C000] =	vst v63  }
0x12a: {  	_ =	swait.ge [sflag:s29], $0x2000  }
0x12b: {  	[sflag:s29] =	ssyncset.done $0x0  }
0x12c: {  	[sflag:s29] =	ssyncadd.s32 $0xFFFFE000  }
0x12d: {  	_ =	swait.ge [sflag:s23], $0x2000  }
0x12e: {  	[sflag:s23] =	ssyncset.done $0x0  }
0x12f: {  	s14 =	simm.s32 $0x3400;
	[sflag:s23] =	ssyncadd.s32 $0xFFFFE000  }
0x130: {  	[spmem:s2] =	stream.indirect.scatter.add.f32 [tilespmem:s21], [sflag:$0x7], $0x10, s14, s31, $0xb8;
	[tilespmem:$0x1C000] =	vst v63  }
0x131: {  	s15 =	simm.s32 $0x3600  }
0x132: {  	[spmem:s2] =	stream.indirect.scatter.add.f32 [tilespmem:s20], [sflag:$0x8], $0x10, s15, s31, $0xb8;
	[tilespmem:$0x1C000] =	vst v63  }
0x133: {  	_ =	swait.ge [sflag:s24], $0x2000  }
0x134: {  	[sflag:s24] =	ssyncset.done $0x0  }
0x135: {  	s22 =	simm.s32 $0x1000;
	[sflag:s24] =	ssyncadd.s32 $0xFFFFE000  }
0x136: {  	[tilespmem:s1], [sflag:$0x1] =	stream.indirect.gather [spmem:s3], $0x10, s22, s31, $0xb8;
	[tilespmem:$0x1C000] =	vst v63  }
0x137: {  	_ =	swait.ge [sflag:s25], $0x2000  }
0x138: {  	[sflag:s25] =	ssyncset.done $0x0  }
0x139: {  	s9 =	simm.s32 $0x1200;
	[sflag:s25] =	ssyncadd.s32 $0xFFFFE000  }
0x13a: {  	[tilespmem:s0], [sflag:$0x2] =	stream.indirect.gather [spmem:s3], $0x10, s9, s31, $0xb8;
	[tilespmem:$0x1C000] =	vst v63  }
0x13b: {  	_ =	swait.ge [sflag:s26], $0x2000  }
0x13c: {  	[sflag:s26] =	ssyncset.done $0x0  }
0x13d: {  	[sflag:s26] =	ssyncadd.s32 $0xFFFFE000  }
0x13e: {  	_ =	swait.ge [sflag:s28], $0x2000  }
0x13f: {  	[sflag:s28] =	ssyncset.done $0x0  }
0x140: {  	s12 =	simm.s32 $0x3800;
	[sflag:s28] =	ssyncadd.s32 $0xFFFFE000  }
0x141: {  	[spmem:s2] =	stream.indirect.scatter.add.f32 [tilespmem:s1], [sflag:$0x5], $0x10, s12, s31, $0xb8;
	[tilespmem:$0x1C000] =	vst v63  }
0x142: {  	s13 =	simm.s32 $0x3A00  }
0x143: {  	[spmem:s2] =	stream.indirect.scatter.add.f32 [tilespmem:s0], [sflag:$0x6], $0x10, s13, s31, $0xb8;
	[tilespmem:$0x1C000] =	vst v63  }
0x144: {  	_ =	swait.ge [sflag:s30], $0x2000  }
0x145: {  	[sflag:s30] =	ssyncset.done $0x0  }
0x146: {  	s14 =	simm.s32 $0x1400;
	[sflag:s30] =	ssyncadd.s32 $0xFFFFE000  }
0x147: {  	[tilespmem:s21], [sflag:$0x3] =	stream.indirect.gather [spmem:s3], $0x10, s14, s31, $0xb8;
	[tilespmem:$0x1C000] =	vst v63  }
0x148: {  	_ =	swait.ge [sflag:s5], $0x2000  }
0x149: {  	[sflag:s5] =	ssyncset.done $0x0  }
0x14a: {  	s15 =	simm.s32 $0x1600;
	[sflag:s5] =	ssyncadd.s32 $0xFFFFE000  }
0x14b: {  	[tilespmem:s20], [sflag:$0x4] =	stream.indirect.gather [spmem:s3], $0x10, s15, s31, $0xb8;
	[tilespmem:$0x1C000] =	vst v63  }
0x14c: {  	_ =	swait.ge [sflag:s29], $0x2000  }
0x14d: {  	[sflag:s29] =	ssyncset.done $0x0  }
0x14e: {  	[sflag:s29] =	ssyncadd.s32 $0xFFFFE000  }
0x14f: {  	_ =	swait.ge [sflag:s23], $0x2000  }
0x150: {  	[sflag:s23] =	ssyncset.done $0x0  }
0x151: {  	s22 =	simm.s32 $0x3C00;
	[sflag:s23] =	ssyncadd.s32 $0xFFFFE000  }
0x152: {  	[spmem:s2] =	stream.indirect.scatter.add.f32 [tilespmem:s21], [sflag:$0x7], $0x10, s22, s31, $0xb8;
	[tilespmem:$0x1C000] =	vst v63  }
0x153: {  	s9 =	simm.s32 $0x3E00  }
0x154: {  	[spmem:s2] =	stream.indirect.scatter.add.f32 [tilespmem:s20], [sflag:$0x8], $0x10, s9, s31, $0xb8;
	[tilespmem:$0x1C000] =	vst v63  }
0x155: {  	_ =	swait.ge [sflag:s24], $0x2000  }
0x156: {  	[sflag:s24] =	ssyncset.done $0x0  }
0x157: {  	s12 =	simm.s32 $0x1800;
	[sflag:s24] =	ssyncadd.s32 $0xFFFFE000  }
0x158: {  	[tilespmem:s1], [sflag:$0x1] =	stream.indirect.gather [spmem:s3], $0x10, s12, s31, $0xb8;
	[tilespmem:$0x1C000] =	vst v63  }
0x159: {  	_ =	swait.ge [sflag:s25], $0x2000  }
0x15a: {  	[sflag:s25] =	ssyncset.done $0x0  }
0x15b: {  	s13 =	simm.s32 $0x1A00;
	[sflag:s25] =	ssyncadd.s32 $0xFFFFE000  }
0x15c: {  	[tilespmem:s0], [sflag:$0x2] =	stream.indirect.gather [spmem:s3], $0x10, s13, s31, $0xb8;
	[tilespmem:$0x1C000] =	vst v63  }
0x15d: {  	_ =	swait.ge [sflag:s26], $0x2000  }
0x15e: {  	[sflag:s26] =	ssyncset.done $0x0  }
0x15f: {  	[sflag:s26] =	ssyncadd.s32 $0xFFFFE000  }
0x160: {  	_ =	swait.ge [sflag:s28], $0x2000  }
0x161: {  	[sflag:s28] =	ssyncset.done $0x0  }
0x162: {  	s14 =	simm.s32 $0x4000;
	[sflag:s28] =	ssyncadd.s32 $0xFFFFE000  }
0x163: {  	[spmem:s2] =	stream.indirect.scatter.add.f32 [tilespmem:s1], [sflag:$0x5], $0x10, s14, s31, $0xb8;
	[tilespmem:$0x1C000] =	vst v63  }
0x164: {  	s15 =	simm.s32 $0x4200  }
0x165: {  	[spmem:s2] =	stream.indirect.scatter.add.f32 [tilespmem:s0], [sflag:$0x6], $0x10, s15, s31, $0xb8;
	[tilespmem:$0x1C000] =	vst v63  }
0x166: {  	_ =	swait.ge [sflag:s30], $0x2000  }
0x167: {  	[sflag:s30] =	ssyncset.done $0x0  }
0x168: {  	s22 =	simm.s32 $0x1C00;
	[sflag:s30] =	ssyncadd.s32 $0xFFFFE000  }
0x169: {  	[tilespmem:s21], [sflag:$0x3] =	stream.indirect.gather [spmem:s3], $0x10, s22, s31, $0xb8;
	[tilespmem:$0x1C000] =	vst v63  }
0x16a: {  	_ =	swait.ge [sflag:s5], $0x2000  }
0x16b: {  	[sflag:s5] =	ssyncset.done $0x0  }
0x16c: {  	s9 =	simm.s32 $0x1E00;
	[sflag:s5] =	ssyncadd.s32 $0xFFFFE000  }
0x16d: {  	[tilespmem:s20], [sflag:$0x4] =	stream.indirect.gather [spmem:s3], $0x10, s9, s31, $0xb8;
	[tilespmem:$0x1C000] =	vst v63  }
0x16e: {  	_ =	swait.ge [sflag:s29], $0x2000  }
0x16f: {  	[sflag:s29] =	ssyncset.done $0x0  }
0x170: {  	[sflag:s29] =	ssyncadd.s32 $0xFFFFE000  }
0x171: {  	_ =	swait.ge [sflag:s23], $0x2000  }
0x172: {  	[sflag:s23] =	ssyncset.done $0x0  }
0x173: {  	s12 =	simm.s32 $0x4400;
	[sflag:s23] =	ssyncadd.s32 $0xFFFFE000  }
0x174: {  	[spmem:s2] =	stream.indirect.scatter.add.f32 [tilespmem:s21], [sflag:$0x7], $0x10, s12, s31, $0xb8;
	[tilespmem:$0x1C000] =	vst v63  }
0x175: {  	s13 =	simm.s32 $0x4600  }
0x176: {  	[spmem:s2] =	stream.indirect.scatter.add.f32 [tilespmem:s20], [sflag:$0x8], $0x10, s13, s31, $0xb8;
	[tilespmem:$0x1C000] =	vst v63  }
0x177: {  	_ =	swait.ge [sflag:s24], $0x2000  }
0x178: {  	[sflag:s24] =	ssyncset.done $0x0  }
0x179: {  	s14 =	simm.s32 $0x2000;
	[sflag:s24] =	ssyncadd.s32 $0xFFFFE000  }
0x17a: {  	[tilespmem:s1], [sflag:$0x1] =	stream.indirect.gather [spmem:s3], $0x10, s14, s31, $0xb8;
	[tilespmem:$0x1C000] =	vst v63  }
0x17b: {  	_ =	swait.ge [sflag:s25], $0x2000  }
0x17c: {  	[sflag:s25] =	ssyncset.done $0x0  }
0x17d: {  	s15 =	simm.s32 $0x2200;
	[sflag:s25] =	ssyncadd.s32 $0xFFFFE000  }
0x17e: {  	[tilespmem:s0], [sflag:$0x2] =	stream.indirect.gather [spmem:s3], $0x10, s15, s31, $0xb8;
	[tilespmem:$0x1C000] =	vst v63  }
0x17f: {  	_ =	swait.ge [sflag:s26], $0x2000  }
0x180: {  	[sflag:s26] =	ssyncset.done $0x0  }
0x181: {  	[sflag:s26] =	ssyncadd.s32 $0xFFFFE000  }
0x182: {  	_ =	swait.ge [sflag:s28], $0x2000  }
0x183: {  	[sflag:s28] =	ssyncset.done $0x0  }
0x184: {  	s22 =	simm.s32 $0x4800;
	[sflag:s28] =	ssyncadd.s32 $0xFFFFE000  }
0x185: {  	[spmem:s2] =	stream.indirect.scatter.add.f32 [tilespmem:s1], [sflag:$0x5], $0x10, s22, s31, $0xb8;
	[tilespmem:$0x1C000] =	vst v63  }
0x186: {  	s9 =	simm.s32 $0x4A00  }
0x187: {  	[spmem:s2] =	stream.indirect.scatter.add.f32 [tilespmem:s0], [sflag:$0x6], $0x10, s9, s31, $0xb8;
	[tilespmem:$0x1C000] =	vst v63  }
0x188: {  	_ =	swait.ge [sflag:s30], $0x2000  }
0x189: {  	[sflag:s30] =	ssyncset.done $0x0  }
0x18a: {  	s12 =	simm.s32 $0x2400;
	[sflag:s30] =	ssyncadd.s32 $0xFFFFE000  }
0x18b: {  	[tilespmem:s21], [sflag:$0x3] =	stream.indirect.gather [spmem:s3], $0x10, s12, s31, $0xb8;
	[tilespmem:$0x1C000] =	vst v63  }
0x18c: {  	_ =	swait.ge [sflag:s5], $0x2000  }
0x18d: {  	[sflag:s5] =	ssyncset.done $0x0  }
0x18e: {  	s13 =	simm.s32 $0x2600;
	[sflag:s5] =	ssyncadd.s32 $0xFFFFE000  }
0x18f: {  	[tilespmem:s20], [sflag:$0x4] =	stream.indirect.gather [spmem:s3], $0x10, s13, s31, $0xb8;
	[tilespmem:$0x1C000] =	vst v63  }
0x190: {  	_ =	swait.ge [sflag:s29], $0x2000  }
0x191: {  	[sflag:s29] =	ssyncset.done $0x0  }
0x192: {  	[sflag:s29] =	ssyncadd.s32 $0xFFFFE000  }
0x193: {  	_ =	swait.ge [sflag:s23], $0x2000  }
0x194: {  	[sflag:s23] =	ssyncset.done $0x0  }
0x195: {  	s14 =	simm.s32 $0x4C00;
	[sflag:s23] =	ssyncadd.s32 $0xFFFFE000  }
0x196: {  	[spmem:s2] =	stream.indirect.scatter.add.f32 [tilespmem:s21], [sflag:$0x7], $0x10, s14, s31, $0xb8;
	[tilespmem:$0x1C000] =	vst v63  }
0x197: {  	s15 =	simm.s32 $0x4E00  }
0x198: {  	[spmem:s2] =	stream.indirect.scatter.add.f32 [tilespmem:s20], [sflag:$0x8], $0x10, s15, s31, $0xb8;
	[tilespmem:$0x1C000] =	vst v63  }
0x199: {  	_ =	swait.ge [sflag:s24], $0x2000  }
0x19a: {  	[sflag:s24] =	ssyncset.done $0x0  }
0x19b: {  	[sflag:s24] =	ssyncadd.s32 $0xFFFFE000  }
0x19c: {  	_ =	swait.ge [sflag:s25], $0x2000  }
0x19d: {  	[sflag:s25] =	ssyncset.done $0x0  }
0x19e: {  	[sflag:s25] =	ssyncadd.s32 $0xFFFFE000  }
0x19f: {  	_ =	swait.ge [sflag:s30], $0x2000  }
0x1a0: {  	[sflag:s30] =	ssyncset.done $0x0  }
0x1a1: {  	[sflag:s30] =	ssyncadd.s32 $0xFFFFE000  }
0x1a2: {  	_ =	swait.ge [sflag:s5], $0x2000  }
0x1a3: {  	s7 =	sadd.s32 $0x1, s7;
	[sflag:s5] =	ssyncset.done $0x0  }
0x1a4: {  	p1 =	sne.s32 s7, s17;
	[sflag:s5] =	ssyncadd.s32 $0xFFFFE000  }
.Ltmp1:
0x1a5: {  	s22 =	sor.u32 $0x1C09, s6;
	[bflag:$0x0] =	sbarrier.arrive $0xFFFF;
	(pc) =	sbr.rel @p1 .LBB2_1-.Ltmp1, $4  }
0x1a6: {  	[hbm:s16], [sflag:s22] =	dma.local [spmem:s18], $0x500  }
0x1a7: {  	_ =	swait.ge [sflag:s19], $0x500  }
0x1a8: {  	[sflag:s19] =	ssyncset.done $0x0  }
0x1a9: {  	[sflag:s19] =	ssyncadd.s32 $0xFFFFFB00  }
0x1aa: {  	_ =	sfence.sel $0x180000  }
0x1ab: {  	[bflag:$0x0] =	sbarrier.arrive $0xFFFF  }
0x1ac: {  	_ =	strace $0x9000004A  }
0x1ad: {  	s0 =	stileid.u32;
	[bflag:$0x2] =	sbarrier.arrive $0xFFFF  }
0x1ae: {  	p0 =	sne.s32 s0, $0x0;
	s0 =	rddreg [dreg:$0x3]  }
0x1af: {  	s0 =	sadd.s32 @!p0 $0x100000, s0  }
0x1b0: {  	[sflag:s0] =	ssyncadd.tile.s32 @!p0 $0x1;
	_ =	shalt  }
.Lfunc_end2:
_tile_overlayer_lowered:
.L_overlay_start_2:
0x1b1: {  	(tag) =	ssettag $0x2  }
0x1b2: {  	s0 =	rddreg [dreg:$0x0];
	s2 =	stileid.u32  }
0x1b3: {  	s1 =	rddreg [dreg:$0x1];
	p0 =	sne.s32 s2, $0x0  }
0x1b4: {  	s3 =	rddreg [dreg:$0x2];
	[bflag:$0x3] =	sbarrier.arrive $0xFFFF;
	s2 =	simm.s32 @!p0 $0x1C09  }
0x1b5: {  	[timem:s3], [sflag:s2] =	dma.local @!p0 [hbm:s0], s1  }
0x1b6: {  	s0 =	simm.s32 @!p0 $0x9  }
0x1b7: {  	_ =	swait.ge @!p0 [sflag:s0], s1  }
0x1b8: {  	s1 =	ssub.s32 @!p0 $0x0, s1;
	[sflag:s0] =	ssyncset.done @!p0 $0x0  }
0x1b9: {  	[sflag:s0] =	ssyncadd.s32 @!p0 s1  }
0x1ba: {  	[bflag:$0x3] =	sbarrier.arrive $0xFFFF  }
0x1bb: {  	_ =	shalt  }

// kernel: kernel.13.cloned.1.call-start
scs
__scs_entry_jumppad:
0x0: {  	(pc) =	sbr.rel $0x88, $3  }
0x1: {  	(tag) =	ssettag $0x0;
	lr =	simm.s32 $0x1  }
0x2: {  	[smem:$0x3F99] =	sst lr;
	_ =	strace $0xD0000000  }
0x3: {  	_ = 	snop  }
0x4: {  	_ = 	snop  }
0x5: {  	_ = 	snop  }
0x6: {  	_ = 	snop  }
0x7: {  	_ = 	snop  }
__scs_overlays_trampoline_lowered:
0x8: {  	[smem:$0x3FA8] =	sst s0  }
0x9: {  	[smem:$0x3FA9] =	sst s1  }
0xa: {  	[smem:$0x3FAA] =	sst s2  }
0xb: {  	[smem:$0x3FAB] =	sst s3  }
0xc: {  	[smem:$0x3FAC] =	sst s4  }
0xd: {  	[smem:$0x3FAD] =	sst s5  }
0xe: {  	[smem:$0x3FAE] =	sst s6  }
0xf: {  	[smem:$0x3FAF] =	sst s7  }
0x10: {  	[smem:$0x3FB0] =	sst s8  }
0x11: {  	[smem:$0x3FB1] =	sst s9;
	s0 =	simm.s32 @!p0 $0x0  }
0x12: {  	s1 =	sld [smem:$0x3F97];
	s0 =	simm.s32 @p0 $0x1  }
0x13: {  	[smem:$0x3FB2] =	sst s0;
	s0 =	simm.s32 @!p1 $0x0  }
0x14: {  	s2 =	sld [smem:$0x3F96];
	s0 =	simm.s32 @p1 $0x1  }
0x15: {  	[smem:$0x3FB3] =	sst s0;
	s0 =	simm.s32 @!p2 $0x0  }
0x16: {  	s3 =	sld [smem:$0x3FDB];
	s0 =	simm.s32 @p2 $0x1  }
0x17: {  	s4 =	simm.s32 $0x1BF5;
	[smem:$0x3FB5] =	sst s0  }
0x18: {  	s0 =	sld [smem:$0x3F98];
	_ =	swait.ge [sflag:s4], $0x0  }
0x19: {  	s7 =	sld [smem:$0x3F99]  }
0x1a: {  	s8 =	sadd.s32 $0xFFFFE003, lr  }
0x1b: {  	s9 =	sadd.s32 $0xFFFFFEF7, lr;
	s5 =	simm.s32 $0xFFFFFFFF;
	p2 =	slt.u32 s8, $0xFFFFF086  }
0x1c: {  	p1 =	slt.u32 s9, $0xF7A;
	s5 =	simm.s32 @!p2 $0x0  }
0x1d: {  	s5 =	simm.s32 @p1 $0x1;
	p0 =	seq.s32 s7, s2  }
0x1e: {  	s7 =	smul.u32 @!p0 $0xF7A, s2;
	p2 =	seq.s32 @!p0 s5, $0x0  }
0x1f: {  	s9 =	smul.u32 $0xF7A, s1;
	s8 =	simm.s32 @!p0 $0x1BF5;
	p2 =	por !p2, p0  }
0x20: {  	[sflag:s8] =	ssyncset.s32 @!p0 $0xFFFFF086;
	s6 =	sadd.s32 @!p0 s3, s7;
	s7 =	simm.s32 @!p0 $0x108  }
0x21: {  	s3 =	sadd.s32 s3, s9;
	s6 =	sadd.s32 @!p0 $0x88, s6;
	s7 =	simm.s32 @p2 $0x1082  }
0x22: {  	[simem:s7], [sflag:s8] =	dma.local @!p0 [hbm:s6], $0xF7A  }
0x23: {  	s9 =	sor.u32 $0xD0000000, s2;
	s6 =	simm.s32 $0x108;
	_ =	swait.ge @!p0 [sflag:s8], $0x0  }
0x24: {  	s3 =	sadd.s32 $0x88, s3;
	s6 =	simm.s32 @!p1 $0x1082;
	[sflag:s4] =	ssyncset.s32 $0xFFFFF086  }
0x25: {  	[simem:s6], [sflag:s4] =	dma.local [hbm:s3], $0xF7A  }
0x26: {  	[smem:$0x3F99] =	sst s1;
	(tag) =	ssettag s2;
	_ =	strace s9  }
0x27: {  	s1 =	sld [smem:$0x3FA9]  }
0x28: {  	s2 =	sld [smem:$0x3FAA]  }
0x29: {  	s4 =	sld [smem:$0x3FAC]  }
0x2a: {  	p0 =	seq.s32 s5, $0x0;
	s5 =	sld [smem:$0x3FAD]  }
0x2b: {  	s6 =	sld [smem:$0x3FAE]  }
0x2c: {  	s7 =	sld [smem:$0x3FAF]  }
0x2d: {  	s3 =	simm.s32 $0x108;
	s8 =	sld [smem:$0x3FB0]  }
0x2e: {  	s3 =	simm.s32 @!p0 $0x1082;
	s9 =	sld [smem:$0x3FB1]  }
0x2f: {  	lr =	sadd.s32 s0, s3;
	s0 =	sld [smem:$0x3FA8]  }
0x30: {  	s3 =	sld [smem:$0x3FAB]  }
0x31: {  	[smem:$0x3FB4] =	sst s10  }
0x32: {  	s10 =	sld [smem:$0x3FB2];
	_ =	sdelay $0x3  }
0x33: {  	p0 =	seq.s32 s10, $0x1;
	s10 =	sld [smem:$0x3FB4];
	_ =	sdelay $0x3  }
0x34: {  	[smem:$0x3FB4] =	sst s10  }
0x35: {  	s10 =	sld [smem:$0x3FB3];
	_ =	sdelay $0x3  }
0x36: {  	p1 =	seq.s32 s10, $0x1;
	s10 =	sld [smem:$0x3FB4];
	_ =	sdelay $0x3  }
0x37: {  	[smem:$0x3FB4] =	sst s10  }
0x38: {  	s10 =	sld [smem:$0x3FB5]  }
0x39: {  	_ = 	snop;
	(pc) =	sbr.ind lr, $3  }
0x3a: {  	_ = 	snop  }
0x3b: {  	_ = 	snop  }
0x3c: {  	p2 =	seq.s32 s10, $0x1;
	s10 =	sld [smem:$0x3FB4]  }
0x3d: {  	_ =	shalt  }
0x3e: {  	_ =	shalt  }
0x3f: {  	_ =	shalt  }
0x40: {  	_ =	shalt  }
0x41: {  	_ =	shalt  }
0x42: {  	_ =	shalt  }
0x43: {  	_ =	shalt  }
0x44: {  	_ =	shalt  }
0x45: {  	_ =	shalt  }
0x46: {  	_ =	shalt  }
0x47: {  	_ =	shalt  }
0x48: {  	_ =	shalt  }
0x49: {  	_ =	shalt  }
0x4a: {  	_ =	shalt  }
0x4b: {  	_ =	shalt  }
0x4c: {  	_ =	shalt  }
0x4d: {  	_ =	shalt  }
0x4e: {  	_ =	shalt  }
0x4f: {  	_ =	shalt  }
0x50: {  	_ =	shalt  }
0x51: {  	_ =	shalt  }
0x52: {  	_ =	shalt  }
0x53: {  	_ =	shalt  }
0x54: {  	_ =	shalt  }
0x55: {  	_ =	shalt  }
0x56: {  	_ =	shalt  }
0x57: {  	_ =	shalt  }
0x58: {  	_ =	shalt  }
0x59: {  	_ =	shalt  }
0x5a: {  	_ =	shalt  }
0x5b: {  	_ =	shalt  }
0x5c: {  	_ =	shalt  }
0x5d: {  	_ =	shalt  }
0x5e: {  	_ =	shalt  }
0x5f: {  	_ =	shalt  }
0x60: {  	_ =	shalt  }
0x61: {  	_ =	shalt  }
0x62: {  	_ =	shalt  }
0x63: {  	_ =	shalt  }
0x64: {  	_ =	shalt  }
0x65: {  	_ =	shalt  }
0x66: {  	_ =	shalt  }
0x67: {  	_ =	shalt  }
0x68: {  	_ =	shalt  }
0x69: {  	_ =	shalt  }
0x6a: {  	_ =	shalt  }
0x6b: {  	_ =	shalt  }
0x6c: {  	_ =	shalt  }
0x6d: {  	_ =	shalt  }
0x6e: {  	_ =	shalt  }
0x6f: {  	_ =	shalt  }
0x70: {  	_ =	shalt  }
0x71: {  	_ =	shalt  }
0x72: {  	_ =	shalt  }
0x73: {  	_ =	shalt  }
0x74: {  	_ =	shalt  }
0x75: {  	_ =	shalt  }
0x76: {  	_ =	shalt  }
0x77: {  	_ =	shalt  }
0x78: {  	_ =	shalt  }
0x79: {  	_ =	shalt  }
0x7a: {  	_ =	shalt  }
0x7b: {  	_ =	shalt  }
0x7c: {  	_ =	shalt  }
0x7d: {  	_ =	shalt  }
0x7e: {  	_ =	shalt  }
0x7f: {  	_ =	shalt  }
0x80: {  	_ =	shalt  }
0x81: {  	_ =	shalt  }
0x82: {  	_ =	shalt  }
0x83: {  	_ =	shalt  }
0x84: {  	_ =	shalt  }
0x85: {  	_ =	shalt  }
0x86: {  	_ =	shalt  }
0x87: {  	_ =	shalt  }
.Lfunc_end0:
.L_simem_size_0:
called_computation.2_lowered:
.L_overlay_start_0:
0x88: {  	s2 =	sld [smem:$0x3FD9]  }
0x89: {  	s3 =	sld [smem:$0x3FFE];
	_ =	sdelay $0x1  }
0x8a: {  	s1 =	srdreg.scid  }
0x8b: {  	s0 =	sand.u32 $0x1, s1  }
0x8c: {  	s17 =	sshll.u32 s0, $0xA;
	s2 =	sadd.s32 s3, s2  }
0x8d: {  	s2 =	sadd.s32 s2, s17  }
0x8e: {  	[smem:$0x3FC0] =	sst s2  }
0x8f: {  	_ = 	snop  }
0x90: {  	s2 =	sld [smem:$0x3FC6];
	(tm) =	ssettm $0x1  }
0x91: {  	s18 =	sld [smem:$0x3FFB];
	_ =	sdelay $0x3  }
0x92: {  	_ =	strace s18  }
0x93: {  	s3 =	sld [smem:$0x3FFC];
	_ =	sdelay $0x3  }
0x94: {  	_ =	strace s3  }
0x95: {  	s3 =	sld [smem:$0x3FFD];
	_ =	sdelay $0x3  }
0x96: {  	_ =	strace s3  }
0x97: {  	_ =	strace $0x8FFFFFFF  }
0x98: {  	s19 =	sld [smem:$0x3FDB];
	_ =	sdelay $0x1  }
0x99: {  	s4 =	simm.s32 $_scs_section_size  }
0x9a: {  	s5 =	simm.s32 $_size__tile_overlayer_lowered;
	s6 =	simm.s32 $_tile_overlayer_lowered  }
0x9b: {  	s22 =	simm.s32 $0x1BFF;
	s21 =	sshll.u32 s6, $0x1;
	s3 =	sadd.s32 s4, s19  }
0x9c: {  	s7 =	simm.s32 $0x0;
	s20 =	sshll.u32 s5, $0x1;
	s5 =	sadd.s32 s21, s3  }
0x9d: {  	[timem:s7], [sflag:s22] =	dma.local [hbm:s5], s20  }
0x9e: {  	_ =	swait.ge [sflag:s22], s20  }
0x9f: {  	s4 =	ssub.s32 $0x0, s20;
	[sflag:s22] =	ssyncset.done $0x0  }
0xa0: {  	[sflag:s22] =	ssyncadd.s32 s4;
	_ =	sdelay $0x1  }
0xa1: {  	s23 =	simm.s32 $0x1B8B  }
0xa2: {  	_ =	swait.ge [sflag:s23], $0x1  }
0xa3: {  	[sflag:s23] =	ssyncset.done $0x0  }
0xa4: {  	s25 =	simm.s32 $0x1B8E;
	s24 =	sld [smem:$0x3FFE];
	[sflag:s23] =	ssyncadd.s32 $0xFFFFFFFF  }
0xa5: {  	s26 =	simm.s32 $execute0_lowered;
	[smem:$0x3FD2] =	sst s25  }
0xa6: {  	s5 =	sshll.u32 s26, $0x1;
	_ =	strace $0x8000004C;
	[dreg:$0x1] =	wrdreg $0xFFFFFFFF  }
0xa7: {  	s28 =	simm.s32 $_size_execute0_lowered;
	s3 =	sadd.s32 s3, s5;
	[dreg:$0x0] =	wrdreg $0x0  }
0xa8: {  	s5 =	sshll.u32 s28, $0x1;
	[dreg:$0x2] =	wrdreg s3  }
0xa9: {  	[dreg:$0x3] =	wrdreg s5  }
0xaa: {  	[dreg:$0x4] =	wrdreg $0xC0  }
0xab: {  	_ =	task [dreg:s7], $0x5FFFF  }
0xac: {  	[dreg:$0x1] =	wrdreg $0xFFFFFFFF  }
0xad: {  	[dreg:$0x0] =	wrdreg $0x60  }
0xae: {  	[dreg:$0x2] =	wrdreg s24  }
0xaf: {  	[dreg:$0x3] =	wrdreg s2  }
0xb0: {  	[dreg:$0x4] =	wrdreg $0xF0000  }
0xb1: {  	[dreg:$0x5] =	wrdreg $0x118000  }
0xb2: {  	[dreg:$0x6] =	wrdreg $0x9  }
0xb3: {  	_ =	task.clear_ibuf [dreg:s7], $0x7FFFF;
	_ =	strace $0x9000004C  }
0xb4: {  	s29 =	simm.s32 $0x9;
	_ =	strace $0x8000004E  }
0xb5: {  	_ =	swait.ge [sflag:s29], $0x1  }
0xb6: {  	[sflag:s29] =	ssyncadd.s32 $0xFFFFFFFF  }
0xb7: {  	_ =	strace $0x9000004E  }
0xb8: {  	_ =	sfence  }
0xb9: {  	s30 =	sld [smem:$0x0];
	_ =	sdelay $0x2  }
0xba: {  	s31 =	sshll.u32 s1, $0xD;
	s1 =	sshrl.u32 s1, $0x2  }
0xbb: {  	s3 =	sand.u32 $0x4000, s31;
	s1 =	sadd.s32 s1, s30  }
0xbc: {  	s0 =	sor.u32 s3, s0;
	s1 =	sshll.u32 s1, $0x11  }
0xbd: {  	s0 =	sor.u32 s1, s0  }
0xbe: {  	s0 =	sadd.s32 $0x8F2B, s0  }
0xbf: {  	[sflag:s0] =	ssyncadd.remote.s32 $0x1  }
0xc0: {  	_ =	sfence.sel $0xFFFF  }
0xc1: {  	[dreg:$0x0] =	wrdreg $0xFFFFFFFF;
	(pc) =	sbr.abs _section_cstart, $3  }
0xc2: {  	[dreg:$0x1] =	wrdreg $0xFFFFFFFF  }
0xc3: {  	_ =	task.clear_ibuf [dreg:s7], $0x2FFFF;
	_ =	strace $0x9FFFFFFF  }
0xc4: {  	(tm) =	ssettm $0x7FFFFFFF  }
0xc5: {  	_ =	shalt  }
tec
execute0_lowered:
.L_overlay_start_1:
0x0: {  	(tag) =	ssettag $0x1  }
0x1: {  	s0 =	srdreg.scid;
	s1 =	rddreg [dreg:$0x0]  }
0x2: {  	s11 =	stileid.u32;
	s3 =	rddreg [dreg:$0x2]  }
0x3: {  	s4 =	rddreg [dreg:$0x3];
	s5 =	simm.s32 $0x0;
	s12 =	simm.s32 $0x2800  }
0x4: {  	s28 =	simm.s32 $0x5;
	s29 =	simm.s32 $0x6;
	s30 =	simm.s32 $0x7  }
0x5: {  	s31 =	simm.s32 $0x8;
	s0 =	sand.u32 $0x1, s0;
	s2 =	sshll.u32 s11, $0x1  }
0x6: {  	s6 =	smul.u32 $0x2800, s11;
	[smem:$0x7FF] =	sst s5;
	s8 =	sadd.s32 $0xC000, s1  }
0x7: {  	s2 =	sor.u32 s0, s2;
	s7 =	smul.u32 $0x28000, s0;
	_ =	strace $0x8000004D  }
0x8: {  	[dreg:$0x5] =	wrdreg s8;
	s19 =	ssub.s32 $0x2, s0;
	p0 =	sne.s32 s0, $0x0  }
0x9: {  	s0 =	simm.s32 $0x2;
	s2 =	smul.u32 $0x500, s2;
	s20 =	sshrl.u32 s6, $0x3  }
0xa: {  	s10 =	sshrl.u32 s19, $0x1;
	s21 =	sadd.s32 s6, s3;
	s15 =	sadd.s32 s6, s4  }
0xb: {  	s7 =	sadd.s32 s6, s7;
	s8 =	ssub.s32 s19, s10;
	s19 =	sshrl.u32 s21, $0x3  }
0xc: {  	s21 =	simm.s32 $0x200;
	s6 =	simm.s32 $0x1A010;
	s2 =	sadd.s32 s2, s1  }
0xd: {  	s7 =	sshrl.u32 s7, $0x3;
	s18 =	smax.u32 s8, $0x1;
	s8 =	simm.s32 $0x9  }
0xe: {  	s9 =	sadd.s32 s7, s1;
	s1 =	sadd.s32 s20, s1;
	s22 =	sadd.s32 $0x1B600, s2  }
0xf: {  	s7 =	sshll.u32 s11, $0x6;
	s2 =	sadd.s32 $0x2000, s2;
	[dreg:$0x7] =	wrdreg s22  }
0x10: {  	s11 =	sor.u32 $0x1C01, s7;
	[dreg:$0x8] =	wrdreg s2;
	s23 =	sadd.s32 $0x25600, s1  }
0x11: {  	s24 =	sadd.s32 $0x2A600, s1;
	s25 =	sadd.s32 $0x2F600, s1;
	[dreg:$0x6] =	wrdreg s11  }
0x12: {  	s26 =	sadd.s32 $0x34600, s1;
	s16 =	sadd.s32 $0xC600, s1;
	[dreg:$0x9] =	wrdreg s23  }
0x13: {  	s17 =	sadd.s32 $0x11600, s9;
	s1 =	simm.s32 $0x1;
	[dreg:$0xa] =	wrdreg s24  }
0x14: {  	s2 =	simm.s32 $0x3;
	s22 =	simm.s32 $0x14010;
	[dreg:$0xb] =	wrdreg s25  }
0x15: {  	s9 =	simm.s32 $0x0;
	[dreg:$0xc] =	wrdreg s26;
	s23 =	simm.s32 $0xA000  }
0x16: {  	s26 =	simm.s32 $0x4;
	s24 =	simm.s32 $0x16010;
	s25 =	simm.s32 $0x18010  }
.LBB2_1:
0x17: {  	s10 =	rddreg [dreg:$0x5]  }
0x18: {  	s11 =	rddreg [dreg:$0x6]  }
0x19: {  	[spmem:s19], [sflag:s11] =	dma.local [hbm:s10], $0x500  }
0x1a: {  	s10 =	rddreg [dreg:$0x7]  }
0x1b: {  	[tilespmem:s5], [sflag:$0x2] =	stream.linear.gather [hbm4b:s10+s5], $0x2800, $0x38;
	[tilespmem:$0x1C010] =	vst v63  }
0x1c: {  	s13 =	rddreg [dreg:$0x8]  }
0x1d: {  	[tilespmem:s12], [sflag:$0x3] =	stream.linear.gather [hbm4b:s13+s5], $0x2800, $0x38;
	[tilespmem:$0x1C010] =	vst v63  }
0x1e: {  	s20 =	simm.s32 $0x5000;
	s14 =	rddreg [dreg:$0x9]  }
0x1f: {  	[tilespmem:s20], [sflag:$0x4] =	stream.linear.gather [hbm4b:s14+s5], $0x2800, $0x38;
	[tilespmem:$0x1C010] =	vst v63  }
0x20: {  	s11 =	rddreg [dreg:$0xa];
	s12 =	simm.s32 $0x7800  }
0x21: {  	[tilespmem:s12], [sflag:$0x5] =	stream.linear.gather [hbm4b:s11+s5], $0x2800, $0x38;
	[tilespmem:$0x1C010] =	vst v63  }
0x22: {  	s13 =	rddreg [dreg:$0xb]  }
0x23: {  	[tilespmem:s23], [sflag:$0x6] =	stream.linear.gather [hbm4b:s13+s5], $0x2800, $0x38;
	[tilespmem:$0x1C010] =	vst v63  }
0x24: {  	s14 =	rddreg [dreg:$0xc];
	s20 =	simm.s32 $0xC800  }
0x25: {  	[tilespmem:s20], [sflag:$0x7] =	stream.linear.gather [hbm4b:s14+s5], $0x2800, $0x38;
	[tilespmem:$0x1C010] =	vst v63  }
0x26: {  	s12 =	rddreg [dreg:$0x1];
	s13 =	simm.s32 $0x14000  }
0x27: {  	[tilespmem:s13], [sflag:$0x8] =	stream.linear.gather [hbm4b:s12+s5], $0x10, $0x38;
	[tilespmem:$0x1C010] =	vst v63  }
0x28: {  	_ =	swait.ge [sflag:s26], $0x2800  }
0x29: {  	[sflag:s26] =	ssyncset.done $0x0  }
0x2a: {  	[sflag:s26] =	ssyncadd.s32 $0xFFFFD800  }
0x2b: {  	_ =	swait.ge [sflag:s28], $0x2800  }
0x2c: {  	[sflag:s28] =	ssyncset.done $0x0  }
0x2d: {  	[sflag:s28] =	ssyncadd.s32 $0xFFFFD800  }
0x2e: {  	_ =	swait.ge [sflag:s29], $0x2800  }
0x2f: {  	[sflag:s29] =	ssyncset.done $0x0  }
0x30: {  	[sflag:s29] =	ssyncadd.s32 $0xFFFFD800  }
0x31: {  	_ =	swait.ge [sflag:s30], $0x2800  }
0x32: {  	[sflag:s30] =	ssyncset.done $0x0  }
0x33: {  	[sflag:s30] =	ssyncadd.s32 $0xFFFFD800  }
0x34: {  	_ =	swait.ge [sflag:s31], $0x10  }
0x35: {  	[sflag:s31] =	ssyncset.done $0x0  }
0x36: {  	s14 =	simm.s32 $0x5040;
	[sflag:s31] =	ssyncadd.s32 $0xFFFFFFF0  }
0x37: {  	s10 =	simm.s32 $0x7840;
	v1 =	vld [tilespmem:s14+$0x30]  }
0x38: {  	v2 =	vld [tilespmem:s10+$0x30]  }
0x39: {  	s11 =	simm.s32 $0xA040;
	v3 =	vld [tilespmem:s14+$0xFFFFFFC0]  }
0x3a: {  	v4 =	vld [tilespmem:s11+$0x30]  }
0x3b: {  	s20 =	simm.s32 $0xC840;
	v5 =	vld [tilespmem:s10+$0xFFFFFFC0]  }
0x3c: {  	v7 =	vld [tilespmem:s20+$0x30]  }
0x3d: {  	v6 =	vld [tilespmem:s14+$0xFFFFFFD0]  }
0x3e: {  	v0 =	vld [tilespmem:$0x14000]  }
0x3f: {  	v8 =	vld [tilespmem:s10+$0xFFFFFFD0]  }
0x40: {  	v9 =	vld [tilespmem:s14+$0xFFFFFFE0]  }
0x41: {  	v10 =	vld [tilespmem:s10+$0xFFFFFFE0]  }
0x42: {  	v11 =	vld [tilespmem:s14+$0xFFFFFFF0]  }
0x43: {  	v12 =	vld [tilespmem:s10+$0xFFFFFFF0]  }
0x44: {  	v13 =	vld [tilespmem:s14+$0x0]  }
0x45: {  	v14 =	vld [tilespmem:s10+$0x0]  }
0x46: {  	v15 =	vld [tilespmem:s14+$0x10]  }
0x47: {  	v16 =	vld [tilespmem:s10+$0x10]  }
0x48: {  	v17 =	vld [tilespmem:s14+$0x20]  }
0x49: {  	v18 =	vld [tilespmem:s10+$0x20]  }
0x4a: {  	v19 =	vld [tilespmem:s11+$0xFFFFFFC0]  }
0x4b: {  	v20 =	vld [tilespmem:s11+$0xFFFFFFD0]  }
0x4c: {  	v21 =	vld [tilespmem:s11+$0xFFFFFFF0];
	v1 =	vadd.f32 v2, v1  }
0x4d: {  	v22 =	vld [tilespmem:s11+$0x0]  }
0x4e: {  	v23 =	vld [tilespmem:s11+$0x10];
	v1 =	vadd.f32 v4, v1  }
0x4f: {  	v25 =	vld [tilespmem:s11+$0x20]  }
0x50: {  	v2 =	vld [tilespmem:s11+$0xFFFFFFE0];
	v3 =	vadd.f32 v5, v3;
	v24 =	vadd.f32 v8, v6;
	v1 =	vmul.f32 v1, v7  }
0x51: {  	v9 =	vadd.f32 v10, v9;
	v10 =	vadd.f32 v12, v11;
	v6 =	vld [tilespmem:s20+$0xFFFFFFD0]  }
0x52: {  	v11 =	vadd.f32 v14, v13;
	v4 =	vld [tilespmem:s20+$0xFFFFFFE0];
	v1 =	vadd.f32 v1, v0  }
0x53: {  	v13 =	vadd.f32 v16, v15;
	v14 =	vadd.f32 v18, v17;
	v5 =	vld [tilespmem:s20+$0xFFFFFFF0]  }
0x54: {  	v8 =	vadd.f32 v19, v3;
	v15 =	vadd.f32 v20, v24;
	v3 =	vld [tilespmem:s20+$0x0];
	v1 =	vmax.f32 v1, $0.0e+00  }
0x55: {  	v63 =	vadd.f32 v2, v9;
	v7 =	vmul.f32 v1, v7;
	v1 =	vld [tilespmem:s20+$0x10]  }
0x56: {  	v12 =	vadd.f32 v21, v10;
	v2 =	vld [tilespmem:s20+$0x20];
	v9 =	vadd.f32 v25, v14;
	v14 =	vmul.f32 v15, v6  }
0x57: {  	s13 =	simm.s32 $0x0;
	s12 =	simm.s32 $0xA040;
	s14 =	simm.s32 $0x50C0;
	v11 =	vadd.f32 v22, v11;
	v10 =	vadd.f32 v23, v13;
	v13 =	vmul.f32 v63, v4;
	[tilespmem:s11+$0x30] =	vst v7;
	v7 =	vld [tilespmem:s20+$0xFFFFFFC0]  }
.LBB2_2:
0x58: {  	v15 =	vld [tilespmem:s14+$0x30];
	v14 =	vadd.f32 v14, v0;
	v12 =	vmul.f32 v12, v5;
	s10 =	sadd.s32 $0x80, s10  }
0x59: {  	s13 =	sadd.s32 $0x8, s13;
	v16 =	vld [tilespmem:s10+$0x30];
	v13 =	vadd.f32 v13, v0;
	v11 =	vmul.f32 v11, v3  }
0x5a: {  	s11 =	sadd.s32 $0x80, s11;
	p1 =	slt.u32 s13, $0x278;
	v17 =	vld [tilespmem:s14+$0xFFFFFFC0];
	v14 =	vmax.f32 v14, $0.0e+00;
	v12 =	vadd.f32 v12, v0;
	v10 =	vmul.f32 v10, v1  }
0x5b: {  	v18 =	vld [tilespmem:s11+$0x30];
	v13 =	vmax.f32 v13, $0.0e+00;
	v11 =	vadd.f32 v11, v0;
	v9 =	vmul.f32 v9, v2  }
0x5c: {  	s20 =	sadd.s32 $0x80, s20;
	v19 =	vld [tilespmem:s10+$0xFFFFFFC0];
	v8 =	vmul.f32 v8, v7;
	v12 =	vmax.f32 v12, $0.0e+00;
	v10 =	vadd.f32 v10, v0  }
0x5d: {  	v6 =	vmul.f32 v14, v6;
	v20 =	vld [tilespmem:s20+$0x30];
	v11 =	vmax.f32 v11, $0.0e+00;
	v9 =	vadd.f32 v9, v0  }
0x5e: {  	v14 =	vld [tilespmem:s14+$0xFFFFFFD0];
	v15 =	vadd.f32 v16, v15;
	v8 =	vadd.f32 v8, v0;
	v10 =	vmax.f32 v10, $0.0e+00  }
0x5f: {  	v4 =	vmul.f32 v13, v4;
	v5 =	vmul.f32 v12, v5;
	v0 =	vld [tilespmem:$0x14000];
	[tilespmem:s12+$0xFFFFFFD0] =	vst v6;
	v6 =	vmax.f32 v9, $0.0e+00  }
0x60: {  	v3 =	vmul.f32 v11, v3;
	v9 =	vld [tilespmem:s10+$0xFFFFFFD0];
	v12 =	vadd.f32 v18, v15;
	v8 =	vmax.f32 v8, $0.0e+00  }
0x61: {  	v1 =	vmul.f32 v10, v1;
	v11 =	vadd.f32 v19, v17;
	v13 =	vld [tilespmem:s14+$0xFFFFFFE0];
	v7 =	vmul.f32 v8, v7;
	[tilespmem:s12+$0xFFFFFFE0] =	vst v4  }
0x62: {  	v2 =	vmul.f32 v6, v2;
	v4 =	vld [tilespmem:s10+$0xFFFFFFE0];
	v8 =	vmul.f32 v12, v20;
	[tilespmem:s12+$0xFFFFFFF0] =	vst v5  }
0x63: {  	v5 =	vld [tilespmem:s14+$0xFFFFFFF0];
	[tilespmem:s12+$0xFFFFFFC0] =	vst v7  }
0x64: {  	v6 =	vld [tilespmem:s10+$0xFFFFFFF0];
	v7 =	vadd.f32 v8, v0;
	[tilespmem:s12+$0x0] =	vst v3  }
0x65: {  	v3 =	vadd.f32 v9, v14;
	v8 =	vld [tilespmem:s14+$0x0];
	[tilespmem:s12+$0x10] =	vst v1  }
0x66: {  	v1 =	vld [tilespmem:s10+$0x0];
	v7 =	vmax.f32 v7, $0.0e+00;
	[tilespmem:s12+$0x20] =	vst v2;
	s12 =	smov.u32 s11  }
0x67: {  	v2 =	vadd.f32 v4, v13;
	v4 =	vld [tilespmem:s14+$0x10];
	v7 =	vmul.f32 v7, v20  }
0x68: {  	v9 =	vld [tilespmem:s10+$0x10]  }
0x69: {  	v5 =	vadd.f32 v6, v5;
	v6 =	vld [tilespmem:s14+$0x20];
	[tilespmem:s11+$0x30] =	vst v7  }
0x6a: {  	v7 =	vld [tilespmem:s10+$0x20]  }
0x6b: {  	v10 =	vld [tilespmem:s11+$0xFFFFFFC0];
	v1 =	vadd.f32 v1, v8  }
0x6c: {  	v12 =	vld [tilespmem:s11+$0xFFFFFFD0]  }
0x6d: {  	v13 =	vld [tilespmem:s11+$0xFFFFFFE0];
	v9 =	vadd.f32 v9, v4  }
0x6e: {  	v14 =	vld [tilespmem:s11+$0xFFFFFFF0]  }
0x6f: {  	v15 =	vld [tilespmem:s11+$0x0];
	v7 =	vadd.f32 v7, v6  }
0x70: {  	v8 =	vadd.f32 v10, v11;
	v10 =	vld [tilespmem:s11+$0x10]  }
0x71: {  	v16 =	vadd.f32 v12, v3;
	v17 =	vld [tilespmem:s11+$0x20]  }
0x72: {  	v6 =	vld [tilespmem:s20+$0xFFFFFFD0];
	v13 =	vadd.f32 v13, v2  }
0x73: {  	v4 =	vld [tilespmem:s20+$0xFFFFFFE0];
	v12 =	vadd.f32 v14, v5  }
.Ltmp0:
0x74: {  	v5 =	vld [tilespmem:s20+$0xFFFFFFF0];
	v11 =	vadd.f32 v15, v1;
	(pc) =	sbr.rel @p1 .LBB2_2-.Ltmp0, $4  }
0x75: {  	v3 =	vld [tilespmem:s20+$0x0];
	v10 =	vadd.f32 v10, v9  }
0x76: {  	v1 =	vld [tilespmem:s20+$0x10];
	v9 =	vadd.f32 v17, v7  }
0x77: {  	v14 =	vmul.f32 v16, v6;
	v2 =	vld [tilespmem:s20+$0x20]  }
0x78: {  	s14 =	sadd.s32 $0x80, s14;
	v7 =	vld [tilespmem:s20+$0xFFFFFFC0];
	v13 =	vmul.f32 v13, v4  }
0x79: {  	v14 =	vadd.f32 v14, v0;
	v12 =	vmul.f32 v12, v5  }
0x7a: {  	v13 =	vadd.f32 v13, v0  }
0x7b: {  	v11 =	vmul.f32 v11, v3;
	v14 =	vmax.f32 v14, $0.0e+00;
	v12 =	vadd.f32 v12, v0  }
0x7c: {  	v10 =	vmul.f32 v10, v1;
	v13 =	vmax.f32 v13, $0.0e+00;
	v6 =	vmul.f32 v14, v6  }
0x7d: {  	v11 =	vadd.f32 v11, v0;
	v9 =	vmul.f32 v9, v2;
	v8 =	vmul.f32 v8, v7  }
0x7e: {  	v12 =	vmax.f32 v12, $0.0e+00;
	v4 =	vmul.f32 v13, v4;
	v10 =	vadd.f32 v10, v0  }
0x7f: {  	[tilespmem:s12+$0xFFFFFFD0] =	vst v6;
	v57 =	vmul.f32 v12, v5;
	v59 =	vmax.f32 v11, $0.0e+00;
	v60 =	vadd.f32 v9, v0  }
0x80: {  	v8 =	vadd.f32 v8, v0;
	[tilespmem:s12+$0xFFFFFFE0] =	vst v4;
	v61 =	vmax.f32 v10, $0.0e+00;
	v62 =	vmul.f32 v59, v3  }
0x81: {  	[tilespmem:s12+$0xFFFFFFF0] =	vst v57;
	v0 =	vmax.f32 v60, $0.0e+00;
	v63 =	vmul.f32 v61, v1  }
0x82: {  	v58 =	vmax.f32 v8, $0.0e+00;
	v0 =	vmul.f32 v0, v2;
	[tilespmem:s12+$0x0] =	vst v62  }
0x83: {  	v6 =	vmul.f32 v58, v7;
	[tilespmem:s12+$0x10] =	vst v63  }
0x84: {  	[tilespmem:s12+$0x20] =	vst v0  }
0x85: {  	[tilespmem:s12+$0xFFFFFFC0] =	vst v6  }
0x86: {  	[spmem:s15] =	stream.linear.scatter [tilespmem:s23], [sflag:$0x7], $0x2800, $0x38;
	[tilespmem:$0x1C010] =	vst v63  }
0x87: {  	s10 =	simm.s32 @!p0 $0x0;
	s11 =	simm.s32 @!p0 $0xA000  }
0x88: {  	[hbm4b:s16+s10] =	stream.linear.scatter @!p0 [tilespmem:s11], [sflag:$0x8], $0x2800, $0x38;
	[tilespmem:$0x1C010] =	vst v63  }
0x89: {  	_ =	swait.ge [sflag:s1], $0x500  }
0x8a: {  	[sflag:s1] =	ssyncset.done $0x0  }
0x8b: {  	[sflag:s1] =	ssyncadd.s32 $0xFFFFFB00  }
0x8c: {  	_ =	swait.ge [sflag:s0], $0x2800  }
0x8d: {  	[sflag:s0] =	ssyncset.done $0x0  }
0x8e: {  	[sflag:s0] =	ssyncadd.s32 $0xFFFFD800  }
0x8f: {  	_ =	swait.ge [sflag:s2], $0x2800  }
0x90: {  	[sflag:s2] =	ssyncset.done $0x0  }
0x91: {  	[sflag:s2] =	ssyncadd.s32 $0xFFFFD800  }
0x92: {  	_ =	swait.ge [sflag:s30], $0x2800  }
0x93: {  	[sflag:s30] =	ssyncset.done $0x0  }
0x94: {  	s10 =	simm.s32 @!p0 $0x8;
	[sflag:s30] =	ssyncadd.s32 $0xFFFFD800  }
0x95: {  	_ =	swait.ge @!p0 [sflag:s10], $0x2800  }
0x96: {  	[sflag:s10] =	ssyncset.done @!p0 $0x0  }
0x97: {  	[sflag:s10] =	ssyncadd.s32 @!p0 $0xFFFFD800  }
0x98: {  	[bflag:$0x0] =	sbarrier.arrive $0xFFFF  }
0x99: {  	[tilespmem:s22], [sflag:$0x1] =	stream.indirect.gather [spmem:s4], $0x10, s5, s21, $0xb8;
	[tilespmem:$0x1C010] =	vst v63  }
0x9a: {  	_ = 	snop  }
0x9b: {  	[tilespmem:s24], [sflag:$0x2] =	stream.indirect.gather [spmem:s4], $0x10, s21, s21, $0xb8;
	[tilespmem:$0x1C010] =	vst v63  }
0x9c: {  	s14 =	simm.s32 $0x400  }
0x9d: {  	[tilespmem:s25], [sflag:$0x3] =	stream.indirect.gather [spmem:s4], $0x10, s14, s21, $0xb8;
	[tilespmem:$0x1C010] =	vst v63  }
0x9e: {  	s20 =	simm.s32 $0x600  }
0x9f: {  	[tilespmem:s6], [sflag:$0x4] =	stream.indirect.gather [spmem:s4], $0x10, s20, s21, $0xb8;
	[tilespmem:$0x1C010] =	vst v63  }
0xa0: {  	_ =	swait.ge [sflag:s1], $0x2000  }
0xa1: {  	[sflag:s1] =	ssyncset.done $0x0  }
0xa2: {  	[sflag:s1] =	ssyncadd.s32 $0xFFFFE000  }
0xa3: {  	_ =	swait.ge [sflag:s0], $0x2000  }
0xa4: {  	[sflag:s0] =	ssyncset.done $0x0  }
0xa5: {  	s12 =	simm.s32 $0x2800;
	[sflag:s0] =	ssyncadd.s32 $0xFFFFE000  }
0xa6: {  	[spmem:s3] =	stream.indirect.scatter.add.f32 [tilespmem:s22], [sflag:$0x5], $0x10, s12, s21, $0xb8;
	[tilespmem:$0x1C010] =	vst v63  }
0xa7: {  	s11 =	simm.s32 $0x2A00  }
0xa8: {  	[spmem:s3] =	stream.indirect.scatter.add.f32 [tilespmem:s24], [sflag:$0x6], $0x10, s11, s21, $0xb8;
	[tilespmem:$0x1C010] =	vst v63  }
0xa9: {  	_ =	swait.ge [sflag:s2], $0x2000  }
0xaa: {  	[sflag:s2] =	ssyncset.done $0x0  }
0xab: {  	[sflag:s2] =	ssyncadd.s32 $0xFFFFE000  }
0xac: {  	_ =	swait.ge [sflag:s26], $0x2000  }
0xad: {  	[sflag:s26] =	ssyncset.done $0x0  }
0xae: {  	s13 =	simm.s32 $0x2C00;
	[sflag:s26] =	ssyncadd.s32 $0xFFFFE000  }
0xaf: {  	[spmem:s3] =	stream.indirect.scatter.add.f32 [tilespmem:s25], [sflag:$0x7], $0x10, s13, s21, $0xb8;
	[tilespmem:$0x1C010] =	vst v63  }
0xb0: {  	s14 =	simm.s32 $0x2E00  }
0xb1: {  	[spmem:s3] =	stream.indirect.scatter.add.f32 [tilespmem:s6], [sflag:$0x8], $0x10, s14, s21, $0xb8;
	[tilespmem:$0x1C010] =	vst v63  }
0xb2: {  	_ =	swait.ge [sflag:s28], $0x2000  }
0xb3: {  	[sflag:s28] =	ssyncset.done $0x0  }
0xb4: {  	s20 =	simm.s32 $0x800;
	[sflag:s28] =	ssyncadd.s32 $0xFFFFE000  }
0xb5: {  	[tilespmem:s22], [sflag:$0x1] =	stream.indirect.gather [spmem:s4], $0x10, s20, s21, $0xb8;
	[tilespmem:$0x1C010] =	vst v63  }
0xb6: {  	_ =	swait.ge [sflag:s29], $0x2000  }
0xb7: {  	[sflag:s29] =	ssyncset.done $0x0  }
0xb8: {  	s11 =	simm.s32 $0xA00;
	[sflag:s29] =	ssyncadd.s32 $0xFFFFE000  }
0xb9: {  	[tilespmem:s24], [sflag:$0x2] =	stream.indirect.gather [spmem:s4], $0x10, s11, s21, $0xb8;
	[tilespmem:$0x1C010] =	vst v63  }
0xba: {  	_ =	swait.ge [sflag:s1], $0x2000  }
0xbb: {  	[sflag:s1] =	ssyncset.done $0x0  }
0xbc: {  	[sflag:s1] =	ssyncadd.s32 $0xFFFFE000  }
0xbd: {  	_ =	swait.ge [sflag:s0], $0x2000  }
0xbe: {  	[sflag:s0] =	ssyncset.done $0x0  }
0xbf: {  	s13 =	simm.s32 $0x3000;
	[sflag:s0] =	ssyncadd.s32 $0xFFFFE000  }
0xc0: {  	[spmem:s3] =	stream.indirect.scatter.add.f32 [tilespmem:s22], [sflag:$0x5], $0x10, s13, s21, $0xb8;
	[tilespmem:$0x1C010] =	vst v63  }
0xc1: {  	s14 =	simm.s32 $0x3200  }
0xc2: {  	[spmem:s3] =	stream.indirect.scatter.add.f32 [tilespmem:s24], [sflag:$0x6], $0x10, s14, s21, $0xb8;
	[tilespmem:$0x1C010] =	vst v63  }
0xc3: {  	_ =	swait.ge [sflag:s30], $0x2000  }
0xc4: {  	[sflag:s30] =	ssyncset.done $0x0  }
0xc5: {  	s20 =	simm.s32 $0xC00;
	[sflag:s30] =	ssyncadd.s32 $0xFFFFE000  }
0xc6: {  	[tilespmem:s25], [sflag:$0x3] =	stream.indirect.gather [spmem:s4], $0x10, s20, s21, $0xb8;
	[tilespmem:$0x1C010] =	vst v63  }
0xc7: {  	_ =	swait.ge [sflag:s31], $0x2000  }
0xc8: {  	[sflag:s31] =	ssyncset.done $0x0  }
0xc9: {  	s11 =	simm.s32 $0xE00;
	[sflag:s31] =	ssyncadd.s32 $0xFFFFE000  }
0xca: {  	[tilespmem:s6], [sflag:$0x4] =	stream.indirect.gather [spmem:s4], $0x10, s11, s21, $0xb8;
	[tilespmem:$0x1C010] =	vst v63  }
0xcb: {  	_ =	swait.ge [sflag:s2], $0x2000  }
0xcc: {  	[sflag:s2] =	ssyncset.done $0x0  }
0xcd: {  	[sflag:s2] =	ssyncadd.s32 $0xFFFFE000  }
0xce: {  	_ =	swait.ge [sflag:s26], $0x2000  }
0xcf: {  	[sflag:s26] =	ssyncset.done $0x0  }
0xd0: {  	s13 =	simm.s32 $0x3400;
	[sflag:s26] =	ssyncadd.s32 $0xFFFFE000  }
0xd1: {  	[spmem:s3] =	stream.indirect.scatter.add.f32 [tilespmem:s25], [sflag:$0x7], $0x10, s13, s21, $0xb8;
	[tilespmem:$0x1C010] =	vst v63  }
0xd2: {  	s14 =	simm.s32 $0x3600  }
0xd3: {  	[spmem:s3] =	stream.indirect.scatter.add.f32 [tilespmem:s6], [sflag:$0x8], $0x10, s14, s21, $0xb8;
	[tilespmem:$0x1C010] =	vst v63  }
0xd4: {  	_ =	swait.ge [sflag:s28], $0x2000  }
0xd5: {  	[sflag:s28] =	ssyncset.done $0x0  }
0xd6: {  	s20 =	simm.s32 $0x1000;
	[sflag:s28] =	ssyncadd.s32 $0xFFFFE000  }
0xd7: {  	[tilespmem:s22], [sflag:$0x1] =	stream.indirect.gather [spmem:s4], $0x10, s20, s21, $0xb8;
	[tilespmem:$0x1C010] =	vst v63  }
0xd8: {  	_ =	swait.ge [sflag:s29], $0x2000  }
0xd9: {  	[sflag:s29] =	ssyncset.done $0x0  }
0xda: {  	s11 =	simm.s32 $0x1200;
	[sflag:s29] =	ssyncadd.s32 $0xFFFFE000  }
0xdb: {  	[tilespmem:s24], [sflag:$0x2] =	stream.indirect.gather [spmem:s4], $0x10, s11, s21, $0xb8;
	[tilespmem:$0x1C010] =	vst v63  }
0xdc: {  	_ =	swait.ge [sflag:s1], $0x2000  }
0xdd: {  	[sflag:s1] =	ssyncset.done $0x0  }
0xde: {  	[sflag:s1] =	ssyncadd.s32 $0xFFFFE000  }
0xdf: {  	_ =	swait.ge [sflag:s0], $0x2000  }
0xe0: {  	[sflag:s0] =	ssyncset.done $0x0  }
0xe1: {  	s13 =	simm.s32 $0x3800;
	[sflag:s0] =	ssyncadd.s32 $0xFFFFE000  }
0xe2: {  	[spmem:s3] =	stream.indirect.scatter.add.f32 [tilespmem:s22], [sflag:$0x5], $0x10, s13, s21, $0xb8;
	[tilespmem:$0x1C010] =	vst v63  }
0xe3: {  	s14 =	simm.s32 $0x3A00  }
0xe4: {  	[spmem:s3] =	stream.indirect.scatter.add.f32 [tilespmem:s24], [sflag:$0x6], $0x10, s14, s21, $0xb8;
	[tilespmem:$0x1C010] =	vst v63  }
0xe5: {  	_ =	swait.ge [sflag:s30], $0x2000  }
0xe6: {  	[sflag:s30] =	ssyncset.done $0x0  }
0xe7: {  	s20 =	simm.s32 $0x1400;
	[sflag:s30] =	ssyncadd.s32 $0xFFFFE000  }
0xe8: {  	[tilespmem:s25], [sflag:$0x3] =	stream.indirect.gather [spmem:s4], $0x10, s20, s21, $0xb8;
	[tilespmem:$0x1C010] =	vst v63  }
0xe9: {  	_ =	swait.ge [sflag:s31], $0x2000  }
0xea: {  	[sflag:s31] =	ssyncset.done $0x0  }
0xeb: {  	s11 =	simm.s32 $0x1600;
	[sflag:s31] =	ssyncadd.s32 $0xFFFFE000  }
0xec: {  	[tilespmem:s6], [sflag:$0x4] =	stream.indirect.gather [spmem:s4], $0x10, s11, s21, $0xb8;
	[tilespmem:$0x1C010] =	vst v63  }
0xed: {  	_ =	swait.ge [sflag:s2], $0x2000  }
0xee: {  	[sflag:s2] =	ssyncset.done $0x0  }
0xef: {  	[sflag:s2] =	ssyncadd.s32 $0xFFFFE000  }
0xf0: {  	_ =	swait.ge [sflag:s26], $0x2000  }
0xf1: {  	[sflag:s26] =	ssyncset.done $0x0  }
0xf2: {  	s13 =	simm.s32 $0x3C00;
	[sflag:s26] =	ssyncadd.s32 $0xFFFFE000  }
0xf3: {  	[spmem:s3] =	stream.indirect.scatter.add.f32 [tilespmem:s25], [sflag:$0x7], $0x10, s13, s21, $0xb8;
	[tilespmem:$0x1C010] =	vst v63  }
0xf4: {  	s14 =	simm.s32 $0x3E00  }
0xf5: {  	[spmem:s3] =	stream.indirect.scatter.add.f32 [tilespmem:s6], [sflag:$0x8], $0x10, s14, s21, $0xb8;
	[tilespmem:$0x1C010] =	vst v63  }
0xf6: {  	_ =	swait.ge [sflag:s28], $0x2000  }
0xf7: {  	[sflag:s28] =	ssyncset.done $0x0  }
0xf8: {  	s20 =	simm.s32 $0x1800;
	[sflag:s28] =	ssyncadd.s32 $0xFFFFE000  }
0xf9: {  	[tilespmem:s22], [sflag:$0x1] =	stream.indirect.gather [spmem:s4], $0x10, s20, s21, $0xb8;
	[tilespmem:$0x1C010] =	vst v63  }
0xfa: {  	_ =	swait.ge [sflag:s29], $0x2000  }
0xfb: {  	[sflag:s29] =	ssyncset.done $0x0  }
0xfc: {  	s11 =	simm.s32 $0x1A00;
	[sflag:s29] =	ssyncadd.s32 $0xFFFFE000  }
0xfd: {  	[tilespmem:s24], [sflag:$0x2] =	stream.indirect.gather [spmem:s4], $0x10, s11, s21, $0xb8;
	[tilespmem:$0x1C010] =	vst v63  }
0xfe: {  	_ =	swait.ge [sflag:s1], $0x2000  }
0xff: {  	[sflag:s1] =	ssyncset.done $0x0  }
0x100: {  	[sflag:s1] =	ssyncadd.s32 $0xFFFFE000  }
0x101: {  	_ =	swait.ge [sflag:s0], $0x2000  }
0x102: {  	[sflag:s0] =	ssyncset.done $0x0  }
0x103: {  	s13 =	simm.s32 $0x4000;
	[sflag:s0] =	ssyncadd.s32 $0xFFFFE000  }
0x104: {  	[spmem:s3] =	stream.indirect.scatter.add.f32 [tilespmem:s22], [sflag:$0x5], $0x10, s13, s21, $0xb8;
	[tilespmem:$0x1C010] =	vst v63  }
0x105: {  	s14 =	simm.s32 $0x4200  }
0x106: {  	[spmem:s3] =	stream.indirect.scatter.add.f32 [tilespmem:s24], [sflag:$0x6], $0x10, s14, s21, $0xb8;
	[tilespmem:$0x1C010] =	vst v63  }
0x107: {  	_ =	swait.ge [sflag:s30], $0x2000  }
0x108: {  	[sflag:s30] =	ssyncset.done $0x0  }
0x109: {  	s20 =	simm.s32 $0x1C00;
	[sflag:s30] =	ssyncadd.s32 $0xFFFFE000  }
0x10a: {  	[tilespmem:s25], [sflag:$0x3] =	stream.indirect.gather [spmem:s4], $0x10, s20, s21, $0xb8;
	[tilespmem:$0x1C010] =	vst v63  }
0x10b: {  	_ =	swait.ge [sflag:s31], $0x2000  }
0x10c: {  	[sflag:s31] =	ssyncset.done $0x0  }
0x10d: {  	s11 =	simm.s32 $0x1E00;
	[sflag:s31] =	ssyncadd.s32 $0xFFFFE000  }
0x10e: {  	[tilespmem:s6], [sflag:$0x4] =	stream.indirect.gather [spmem:s4], $0x10, s11, s21, $0xb8;
	[tilespmem:$0x1C010] =	vst v63  }
0x10f: {  	_ =	swait.ge [sflag:s2], $0x2000  }
0x110: {  	[sflag:s2] =	ssyncset.done $0x0  }
0x111: {  	[sflag:s2] =	ssyncadd.s32 $0xFFFFE000  }
0x112: {  	_ =	swait.ge [sflag:s26], $0x2000  }
0x113: {  	[sflag:s26] =	ssyncset.done $0x0  }
0x114: {  	s13 =	simm.s32 $0x4400;
	[sflag:s26] =	ssyncadd.s32 $0xFFFFE000  }
0x115: {  	[spmem:s3] =	stream.indirect.scatter.add.f32 [tilespmem:s25], [sflag:$0x7], $0x10, s13, s21, $0xb8;
	[tilespmem:$0x1C010] =	vst v63  }
0x116: {  	s14 =	simm.s32 $0x4600  }
0x117: {  	[spmem:s3] =	stream.indirect.scatter.add.f32 [tilespmem:s6], [sflag:$0x8], $0x10, s14, s21, $0xb8;
	[tilespmem:$0x1C010] =	vst v63  }
0x118: {  	_ =	swait.ge [sflag:s28], $0x2000  }
0x119: {  	[sflag:s28] =	ssyncset.done $0x0  }
0x11a: {  	s20 =	simm.s32 $0x2000;
	[sflag:s28] =	ssyncadd.s32 $0xFFFFE000  }
0x11b: {  	[tilespmem:s22], [sflag:$0x1] =	stream.indirect.gather [spmem:s4], $0x10, s20, s21, $0xb8;
	[tilespmem:$0x1C010] =	vst v63  }
0x11c: {  	_ =	swait.ge [sflag:s29], $0x2000  }
0x11d: {  	[sflag:s29] =	ssyncset.done $0x0  }
0x11e: {  	s11 =	simm.s32 $0x2200;
	[sflag:s29] =	ssyncadd.s32 $0xFFFFE000  }
0x11f: {  	[tilespmem:s24], [sflag:$0x2] =	stream.indirect.gather [spmem:s4], $0x10, s11, s21, $0xb8;
	[tilespmem:$0x1C010] =	vst v63  }
0x120: {  	_ =	swait.ge [sflag:s1], $0x2000  }
0x121: {  	[sflag:s1] =	ssyncset.done $0x0  }
0x122: {  	[sflag:s1] =	ssyncadd.s32 $0xFFFFE000  }
0x123: {  	_ =	swait.ge [sflag:s0], $0x2000  }
0x124: {  	[sflag:s0] =	ssyncset.done $0x0  }
0x125: {  	s13 =	simm.s32 $0x4800;
	[sflag:s0] =	ssyncadd.s32 $0xFFFFE000  }
0x126: {  	[spmem:s3] =	stream.indirect.scatter.add.f32 [tilespmem:s22], [sflag:$0x5], $0x10, s13, s21, $0xb8;
	[tilespmem:$0x1C010] =	vst v63  }
0x127: {  	s14 =	simm.s32 $0x4A00  }
0x128: {  	[spmem:s3] =	stream.indirect.scatter.add.f32 [tilespmem:s24], [sflag:$0x6], $0x10, s14, s21, $0xb8;
	[tilespmem:$0x1C010] =	vst v63  }
0x129: {  	_ =	swait.ge [sflag:s30], $0x2000  }
0x12a: {  	[sflag:s30] =	ssyncset.done $0x0  }
0x12b: {  	s20 =	simm.s32 $0x2400;
	[sflag:s30] =	ssyncadd.s32 $0xFFFFE000  }
0x12c: {  	[tilespmem:s25], [sflag:$0x3] =	stream.indirect.gather [spmem:s4], $0x10, s20, s21, $0xb8;
	[tilespmem:$0x1C010] =	vst v63  }
0x12d: {  	_ =	swait.ge [sflag:s31], $0x2000  }
0x12e: {  	[sflag:s31] =	ssyncset.done $0x0  }
0x12f: {  	s11 =	simm.s32 $0x2600;
	[sflag:s31] =	ssyncadd.s32 $0xFFFFE000  }
0x130: {  	[tilespmem:s6], [sflag:$0x4] =	stream.indirect.gather [spmem:s4], $0x10, s11, s21, $0xb8;
	[tilespmem:$0x1C010] =	vst v63  }
0x131: {  	_ =	swait.ge [sflag:s2], $0x2000  }
0x132: {  	[sflag:s2] =	ssyncset.done $0x0  }
0x133: {  	[sflag:s2] =	ssyncadd.s32 $0xFFFFE000  }
0x134: {  	_ =	swait.ge [sflag:s26], $0x2000  }
0x135: {  	[sflag:s26] =	ssyncset.done $0x0  }
0x136: {  	s13 =	simm.s32 $0x4C00;
	[sflag:s26] =	ssyncadd.s32 $0xFFFFE000  }
0x137: {  	[spmem:s3] =	stream.indirect.scatter.add.f32 [tilespmem:s25], [sflag:$0x7], $0x10, s13, s21, $0xb8;
	[tilespmem:$0x1C010] =	vst v63  }
0x138: {  	s14 =	simm.s32 $0x4E00  }
0x139: {  	[spmem:s3] =	stream.indirect.scatter.add.f32 [tilespmem:s6], [sflag:$0x8], $0x10, s14, s21, $0xb8;
	[tilespmem:$0x1C010] =	vst v63  }
0x13a: {  	_ =	swait.ge [sflag:s28], $0x2000  }
0x13b: {  	[sflag:s28] =	ssyncset.done $0x0  }
0x13c: {  	[sflag:s28] =	ssyncadd.s32 $0xFFFFE000  }
0x13d: {  	_ =	swait.ge [sflag:s29], $0x2000  }
0x13e: {  	[sflag:s29] =	ssyncset.done $0x0  }
0x13f: {  	[sflag:s29] =	ssyncadd.s32 $0xFFFFE000  }
0x140: {  	_ =	swait.ge [sflag:s30], $0x2000  }
0x141: {  	[sflag:s30] =	ssyncset.done $0x0  }
0x142: {  	[sflag:s30] =	ssyncadd.s32 $0xFFFFE000  }
0x143: {  	_ =	swait.ge [sflag:s31], $0x2000  }
0x144: {  	s9 =	sadd.s32 $0x1, s9;
	[sflag:s31] =	ssyncset.done $0x0  }
0x145: {  	p1 =	sne.s32 s9, s18;
	[sflag:s31] =	ssyncadd.s32 $0xFFFFE000  }
.Ltmp1:
0x146: {  	s20 =	sor.u32 $0x1C09, s7;
	[bflag:$0x0] =	sbarrier.arrive $0xFFFF;
	(pc) =	sbr.rel @p1 .LBB2_1-.Ltmp1, $4  }
0x147: {  	[hbm:s17], [sflag:s20] =	dma.local [spmem:s19], $0x500  }
0x148: {  	_ =	swait.ge [sflag:s8], $0x500  }
0x149: {  	[sflag:s8] =	ssyncset.done $0x0  }
0x14a: {  	[sflag:s8] =	ssyncadd.s32 $0xFFFFFB00  }
0x14b: {  	_ =	sfence.sel $0x180000  }
0x14c: {  	[bflag:$0x0] =	sbarrier.arrive $0xFFFF  }
0x14d: {  	_ =	strace $0x9000004D  }
0x14e: {  	s0 =	stileid.u32;
	[bflag:$0x2] =	sbarrier.arrive $0xFFFF  }
0x14f: {  	p0 =	sne.s32 s0, $0x0;
	s0 =	rddreg [dreg:$0x4]  }
0x150: {  	s0 =	sadd.s32 @!p0 $0x100000, s0  }
0x151: {  	[sflag:s0] =	ssyncadd.tile.s32 @!p0 $0x1;
	_ =	shalt  }
.Lfunc_end2:
_tile_overlayer_lowered:
.L_overlay_start_2:
0x152: {  	(tag) =	ssettag $0x2  }
0x153: {  	s0 =	rddreg [dreg:$0x0];
	s2 =	stileid.u32  }
0x154: {  	s1 =	rddreg [dreg:$0x1];
	p0 =	sne.s32 s2, $0x0  }
0x155: {  	s3 =	rddreg [dreg:$0x2];
	[bflag:$0x3] =	sbarrier.arrive $0xFFFF;
	s2 =	simm.s32 @!p0 $0x1C09  }
0x156: {  	[timem:s3], [sflag:s2] =	dma.local @!p0 [hbm:s0], s1  }
0x157: {  	s0 =	simm.s32 @!p0 $0x9  }
0x158: {  	_ =	swait.ge @!p0 [sflag:s0], s1  }
0x159: {  	s1 =	ssub.s32 @!p0 $0x0, s1;
	[sflag:s0] =	ssyncset.done @!p0 $0x0  }
0x15a: {  	[sflag:s0] =	ssyncadd.s32 @!p0 s1  }
0x15b: {  	[bflag:$0x3] =	sbarrier.arrive $0xFFFF  }
0x15c: {  	_ =	shalt  }

// kernel: kernel.7.cloned.1.call-start
scs
__scs_entry_jumppad:
0x0: {  	(pc) =	sbr.rel $0x88, $3  }
0x1: {  	(tag) =	ssettag $0x0;
	lr =	simm.s32 $0x1  }
0x2: {  	[smem:$0x3F99] =	sst lr;
	_ =	strace $0xD0000000  }
0x3: {  	_ = 	snop  }
0x4: {  	_ = 	snop  }
0x5: {  	_ = 	snop  }
0x6: {  	_ = 	snop  }
0x7: {  	_ = 	snop  }
__scs_overlays_trampoline_lowered:
0x8: {  	[smem:$0x3FA8] =	sst s0  }
0x9: {  	[smem:$0x3FA9] =	sst s1  }
0xa: {  	[smem:$0x3FAA] =	sst s2  }
0xb: {  	[smem:$0x3FAB] =	sst s3  }
0xc: {  	[smem:$0x3FAC] =	sst s4  }
0xd: {  	[smem:$0x3FAD] =	sst s5  }
0xe: {  	[smem:$0x3FAE] =	sst s6  }
0xf: {  	[smem:$0x3FAF] =	sst s7  }
0x10: {  	[smem:$0x3FB0] =	sst s8  }
0x11: {  	[smem:$0x3FB1] =	sst s9;
	s0 =	simm.s32 @!p0 $0x0  }
0x12: {  	s1 =	sld [smem:$0x3F97];
	s0 =	simm.s32 @p0 $0x1  }
0x13: {  	[smem:$0x3FB2] =	sst s0;
	s0 =	simm.s32 @!p1 $0x0  }
0x14: {  	s2 =	sld [smem:$0x3F96];
	s0 =	simm.s32 @p1 $0x1  }
0x15: {  	[smem:$0x3FB3] =	sst s0;
	s0 =	simm.s32 @!p2 $0x0  }
0x16: {  	s3 =	sld [smem:$0x3FDB];
	s0 =	simm.s32 @p2 $0x1  }
0x17: {  	s4 =	simm.s32 $0x1BF5;
	[smem:$0x3FB5] =	sst s0  }
0x18: {  	s0 =	sld [smem:$0x3F98];
	_ =	swait.ge [sflag:s4], $0x0  }
0x19: {  	s7 =	sld [smem:$0x3F99]  }
0x1a: {  	s8 =	sadd.s32 $0xFFFFE003, lr  }
0x1b: {  	s9 =	sadd.s32 $0xFFFFFEF7, lr;
	s5 =	simm.s32 $0xFFFFFFFF;
	p2 =	slt.u32 s8, $0xFFFFF086  }
0x1c: {  	p1 =	slt.u32 s9, $0xF7A;
	s5 =	simm.s32 @!p2 $0x0  }
0x1d: {  	s5 =	simm.s32 @p1 $0x1;
	p0 =	seq.s32 s7, s2  }
0x1e: {  	s7 =	smul.u32 @!p0 $0xF7A, s2;
	p2 =	seq.s32 @!p0 s5, $0x0  }
0x1f: {  	s9 =	smul.u32 $0xF7A, s1;
	s8 =	simm.s32 @!p0 $0x1BF5;
	p2 =	por !p2, p0  }
0x20: {  	[sflag:s8] =	ssyncset.s32 @!p0 $0xFFFFF086;
	s6 =	sadd.s32 @!p0 s3, s7;
	s7 =	simm.s32 @!p0 $0x108  }
0x21: {  	s3 =	sadd.s32 s3, s9;
	s6 =	sadd.s32 @!p0 $0x88, s6;
	s7 =	simm.s32 @p2 $0x1082  }
0x22: {  	[simem:s7], [sflag:s8] =	dma.local @!p0 [hbm:s6], $0xF7A  }
0x23: {  	s9 =	sor.u32 $0xD0000000, s2;
	s6 =	simm.s32 $0x108;
	_ =	swait.ge @!p0 [sflag:s8], $0x0  }
0x24: {  	s3 =	sadd.s32 $0x88, s3;
	s6 =	simm.s32 @!p1 $0x1082;
	[sflag:s4] =	ssyncset.s32 $0xFFFFF086  }
0x25: {  	[simem:s6], [sflag:s4] =	dma.local [hbm:s3], $0xF7A  }
0x26: {  	[smem:$0x3F99] =	sst s1;
	(tag) =	ssettag s2;
	_ =	strace s9  }
0x27: {  	s1 =	sld [smem:$0x3FA9]  }
0x28: {  	s2 =	sld [smem:$0x3FAA]  }
0x29: {  	s4 =	sld [smem:$0x3FAC]  }
0x2a: {  	p0 =	seq.s32 s5, $0x0;
	s5 =	sld [smem:$0x3FAD]  }
0x2b: {  	s6 =	sld [smem:$0x3FAE]  }
0x2c: {  	s7 =	sld [smem:$0x3FAF]  }
0x2d: {  	s3 =	simm.s32 $0x108;
	s8 =	sld [smem:$0x3FB0]  }
0x2e: {  	s3 =	simm.s32 @!p0 $0x1082;
	s9 =	sld [smem:$0x3FB1]  }
0x2f: {  	lr =	sadd.s32 s0, s3;
	s0 =	sld [smem:$0x3FA8]  }
0x30: {  	s3 =	sld [smem:$0x3FAB]  }
0x31: {  	[smem:$0x3FB4] =	sst s10  }
0x32: {  	s10 =	sld [smem:$0x3FB2];
	_ =	sdelay $0x3  }
0x33: {  	p0 =	seq.s32 s10, $0x1;
	s10 =	sld [smem:$0x3FB4];
	_ =	sdelay $0x3  }
0x34: {  	[smem:$0x3FB4] =	sst s10  }
0x35: {  	s10 =	sld [smem:$0x3FB3];
	_ =	sdelay $0x3  }
0x36: {  	p1 =	seq.s32 s10, $0x1;
	s10 =	sld [smem:$0x3FB4];
	_ =	sdelay $0x3  }
0x37: {  	[smem:$0x3FB4] =	sst s10  }
0x38: {  	s10 =	sld [smem:$0x3FB5]  }
0x39: {  	_ = 	snop;
	(pc) =	sbr.ind lr, $3  }
0x3a: {  	_ = 	snop  }
0x3b: {  	_ = 	snop  }
0x3c: {  	p2 =	seq.s32 s10, $0x1;
	s10 =	sld [smem:$0x3FB4]  }
0x3d: {  	_ =	shalt  }
0x3e: {  	_ =	shalt  }
0x3f: {  	_ =	shalt  }
0x40: {  	_ =	shalt  }
0x41: {  	_ =	shalt  }
0x42: {  	_ =	shalt  }
0x43: {  	_ =	shalt  }
0x44: {  	_ =	shalt  }
0x45: {  	_ =	shalt  }
0x46: {  	_ =	shalt  }
0x47: {  	_ =	shalt  }
0x48: {  	_ =	shalt  }
0x49: {  	_ =	shalt  }
0x4a: {  	_ =	shalt  }
0x4b: {  	_ =	shalt  }
0x4c: {  	_ =	shalt  }
0x4d: {  	_ =	shalt  }
0x4e: {  	_ =	shalt  }
0x4f: {  	_ =	shalt  }
0x50: {  	_ =	shalt  }
0x51: {  	_ =	shalt  }
0x52: {  	_ =	shalt  }
0x53: {  	_ =	shalt  }
0x54: {  	_ =	shalt  }
0x55: {  	_ =	shalt  }
0x56: {  	_ =	shalt  }
0x57: {  	_ =	shalt  }
0x58: {  	_ =	shalt  }
0x59: {  	_ =	shalt  }
0x5a: {  	_ =	shalt  }
0x5b: {  	_ =	shalt  }
0x5c: {  	_ =	shalt  }
0x5d: {  	_ =	shalt  }
0x5e: {  	_ =	shalt  }
0x5f: {  	_ =	shalt  }
0x60: {  	_ =	shalt  }
0x61: {  	_ =	shalt  }
0x62: {  	_ =	shalt  }
0x63: {  	_ =	shalt  }
0x64: {  	_ =	shalt  }
0x65: {  	_ =	shalt  }
0x66: {  	_ =	shalt  }
0x67: {  	_ =	shalt  }
0x68: {  	_ =	shalt  }
0x69: {  	_ =	shalt  }
0x6a: {  	_ =	shalt  }
0x6b: {  	_ =	shalt  }
0x6c: {  	_ =	shalt  }
0x6d: {  	_ =	shalt  }
0x6e: {  	_ =	shalt  }
0x6f: {  	_ =	shalt  }
0x70: {  	_ =	shalt  }
0x71: {  	_ =	shalt  }
0x72: {  	_ =	shalt  }
0x73: {  	_ =	shalt  }
0x74: {  	_ =	shalt  }
0x75: {  	_ =	shalt  }
0x76: {  	_ =	shalt  }
0x77: {  	_ =	shalt  }
0x78: {  	_ =	shalt  }
0x79: {  	_ =	shalt  }
0x7a: {  	_ =	shalt  }
0x7b: {  	_ =	shalt  }
0x7c: {  	_ =	shalt  }
0x7d: {  	_ =	shalt  }
0x7e: {  	_ =	shalt  }
0x7f: {  	_ =	shalt  }
0x80: {  	_ =	shalt  }
0x81: {  	_ =	shalt  }
0x82: {  	_ =	shalt  }
0x83: {  	_ =	shalt  }
0x84: {  	_ =	shalt  }
0x85: {  	_ =	shalt  }
0x86: {  	_ =	shalt  }
0x87: {  	_ =	shalt  }
.Lfunc_end0:
.L_simem_size_0:
called_computation_lowered:
.L_overlay_start_0:
0x88: {  	s2 =	sld [smem:$0x3FD9]  }
0x89: {  	s3 =	sld [smem:$0x3FFE];
	_ =	sdelay $0x1  }
0x8a: {  	s1 =	srdreg.scid  }
0x8b: {  	s0 =	sand.u32 $0x1, s1  }
0x8c: {  	s17 =	sshll.u32 s0, $0xA;
	s2 =	sadd.s32 s3, s2  }
0x8d: {  	s2 =	sadd.s32 s2, s17  }
0x8e: {  	[smem:$0x3FC0] =	sst s2  }
0x8f: {  	_ = 	snop  }
0x90: {  	s2 =	sld [smem:$0x3FD0];
	(tm) =	ssettm $0x1  }
0x91: {  	s18 =	sld [smem:$0x3FFB];
	_ =	sdelay $0x3  }
0x92: {  	_ =	strace s18  }
0x93: {  	s3 =	sld [smem:$0x3FFC];
	_ =	sdelay $0x3  }
0x94: {  	_ =	strace s3  }
0x95: {  	s3 =	sld [smem:$0x3FFD];
	_ =	sdelay $0x3  }
0x96: {  	_ =	strace s3  }
0x97: {  	_ =	strace $0x8FFFFFFF  }
0x98: {  	s19 =	sld [smem:$0x3FDB];
	_ =	sdelay $0x1  }
0x99: {  	s4 =	simm.s32 $_scs_section_size  }
0x9a: {  	s5 =	simm.s32 $_size__tile_overlayer_lowered;
	s6 =	simm.s32 $_tile_overlayer_lowered  }
0x9b: {  	s22 =	simm.s32 $0x1BFF;
	s21 =	sshll.u32 s6, $0x1;
	s3 =	sadd.s32 s4, s19  }
0x9c: {  	s7 =	simm.s32 $0x0;
	s20 =	sshll.u32 s5, $0x1;
	s5 =	sadd.s32 s21, s3  }
0x9d: {  	[timem:s7], [sflag:s22] =	dma.local [hbm:s5], s20  }
0x9e: {  	_ =	swait.ge [sflag:s22], s20  }
0x9f: {  	s4 =	ssub.s32 $0x0, s20;
	[sflag:s22] =	ssyncset.done $0x0  }
0xa0: {  	[sflag:s22] =	ssyncadd.s32 s4;
	_ =	sdelay $0x1  }
0xa1: {  	s23 =	simm.s32 $0x1B8B  }
0xa2: {  	_ =	swait.ge [sflag:s23], $0x1  }
0xa3: {  	[sflag:s23] =	ssyncset.done $0x0  }
0xa4: {  	s25 =	simm.s32 $0x1B8E;
	s24 =	sld [smem:$0x3FFE];
	[sflag:s23] =	ssyncadd.s32 $0xFFFFFFFF  }
0xa5: {  	s26 =	simm.s32 $execute0_lowered;
	[smem:$0x3FD2] =	sst s25  }
0xa6: {  	s5 =	sshll.u32 s26, $0x1;
	_ =	strace $0x80000046;
	[dreg:$0x1] =	wrdreg $0xFFFFFFFF  }
0xa7: {  	s28 =	simm.s32 $_size_execute0_lowered;
	s3 =	sadd.s32 s3, s5;
	[dreg:$0x0] =	wrdreg $0x0  }
0xa8: {  	s5 =	sshll.u32 s28, $0x1;
	[dreg:$0x2] =	wrdreg s3  }
0xa9: {  	[dreg:$0x3] =	wrdreg s5  }
0xaa: {  	[dreg:$0x4] =	wrdreg $0xC0  }
0xab: {  	_ =	task [dreg:s7], $0x5FFFF  }
0xac: {  	[dreg:$0x1] =	wrdreg $0xFFFFFFFF  }
0xad: {  	[dreg:$0x0] =	wrdreg $0x60  }
0xae: {  	[dreg:$0x2] =	wrdreg s2  }
0xaf: {  	[dreg:$0x3] =	wrdreg s24  }
0xb0: {  	[dreg:$0x4] =	wrdreg $0x48000  }
0xb1: {  	[dreg:$0x5] =	wrdreg $0x9  }
0xb2: {  	_ =	task.clear_ibuf [dreg:s7], $0x6FFFF;
	_ =	strace $0x90000046  }
0xb3: {  	s29 =	simm.s32 $0x9;
	_ =	strace $0x80000048  }
0xb4: {  	_ =	swait.ge [sflag:s29], $0x1  }
0xb5: {  	[sflag:s29] =	ssyncadd.s32 $0xFFFFFFFF  }
0xb6: {  	_ =	strace $0x90000048  }
0xb7: {  	_ =	sfence  }
0xb8: {  	s30 =	sld [smem:$0x0];
	_ =	sdelay $0x2  }
0xb9: {  	s31 =	sshll.u32 s1, $0xD;
	s1 =	sshrl.u32 s1, $0x2  }
0xba: {  	s3 =	sand.u32 $0x4000, s31;
	s1 =	sadd.s32 s1, s30  }
0xbb: {  	s0 =	sor.u32 s3, s0;
	s1 =	sshll.u32 s1, $0x11  }
0xbc: {  	s0 =	sor.u32 s1, s0  }
0xbd: {  	s0 =	sadd.s32 $0x8F2B, s0  }
0xbe: {  	[sflag:s0] =	ssyncadd.remote.s32 $0x1  }
0xbf: {  	_ =	sfence.sel $0xFFFF  }
0xc0: {  	[dreg:$0x0] =	wrdreg $0xFFFFFFFF;
	(pc) =	sbr.abs _section_cstart, $3  }
0xc1: {  	[dreg:$0x1] =	wrdreg $0xFFFFFFFF  }
0xc2: {  	_ =	task.clear_ibuf [dreg:s7], $0x2FFFF;
	_ =	strace $0x9FFFFFFF  }
0xc3: {  	(tm) =	ssettm $0x7FFFFFFF  }
tec
execute0_lowered:
.L_overlay_start_1:
0x0: {  	(tag) =	ssettag $0x1  }
0x1: {  	s0 =	rddreg [dreg:$0x0]  }
0x2: {  	s1 =	srdreg.scid;
	s3 =	rddreg [dreg:$0x1]  }
0x3: {  	s31 =	stileid.u32;
	s7 =	rddreg [dreg:$0x2]  }
0x4: {  	s8 =	simm.s32 $0x0;
	s9 =	simm.s32 $0x2800;
	s10 =	simm.s32 $0x200  }
0x5: {  	s11 =	simm.s32 $0x400;
	s12 =	simm.s32 $0x600;
	s13 =	simm.s32 $0x800  }
0x6: {  	s14 =	simm.s32 $0xA00;
	s15 =	simm.s32 $0xC00;
	s16 =	simm.s32 $0xE00  }
0x7: {  	s17 =	simm.s32 $0x1000;
	s18 =	simm.s32 $0x1200;
	s19 =	simm.s32 $0x1400  }
0x8: {  	s20 =	simm.s32 $0x1600;
	s21 =	simm.s32 $0x1800;
	s22 =	simm.s32 $0x1A00  }
0x9: {  	p0 =	por $0x0, $0x0;
	s28 =	simm.s32 $0x2400;
	s29 =	simm.s32 $0x2600  }
0xa: {  	[dreg:$0x4] =	wrdreg s0;
	s23 =	sand.u32 $0x1, s1;
	s24 =	sshll.u32 s31, $0x1  }
0xb: {  	s4 =	smul.u32 $0x2800, s31;
	[smem:$0x7FF] =	sst s8;
	s5 =	sadd.s32 $0xC000, s3  }
0xc: {  	s1 =	sor.u32 s23, s24;
	s2 =	smul.u32 $0x28000, s23;
	s0 =	ssub.s32 $0x2, s23  }
0xd: {  	_ =	strace $0x80000047;
	[dreg:$0x5] =	wrdreg s5;
	s26 =	sshrl.u32 s0, $0x1  }
0xe: {  	s5 =	simm.s32 $0x1;
	s23 =	simm.s32 $0x1C00;
	s0 =	ssub.s32 s0, s26  }
0xf: {  	s24 =	simm.s32 $0x1E00;
	s1 =	smul.u32 $0x500, s1;
	s0 =	smax.u32 s0, $0x1  }
0x10: {  	s2 =	sadd.s32 s4, s2;
	s4 =	sadd.s32 s4, s7;
	p1 =	sne.s32 s0, $0x1  }
.Ltmp0:
0x11: {  	s26 =	simm.s32 $0x2200;
	s1 =	sadd.s32 s1, s3;
	(pc) =	sbr.rel @!p1 .LBB2_5-.Ltmp0, $4  }
0x12: {  	s25 =	sshrl.u32 s2, $0x3;
	s2 =	sshll.u32 s31, $0x6;
	s4 =	sshrl.u32 s4, $0x3  }
0x13: {  	s3 =	sadd.s32 s25, s3;
	s6 =	sor.u32 $0x1C01, s2;
	s30 =	sadd.s32 $0x2000, s1  }
0x14: {  	s1 =	sadd.s32 $0xFFFFFFFF, s0;
	s25 =	simm.s32 $0x2000;
	s0 =	rddreg [dreg:$0x5]  }
0x15: {  	[dreg:$0x6] =	wrdreg s6;
	s3 =	sadd.s32 $0xC600, s3;
	s6 =	simm.s32 $0x2  }
0x16: {  	s31 =	rddreg [dreg:$0x6]  }
0x17: {  	[spmem:s4], [sflag:s31] =	dma.local [hbm:s0], $0x500  }
0x18: {  	[tilespmem:s8], [sflag:$0x1] =	stream.linear.gather [hbm4b:s30+s8], $0x2800, $0x38;
	[tilespmem:$0x7000] =	vst v63  }
0x19: {  	s0 =	rddreg [dreg:$0x4]  }
0x1a: {  	[tilespmem:s9], [sflag:$0x1] =	stream.linear.gather [hbm4b:s0+s8], $0x2000, $0x38;
	[tilespmem:$0x7000] =	vst v63  }
0x1b: {  	_ =	swait.ge [sflag:s5], $0x500  }
0x1c: {  	[sflag:s5] =	ssyncset.done $0x0  }
0x1d: {  	[sflag:s5] =	ssyncadd.s32 $0xFFFFFB00  }
0x1e: {  	_ =	swait.ge [sflag:s5], $0x2800  }
0x1f: {  	[sflag:s5] =	ssyncset.done $0x0  }
0x20: {  	[sflag:s5] =	ssyncadd.s32 $0xFFFFD800  }
0x21: {  	_ =	swait.ge [sflag:s5], $0x2000  }
0x22: {  	[sflag:s5] =	ssyncset.done $0x0  }
0x23: {  	[sflag:s5] =	ssyncadd.s32 $0xFFFFE000  }
0x24: {  	[bflag:$0x0] =	sbarrier.arrive $0xFFFF  }
0x25: {  	[spmem:s7] =	stream.indirect.scatter.add.f32 [tilespmem:s9], [sflag:$0x1], $0x10, s8, s10, $0xb8;
	[tilespmem:$0x7000] =	vst v63  }
0x26: {  	_ = 	snop  }
0x27: {  	[spmem:s7] =	stream.indirect.scatter.add.f32 [tilespmem:s9], [sflag:$0x1], $0x10, s10, s10, $0xb8;
	[tilespmem:$0x7000] =	vst v63  }
0x28: {  	_ = 	snop  }
0x29: {  	[spmem:s7] =	stream.indirect.scatter.add.f32 [tilespmem:s9], [sflag:$0x1], $0x10, s11, s10, $0xb8;
	[tilespmem:$0x7000] =	vst v63  }
0x2a: {  	_ = 	snop  }
0x2b: {  	[spmem:s7] =	stream.indirect.scatter.add.f32 [tilespmem:s9], [sflag:$0x1], $0x10, s12, s10, $0xb8;
	[tilespmem:$0x7000] =	vst v63  }
0x2c: {  	_ = 	snop  }
0x2d: {  	[spmem:s7] =	stream.indirect.scatter.add.f32 [tilespmem:s9], [sflag:$0x1], $0x10, s13, s10, $0xb8;
	[tilespmem:$0x7000] =	vst v63  }
0x2e: {  	_ = 	snop  }
0x2f: {  	[spmem:s7] =	stream.indirect.scatter.add.f32 [tilespmem:s9], [sflag:$0x1], $0x10, s14, s10, $0xb8;
	[tilespmem:$0x7000] =	vst v63  }
0x30: {  	_ = 	snop  }
0x31: {  	[spmem:s7] =	stream.indirect.scatter.add.f32 [tilespmem:s9], [sflag:$0x1], $0x10, s15, s10, $0xb8;
	[tilespmem:$0x7000] =	vst v63  }
0x32: {  	_ = 	snop  }
0x33: {  	[spmem:s7] =	stream.indirect.scatter.add.f32 [tilespmem:s9], [sflag:$0x1], $0x10, s16, s10, $0xb8;
	[tilespmem:$0x7000] =	vst v63  }
0x34: {  	_ = 	snop  }
0x35: {  	[spmem:s7] =	stream.indirect.scatter.add.f32 [tilespmem:s9], [sflag:$0x1], $0x10, s17, s10, $0xb8;
	[tilespmem:$0x7000] =	vst v63  }
0x36: {  	_ = 	snop  }
0x37: {  	[spmem:s7] =	stream.indirect.scatter.add.f32 [tilespmem:s9], [sflag:$0x1], $0x10, s18, s10, $0xb8;
	[tilespmem:$0x7000] =	vst v63  }
0x38: {  	_ = 	snop  }
0x39: {  	[spmem:s7] =	stream.indirect.scatter.add.f32 [tilespmem:s9], [sflag:$0x1], $0x10, s19, s10, $0xb8;
	[tilespmem:$0x7000] =	vst v63  }
0x3a: {  	_ = 	snop  }
0x3b: {  	[spmem:s7] =	stream.indirect.scatter.add.f32 [tilespmem:s9], [sflag:$0x1], $0x10, s20, s10, $0xb8;
	[tilespmem:$0x7000] =	vst v63  }
0x3c: {  	_ = 	snop  }
0x3d: {  	[spmem:s7] =	stream.indirect.scatter.add.f32 [tilespmem:s9], [sflag:$0x1], $0x10, s21, s10, $0xb8;
	[tilespmem:$0x7000] =	vst v63  }
0x3e: {  	_ = 	snop  }
0x3f: {  	[spmem:s7] =	stream.indirect.scatter.add.f32 [tilespmem:s9], [sflag:$0x1], $0x10, s22, s10, $0xb8;
	[tilespmem:$0x7000] =	vst v63  }
0x40: {  	_ = 	snop  }
0x41: {  	[spmem:s7] =	stream.indirect.scatter.add.f32 [tilespmem:s9], [sflag:$0x1], $0x10, s23, s10, $0xb8;
	[tilespmem:$0x7000] =	vst v63  }
0x42: {  	_ = 	snop  }
0x43: {  	[spmem:s7] =	stream.indirect.scatter.add.f32 [tilespmem:s9], [sflag:$0x1], $0x10, s24, s10, $0xb8;
	[tilespmem:$0x7000] =	vst v63  }
0x44: {  	_ = 	snop  }
0x45: {  	[spmem:s7] =	stream.indirect.scatter.add.f32 [tilespmem:s9], [sflag:$0x1], $0x10, s25, s10, $0xb8;
	[tilespmem:$0x7000] =	vst v63  }
0x46: {  	_ = 	snop  }
0x47: {  	[spmem:s7] =	stream.indirect.scatter.add.f32 [tilespmem:s9], [sflag:$0x1], $0x10, s26, s10, $0xb8;
	[tilespmem:$0x7000] =	vst v63  }
0x48: {  	_ = 	snop  }
0x49: {  	[spmem:s7] =	stream.indirect.scatter.add.f32 [tilespmem:s9], [sflag:$0x1], $0x10, s28, s10, $0xb8;
	[tilespmem:$0x7000] =	vst v63  }
0x4a: {  	_ = 	snop  }
0x4b: {  	[spmem:s7] =	stream.indirect.scatter.add.f32 [tilespmem:s9], [sflag:$0x1], $0x10, s29, s10, $0xb8;
	[tilespmem:$0x7000] =	vst v63  }
0x4c: {  	_ =	swait.ge [sflag:s5], $0x2000  }
0x4d: {  	[sflag:s5] =	ssyncset.done $0x0  }
0x4e: {  	[sflag:s5] =	ssyncadd.s32 $0xFFFFE000  }
0x4f: {  	_ =	swait.ge [sflag:s5], $0x2000  }
0x50: {  	[sflag:s5] =	ssyncset.done $0x0  }
0x51: {  	[sflag:s5] =	ssyncadd.s32 $0xFFFFE000  }
0x52: {  	_ =	swait.ge [sflag:s5], $0x2000  }
0x53: {  	[sflag:s5] =	ssyncset.done $0x0  }
0x54: {  	[sflag:s5] =	ssyncadd.s32 $0xFFFFE000  }
0x55: {  	_ =	swait.ge [sflag:s5], $0x2000  }
0x56: {  	[sflag:s5] =	ssyncset.done $0x0  }
0x57: {  	[sflag:s5] =	ssyncadd.s32 $0xFFFFE000  }
0x58: {  	_ =	swait.ge [sflag:s5], $0x2000  }
0x59: {  	[sflag:s5] =	ssyncset.done $0x0  }
0x5a: {  	[sflag:s5] =	ssyncadd.s32 $0xFFFFE000  }
0x5b: {  	_ =	swait.ge [sflag:s5], $0x2000  }
0x5c: {  	[sflag:s5] =	ssyncset.done $0x0  }
0x5d: {  	[sflag:s5] =	ssyncadd.s32 $0xFFFFE000  }
0x5e: {  	_ =	swait.ge [sflag:s5], $0x2000  }
0x5f: {  	[sflag:s5] =	ssyncset.done $0x0  }
0x60: {  	[sflag:s5] =	ssyncadd.s32 $0xFFFFE000  }
0x61: {  	_ =	swait.ge [sflag:s5], $0x2000  }
0x62: {  	[sflag:s5] =	ssyncset.done $0x0  }
0x63: {  	[sflag:s5] =	ssyncadd.s32 $0xFFFFE000  }
0x64: {  	_ =	swait.ge [sflag:s5], $0x2000  }
0x65: {  	[sflag:s5] =	ssyncset.done $0x0  }
0x66: {  	[sflag:s5] =	ssyncadd.s32 $0xFFFFE000  }
0x67: {  	_ =	swait.ge [sflag:s5], $0x2000  }
0x68: {  	[sflag:s5] =	ssyncset.done $0x0  }
0x69: {  	[sflag:s5] =	ssyncadd.s32 $0xFFFFE000  }
0x6a: {  	_ =	swait.ge [sflag:s5], $0x2000  }
0x6b: {  	[sflag:s5] =	ssyncset.done $0x0  }
0x6c: {  	[sflag:s5] =	ssyncadd.s32 $0xFFFFE000  }
0x6d: {  	_ =	swait.ge [sflag:s5], $0x2000  }
0x6e: {  	[sflag:s5] =	ssyncset.done $0x0  }
0x6f: {  	[sflag:s5] =	ssyncadd.s32 $0xFFFFE000  }
0x70: {  	_ =	swait.ge [sflag:s5], $0x2000  }
0x71: {  	[sflag:s5] =	ssyncset.done $0x0  }
0x72: {  	[sflag:s5] =	ssyncadd.s32 $0xFFFFE000  }
0x73: {  	_ =	swait.ge [sflag:s5], $0x2000  }
0x74: {  	[sflag:s5] =	ssyncset.done $0x0  }
0x75: {  	[sflag:s5] =	ssyncadd.s32 $0xFFFFE000  }
0x76: {  	_ =	swait.ge [sflag:s5], $0x2000  }
0x77: {  	[sflag:s5] =	ssyncset.done $0x0  }
0x78: {  	[sflag:s5] =	ssyncadd.s32 $0xFFFFE000  }
0x79: {  	_ =	swait.ge [sflag:s5], $0x2000  }
0x7a: {  	[sflag:s5] =	ssyncset.done $0x0  }
0x7b: {  	[sflag:s5] =	ssyncadd.s32 $0xFFFFE000  }
0x7c: {  	_ =	swait.ge [sflag:s5], $0x2000  }
0x7d: {  	[sflag:s5] =	ssyncset.done $0x0  }
0x7e: {  	[sflag:s5] =	ssyncadd.s32 $0xFFFFE000  }
0x7f: {  	_ =	swait.ge [sflag:s5], $0x2000  }
0x80: {  	[sflag:s5] =	ssyncset.done $0x0  }
0x81: {  	[sflag:s5] =	ssyncadd.s32 $0xFFFFE000  }
0x82: {  	_ =	swait.ge [sflag:s5], $0x2000  }
0x83: {  	[sflag:s5] =	ssyncset.done $0x0  }
0x84: {  	[sflag:s5] =	ssyncadd.s32 $0xFFFFE000  }
0x85: {  	_ =	swait.ge [sflag:s5], $0x2000  }
0x86: {  	[sflag:s5] =	ssyncset.done $0x0  }
0x87: {  	p1 =	sne.s32 s1, $0x1;
	[sflag:s5] =	ssyncadd.s32 $0xFFFFE000  }
.Ltmp1:
0x88: {  	[bflag:$0x0] =	sbarrier.arrive $0xFFFF;
	(pc) =	sbr.rel @!p1 .LBB2_2-.Ltmp1, $4  }
0x89: {  	s31 =	sor.u32 $0x1C02, s2;
	[dreg:$0x7] =	wrdreg s2  }
0x8a: {  	[hbm:s3], [sflag:s31] =	dma.local [spmem:s4], $0x500  }
0x8b: {  	s1 =	sadd.s32 $0xFFFFFFFF, s1;
	_ =	swait.ge [sflag:s6], $0x500  }
0x8c: {  	p0 =	por $0x1, $0x1;
	s0 =	rddreg [dreg:$0x5];
	[sflag:s6] =	ssyncset.done $0x0  }
.LBB2_3:
0x8d: {  	s2 =	rddreg [dreg:$0x6];
	[sflag:s6] =	ssyncadd.s32 $0xFFFFFB00  }
0x8e: {  	[spmem:s4], [sflag:s2] =	dma.local [hbm:s0], $0x500  }
0x8f: {  	[tilespmem:s8], [sflag:$0x1] =	stream.linear.gather [hbm4b:s30+s8], $0x2800, $0x38;
	[tilespmem:$0x7000] =	vst v63  }
0x90: {  	s0 =	rddreg [dreg:$0x4]  }
0x91: {  	[tilespmem:s9], [sflag:$0x1] =	stream.linear.gather [hbm4b:s0+s8], $0x2000, $0x38;
	[tilespmem:$0x7000] =	vst v63  }
0x92: {  	_ =	swait.ge [sflag:s5], $0x500  }
0x93: {  	[sflag:s5] =	ssyncset.done $0x0  }
0x94: {  	[sflag:s5] =	ssyncadd.s32 $0xFFFFFB00  }
0x95: {  	_ =	swait.ge [sflag:s5], $0x2800  }
0x96: {  	[sflag:s5] =	ssyncset.done $0x0  }
0x97: {  	[sflag:s5] =	ssyncadd.s32 $0xFFFFD800  }
0x98: {  	_ =	swait.ge [sflag:s5], $0x2000  }
0x99: {  	[sflag:s5] =	ssyncset.done $0x0  }
0x9a: {  	[sflag:s5] =	ssyncadd.s32 $0xFFFFE000  }
0x9b: {  	[bflag:$0x0] =	sbarrier.arrive $0xFFFF  }
0x9c: {  	[spmem:s7] =	stream.indirect.scatter.add.f32 [tilespmem:s9], [sflag:$0x1], $0x10, s8, s10, $0xb8;
	[tilespmem:$0x7000] =	vst v63  }
0x9d: {  	_ = 	snop  }
0x9e: {  	[spmem:s7] =	stream.indirect.scatter.add.f32 [tilespmem:s9], [sflag:$0x1], $0x10, s10, s10, $0xb8;
	[tilespmem:$0x7000] =	vst v63  }
0x9f: {  	_ = 	snop  }
0xa0: {  	[spmem:s7] =	stream.indirect.scatter.add.f32 [tilespmem:s9], [sflag:$0x1], $0x10, s11, s10, $0xb8;
	[tilespmem:$0x7000] =	vst v63  }
0xa1: {  	_ = 	snop  }
0xa2: {  	[spmem:s7] =	stream.indirect.scatter.add.f32 [tilespmem:s9], [sflag:$0x1], $0x10, s12, s10, $0xb8;
	[tilespmem:$0x7000] =	vst v63  }
0xa3: {  	_ = 	snop  }
0xa4: {  	[spmem:s7] =	stream.indirect.scatter.add.f32 [tilespmem:s9], [sflag:$0x1], $0x10, s13, s10, $0xb8;
	[tilespmem:$0x7000] =	vst v63  }
0xa5: {  	_ = 	snop  }
0xa6: {  	[spmem:s7] =	stream.indirect.scatter.add.f32 [tilespmem:s9], [sflag:$0x1], $0x10, s14, s10, $0xb8;
	[tilespmem:$0x7000] =	vst v63  }
0xa7: {  	_ = 	snop  }
0xa8: {  	[spmem:s7] =	stream.indirect.scatter.add.f32 [tilespmem:s9], [sflag:$0x1], $0x10, s15, s10, $0xb8;
	[tilespmem:$0x7000] =	vst v63  }
0xa9: {  	_ = 	snop  }
0xaa: {  	[spmem:s7] =	stream.indirect.scatter.add.f32 [tilespmem:s9], [sflag:$0x1], $0x10, s16, s10, $0xb8;
	[tilespmem:$0x7000] =	vst v63  }
0xab: {  	_ = 	snop  }
0xac: {  	[spmem:s7] =	stream.indirect.scatter.add.f32 [tilespmem:s9], [sflag:$0x1], $0x10, s17, s10, $0xb8;
	[tilespmem:$0x7000] =	vst v63  }
0xad: {  	_ = 	snop  }
0xae: {  	[spmem:s7] =	stream.indirect.scatter.add.f32 [tilespmem:s9], [sflag:$0x1], $0x10, s18, s10, $0xb8;
	[tilespmem:$0x7000] =	vst v63  }
0xaf: {  	_ = 	snop  }
0xb0: {  	[spmem:s7] =	stream.indirect.scatter.add.f32 [tilespmem:s9], [sflag:$0x1], $0x10, s19, s10, $0xb8;
	[tilespmem:$0x7000] =	vst v63  }
0xb1: {  	_ = 	snop  }
0xb2: {  	[spmem:s7] =	stream.indirect.scatter.add.f32 [tilespmem:s9], [sflag:$0x1], $0x10, s20, s10, $0xb8;
	[tilespmem:$0x7000] =	vst v63  }
0xb3: {  	_ = 	snop  }
0xb4: {  	[spmem:s7] =	stream.indirect.scatter.add.f32 [tilespmem:s9], [sflag:$0x1], $0x10, s21, s10, $0xb8;
	[tilespmem:$0x7000] =	vst v63  }
0xb5: {  	_ = 	snop  }
0xb6: {  	[spmem:s7] =	stream.indirect.scatter.add.f32 [tilespmem:s9], [sflag:$0x1], $0x10, s22, s10, $0xb8;
	[tilespmem:$0x7000] =	vst v63  }
0xb7: {  	_ = 	snop  }
0xb8: {  	[spmem:s7] =	stream.indirect.scatter.add.f32 [tilespmem:s9], [sflag:$0x1], $0x10, s23, s10, $0xb8;
	[tilespmem:$0x7000] =	vst v63  }
0xb9: {  	_ = 	snop  }
0xba: {  	[spmem:s7] =	stream.indirect.scatter.add.f32 [tilespmem:s9], [sflag:$0x1], $0x10, s24, s10, $0xb8;
	[tilespmem:$0x7000] =	vst v63  }
0xbb: {  	_ = 	snop  }
0xbc: {  	[spmem:s7] =	stream.indirect.scatter.add.f32 [tilespmem:s9], [sflag:$0x1], $0x10, s25, s10, $0xb8;
	[tilespmem:$0x7000] =	vst v63  }
0xbd: {  	_ = 	snop  }
0xbe: {  	[spmem:s7] =	stream.indirect.scatter.add.f32 [tilespmem:s9], [sflag:$0x1], $0x10, s26, s10, $0xb8;
	[tilespmem:$0x7000] =	vst v63  }
0xbf: {  	_ = 	snop  }
0xc0: {  	[spmem:s7] =	stream.indirect.scatter.add.f32 [tilespmem:s9], [sflag:$0x1], $0x10, s28, s10, $0xb8;
	[tilespmem:$0x7000] =	vst v63  }
0xc1: {  	_ = 	snop  }
0xc2: {  	[spmem:s7] =	stream.indirect.scatter.add.f32 [tilespmem:s9], [sflag:$0x1], $0x10, s29, s10, $0xb8;
	[tilespmem:$0x7000] =	vst v63  }
0xc3: {  	_ =	swait.ge [sflag:s5], $0x2000  }
0xc4: {  	[sflag:s5] =	ssyncset.done $0x0  }
0xc5: {  	[sflag:s5] =	ssyncadd.s32 $0xFFFFE000  }
0xc6: {  	_ =	swait.ge [sflag:s5], $0x2000  }
0xc7: {  	[sflag:s5] =	ssyncset.done $0x0  }
0xc8: {  	[sflag:s5] =	ssyncadd.s32 $0xFFFFE000  }
0xc9: {  	_ =	swait.ge [sflag:s5], $0x2000  }
0xca: {  	[sflag:s5] =	ssyncset.done $0x0  }
0xcb: {  	[sflag:s5] =	ssyncadd.s32 $0xFFFFE000  }
0xcc: {  	_ =	swait.ge [sflag:s5], $0x2000  }
0xcd: {  	[sflag:s5] =	ssyncset.done $0x0  }
0xce: {  	[sflag:s5] =	ssyncadd.s32 $0xFFFFE000  }
0xcf: {  	_ =	swait.ge [sflag:s5], $0x2000  }
0xd0: {  	[sflag:s5] =	ssyncset.done $0x0  }
0xd1: {  	[sflag:s5] =	ssyncadd.s32 $0xFFFFE000  }
0xd2: {  	_ =	swait.ge [sflag:s5], $0x2000  }
0xd3: {  	[sflag:s5] =	ssyncset.done $0x0  }
0xd4: {  	[sflag:s5] =	ssyncadd.s32 $0xFFFFE000  }
0xd5: {  	_ =	swait.ge [sflag:s5], $0x2000  }
0xd6: {  	[sflag:s5] =	ssyncset.done $0x0  }
0xd7: {  	[sflag:s5] =	ssyncadd.s32 $0xFFFFE000  }
0xd8: {  	_ =	swait.ge [sflag:s5], $0x2000  }
0xd9: {  	[sflag:s5] =	ssyncset.done $0x0  }
0xda: {  	[sflag:s5] =	ssyncadd.s32 $0xFFFFE000  }
0xdb: {  	_ =	swait.ge [sflag:s5], $0x2000  }
0xdc: {  	[sflag:s5] =	ssyncset.done $0x0  }
0xdd: {  	[sflag:s5] =	ssyncadd.s32 $0xFFFFE000  }
0xde: {  	_ =	swait.ge [sflag:s5], $0x2000  }
0xdf: {  	[sflag:s5] =	ssyncset.done $0x0  }
0xe0: {  	[sflag:s5] =	ssyncadd.s32 $0xFFFFE000  }
0xe1: {  	_ =	swait.ge [sflag:s5], $0x2000  }
0xe2: {  	[sflag:s5] =	ssyncset.done $0x0  }
0xe3: {  	[sflag:s5] =	ssyncadd.s32 $0xFFFFE000  }
0xe4: {  	_ =	swait.ge [sflag:s5], $0x2000  }
0xe5: {  	[sflag:s5] =	ssyncset.done $0x0  }
0xe6: {  	[sflag:s5] =	ssyncadd.s32 $0xFFFFE000  }
0xe7: {  	_ =	swait.ge [sflag:s5], $0x2000  }
0xe8: {  	[sflag:s5] =	ssyncset.done $0x0  }
0xe9: {  	[sflag:s5] =	ssyncadd.s32 $0xFFFFE000  }
0xea: {  	_ =	swait.ge [sflag:s5], $0x2000  }
0xeb: {  	[sflag:s5] =	ssyncset.done $0x0  }
0xec: {  	[sflag:s5] =	ssyncadd.s32 $0xFFFFE000  }
0xed: {  	_ =	swait.ge [sflag:s5], $0x2000  }
0xee: {  	[sflag:s5] =	ssyncset.done $0x0  }
0xef: {  	[sflag:s5] =	ssyncadd.s32 $0xFFFFE000  }
0xf0: {  	_ =	swait.ge [sflag:s5], $0x2000  }
0xf1: {  	[sflag:s5] =	ssyncset.done $0x0  }
0xf2: {  	[sflag:s5] =	ssyncadd.s32 $0xFFFFE000  }
0xf3: {  	_ =	swait.ge [sflag:s5], $0x2000  }
0xf4: {  	[sflag:s5] =	ssyncset.done $0x0  }
0xf5: {  	[sflag:s5] =	ssyncadd.s32 $0xFFFFE000  }
0xf6: {  	_ =	swait.ge [sflag:s5], $0x2000  }
0xf7: {  	[sflag:s5] =	ssyncset.done $0x0  }
0xf8: {  	[sflag:s5] =	ssyncadd.s32 $0xFFFFE000  }
0xf9: {  	_ =	swait.ge [sflag:s5], $0x2000  }
0xfa: {  	[sflag:s5] =	ssyncset.done $0x0  }
0xfb: {  	[sflag:s5] =	ssyncadd.s32 $0xFFFFE000  }
0xfc: {  	_ =	swait.ge [sflag:s5], $0x2000  }
0xfd: {  	p1 =	sne.s32 s1, $0x1;
	[sflag:s5] =	ssyncset.done $0x0  }
.Ltmp2:
0xfe: {  	[sflag:s5] =	ssyncadd.s32 $0xFFFFE000;
	(pc) =	sbr.rel @p1 .LBB2_3-.Ltmp2, $4  }
0xff: {  	[bflag:$0x0] =	sbarrier.arrive $0xFFFF  }
0x100: {  	[hbm:s3], [sflag:s31] =	dma.local [spmem:s4], $0x500  }
0x101: {  	_ =	swait.ge [sflag:s6], $0x500  }
0x102: {  	s1 =	sadd.s32 $0xFFFFFFFF, s1;
	s0 =	rddreg [dreg:$0x5];
	[sflag:s6] =	ssyncset.done $0x0  }
0x103: {  	s31 =	stileid.u32;
	s2 =	rddreg [dreg:$0x7]  }
.LBB2_5:
0x104: {  	s1 =	rddreg [dreg:$0x6];
	[sflag:s6] =	ssyncadd.s32 @p0 $0xFFFFFB00  }
0x105: {  	[spmem:s4], [sflag:s1] =	dma.local [hbm:s0], $0x500  }
0x106: {  	[tilespmem:s8], [sflag:$0x1] =	stream.linear.gather [hbm4b:s30+s8], $0x2800, $0x38;
	[tilespmem:$0x7000] =	vst v63  }
0x107: {  	s0 =	rddreg [dreg:$0x4]  }
0x108: {  	[tilespmem:s9], [sflag:$0x1] =	stream.linear.gather [hbm4b:s0+s8], $0x2000, $0x38;
	[tilespmem:$0x7000] =	vst v63  }
0x109: {  	_ =	swait.ge [sflag:s5], $0x500  }
0x10a: {  	[sflag:s5] =	ssyncset.done $0x0  }
0x10b: {  	[sflag:s5] =	ssyncadd.s32 $0xFFFFFB00  }
0x10c: {  	_ =	swait.ge [sflag:s5], $0x2800  }
0x10d: {  	[sflag:s5] =	ssyncset.done $0x0  }
0x10e: {  	[sflag:s5] =	ssyncadd.s32 $0xFFFFD800  }
0x10f: {  	_ =	swait.ge [sflag:s5], $0x2000  }
0x110: {  	[sflag:s5] =	ssyncset.done $0x0  }
0x111: {  	[sflag:s5] =	ssyncadd.s32 $0xFFFFE000  }
0x112: {  	[bflag:$0x0] =	sbarrier.arrive $0xFFFF  }
0x113: {  	[spmem:s7] =	stream.indirect.scatter.add.f32 [tilespmem:s9], [sflag:$0x1], $0x10, s8, s10, $0xb8;
	[tilespmem:$0x7000] =	vst v63  }
0x114: {  	_ = 	snop  }
0x115: {  	[spmem:s7] =	stream.indirect.scatter.add.f32 [tilespmem:s9], [sflag:$0x1], $0x10, s10, s10, $0xb8;
	[tilespmem:$0x7000] =	vst v63  }
0x116: {  	_ = 	snop  }
0x117: {  	[spmem:s7] =	stream.indirect.scatter.add.f32 [tilespmem:s9], [sflag:$0x1], $0x10, s11, s10, $0xb8;
	[tilespmem:$0x7000] =	vst v63  }
0x118: {  	_ = 	snop  }
0x119: {  	[spmem:s7] =	stream.indirect.scatter.add.f32 [tilespmem:s9], [sflag:$0x1], $0x10, s12, s10, $0xb8;
	[tilespmem:$0x7000] =	vst v63  }
0x11a: {  	_ = 	snop  }
0x11b: {  	[spmem:s7] =	stream.indirect.scatter.add.f32 [tilespmem:s9], [sflag:$0x1], $0x10, s13, s10, $0xb8;
	[tilespmem:$0x7000] =	vst v63  }
0x11c: {  	_ = 	snop  }
0x11d: {  	[spmem:s7] =	stream.indirect.scatter.add.f32 [tilespmem:s9], [sflag:$0x1], $0x10, s14, s10, $0xb8;
	[tilespmem:$0x7000] =	vst v63  }
0x11e: {  	_ = 	snop  }
0x11f: {  	[spmem:s7] =	stream.indirect.scatter.add.f32 [tilespmem:s9], [sflag:$0x1], $0x10, s15, s10, $0xb8;
	[tilespmem:$0x7000] =	vst v63  }
0x120: {  	_ = 	snop  }
0x121: {  	[spmem:s7] =	stream.indirect.scatter.add.f32 [tilespmem:s9], [sflag:$0x1], $0x10, s16, s10, $0xb8;
	[tilespmem:$0x7000] =	vst v63  }
0x122: {  	_ = 	snop  }
0x123: {  	[spmem:s7] =	stream.indirect.scatter.add.f32 [tilespmem:s9], [sflag:$0x1], $0x10, s17, s10, $0xb8;
	[tilespmem:$0x7000] =	vst v63  }
0x124: {  	_ = 	snop  }
0x125: {  	[spmem:s7] =	stream.indirect.scatter.add.f32 [tilespmem:s9], [sflag:$0x1], $0x10, s18, s10, $0xb8;
	[tilespmem:$0x7000] =	vst v63  }
0x126: {  	_ = 	snop  }
0x127: {  	[spmem:s7] =	stream.indirect.scatter.add.f32 [tilespmem:s9], [sflag:$0x1], $0x10, s19, s10, $0xb8;
	[tilespmem:$0x7000] =	vst v63  }
0x128: {  	_ = 	snop  }
0x129: {  	[spmem:s7] =	stream.indirect.scatter.add.f32 [tilespmem:s9], [sflag:$0x1], $0x10, s20, s10, $0xb8;
	[tilespmem:$0x7000] =	vst v63  }
0x12a: {  	_ = 	snop  }
0x12b: {  	[spmem:s7] =	stream.indirect.scatter.add.f32 [tilespmem:s9], [sflag:$0x1], $0x10, s21, s10, $0xb8;
	[tilespmem:$0x7000] =	vst v63  }
0x12c: {  	_ = 	snop  }
0x12d: {  	[spmem:s7] =	stream.indirect.scatter.add.f32 [tilespmem:s9], [sflag:$0x1], $0x10, s22, s10, $0xb8;
	[tilespmem:$0x7000] =	vst v63  }
0x12e: {  	_ = 	snop  }
0x12f: {  	[spmem:s7] =	stream.indirect.scatter.add.f32 [tilespmem:s9], [sflag:$0x1], $0x10, s23, s10, $0xb8;
	[tilespmem:$0x7000] =	vst v63  }
0x130: {  	_ = 	snop  }
0x131: {  	[spmem:s7] =	stream.indirect.scatter.add.f32 [tilespmem:s9], [sflag:$0x1], $0x10, s24, s10, $0xb8;
	[tilespmem:$0x7000] =	vst v63  }
0x132: {  	_ = 	snop  }
0x133: {  	[spmem:s7] =	stream.indirect.scatter.add.f32 [tilespmem:s9], [sflag:$0x1], $0x10, s25, s10, $0xb8;
	[tilespmem:$0x7000] =	vst v63  }
0x134: {  	_ = 	snop  }
0x135: {  	[spmem:s7] =	stream.indirect.scatter.add.f32 [tilespmem:s9], [sflag:$0x1], $0x10, s26, s10, $0xb8;
	[tilespmem:$0x7000] =	vst v63  }
0x136: {  	_ = 	snop  }
0x137: {  	[spmem:s7] =	stream.indirect.scatter.add.f32 [tilespmem:s9], [sflag:$0x1], $0x10, s28, s10, $0xb8;
	[tilespmem:$0x7000] =	vst v63  }
0x138: {  	_ = 	snop  }
0x139: {  	[spmem:s7] =	stream.indirect.scatter.add.f32 [tilespmem:s9], [sflag:$0x1], $0x10, s29, s10, $0xb8;
	[tilespmem:$0x7000] =	vst v63  }
0x13a: {  	_ =	swait.ge [sflag:s5], $0x2000  }
0x13b: {  	[sflag:s5] =	ssyncset.done $0x0  }
0x13c: {  	[sflag:s5] =	ssyncadd.s32 $0xFFFFE000  }
0x13d: {  	_ =	swait.ge [sflag:s5], $0x2000  }
0x13e: {  	[sflag:s5] =	ssyncset.done $0x0  }
0x13f: {  	[sflag:s5] =	ssyncadd.s32 $0xFFFFE000  }
0x140: {  	_ =	swait.ge [sflag:s5], $0x2000  }
0x141: {  	[sflag:s5] =	ssyncset.done $0x0  }
0x142: {  	[sflag:s5] =	ssyncadd.s32 $0xFFFFE000  }
0x143: {  	_ =	swait.ge [sflag:s5], $0x2000  }
0x144: {  	[sflag:s5] =	ssyncset.done $0x0  }
0x145: {  	[sflag:s5] =	ssyncadd.s32 $0xFFFFE000  }
0x146: {  	_ =	swait.ge [sflag:s5], $0x2000  }
0x147: {  	[sflag:s5] =	ssyncset.done $0x0  }
0x148: {  	[sflag:s5] =	ssyncadd.s32 $0xFFFFE000  }
0x149: {  	_ =	swait.ge [sflag:s5], $0x2000  }
0x14a: {  	[sflag:s5] =	ssyncset.done $0x0  }
0x14b: {  	[sflag:s5] =	ssyncadd.s32 $0xFFFFE000  }
0x14c: {  	_ =	swait.ge [sflag:s5], $0x2000  }
0x14d: {  	[sflag:s5] =	ssyncset.done $0x0  }
0x14e: {  	[sflag:s5] =	ssyncadd.s32 $0xFFFFE000  }
0x14f: {  	_ =	swait.ge [sflag:s5], $0x2000  }
0x150: {  	[sflag:s5] =	ssyncset.done $0x0  }
0x151: {  	[sflag:s5] =	ssyncadd.s32 $0xFFFFE000  }
0x152: {  	_ =	swait.ge [sflag:s5], $0x2000  }
0x153: {  	[sflag:s5] =	ssyncset.done $0x0  }
0x154: {  	[sflag:s5] =	ssyncadd.s32 $0xFFFFE000  }
0x155: {  	_ =	swait.ge [sflag:s5], $0x2000  }
0x156: {  	[sflag:s5] =	ssyncset.done $0x0  }
0x157: {  	[sflag:s5] =	ssyncadd.s32 $0xFFFFE000  }
0x158: {  	_ =	swait.ge [sflag:s5], $0x2000  }
0x159: {  	[sflag:s5] =	ssyncset.done $0x0  }
0x15a: {  	[sflag:s5] =	ssyncadd.s32 $0xFFFFE000  }
0x15b: {  	_ =	swait.ge [sflag:s5], $0x2000  }
0x15c: {  	[sflag:s5] =	ssyncset.done $0x0  }
0x15d: {  	[sflag:s5] =	ssyncadd.s32 $0xFFFFE000  }
0x15e: {  	_ =	swait.ge [sflag:s5], $0x2000  }
0x15f: {  	[sflag:s5] =	ssyncset.done $0x0  }
0x160: {  	[sflag:s5] =	ssyncadd.s32 $0xFFFFE000  }
0x161: {  	_ =	swait.ge [sflag:s5], $0x2000  }
0x162: {  	[sflag:s5] =	ssyncset.done $0x0  }
0x163: {  	[sflag:s5] =	ssyncadd.s32 $0xFFFFE000  }
0x164: {  	_ =	swait.ge [sflag:s5], $0x2000  }
0x165: {  	[sflag:s5] =	ssyncset.done $0x0  }
0x166: {  	[sflag:s5] =	ssyncadd.s32 $0xFFFFE000  }
0x167: {  	_ =	swait.ge [sflag:s5], $0x2000  }
0x168: {  	[sflag:s5] =	ssyncset.done $0x0  }
0x169: {  	[sflag:s5] =	ssyncadd.s32 $0xFFFFE000  }
0x16a: {  	_ =	swait.ge [sflag:s5], $0x2000  }
0x16b: {  	[sflag:s5] =	ssyncset.done $0x0  }
0x16c: {  	[sflag:s5] =	ssyncadd.s32 $0xFFFFE000  }
0x16d: {  	_ =	swait.ge [sflag:s5], $0x2000  }
0x16e: {  	[sflag:s5] =	ssyncset.done $0x0  }
0x16f: {  	[sflag:s5] =	ssyncadd.s32 $0xFFFFE000  }
0x170: {  	_ =	swait.ge [sflag:s5], $0x2000  }
0x171: {  	[sflag:s5] =	ssyncset.done $0x0  }
0x172: {  	[sflag:s5] =	ssyncadd.s32 $0xFFFFE000  }
0x173: {  	_ =	swait.ge [sflag:s5], $0x2000  }
0x174: {  	[sflag:s5] =	ssyncset.done $0x0  }
0x175: {  	[sflag:s5] =	ssyncadd.s32 $0xFFFFE000  }
0x176: {  	s30 =	sor.u32 $0x1C02, s2;
	[bflag:$0x0] =	sbarrier.arrive $0xFFFF  }
0x177: {  	[hbm:s3], [sflag:s30] =	dma.local [spmem:s4], $0x500  }
0x178: {  	_ =	swait.ge [sflag:s6], $0x500  }
0x179: {  	[sflag:s6] =	ssyncset.done $0x0  }
0x17a: {  	[sflag:s6] =	ssyncadd.s32 $0xFFFFFB00  }
0x17b: {  	_ =	sfence.sel $0x180000  }
0x17c: {  	[bflag:$0x0] =	sbarrier.arrive $0xFFFF  }
0x17d: {  	_ =	strace $0x90000047  }
0x17e: {  	[bflag:$0x2] =	sbarrier.arrive $0xFFFF  }
0x17f: {  	p0 =	sne.s32 s31, $0x0;
	s0 =	rddreg [dreg:$0x3]  }
0x180: {  	s0 =	sadd.s32 @!p0 $0x100000, s0  }
0x181: {  	[sflag:s0] =	ssyncadd.tile.s32 @!p0 $0x1;
	_ =	shalt  }
.LBB2_2:
.Ltmp3:
0x182: {  	(pc) =	sbr.rel .LBB2_5-.Ltmp3, $2  }
0x183: {  	_ =	sdelay $0x2  }
0x184: {  	s31 =	stileid.u32;
	s2 =	rddreg [dreg:$0x7]  }
.Lfunc_end2:
_tile_overlayer_lowered:
.L_overlay_start_2:
0x185: {  	(tag) =	ssettag $0x2  }
0x186: {  	s0 =	rddreg [dreg:$0x0];
	s2 =	stileid.u32  }
0x187: {  	s1 =	rddreg [dreg:$0x1];
	p0 =	sne.s32 s2, $0x0  }
0x188: {  	s3 =	rddreg [dreg:$0x2];
	[bflag:$0x3] =	sbarrier.arrive $0xFFFF;
	s2 =	simm.s32 @!p0 $0x1C02  }
0x189: {  	[timem:s3], [sflag:s2] =	dma.local @!p0 [hbm:s0], s1  }
0x18a: {  	s0 =	simm.s32 @!p0 $0x2  }
0x18b: {  	_ =	swait.ge @!p0 [sflag:s0], s1  }
0x18c: {  	s1 =	ssub.s32 @!p0 $0x0, s1;
	[sflag:s0] =	ssyncset.done @!p0 $0x0  }
0x18d: {  	[sflag:s0] =	ssyncadd.s32 @!p0 s1  }
0x18e: {  	[bflag:$0x3] =	sbarrier.arrive $0xFFFF  }
0x18f: {  	_ =	shalt  }

</sc_bundles>
